<compile_context>
chip_gen: v7x
topology: tpu7x:2x2x1
jax: 0.10.2.dev20260603
libtpu: 0.0.44.dev20260713+nightly
codegen_flags: <defaults>
</compile_context>

<pallas_src>
import functools

import jax
import jax.numpy as jnp
from jax import lax
from jax.experimental import pallas as pl
from jax.experimental.pallas import tpu as pltpu
from jax.experimental.pallas import tpu_sc as plsc

_NXB = 3


def kernel(x, table):
    B, S, D = x.shape
    info = plsc.get_sparse_core_info()
    NC, NS, L = info.num_cores, info.num_subcores, info.num_lanes
    NW = NC * NS
    rows_per_w = S // NW
    CS = 16
    n_chunks = rows_per_w // CS
    vpr = D // L
    vecs = CS * vpr
    nsteps = n_chunks * B

    mesh = plsc.VectorSubcoreMesh(core_axis_name="c", subcore_axis_name="s")

    @functools.partial(
        pl.kernel,
        out_type=jax.ShapeDtypeStruct((B, S, D), jnp.float32),
        mesh=mesh,
        compiler_params=pltpu.CompilerParams(use_tc_tiling_on_sc=True),
        scratch_types=[
            [pltpu.VMEM((CS, D), jnp.float32) for _ in range(2)],
            [pltpu.VMEM((CS, D), jnp.float32) for _ in range(_NXB)],
            [pltpu.SemaphoreType.DMA for _ in range(2)],
            [pltpu.SemaphoreType.DMA for _ in range(_NXB)],
            [pltpu.SemaphoreType.DMA for _ in range(_NXB)],
        ],
    )
    def sc_add(x_hbm, t_hbm, out_hbm, tbufs, xbufs, tsems, xsems, osems):
        wid = lax.axis_index("s") * NC + lax.axis_index("c")
        base = wid * rows_per_w

        def t_load(c):
            r0 = base + c * CS
            return pltpu.async_copy(
                t_hbm.at[pl.ds(r0, CS), :], tbufs[c % 2], tsems[c % 2])

        def x_load(step):
            c, b = divmod(step, B)
            r0 = base + c * CS
            return pltpu.async_copy(
                x_hbm.at[b, pl.ds(r0, CS), :], xbufs[step % _NXB],
                xsems[step % _NXB])

        def out_store(step):
            c, b = divmod(step, B)
            r0 = base + c * CS
            return pltpu.async_copy(
                xbufs[step % _NXB], out_hbm.at[b, pl.ds(r0, CS), :],
                osems[step % _NXB])

        PF = _NXB - 1
        t_pend = t_load(0)
        x_pend = [x_load(s) for s in range(min(PF, nsteps))]
        o_pend = {}

        for s in range(nsteps):
            c, b = divmod(s, B)
            if b == 0 and c + 1 < n_chunks:
                t_next = t_load(c + 1)
            if b == 0:
                t_pend.wait()
            x_pend[s % PF].wait()

            tbuf = tbufs[c % 2]
            xbuf = xbufs[s % _NXB]

            @plsc.parallel_loop(0, vecs, unroll=8)
            def _(i):
                r = i // vpr
                off = (i % vpr) * L
                plsc.addupdate(xbuf.at[r, pl.ds(off, L)],
                               tbuf[r, pl.ds(off, L)])

            o_pend[s] = out_store(s)
            if b == B - 1 and c + 1 < n_chunks:
                t_pend = t_next
            nxt = s + PF
            if nxt < nsteps:
                prev = nxt - _NXB
                if prev in o_pend:
                    o_pend.pop(prev).wait()
                x_pend[nxt % PF] = x_load(nxt)

        for s in sorted(o_pend):
            o_pend.pop(s).wait()

    return sc_add(x, table)

# --- scband reference (transcript-rebuilt; emitter-appended) ---
"""Pipeline reference for scband-learned-positional-encoding-41884521070868 (READ-ONLY COPY).

The authoritative reference and input builder live on the scoring server;
editing this copy changes nothing except your own understanding.
"""

import jax, jax.numpy as jnp
import numpy as np

B, S, D = 4, 4096, 1024
NUM_EMB = S + 2  # spf.languages[0].max_length + 2, with max_length == 4096

def setup_inputs(seed: int = 0) -> dict:
    key = jax.random.key(seed)
    k1, k2 = jax.random.split(key)
    x = jax.random.normal(k1, (B, S, D), dtype=jnp.float32)
    table = jax.random.normal(k2, (NUM_EMB, D), dtype=jnp.float32) * 0.02
    return {"x": x, "table": table}

def reference(x, table):
    batch_size, seq_len, _ = x.shape
    positions = jnp.arange(seq_len, dtype=jnp.int64 if jax.config.jax_enable_x64 else jnp.int32)
    positions = jnp.broadcast_to(positions[None, :], (batch_size, seq_len))
    pos_embed = jnp.take(table, positions, axis=0)  # [B, S, D] embedding lookup
    return x + pos_embed

if __name__ == "__main__":
    import jax
    _d = setup_inputs()
    print(jax.jit(kernel)(*tuple(_d.values())))

</pallas_src>

<mosaic_0001>
#map = affine_map<(d0, d1) -> (0, 0, 0)>
#map1 = affine_map<(d0, d1) -> (0, 0)>
module attributes {stable_mosaic.version = 14 : i64} {
  func.func @sc_add(%arg0: i32, %arg1: i32, %arg2: memref<4x4096x1024xf32, #tpu.memory_space<hbm>>, %arg3: memref<4098x1024xf32, #tpu.memory_space<hbm>>, %arg4: memref<4x4096x1024xf32, #tpu.memory_space<hbm>>, %arg5: memref<16x1024xf32, #tpu.memory_space<vmem>>, %arg6: memref<16x1024xf32, #tpu.memory_space<vmem>>, %arg7: memref<16x1024xf32, #tpu.memory_space<vmem>>, %arg8: memref<16x1024xf32, #tpu.memory_space<vmem>>, %arg9: memref<16x1024xf32, #tpu.memory_space<vmem>>, %arg10: memref<!tpu.dma_semaphore, #tpu.memory_space<semaphore_mem>>, %arg11: memref<!tpu.dma_semaphore, #tpu.memory_space<semaphore_mem>>, %arg12: memref<!tpu.dma_semaphore, #tpu.memory_space<semaphore_mem>>, %arg13: memref<!tpu.dma_semaphore, #tpu.memory_space<semaphore_mem>>, %arg14: memref<!tpu.dma_semaphore, #tpu.memory_space<semaphore_mem>>, %arg15: memref<!tpu.dma_semaphore, #tpu.memory_space<semaphore_mem>>, %arg16: memref<!tpu.dma_semaphore, #tpu.memory_space<semaphore_mem>>, %arg17: memref<!tpu.dma_semaphore, #tpu.memory_space<semaphore_mem>>) attributes {dimension_semantics = [#tpu.dimension_semantics<core_parallel>, #tpu.dimension_semantics<subcore_parallel>], iteration_bounds = array<i64: 2, 16>, scalar_prefetch = 0 : i64, scratch_operands = 13 : i64, tpu.core_type = #tpu.core_type<sc_vector_subcore>, window_params = [{transform_indices = #map}, {transform_indices = #map1}, {transform_indices = #map}]} {
    %mul3A = arith.constant 2 : i32
    %mul3A_0 = arith.muli %arg1, %mul3A : i32
    %add3A = arith.addi %mul3A_0, %arg0 : i32
    %mul3A_1 = arith.constant 128 : i32
    %mul3A_2 = arith.muli %add3A, %mul3A_1 : i32
    %add3A_3 = arith.constant 0 : i32
    %add3A_4 = arith.addi %mul3A_2, %add3A_3 : i32
    %dma_start3A = arith.constant 0 : i32
    %dma_start3A_5 = tpu.memref_slice %arg3[%add3A_4, %dma_start3A] : memref<4098x1024xf32, #tpu.memory_space<hbm>> -> memref<16x1024xf32, #tpu.memory_space<hbm>>
    %dma_start3A_6 = arith.constant 0 : i32
    %dma_start3A_7 = tpu.memref_slice %arg3[%add3A_4, %dma_start3A_6] : memref<4098x1024xf32, #tpu.memory_space<hbm>> -> memref<16x1024xf32, #tpu.memory_space<hbm>>
    tpu.enqueue_dma source(%dma_start3A_7 : memref<16x1024xf32, #tpu.memory_space<hbm>>) target(%arg5 : memref<16x1024xf32, #tpu.memory_space<vmem>>) target_semaphore(%arg10 : memref<!tpu.dma_semaphore, #tpu.memory_space<semaphore_mem>>)
    %add3A_8 = arith.constant 0 : i32
    %add3A_9 = arith.addi %mul3A_2, %add3A_8 : i32
    %dma_start3A_10 = arith.constant 0 : i32
    %dma_start3A_11 = arith.constant 0 : i32
    %dma_start3A_12 = tpu.memref_slice %arg2[%dma_start3A_10, %add3A_9, %dma_start3A_11] : memref<4x4096x1024xf32, #tpu.memory_space<hbm>> -> memref<1x16x1024xf32, #tpu.memory_space<hbm>>
    %dma_start3A_13 = tpu.memref_squeeze %dma_start3A_12 : memref<1x16x1024xf32, #tpu.memory_space<hbm>> -> memref<16x1024xf32, #tpu.memory_space<hbm>>
    %dma_start3A_14 = arith.constant 0 : i32
    %dma_start3A_15 = tpu.memref_slice %arg2[%dma_start3A_10, %add3A_9, %dma_start3A_14] : memref<4x4096x1024xf32, #tpu.memory_space<hbm>> -> memref<1x16x1024xf32, #tpu.memory_space<hbm>>
    %dma_start3A_16 = tpu.memref_squeeze %dma_start3A_15 : memref<1x16x1024xf32, #tpu.memory_space<hbm>> -> memref<16x1024xf32, #tpu.memory_space<hbm>>
    tpu.enqueue_dma source(%dma_start3A_16 : memref<16x1024xf32, #tpu.memory_space<hbm>>) target(%arg7 : memref<16x1024xf32, #tpu.memory_space<vmem>>) target_semaphore(%arg12 : memref<!tpu.dma_semaphore, #tpu.memory_space<semaphore_mem>>)
    %add3A_17 = arith.constant 0 : i32
    %add3A_18 = arith.addi %mul3A_2, %add3A_17 : i32
    %dma_start3A_19 = arith.constant 1 : i32
    %dma_start3A_20 = arith.constant 0 : i32
    %dma_start3A_21 = tpu.memref_slice %arg2[%dma_start3A_19, %add3A_18, %dma_start3A_20] : memref<4x4096x1024xf32, #tpu.memory_space<hbm>> -> memref<1x16x1024xf32, #tpu.memory_space<hbm>>
    %dma_start3A_22 = tpu.memref_squeeze %dma_start3A_21 : memref<1x16x1024xf32, #tpu.memory_space<hbm>> -> memref<16x1024xf32, #tpu.memory_space<hbm>>
    %dma_start3A_23 = arith.constant 0 : i32
    %dma_start3A_24 = tpu.memref_slice %arg2[%dma_start3A_19, %add3A_18, %dma_start3A_23] : memref<4x4096x1024xf32, #tpu.memory_space<hbm>> -> memref<1x16x1024xf32, #tpu.memory_space<hbm>>
    %dma_start3A_25 = tpu.memref_squeeze %dma_start3A_24 : memref<1x16x1024xf32, #tpu.memory_space<hbm>> -> memref<16x1024xf32, #tpu.memory_space<hbm>>
    tpu.enqueue_dma source(%dma_start3A_25 : memref<16x1024xf32, #tpu.memory_space<hbm>>) target(%arg8 : memref<16x1024xf32, #tpu.memory_space<vmem>>) target_semaphore(%arg13 : memref<!tpu.dma_semaphore, #tpu.memory_space<semaphore_mem>>)
    %add3A_26 = arith.constant 16 : i32
    %add3A_27 = arith.addi %mul3A_2, %add3A_26 : i32
    %dma_start3A_28 = arith.constant 0 : i32
    %dma_start3A_29 = tpu.memref_slice %arg3[%add3A_27, %dma_start3A_28] : memref<4098x1024xf32, #tpu.memory_space<hbm>> -> memref<16x1024xf32, #tpu.memory_space<hbm>>
    %dma_start3A_30 = arith.constant 0 : i32
    %dma_start3A_31 = tpu.memref_slice %arg3[%add3A_27, %dma_start3A_30] : memref<4098x1024xf32, #tpu.memory_space<hbm>> -> memref<16x1024xf32, #tpu.memory_space<hbm>>
    tpu.enqueue_dma source(%dma_start3A_31 : memref<16x1024xf32, #tpu.memory_space<hbm>>) target(%arg6 : memref<16x1024xf32, #tpu.memory_space<vmem>>) target_semaphore(%arg11 : memref<!tpu.dma_semaphore, #tpu.memory_space<semaphore_mem>>)
    %dma_wait3A = arith.constant 0 : i32
    %dma_wait3A_32 = tpu.memref_slice %arg3[%add3A_4, %dma_wait3A] : memref<4098x1024xf32, #tpu.memory_space<hbm>> -> memref<16x1024xf32, #tpu.memory_space<hbm>>
    %dma_wait3A_33 = arith.constant 0 : i32
    %dma_wait3A_34 = tpu.memref_slice %arg3[%add3A_4, %dma_wait3A_33] : memref<4098x1024xf32, #tpu.memory_space<hbm>> -> memref<16x1024xf32, #tpu.memory_space<hbm>>
    tpu.wait_dma2 semaphore(%arg10 : memref<!tpu.dma_semaphore, #tpu.memory_space<semaphore_mem>>) src(%dma_wait3A_34 : memref<16x1024xf32, #tpu.memory_space<hbm>>) dst(%arg5 : memref<16x1024xf32, #tpu.memory_space<vmem>>)
    %dma_wait3A_35 = arith.constant 0 : i32
    %dma_wait3A_36 = arith.constant 0 : i32
    %dma_wait3A_37 = tpu.memref_slice %arg2[%dma_wait3A_35, %add3A_9, %dma_wait3A_36] : memref<4x4096x1024xf32, #tpu.memory_space<hbm>> -> memref<1x16x1024xf32, #tpu.memory_space<hbm>>
    %dma_wait3A_38 = tpu.memref_squeeze %dma_wait3A_37 : memref<1x16x1024xf32, #tpu.memory_space<hbm>> -> memref<16x1024xf32, #tpu.memory_space<hbm>>
    %dma_wait3A_39 = arith.constant 0 : i32
    %dma_wait3A_40 = tpu.memref_slice %arg2[%dma_wait3A_35, %add3A_9, %dma_wait3A_39] : memref<4x4096x1024xf32, #tpu.memory_space<hbm>> -> memref<1x16x1024xf32, #tpu.memory_space<hbm>>
    %dma_wait3A_41 = tpu.memref_squeeze %dma_wait3A_40 : memref<1x16x1024xf32, #tpu.memory_space<hbm>> -> memref<16x1024xf32, #tpu.memory_space<hbm>>
    tpu.wait_dma2 semaphore(%arg12 : memref<!tpu.dma_semaphore, #tpu.memory_space<semaphore_mem>>) src(%dma_wait3A_41 : memref<16x1024xf32, #tpu.memory_space<hbm>>) dst(%arg7 : memref<16x1024xf32, #tpu.memory_space<vmem>>)
    %parallel_loop3A = arith.constant 0 : i32
    %parallel_loop3A_42 = arith.constant 1024 : i32
    %parallel_loop3A_43 = arith.constant 1 : i32
    scf.for %parallel_loop3A_1200 = %parallel_loop3A to %parallel_loop3A_42 step %parallel_loop3A_43  : i32 {
      %parallel_loop3A_1201 = arith.constant 64 : i32
      %parallel_loop3A_1202 = arith.divsi %parallel_loop3A_1200, %parallel_loop3A_1201 : i32
      %parallel_loop3A_1203 = arith.constant 0 : i32
      %parallel_loop3A_1204 = arith.cmpi sgt, %parallel_loop3A_1200, %parallel_loop3A_1203 : i32
      %parallel_loop3A_1205 = arith.extui %parallel_loop3A_1204 : i1 to i32
      %parallel_loop3A_1206 = arith.constant 0 : i32
      %parallel_loop3A_1207 = arith.cmpi slt, %parallel_loop3A_1200, %parallel_loop3A_1206 : i32
      %parallel_loop3A_1208 = arith.extui %parallel_loop3A_1207 : i1 to i32
      %parallel_loop3A_1209 = arith.subi %parallel_loop3A_1205, %parallel_loop3A_1208 : i32
      %parallel_loop3A_1210 = arith.constant 0 : i32
      %parallel_loop3A_1211 = arith.cmpi sgt, %parallel_loop3A_1201, %parallel_loop3A_1210 : i32
      %parallel_loop3A_1212 = arith.extui %parallel_loop3A_1211 : i1 to i32
      %parallel_loop3A_1213 = arith.constant 0 : i32
      %parallel_loop3A_1214 = arith.cmpi slt, %parallel_loop3A_1201, %parallel_loop3A_1213 : i32
      %parallel_loop3A_1215 = arith.extui %parallel_loop3A_1214 : i1 to i32
      %parallel_loop3A_1216 = arith.subi %parallel_loop3A_1212, %parallel_loop3A_1215 : i32
      %parallel_loop3A_1217 = arith.cmpi ne, %parallel_loop3A_1209, %parallel_loop3A_1216 : i32
      %parallel_loop3A_1218 = arith.remsi %parallel_loop3A_1200, %parallel_loop3A_1201 : i32
      %parallel_loop3A_1219 = arith.constant 0 : i32
      %parallel_loop3A_1220 = arith.cmpi ne, %parallel_loop3A_1218, %parallel_loop3A_1219 : i32
      %parallel_loop3A_1221 = arith.andi %parallel_loop3A_1217, %parallel_loop3A_1220 : i1
      %parallel_loop3A_1222 = arith.constant 1 : i32
      %parallel_loop3A_1223 = arith.subi %parallel_loop3A_1202, %parallel_loop3A_1222 : i32
      %parallel_loop3A_1224 = arith.select %parallel_loop3A_1221, %parallel_loop3A_1223, %parallel_loop3A_1202 : i32
      %parallel_loop3A_1225 = arith.constant 64 : i32
      %parallel_loop3A_1226 = arith.constant 0 : i32
      %parallel_loop3A_1227 = arith.cmpi eq, %parallel_loop3A_1225, %parallel_loop3A_1226 : i32
      %parallel_loop3A_1228 = arith.constant 1 : i32
      %parallel_loop3A_1229 = arith.select %parallel_loop3A_1227, %parallel_loop3A_1228, %parallel_loop3A_1225 : i32
      %parallel_loop3A_1230 = arith.remsi %parallel_loop3A_1200, %parallel_loop3A_1229 : i32
      %parallel_loop3A_1231 = arith.constant 0 : i32
      %parallel_loop3A_1232 = arith.cmpi ne, %parallel_loop3A_1230, %parallel_loop3A_1231 : i32
      %parallel_loop3A_1233 = arith.constant 0 : i32
      %parallel_loop3A_1234 = arith.cmpi slt, %parallel_loop3A_1230, %parallel_loop3A_1233 : i32
      %parallel_loop3A_1235 = arith.constant 0 : i32
      %parallel_loop3A_1236 = arith.cmpi slt, %parallel_loop3A_1229, %parallel_loop3A_1235 : i32
      %parallel_loop3A_1237 = arith.xori %parallel_loop3A_1234, %parallel_loop3A_1236 : i1
      %parallel_loop3A_1238 = arith.andi %parallel_loop3A_1237, %parallel_loop3A_1232 : i1
      %parallel_loop3A_1239 = arith.addi %parallel_loop3A_1230, %parallel_loop3A_1229 : i32
      %parallel_loop3A_1240 = arith.select %parallel_loop3A_1238, %parallel_loop3A_1239, %parallel_loop3A_1230 : i32
      %parallel_loop3A_1241 = arith.constant 16 : i32
      %parallel_loop3A_1242 = arith.muli %parallel_loop3A_1240, %parallel_loop3A_1241 : i32
      %parallel_loop3A_1243 = arith.index_cast %parallel_loop3A_1224 : i32 to index
      %parallel_loop3A_1244 = arith.index_cast %parallel_loop3A_1242 : i32 to index
      %parallel_loop3A_1245 = tpu.vector_load %arg5[%parallel_loop3A_1243, %parallel_loop3A_1244] {strides = array<i32>} : memref<16x1024xf32, #tpu.memory_space<vmem>>, vector<1x16xf32>,
      %parallel_loop3A_1246 = vector.shape_cast %parallel_loop3A_1245 : vector<1x16xf32> to vector<16xf32>
      %parallel_loop3A_1247 = arith.index_cast %parallel_loop3A_1224 : i32 to index
      %parallel_loop3A_1248 = arith.index_cast %parallel_loop3A_1242 : i32 to index
      %parallel_loop3A_1249 = tpu.vector_load %arg7[%parallel_loop3A_1247, %parallel_loop3A_1248] {strides = array<i32>} : memref<16x1024xf32, #tpu.memory_space<vmem>>, vector<1x16xf32>,
      %parallel_loop3A_1250 = vector.shape_cast %parallel_loop3A_1249 : vector<1x16xf32> to vector<16xf32>
      %parallel_loop3A_1251 = vector.shape_cast %parallel_loop3A_1246 : vector<16xf32> to vector<1x16xf32>
      tpu.vector_store %arg7[%parallel_loop3A_1247, %parallel_loop3A_1248], %parallel_loop3A_1251 {add = true, strides = array<i32>} : memref<16x1024xf32, #tpu.memory_space<vmem>>, vector<1x16xf32>,
    } {sc.loop_unroll_factor = 8 : i64, sc.parallel_access}
    %add3A_44 = arith.constant 0 : i32
    %add3A_45 = arith.addi %mul3A_2, %add3A_44 : i32
    %dma_start3A_46 = arith.constant 0 : i32
    %dma_start3A_47 = arith.constant 0 : i32
    %dma_start3A_48 = tpu.memref_slice %arg4[%dma_start3A_46, %add3A_45, %dma_start3A_47] : memref<4x4096x1024xf32, #tpu.memory_space<hbm>> -> memref<1x16x1024xf32, #tpu.memory_space<hbm>>
    %dma_start3A_49 = tpu.memref_squeeze %dma_start3A_48 : memref<1x16x1024xf32, #tpu.memory_space<hbm>> -> memref<16x1024xf32, #tpu.memory_space<hbm>>
    %dma_start3A_50 = arith.constant 0 : i32
    %dma_start3A_51 = tpu.memref_slice %arg4[%dma_start3A_46, %add3A_45, %dma_start3A_50] : memref<4x4096x1024xf32, #tpu.memory_space<hbm>> -> memref<1x16x1024xf32, #tpu.memory_space<hbm>>
    %dma_start3A_52 = tpu.memref_squeeze %dma_start3A_51 : memref<1x16x1024xf32, #tpu.memory_space<hbm>> -> memref<16x1024xf32, #tpu.memory_space<hbm>>
    tpu.enqueue_dma source(%arg7 : memref<16x1024xf32, #tpu.memory_space<vmem>>) target(%dma_start3A_52 : memref<16x1024xf32, #tpu.memory_space<hbm>>) target_semaphore(%arg15 : memref<!tpu.dma_semaphore, #tpu.memory_space<semaphore_mem>>)
    %add3A_53 = arith.constant 0 : i32
    %add3A_54 = arith.addi %mul3A_2, %add3A_53 : i32
    %dma_start3A_55 = arith.constant 2 : i32
    %dma_start3A_56 = arith.constant 0 : i32
    %dma_start3A_57 = tpu.memref_slice %arg2[%dma_start3A_55, %add3A_54, %dma_start3A_56] : memref<4x4096x1024xf32, #tpu.memory_space<hbm>> -> memref<1x16x1024xf32, #tpu.memory_space<hbm>>
    %dma_start3A_58 = tpu.memref_squeeze %dma_start3A_57 : memref<1x16x1024xf32, #tpu.memory_space<hbm>> -> memref<16x1024xf32, #tpu.memory_space<hbm>>
    %dma_start3A_59 = arith.constant 0 : i32
    %dma_start3A_60 = tpu.memref_slice %arg2[%dma_start3A_55, %add3A_54, %dma_start3A_59] : memref<4x4096x1024xf32, #tpu.memory_space<hbm>> -> memref<1x16x1024xf32, #tpu.memory_space<hbm>>
    %dma_start3A_61 = tpu.memref_squeeze %dma_start3A_60 : memref<1x16x1024xf32, #tpu.memory_space<hbm>> -> memref<16x1024xf32, #tpu.memory_space<hbm>>
    tpu.enqueue_dma source(%dma_start3A_61 : memref<16x1024xf32, #tpu.memory_space<hbm>>) target(%arg9 : memref<16x1024xf32, #tpu.memory_space<vmem>>) target_semaphore(%arg14 : memref<!tpu.dma_semaphore, #tpu.memory_space<semaphore_mem>>)
    %dma_wait3A_62 = arith.constant 1 : i32
    %dma_wait3A_63 = arith.constant 0 : i32
    %dma_wait3A_64 = tpu.memref_slice %arg2[%dma_wait3A_62, %add3A_18, %dma_wait3A_63] : memref<4x4096x1024xf32, #tpu.memory_space<hbm>> -> memref<1x16x1024xf32, #tpu.memory_space<hbm>>
    %dma_wait3A_65 = tpu.memref_squeeze %dma_wait3A_64 : memref<1x16x1024xf32, #tpu.memory_space<hbm>> -> memref<16x1024xf32, #tpu.memory_space<hbm>>
    %dma_wait3A_66 = arith.constant 0 : i32
    %dma_wait3A_67 = tpu.memref_slice %arg2[%dma_wait3A_62, %add3A_18, %dma_wait3A_66] : memref<4x4096x1024xf32, #tpu.memory_space<hbm>> -> memref<1x16x1024xf32, #tpu.memory_space<hbm>>
    %dma_wait3A_68 = tpu.memref_squeeze %dma_wait3A_67 : memref<1x16x1024xf32, #tpu.memory_space<hbm>> -> memref<16x1024xf32, #tpu.memory_space<hbm>>
    tpu.wait_dma2 semaphore(%arg13 : memref<!tpu.dma_semaphore, #tpu.memory_space<semaphore_mem>>) src(%dma_wait3A_68 : memref<16x1024xf32, #tpu.memory_space<hbm>>) dst(%arg8 : memref<16x1024xf32, #tpu.memory_space<vmem>>)
    %parallel_loop3A_69 = arith.constant 0 : i32
    %parallel_loop3A_70 = arith.constant 1024 : i32
    %parallel_loop3A_71 = arith.constant 1 : i32
    scf.for %parallel_loop3A_1200 = %parallel_loop3A_69 to %parallel_loop3A_70 step %parallel_loop3A_71  : i32 {
      %parallel_loop3A_1201 = arith.constant 64 : i32
      %parallel_loop3A_1202 = arith.divsi %parallel_loop3A_1200, %parallel_loop3A_1201 : i32
      %parallel_loop3A_1203 = arith.constant 0 : i32
      %parallel_loop3A_1204 = arith.cmpi sgt, %parallel_loop3A_1200, %parallel_loop3A_1203 : i32
      %parallel_loop3A_1205 = arith.extui %parallel_loop3A_1204 : i1 to i32
      %parallel_loop3A_1206 = arith.constant 0 : i32
      %parallel_loop3A_1207 = arith.cmpi slt, %parallel_loop3A_1200, %parallel_loop3A_1206 : i32
      %parallel_loop3A_1208 = arith.extui %parallel_loop3A_1207 : i1 to i32
      %parallel_loop3A_1209 = arith.subi %parallel_loop3A_1205, %parallel_loop3A_1208 : i32
      %parallel_loop3A_1210 = arith.constant 0 : i32
      %parallel_loop3A_1211 = arith.cmpi sgt, %parallel_loop3A_1201, %parallel_loop3A_1210 : i32
      %parallel_loop3A_1212 = arith.extui %parallel_loop3A_1211 : i1 to i32
      %parallel_loop3A_1213 = arith.constant 0 : i32
      %parallel_loop3A_1214 = arith.cmpi slt, %parallel_loop3A_1201, %parallel_loop3A_1213 : i32
      %parallel_loop3A_1215 = arith.extui %parallel_loop3A_1214 : i1 to i32
      %parallel_loop3A_1216 = arith.subi %parallel_loop3A_1212, %parallel_loop3A_1215 : i32
      %parallel_loop3A_1217 = arith.cmpi ne, %parallel_loop3A_1209, %parallel_loop3A_1216 : i32
      %parallel_loop3A_1218 = arith.remsi %parallel_loop3A_1200, %parallel_loop3A_1201 : i32
      %parallel_loop3A_1219 = arith.constant 0 : i32
      %parallel_loop3A_1220 = arith.cmpi ne, %parallel_loop3A_1218, %parallel_loop3A_1219 : i32
      %parallel_loop3A_1221 = arith.andi %parallel_loop3A_1217, %parallel_loop3A_1220 : i1
      %parallel_loop3A_1222 = arith.constant 1 : i32
      %parallel_loop3A_1223 = arith.subi %parallel_loop3A_1202, %parallel_loop3A_1222 : i32
      %parallel_loop3A_1224 = arith.select %parallel_loop3A_1221, %parallel_loop3A_1223, %parallel_loop3A_1202 : i32
      %parallel_loop3A_1225 = arith.constant 64 : i32
      %parallel_loop3A_1226 = arith.constant 0 : i32
      %parallel_loop3A_1227 = arith.cmpi eq, %parallel_loop3A_1225, %parallel_loop3A_1226 : i32
      %parallel_loop3A_1228 = arith.constant 1 : i32
      %parallel_loop3A_1229 = arith.select %parallel_loop3A_1227, %parallel_loop3A_1228, %parallel_loop3A_1225 : i32
      %parallel_loop3A_1230 = arith.remsi %parallel_loop3A_1200, %parallel_loop3A_1229 : i32
      %parallel_loop3A_1231 = arith.constant 0 : i32
      %parallel_loop3A_1232 = arith.cmpi ne, %parallel_loop3A_1230, %parallel_loop3A_1231 : i32
      %parallel_loop3A_1233 = arith.constant 0 : i32
      %parallel_loop3A_1234 = arith.cmpi slt, %parallel_loop3A_1230, %parallel_loop3A_1233 : i32
      %parallel_loop3A_1235 = arith.constant 0 : i32
      %parallel_loop3A_1236 = arith.cmpi slt, %parallel_loop3A_1229, %parallel_loop3A_1235 : i32
      %parallel_loop3A_1237 = arith.xori %parallel_loop3A_1234, %parallel_loop3A_1236 : i1
      %parallel_loop3A_1238 = arith.andi %parallel_loop3A_1237, %parallel_loop3A_1232 : i1
      %parallel_loop3A_1239 = arith.addi %parallel_loop3A_1230, %parallel_loop3A_1229 : i32
      %parallel_loop3A_1240 = arith.select %parallel_loop3A_1238, %parallel_loop3A_1239, %parallel_loop3A_1230 : i32
      %parallel_loop3A_1241 = arith.constant 16 : i32
      %parallel_loop3A_1242 = arith.muli %parallel_loop3A_1240, %parallel_loop3A_1241 : i32
      %parallel_loop3A_1243 = arith.index_cast %parallel_loop3A_1224 : i32 to index
      %parallel_loop3A_1244 = arith.index_cast %parallel_loop3A_1242 : i32 to index
      %parallel_loop3A_1245 = tpu.vector_load %arg5[%parallel_loop3A_1243, %parallel_loop3A_1244] {strides = array<i32>} : memref<16x1024xf32, #tpu.memory_space<vmem>>, vector<1x16xf32>,
      %parallel_loop3A_1246 = vector.shape_cast %parallel_loop3A_1245 : vector<1x16xf32> to vector<16xf32>
      %parallel_loop3A_1247 = arith.index_cast %parallel_loop3A_1224 : i32 to index
      %parallel_loop3A_1248 = arith.index_cast %parallel_loop3A_1242 : i32 to index
      %parallel_loop3A_1249 = tpu.vector_load %arg8[%parallel_loop3A_1247, %parallel_loop3A_1248] {strides = array<i32>} : memref<16x1024xf32, #tpu.memory_space<vmem>>, vector<1x16xf32>,
      %parallel_loop3A_1250 = vector.shape_cast %parallel_loop3A_1249 : vector<1x16xf32> to vector<16xf32>
      %parallel_loop3A_1251 = vector.shape_cast %parallel_loop3A_1246 : vector<16xf32> to vector<1x16xf32>
      tpu.vector_store %arg8[%parallel_loop3A_1247, %parallel_loop3A_1248], %parallel_loop3A_1251 {add = true, strides = array<i32>} : memref<16x1024xf32, #tpu.memory_space<vmem>>, vector<1x16xf32>,
    } {sc.loop_unroll_factor = 8 : i64, sc.parallel_access}
    %add3A_72 = arith.constant 0 : i32
    %add3A_73 = arith.addi %mul3A_2, %add3A_72 : i32
    %dma_start3A_74 = arith.constant 1 : i32
    %dma_start3A_75 = arith.constant 0 : i32
    %dma_start3A_76 = tpu.memref_slice %arg4[%dma_start3A_74, %add3A_73, %dma_start3A_75] : memref<4x4096x1024xf32, #tpu.memory_space<hbm>> -> memref<1x16x1024xf32, #tpu.memory_space<hbm>>
    %dma_start3A_77 = tpu.memref_squeeze %dma_start3A_76 : memref<1x16x1024xf32, #tpu.memory_space<hbm>> -> memref<16x1024xf32, #tpu.memory_space<hbm>>
    %dma_start3A_78 = arith.constant 0 : i32
    %dma_start3A_79 = tpu.memref_slice %arg4[%dma_start3A_74, %add3A_73, %dma_start3A_78] : memref<4x4096x1024xf32, #tpu.memory_space<hbm>> -> memref<1x16x1024xf32, #tpu.memory_space<hbm>>
    %dma_start3A_80 = tpu.memref_squeeze %dma_start3A_79 : memref<1x16x1024xf32, #tpu.memory_space<hbm>> -> memref<16x1024xf32, #tpu.memory_space<hbm>>
    tpu.enqueue_dma source(%arg8 : memref<16x1024xf32, #tpu.memory_space<vmem>>) target(%dma_start3A_80 : memref<16x1024xf32, #tpu.memory_space<hbm>>) target_semaphore(%arg16 : memref<!tpu.dma_semaphore, #tpu.memory_space<semaphore_mem>>)
    %dma_wait3A_81 = arith.constant 0 : i32
    %dma_wait3A_82 = arith.constant 0 : i32
    %dma_wait3A_83 = tpu.memref_slice %arg4[%dma_wait3A_81, %add3A_45, %dma_wait3A_82] : memref<4x4096x1024xf32, #tpu.memory_space<hbm>> -> memref<1x16x1024xf32, #tpu.memory_space<hbm>>
    %dma_wait3A_84 = tpu.memref_squeeze %dma_wait3A_83 : memref<1x16x1024xf32, #tpu.memory_space<hbm>> -> memref<16x1024xf32, #tpu.memory_space<hbm>>
    %dma_wait3A_85 = arith.constant 0 : i32
    %dma_wait3A_86 = tpu.memref_slice %arg4[%dma_wait3A_81, %add3A_45, %dma_wait3A_85] : memref<4x4096x1024xf32, #tpu.memory_space<hbm>> -> memref<1x16x1024xf32, #tpu.memory_space<hbm>>
    %dma_wait3A_87 = tpu.memref_squeeze %dma_wait3A_86 : memref<1x16x1024xf32, #tpu.memory_space<hbm>> -> memref<16x1024xf32, #tpu.memory_space<hbm>>
    tpu.wait_dma2 semaphore(%arg15 : memref<!tpu.dma_semaphore, #tpu.memory_space<semaphore_mem>>) src(%arg7 : memref<16x1024xf32, #tpu.memory_space<vmem>>) dst(%dma_wait3A_87 : memref<16x1024xf32, #tpu.memory_space<hbm>>)
    %add3A_88 = arith.constant 0 : i32
    %add3A_89 = arith.addi %mul3A_2, %add3A_88 : i32
    %dma_start3A_90 = arith.constant 3 : i32
    %dma_start3A_91 = arith.constant 0 : i32
    %dma_start3A_92 = tpu.memref_slice %arg2[%dma_start3A_90, %add3A_89, %dma_start3A_91] : memref<4x4096x1024xf32, #tpu.memory_space<hbm>> -> memref<1x16x1024xf32, #tpu.memory_space<hbm>>
    %dma_start3A_93 = tpu.memref_squeeze %dma_start3A_92 : memref<1x16x1024xf32, #tpu.memory_space<hbm>> -> memref<16x1024xf32, #tpu.memory_space<hbm>>
    %dma_start3A_94 = arith.constant 0 : i32
    %dma_start3A_95 = tpu.memref_slice %arg2[%dma_start3A_90, %add3A_89, %dma_start3A_94] : memref<4x4096x1024xf32, #tpu.memory_space<hbm>> -> memref<1x16x1024xf32, #tpu.memory_space<hbm>>
    %dma_start3A_96 = tpu.memref_squeeze %dma_start3A_95 : memref<1x16x1024xf32, #tpu.memory_space<hbm>> -> memref<16x1024xf32, #tpu.memory_space<hbm>>
    tpu.enqueue_dma source(%dma_start3A_96 : memref<16x1024xf32, #tpu.memory_space<hbm>>) target(%arg7 : memref<16x1024xf32, #tpu.memory_space<vmem>>) target_semaphore(%arg12 : memref<!tpu.dma_semaphore, #tpu.memory_space<semaphore_mem>>)
    %dma_wait3A_97 = arith.constant 2 : i32
    %dma_wait3A_98 = arith.constant 0 : i32
    %dma_wait3A_99 = tpu.memref_slice %arg2[%dma_wait3A_97, %add3A_54, %dma_wait3A_98] : memref<4x4096x1024xf32, #tpu.memory_space<hbm>> -> memref<1x16x1024xf32, #tpu.memory_space<hbm>>
    %dma_wait3A_100 = tpu.memref_squeeze %dma_wait3A_99 : memref<1x16x1024xf32, #tpu.memory_space<hbm>> -> memref<16x1024xf32, #tpu.memory_space<hbm>>
    %dma_wait3A_101 = arith.constant 0 : i32
    %dma_wait3A_102 = tpu.memref_slice %arg2[%dma_wait3A_97, %add3A_54, %dma_wait3A_101] : memref<4x4096x1024xf32, #tpu.memory_space<hbm>> -> memref<1x16x1024xf32, #tpu.memory_space<hbm>>
    %dma_wait3A_103 = tpu.memref_squeeze %dma_wait3A_102 : memref<1x16x1024xf32, #tpu.memory_space<hbm>> -> memref<16x1024xf32, #tpu.memory_space<hbm>>
    tpu.wait_dma2 semaphore(%arg14 : memref<!tpu.dma_semaphore, #tpu.memory_space<semaphore_mem>>) src(%dma_wait3A_103 : memref<16x1024xf32, #tpu.memory_space<hbm>>) dst(%arg9 : memref<16x1024xf32, #tpu.memory_space<vmem>>)
    %parallel_loop3A_104 = arith.constant 0 : i32
    %parallel_loop3A_105 = arith.constant 1024 : i32
    %parallel_loop3A_106 = arith.constant 1 : i32
    scf.for %parallel_loop3A_1200 = %parallel_loop3A_104 to %parallel_loop3A_105 step %parallel_loop3A_106  : i32 {
      %parallel_loop3A_1201 = arith.constant 64 : i32
      %parallel_loop3A_1202 = arith.divsi %parallel_loop3A_1200, %parallel_loop3A_1201 : i32
      %parallel_loop3A_1203 = arith.constant 0 : i32
      %parallel_loop3A_1204 = arith.cmpi sgt, %parallel_loop3A_1200, %parallel_loop3A_1203 : i32
      %parallel_loop3A_1205 = arith.extui %parallel_loop3A_1204 : i1 to i32
      %parallel_loop3A_1206 = arith.constant 0 : i32
      %parallel_loop3A_1207 = arith.cmpi slt, %parallel_loop3A_1200, %parallel_loop3A_1206 : i32
      %parallel_loop3A_1208 = arith.extui %parallel_loop3A_1207 : i1 to i32
      %parallel_loop3A_1209 = arith.subi %parallel_loop3A_1205, %parallel_loop3A_1208 : i32
      %parallel_loop3A_1210 = arith.constant 0 : i32
      %parallel_loop3A_1211 = arith.cmpi sgt, %parallel_loop3A_1201, %parallel_loop3A_1210 : i32
      %parallel_loop3A_1212 = arith.extui %parallel_loop3A_1211 : i1 to i32
      %parallel_loop3A_1213 = arith.constant 0 : i32
      %parallel_loop3A_1214 = arith.cmpi slt, %parallel_loop3A_1201, %parallel_loop3A_1213 : i32
      %parallel_loop3A_1215 = arith.extui %parallel_loop3A_1214 : i1 to i32
      %parallel_loop3A_1216 = arith.subi %parallel_loop3A_1212, %parallel_loop3A_1215 : i32
      %parallel_loop3A_1217 = arith.cmpi ne, %parallel_loop3A_1209, %parallel_loop3A_1216 : i32
      %parallel_loop3A_1218 = arith.remsi %parallel_loop3A_1200, %parallel_loop3A_1201 : i32
      %parallel_loop3A_1219 = arith.constant 0 : i32
      %parallel_loop3A_1220 = arith.cmpi ne, %parallel_loop3A_1218, %parallel_loop3A_1219 : i32
      %parallel_loop3A_1221 = arith.andi %parallel_loop3A_1217, %parallel_loop3A_1220 : i1
      %parallel_loop3A_1222 = arith.constant 1 : i32
      %parallel_loop3A_1223 = arith.subi %parallel_loop3A_1202, %parallel_loop3A_1222 : i32
      %parallel_loop3A_1224 = arith.select %parallel_loop3A_1221, %parallel_loop3A_1223, %parallel_loop3A_1202 : i32
      %parallel_loop3A_1225 = arith.constant 64 : i32
      %parallel_loop3A_1226 = arith.constant 0 : i32
      %parallel_loop3A_1227 = arith.cmpi eq, %parallel_loop3A_1225, %parallel_loop3A_1226 : i32
      %parallel_loop3A_1228 = arith.constant 1 : i32
      %parallel_loop3A_1229 = arith.select %parallel_loop3A_1227, %parallel_loop3A_1228, %parallel_loop3A_1225 : i32
      %parallel_loop3A_1230 = arith.remsi %parallel_loop3A_1200, %parallel_loop3A_1229 : i32
      %parallel_loop3A_1231 = arith.constant 0 : i32
      %parallel_loop3A_1232 = arith.cmpi ne, %parallel_loop3A_1230, %parallel_loop3A_1231 : i32
      %parallel_loop3A_1233 = arith.constant 0 : i32
      %parallel_loop3A_1234 = arith.cmpi slt, %parallel_loop3A_1230, %parallel_loop3A_1233 : i32
      %parallel_loop3A_1235 = arith.constant 0 : i32
      %parallel_loop3A_1236 = arith.cmpi slt, %parallel_loop3A_1229, %parallel_loop3A_1235 : i32
      %parallel_loop3A_1237 = arith.xori %parallel_loop3A_1234, %parallel_loop3A_1236 : i1
      %parallel_loop3A_1238 = arith.andi %parallel_loop3A_1237, %parallel_loop3A_1232 : i1
      %parallel_loop3A_1239 = arith.addi %parallel_loop3A_1230, %parallel_loop3A_1229 : i32
      %parallel_loop3A_1240 = arith.select %parallel_loop3A_1238, %parallel_loop3A_1239, %parallel_loop3A_1230 : i32
      %parallel_loop3A_1241 = arith.constant 16 : i32
      %parallel_loop3A_1242 = arith.muli %parallel_loop3A_1240, %parallel_loop3A_1241 : i32
      %parallel_loop3A_1243 = arith.index_cast %parallel_loop3A_1224 : i32 to index
      %parallel_loop3A_1244 = arith.index_cast %parallel_loop3A_1242 : i32 to index
      %parallel_loop3A_1245 = tpu.vector_load %arg5[%parallel_loop3A_1243, %parallel_loop3A_1244] {strides = array<i32>} : memref<16x1024xf32, #tpu.memory_space<vmem>>, vector<1x16xf32>,
      %parallel_loop3A_1246 = vector.shape_cast %parallel_loop3A_1245 : vector<1x16xf32> to vector<16xf32>
      %parallel_loop3A_1247 = arith.index_cast %parallel_loop3A_1224 : i32 to index
      %parallel_loop3A_1248 = arith.index_cast %parallel_loop3A_1242 : i32 to index
      %parallel_loop3A_1249 = tpu.vector_load %arg9[%parallel_loop3A_1247, %parallel_loop3A_1248] {strides = array<i32>} : memref<16x1024xf32, #tpu.memory_space<vmem>>, vector<1x16xf32>,
      %parallel_loop3A_1250 = vector.shape_cast %parallel_loop3A_1249 : vector<1x16xf32> to vector<16xf32>
      %parallel_loop3A_1251 = vector.shape_cast %parallel_loop3A_1246 : vector<16xf32> to vector<1x16xf32>
      tpu.vector_store %arg9[%parallel_loop3A_1247, %parallel_loop3A_1248], %parallel_loop3A_1251 {add = true, strides = array<i32>} : memref<16x1024xf32, #tpu.memory_space<vmem>>, vector<1x16xf32>,
    } {sc.loop_unroll_factor = 8 : i64, sc.parallel_access}
    %add3A_107 = arith.constant 0 : i32
    %add3A_108 = arith.addi %mul3A_2, %add3A_107 : i32
    %dma_start3A_109 = arith.constant 2 : i32
    %dma_start3A_110 = arith.constant 0 : i32
    %dma_start3A_111 = tpu.memref_slice %arg4[%dma_start3A_109, %add3A_108, %dma_start3A_110] : memref<4x4096x1024xf32, #tpu.memory_space<hbm>> -> memref<1x16x1024xf32, #tpu.memory_space<hbm>>
    %dma_start3A_112 = tpu.memref_squeeze %dma_start3A_111 : memref<1x16x1024xf32, #tpu.memory_space<hbm>> -> memref<16x1024xf32, #tpu.memory_space<hbm>>
    %dma_start3A_113 = arith.constant 0 : i32
    %dma_start3A_114 = tpu.memref_slice %arg4[%dma_start3A_109, %add3A_108, %dma_start3A_113] : memref<4x4096x1024xf32, #tpu.memory_space<hbm>> -> memref<1x16x1024xf32, #tpu.memory_space<hbm>>
    %dma_start3A_115 = tpu.memref_squeeze %dma_start3A_114 : memref<1x16x1024xf32, #tpu.memory_space<hbm>> -> memref<16x1024xf32, #tpu.memory_space<hbm>>
    tpu.enqueue_dma source(%arg9 : memref<16x1024xf32, #tpu.memory_space<vmem>>) target(%dma_start3A_115 : memref<16x1024xf32, #tpu.memory_space<hbm>>) target_semaphore(%arg17 : memref<!tpu.dma_semaphore, #tpu.memory_space<semaphore_mem>>)
    %dma_wait3A_116 = arith.constant 1 : i32
    %dma_wait3A_117 = arith.constant 0 : i32
    %dma_wait3A_118 = tpu.memref_slice %arg4[%dma_wait3A_116, %add3A_73, %dma_wait3A_117] : memref<4x4096x1024xf32, #tpu.memory_space<hbm>> -> memref<1x16x1024xf32, #tpu.memory_space<hbm>>
    %dma_wait3A_119 = tpu.memref_squeeze %dma_wait3A_118 : memref<1x16x1024xf32, #tpu.memory_space<hbm>> -> memref<16x1024xf32, #tpu.memory_space<hbm>>
    %dma_wait3A_120 = arith.constant 0 : i32
    %dma_wait3A_121 = tpu.memref_slice %arg4[%dma_wait3A_116, %add3A_73, %dma_wait3A_120] : memref<4x4096x1024xf32, #tpu.memory_space<hbm>> -> memref<1x16x1024xf32, #tpu.memory_space<hbm>>
    %dma_wait3A_122 = tpu.memref_squeeze %dma_wait3A_121 : memref<1x16x1024xf32, #tpu.memory_space<hbm>> -> memref<16x1024xf32, #tpu.memory_space<hbm>>
    tpu.wait_dma2 semaphore(%arg16 : memref<!tpu.dma_semaphore, #tpu.memory_space<semaphore_mem>>) src(%arg8 : memref<16x1024xf32, #tpu.memory_space<vmem>>) dst(%dma_wait3A_122 : memref<16x1024xf32, #tpu.memory_space<hbm>>)
    %add3A_123 = arith.constant 16 : i32
    %add3A_124 = arith.addi %mul3A_2, %add3A_123 : i32
    %dma_start3A_125 = arith.constant 0 : i32
    %dma_start3A_126 = arith.constant 0 : i32
    %dma_start3A_127 = tpu.memref_slice %arg2[%dma_start3A_125, %add3A_124, %dma_start3A_126] : memref<4x4096x1024xf32, #tpu.memory_space<hbm>> -> memref<1x16x1024xf32, #tpu.memory_space<hbm>>
    %dma_start3A_128 = tpu.memref_squeeze %dma_start3A_127 : memref<1x16x1024xf32, #tpu.memory_space<hbm>> -> memref<16x1024xf32, #tpu.memory_space<hbm>>
    %dma_start3A_129 = arith.constant 0 : i32
    %dma_start3A_130 = tpu.memref_slice %arg2[%dma_start3A_125, %add3A_124, %dma_start3A_129] : memref<4x4096x1024xf32, #tpu.memory_space<hbm>> -> memref<1x16x1024xf32, #tpu.memory_space<hbm>>
    %dma_start3A_131 = tpu.memref_squeeze %dma_start3A_130 : memref<1x16x1024xf32, #tpu.memory_space<hbm>> -> memref<16x1024xf32, #tpu.memory_space<hbm>>
    tpu.enqueue_dma source(%dma_start3A_131 : memref<16x1024xf32, #tpu.memory_space<hbm>>) target(%arg8 : memref<16x1024xf32, #tpu.memory_space<vmem>>) target_semaphore(%arg13 : memref<!tpu.dma_semaphore, #tpu.memory_space<semaphore_mem>>)
    %dma_wait3A_132 = arith.constant 3 : i32
    %dma_wait3A_133 = arith.constant 0 : i32
    %dma_wait3A_134 = tpu.memref_slice %arg2[%dma_wait3A_132, %add3A_89, %dma_wait3A_133] : memref<4x4096x1024xf32, #tpu.memory_space<hbm>> -> memref<1x16x1024xf32, #tpu.memory_space<hbm>>
    %dma_wait3A_135 = tpu.memref_squeeze %dma_wait3A_134 : memref<1x16x1024xf32, #tpu.memory_space<hbm>> -> memref<16x1024xf32, #tpu.memory_space<hbm>>
    %dma_wait3A_136 = arith.constant 0 : i32
    %dma_wait3A_137 = tpu.memref_slice %arg2[%dma_wait3A_132, %add3A_89, %dma_wait3A_136] : memref<4x4096x1024xf32, #tpu.memory_space<hbm>> -> memref<1x16x1024xf32, #tpu.memory_space<hbm>>
    %dma_wait3A_138 = tpu.memref_squeeze %dma_wait3A_137 : memref<1x16x1024xf32, #tpu.memory_space<hbm>> -> memref<16x1024xf32, #tpu.memory_space<hbm>>
    tpu.wait_dma2 semaphore(%arg12 : memref<!tpu.dma_semaphore, #tpu.memory_space<semaphore_mem>>) src(%dma_wait3A_138 : memref<16x1024xf32, #tpu.memory_space<hbm>>) dst(%arg7 : memref<16x1024xf32, #tpu.memory_space<vmem>>)
    %parallel_loop3A_139 = arith.constant 0 : i32
    %parallel_loop3A_140 = arith.constant 1024 : i32
    %parallel_loop3A_141 = arith.constant 1 : i32
    scf.for %parallel_loop3A_1200 = %parallel_loop3A_139 to %parallel_loop3A_140 step %parallel_loop3A_141  : i32 {
      %parallel_loop3A_1201 = arith.constant 64 : i32
      %parallel_loop3A_1202 = arith.divsi %parallel_loop3A_1200, %parallel_loop3A_1201 : i32
      %parallel_loop3A_1203 = arith.constant 0 : i32
      %parallel_loop3A_1204 = arith.cmpi sgt, %parallel_loop3A_1200, %parallel_loop3A_1203 : i32
      %parallel_loop3A_1205 = arith.extui %parallel_loop3A_1204 : i1 to i32
      %parallel_loop3A_1206 = arith.constant 0 : i32
      %parallel_loop3A_1207 = arith.cmpi slt, %parallel_loop3A_1200, %parallel_loop3A_1206 : i32
      %parallel_loop3A_1208 = arith.extui %parallel_loop3A_1207 : i1 to i32
      %parallel_loop3A_1209 = arith.subi %parallel_loop3A_1205, %parallel_loop3A_1208 : i32
      %parallel_loop3A_1210 = arith.constant 0 : i32
      %parallel_loop3A_1211 = arith.cmpi sgt, %parallel_loop3A_1201, %parallel_loop3A_1210 : i32
      %parallel_loop3A_1212 = arith.extui %parallel_loop3A_1211 : i1 to i32
      %parallel_loop3A_1213 = arith.constant 0 : i32
      %parallel_loop3A_1214 = arith.cmpi slt, %parallel_loop3A_1201, %parallel_loop3A_1213 : i32
      %parallel_loop3A_1215 = arith.extui %parallel_loop3A_1214 : i1 to i32
      %parallel_loop3A_1216 = arith.subi %parallel_loop3A_1212, %parallel_loop3A_1215 : i32
      %parallel_loop3A_1217 = arith.cmpi ne, %parallel_loop3A_1209, %parallel_loop3A_1216 : i32
      %parallel_loop3A_1218 = arith.remsi %parallel_loop3A_1200, %parallel_loop3A_1201 : i32
      %parallel_loop3A_1219 = arith.constant 0 : i32
      %parallel_loop3A_1220 = arith.cmpi ne, %parallel_loop3A_1218, %parallel_loop3A_1219 : i32
      %parallel_loop3A_1221 = arith.andi %parallel_loop3A_1217, %parallel_loop3A_1220 : i1
      %parallel_loop3A_1222 = arith.constant 1 : i32
      %parallel_loop3A_1223 = arith.subi %parallel_loop3A_1202, %parallel_loop3A_1222 : i32
      %parallel_loop3A_1224 = arith.select %parallel_loop3A_1221, %parallel_loop3A_1223, %parallel_loop3A_1202 : i32
      %parallel_loop3A_1225 = arith.constant 64 : i32
      %parallel_loop3A_1226 = arith.constant 0 : i32
      %parallel_loop3A_1227 = arith.cmpi eq, %parallel_loop3A_1225, %parallel_loop3A_1226 : i32
      %parallel_loop3A_1228 = arith.constant 1 : i32
      %parallel_loop3A_1229 = arith.select %parallel_loop3A_1227, %parallel_loop3A_1228, %parallel_loop3A_1225 : i32
      %parallel_loop3A_1230 = arith.remsi %parallel_loop3A_1200, %parallel_loop3A_1229 : i32
      %parallel_loop3A_1231 = arith.constant 0 : i32
      %parallel_loop3A_1232 = arith.cmpi ne, %parallel_loop3A_1230, %parallel_loop3A_1231 : i32
      %parallel_loop3A_1233 = arith.constant 0 : i32
      %parallel_loop3A_1234 = arith.cmpi slt, %parallel_loop3A_1230, %parallel_loop3A_1233 : i32
      %parallel_loop3A_1235 = arith.constant 0 : i32
      %parallel_loop3A_1236 = arith.cmpi slt, %parallel_loop3A_1229, %parallel_loop3A_1235 : i32
      %parallel_loop3A_1237 = arith.xori %parallel_loop3A_1234, %parallel_loop3A_1236 : i1
      %parallel_loop3A_1238 = arith.andi %parallel_loop3A_1237, %parallel_loop3A_1232 : i1
      %parallel_loop3A_1239 = arith.addi %parallel_loop3A_1230, %parallel_loop3A_1229 : i32
      %parallel_loop3A_1240 = arith.select %parallel_loop3A_1238, %parallel_loop3A_1239, %parallel_loop3A_1230 : i32
      %parallel_loop3A_1241 = arith.constant 16 : i32
      %parallel_loop3A_1242 = arith.muli %parallel_loop3A_1240, %parallel_loop3A_1241 : i32
      %parallel_loop3A_1243 = arith.index_cast %parallel_loop3A_1224 : i32 to index
      %parallel_loop3A_1244 = arith.index_cast %parallel_loop3A_1242 : i32 to index
      %parallel_loop3A_1245 = tpu.vector_load %arg5[%parallel_loop3A_1243, %parallel_loop3A_1244] {strides = array<i32>} : memref<16x1024xf32, #tpu.memory_space<vmem>>, vector<1x16xf32>,
      %parallel_loop3A_1246 = vector.shape_cast %parallel_loop3A_1245 : vector<1x16xf32> to vector<16xf32>
      %parallel_loop3A_1247 = arith.index_cast %parallel_loop3A_1224 : i32 to index
      %parallel_loop3A_1248 = arith.index_cast %parallel_loop3A_1242 : i32 to index
      %parallel_loop3A_1249 = tpu.vector_load %arg7[%parallel_loop3A_1247, %parallel_loop3A_1248] {strides = array<i32>} : memref<16x1024xf32, #tpu.memory_space<vmem>>, vector<1x16xf32>,
      %parallel_loop3A_1250 = vector.shape_cast %parallel_loop3A_1249 : vector<1x16xf32> to vector<16xf32>
      %parallel_loop3A_1251 = vector.shape_cast %parallel_loop3A_1246 : vector<16xf32> to vector<1x16xf32>
      tpu.vector_store %arg7[%parallel_loop3A_1247, %parallel_loop3A_1248], %parallel_loop3A_1251 {add = true, strides = array<i32>} : memref<16x1024xf32, #tpu.memory_space<vmem>>, vector<1x16xf32>,
    } {sc.loop_unroll_factor = 8 : i64, sc.parallel_access}
    %add3A_142 = arith.constant 0 : i32
    %add3A_143 = arith.addi %mul3A_2, %add3A_142 : i32
    %dma_start3A_144 = arith.constant 3 : i32
    %dma_start3A_145 = arith.constant 0 : i32
    %dma_start3A_146 = tpu.memref_slice %arg4[%dma_start3A_144, %add3A_143, %dma_start3A_145] : memref<4x4096x1024xf32, #tpu.memory_space<hbm>> -> memref<1x16x1024xf32, #tpu.memory_space<hbm>>
    %dma_start3A_147 = tpu.memref_squeeze %dma_start3A_146 : memref<1x16x1024xf32, #tpu.memory_space<hbm>> -> memref<16x1024xf32, #tpu.memory_space<hbm>>
    %dma_start3A_148 = arith.constant 0 : i32
    %dma_start3A_149 = tpu.memref_slice %arg4[%dma_start3A_144, %add3A_143, %dma_start3A_148] : memref<4x4096x1024xf32, #tpu.memory_space<hbm>> -> memref<1x16x1024xf32, #tpu.memory_space<hbm>>
    %dma_start3A_150 = tpu.memref_squeeze %dma_start3A_149 : memref<1x16x1024xf32, #tpu.memory_space<hbm>> -> memref<16x1024xf32, #tpu.memory_space<hbm>>
    tpu.enqueue_dma source(%arg7 : memref<16x1024xf32, #tpu.memory_space<vmem>>) target(%dma_start3A_150 : memref<16x1024xf32, #tpu.memory_space<hbm>>) target_semaphore(%arg15 : memref<!tpu.dma_semaphore, #tpu.memory_space<semaphore_mem>>)
    %dma_wait3A_151 = arith.constant 2 : i32
    %dma_wait3A_152 = arith.constant 0 : i32
    %dma_wait3A_153 = tpu.memref_slice %arg4[%dma_wait3A_151, %add3A_108, %dma_wait3A_152] : memref<4x4096x1024xf32, #tpu.memory_space<hbm>> -> memref<1x16x1024xf32, #tpu.memory_space<hbm>>
    %dma_wait3A_154 = tpu.memref_squeeze %dma_wait3A_153 : memref<1x16x1024xf32, #tpu.memory_space<hbm>> -> memref<16x1024xf32, #tpu.memory_space<hbm>>
    %dma_wait3A_155 = arith.constant 0 : i32
    %dma_wait3A_156 = tpu.memref_slice %arg4[%dma_wait3A_151, %add3A_108, %dma_wait3A_155] : memref<4x4096x1024xf32, #tpu.memory_space<hbm>> -> memref<1x16x1024xf32, #tpu.memory_space<hbm>>
    %dma_wait3A_157 = tpu.memref_squeeze %dma_wait3A_156 : memref<1x16x1024xf32, #tpu.memory_space<hbm>> -> memref<16x1024xf32, #tpu.memory_space<hbm>>
    tpu.wait_dma2 semaphore(%arg17 : memref<!tpu.dma_semaphore, #tpu.memory_space<semaphore_mem>>) src(%arg9 : memref<16x1024xf32, #tpu.memory_space<vmem>>) dst(%dma_wait3A_157 : memref<16x1024xf32, #tpu.memory_space<hbm>>)
    %add3A_158 = arith.constant 16 : i32
    %add3A_159 = arith.addi %mul3A_2, %add3A_158 : i32
    %dma_start3A_160 = arith.constant 1 : i32
    %dma_start3A_161 = arith.constant 0 : i32
    %dma_start3A_162 = tpu.memref_slice %arg2[%dma_start3A_160, %add3A_159, %dma_start3A_161] : memref<4x4096x1024xf32, #tpu.memory_space<hbm>> -> memref<1x16x1024xf32, #tpu.memory_space<hbm>>
    %dma_start3A_163 = tpu.memref_squeeze %dma_start3A_162 : memref<1x16x1024xf32, #tpu.memory_space<hbm>> -> memref<16x1024xf32, #tpu.memory_space<hbm>>
    %dma_start3A_164 = arith.constant 0 : i32
    %dma_start3A_165 = tpu.memref_slice %arg2[%dma_start3A_160, %add3A_159, %dma_start3A_164] : memref<4x4096x1024xf32, #tpu.memory_space<hbm>> -> memref<1x16x1024xf32, #tpu.memory_space<hbm>>
    %dma_start3A_166 = tpu.memref_squeeze %dma_start3A_165 : memref<1x16x1024xf32, #tpu.memory_space<hbm>> -> memref<16x1024xf32, #tpu.memory_space<hbm>>
    tpu.enqueue_dma source(%dma_start3A_166 : memref<16x1024xf32, #tpu.memory_space<hbm>>) target(%arg9 : memref<16x1024xf32, #tpu.memory_space<vmem>>) target_semaphore(%arg14 : memref<!tpu.dma_semaphore, #tpu.memory_space<semaphore_mem>>)
    %add3A_167 = arith.constant 32 : i32
    %add3A_168 = arith.addi %mul3A_2, %add3A_167 : i32
    %dma_start3A_169 = arith.constant 0 : i32
    %dma_start3A_170 = tpu.memref_slice %arg3[%add3A_168, %dma_start3A_169] : memref<4098x1024xf32, #tpu.memory_space<hbm>> -> memref<16x1024xf32, #tpu.memory_space<hbm>>
    %dma_start3A_171 = arith.constant 0 : i32
    %dma_start3A_172 = tpu.memref_slice %arg3[%add3A_168, %dma_start3A_171] : memref<4098x1024xf32, #tpu.memory_space<hbm>> -> memref<16x1024xf32, #tpu.memory_space<hbm>>
    tpu.enqueue_dma source(%dma_start3A_172 : memref<16x1024xf32, #tpu.memory_space<hbm>>) target(%arg5 : memref<16x1024xf32, #tpu.memory_space<vmem>>) target_semaphore(%arg10 : memref<!tpu.dma_semaphore, #tpu.memory_space<semaphore_mem>>)
    %dma_wait3A_173 = arith.constant 0 : i32
    %dma_wait3A_174 = tpu.memref_slice %arg3[%add3A_27, %dma_wait3A_173] : memref<4098x1024xf32, #tpu.memory_space<hbm>> -> memref<16x1024xf32, #tpu.memory_space<hbm>>
    %dma_wait3A_175 = arith.constant 0 : i32
    %dma_wait3A_176 = tpu.memref_slice %arg3[%add3A_27, %dma_wait3A_175] : memref<4098x1024xf32, #tpu.memory_space<hbm>> -> memref<16x1024xf32, #tpu.memory_space<hbm>>
    tpu.wait_dma2 semaphore(%arg11 : memref<!tpu.dma_semaphore, #tpu.memory_space<semaphore_mem>>) src(%dma_wait3A_176 : memref<16x1024xf32, #tpu.memory_space<hbm>>) dst(%arg6 : memref<16x1024xf32, #tpu.memory_space<vmem>>)
    %dma_wait3A_177 = arith.constant 0 : i32
    %dma_wait3A_178 = arith.constant 0 : i32
    %dma_wait3A_179 = tpu.memref_slice %arg2[%dma_wait3A_177, %add3A_124, %dma_wait3A_178] : memref<4x4096x1024xf32, #tpu.memory_space<hbm>> -> memref<1x16x1024xf32, #tpu.memory_space<hbm>>
    %dma_wait3A_180 = tpu.memref_squeeze %dma_wait3A_179 : memref<1x16x1024xf32, #tpu.memory_space<hbm>> -> memref<16x1024xf32, #tpu.memory_space<hbm>>
    %dma_wait3A_181 = arith.constant 0 : i32
    %dma_wait3A_182 = tpu.memref_slice %arg2[%dma_wait3A_177, %add3A_124, %dma_wait3A_181] : memref<4x4096x1024xf32, #tpu.memory_space<hbm>> -> memref<1x16x1024xf32, #tpu.memory_space<hbm>>
    %dma_wait3A_183 = tpu.memref_squeeze %dma_wait3A_182 : memref<1x16x1024xf32, #tpu.memory_space<hbm>> -> memref<16x1024xf32, #tpu.memory_space<hbm>>
    tpu.wait_dma2 semaphore(%arg13 : memref<!tpu.dma_semaphore, #tpu.memory_space<semaphore_mem>>) src(%dma_wait3A_183 : memref<16x1024xf32, #tpu.memory_space<hbm>>) dst(%arg8 : memref<16x1024xf32, #tpu.memory_space<vmem>>)
    %parallel_loop3A_184 = arith.constant 0 : i32
    %parallel_loop3A_185 = arith.constant 1024 : i32
    %parallel_loop3A_186 = arith.constant 1 : i32
    scf.for %parallel_loop3A_1200 = %parallel_loop3A_184 to %parallel_loop3A_185 step %parallel_loop3A_186  : i32 {
      %parallel_loop3A_1201 = arith.constant 64 : i32
      %parallel_loop3A_1202 = arith.divsi %parallel_loop3A_1200, %parallel_loop3A_1201 : i32
      %parallel_loop3A_1203 = arith.constant 0 : i32
      %parallel_loop3A_1204 = arith.cmpi sgt, %parallel_loop3A_1200, %parallel_loop3A_1203 : i32
      %parallel_loop3A_1205 = arith.extui %parallel_loop3A_1204 : i1 to i32
      %parallel_loop3A_1206 = arith.constant 0 : i32
      %parallel_loop3A_1207 = arith.cmpi slt, %parallel_loop3A_1200, %parallel_loop3A_1206 : i32
      %parallel_loop3A_1208 = arith.extui %parallel_loop3A_1207 : i1 to i32
      %parallel_loop3A_1209 = arith.subi %parallel_loop3A_1205, %parallel_loop3A_1208 : i32
      %parallel_loop3A_1210 = arith.constant 0 : i32
      %parallel_loop3A_1211 = arith.cmpi sgt, %parallel_loop3A_1201, %parallel_loop3A_1210 : i32
      %parallel_loop3A_1212 = arith.extui %parallel_loop3A_1211 : i1 to i32
      %parallel_loop3A_1213 = arith.constant 0 : i32
      %parallel_loop3A_1214 = arith.cmpi slt, %parallel_loop3A_1201, %parallel_loop3A_1213 : i32
      %parallel_loop3A_1215 = arith.extui %parallel_loop3A_1214 : i1 to i32
      %parallel_loop3A_1216 = arith.subi %parallel_loop3A_1212, %parallel_loop3A_1215 : i32
      %parallel_loop3A_1217 = arith.cmpi ne, %parallel_loop3A_1209, %parallel_loop3A_1216 : i32
      %parallel_loop3A_1218 = arith.remsi %parallel_loop3A_1200, %parallel_loop3A_1201 : i32
      %parallel_loop3A_1219 = arith.constant 0 : i32
      %parallel_loop3A_1220 = arith.cmpi ne, %parallel_loop3A_1218, %parallel_loop3A_1219 : i32
      %parallel_loop3A_1221 = arith.andi %parallel_loop3A_1217, %parallel_loop3A_1220 : i1
      %parallel_loop3A_1222 = arith.constant 1 : i32
      %parallel_loop3A_1223 = arith.subi %parallel_loop3A_1202, %parallel_loop3A_1222 : i32
      %parallel_loop3A_1224 = arith.select %parallel_loop3A_1221, %parallel_loop3A_1223, %parallel_loop3A_1202 : i32
      %parallel_loop3A_1225 = arith.constant 64 : i32
      %parallel_loop3A_1226 = arith.constant 0 : i32
      %parallel_loop3A_1227 = arith.cmpi eq, %parallel_loop3A_1225, %parallel_loop3A_1226 : i32
      %parallel_loop3A_1228 = arith.constant 1 : i32
      %parallel_loop3A_1229 = arith.select %parallel_loop3A_1227, %parallel_loop3A_1228, %parallel_loop3A_1225 : i32
      %parallel_loop3A_1230 = arith.remsi %parallel_loop3A_1200, %parallel_loop3A_1229 : i32
      %parallel_loop3A_1231 = arith.constant 0 : i32
      %parallel_loop3A_1232 = arith.cmpi ne, %parallel_loop3A_1230, %parallel_loop3A_1231 : i32
      %parallel_loop3A_1233 = arith.constant 0 : i32
      %parallel_loop3A_1234 = arith.cmpi slt, %parallel_loop3A_1230, %parallel_loop3A_1233 : i32
      %parallel_loop3A_1235 = arith.constant 0 : i32
      %parallel_loop3A_1236 = arith.cmpi slt, %parallel_loop3A_1229, %parallel_loop3A_1235 : i32
      %parallel_loop3A_1237 = arith.xori %parallel_loop3A_1234, %parallel_loop3A_1236 : i1
      %parallel_loop3A_1238 = arith.andi %parallel_loop3A_1237, %parallel_loop3A_1232 : i1
      %parallel_loop3A_1239 = arith.addi %parallel_loop3A_1230, %parallel_loop3A_1229 : i32
      %parallel_loop3A_1240 = arith.select %parallel_loop3A_1238, %parallel_loop3A_1239, %parallel_loop3A_1230 : i32
      %parallel_loop3A_1241 = arith.constant 16 : i32
      %parallel_loop3A_1242 = arith.muli %parallel_loop3A_1240, %parallel_loop3A_1241 : i32
      %parallel_loop3A_1243 = arith.index_cast %parallel_loop3A_1224 : i32 to index
      %parallel_loop3A_1244 = arith.index_cast %parallel_loop3A_1242 : i32 to index
      %parallel_loop3A_1245 = tpu.vector_load %arg6[%parallel_loop3A_1243, %parallel_loop3A_1244] {strides = array<i32>} : memref<16x1024xf32, #tpu.memory_space<vmem>>, vector<1x16xf32>,
      %parallel_loop3A_1246 = vector.shape_cast %parallel_loop3A_1245 : vector<1x16xf32> to vector<16xf32>
      %parallel_loop3A_1247 = arith.index_cast %parallel_loop3A_1224 : i32 to index
      %parallel_loop3A_1248 = arith.index_cast %parallel_loop3A_1242 : i32 to index
      %parallel_loop3A_1249 = tpu.vector_load %arg8[%parallel_loop3A_1247, %parallel_loop3A_1248] {strides = array<i32>} : memref<16x1024xf32, #tpu.memory_space<vmem>>, vector<1x16xf32>,
      %parallel_loop3A_1250 = vector.shape_cast %parallel_loop3A_1249 : vector<1x16xf32> to vector<16xf32>
      %parallel_loop3A_1251 = vector.shape_cast %parallel_loop3A_1246 : vector<16xf32> to vector<1x16xf32>
      tpu.vector_store %arg8[%parallel_loop3A_1247, %parallel_loop3A_1248], %parallel_loop3A_1251 {add = true, strides = array<i32>} : memref<16x1024xf32, #tpu.memory_space<vmem>>, vector<1x16xf32>,
    } {sc.loop_unroll_factor = 8 : i64, sc.parallel_access}
    %add3A_187 = arith.constant 16 : i32
    %add3A_188 = arith.addi %mul3A_2, %add3A_187 : i32
    %dma_start3A_189 = arith.constant 0 : i32
    %dma_start3A_190 = arith.constant 0 : i32
    %dma_start3A_191 = tpu.memref_slice %arg4[%dma_start3A_189, %add3A_188, %dma_start3A_190] : memref<4x4096x1024xf32, #tpu.memory_space<hbm>> -> memref<1x16x1024xf32, #tpu.memory_space<hbm>>
    %dma_start3A_192 = tpu.memref_squeeze %dma_start3A_191 : memref<1x16x1024xf32, #tpu.memory_space<hbm>> -> memref<16x1024xf32, #tpu.memory_space<hbm>>
    %dma_start3A_193 = arith.constant 0 : i32
    %dma_start3A_194 = tpu.memref_slice %arg4[%dma_start3A_189, %add3A_188, %dma_start3A_193] : memref<4x4096x1024xf32, #tpu.memory_space<hbm>> -> memref<1x16x1024xf32, #tpu.memory_space<hbm>>
    %dma_start3A_195 = tpu.memref_squeeze %dma_start3A_194 : memref<1x16x1024xf32, #tpu.memory_space<hbm>> -> memref<16x1024xf32, #tpu.memory_space<hbm>>
    tpu.enqueue_dma source(%arg8 : memref<16x1024xf32, #tpu.memory_space<vmem>>) target(%dma_start3A_195 : memref<16x1024xf32, #tpu.memory_space<hbm>>) target_semaphore(%arg16 : memref<!tpu.dma_semaphore, #tpu.memory_space<semaphore_mem>>)
    %dma_wait3A_196 = arith.constant 3 : i32
    %dma_wait3A_197 = arith.constant 0 : i32
    %dma_wait3A_198 = tpu.memref_slice %arg4[%dma_wait3A_196, %add3A_143, %dma_wait3A_197] : memref<4x4096x1024xf32, #tpu.memory_space<hbm>> -> memref<1x16x1024xf32, #tpu.memory_space<hbm>>
    %dma_wait3A_199 = tpu.memref_squeeze %dma_wait3A_198 : memref<1x16x1024xf32, #tpu.memory_space<hbm>> -> memref<16x1024xf32, #tpu.memory_space<hbm>>
    %dma_wait3A_200 = arith.constant 0 : i32
    %dma_wait3A_201 = tpu.memref_slice %arg4[%dma_wait3A_196, %add3A_143, %dma_wait3A_200] : memref<4x4096x1024xf32, #tpu.memory_space<hbm>> -> memref<1x16x1024xf32, #tpu.memory_space<hbm>>
    %dma_wait3A_202 = tpu.memref_squeeze %dma_wait3A_201 : memref<1x16x1024xf32, #tpu.memory_space<hbm>> -> memref<16x1024xf32, #tpu.memory_space<hbm>>
    tpu.wait_dma2 semaphore(%arg15 : memref<!tpu.dma_semaphore, #tpu.memory_space<semaphore_mem>>) src(%arg7 : memref<16x1024xf32, #tpu.memory_space<vmem>>) dst(%dma_wait3A_202 : memref<16x1024xf32, #tpu.memory_space<hbm>>)
    %add3A_203 = arith.constant 16 : i32
    %add3A_204 = arith.addi %mul3A_2, %add3A_203 : i32
    %dma_start3A_205 = arith.constant 2 : i32
    %dma_start3A_206 = arith.constant 0 : i32
    %dma_start3A_207 = tpu.memref_slice %arg2[%dma_start3A_205, %add3A_204, %dma_start3A_206] : memref<4x4096x1024xf32, #tpu.memory_space<hbm>> -> memref<1x16x1024xf32, #tpu.memory_space<hbm>>
    %dma_start3A_208 = tpu.memref_squeeze %dma_start3A_207 : memref<1x16x1024xf32, #tpu.memory_space<hbm>> -> memref<16x1024xf32, #tpu.memory_space<hbm>>
    %dma_start3A_209 = arith.constant 0 : i32
    %dma_start3A_210 = tpu.memref_slice %arg2[%dma_start3A_205, %add3A_204, %dma_start3A_209] : memref<4x4096x1024xf32, #tpu.memory_space<hbm>> -> memref<1x16x1024xf32, #tpu.memory_space<hbm>>
    %dma_start3A_211 = tpu.memref_squeeze %dma_start3A_210 : memref<1x16x1024xf32, #tpu.memory_space<hbm>> -> memref<16x1024xf32, #tpu.memory_space<hbm>>
    tpu.enqueue_dma source(%dma_start3A_211 : memref<16x1024xf32, #tpu.memory_space<hbm>>) target(%arg7 : memref<16x1024xf32, #tpu.memory_space<vmem>>) target_semaphore(%arg12 : memref<!tpu.dma_semaphore, #tpu.memory_space<semaphore_mem>>)
    %dma_wait3A_212 = arith.constant 1 : i32
    %dma_wait3A_213 = arith.constant 0 : i32
    %dma_wait3A_214 = tpu.memref_slice %arg2[%dma_wait3A_212, %add3A_159, %dma_wait3A_213] : memref<4x4096x1024xf32, #tpu.memory_space<hbm>> -> memref<1x16x1024xf32, #tpu.memory_space<hbm>>
    %dma_wait3A_215 = tpu.memref_squeeze %dma_wait3A_214 : memref<1x16x1024xf32, #tpu.memory_space<hbm>> -> memref<16x1024xf32, #tpu.memory_space<hbm>>
    %dma_wait3A_216 = arith.constant 0 : i32
    %dma_wait3A_217 = tpu.memref_slice %arg2[%dma_wait3A_212, %add3A_159, %dma_wait3A_216] : memref<4x4096x1024xf32, #tpu.memory_space<hbm>> -> memref<1x16x1024xf32, #tpu.memory_space<hbm>>
    %dma_wait3A_218 = tpu.memref_squeeze %dma_wait3A_217 : memref<1x16x1024xf32, #tpu.memory_space<hbm>> -> memref<16x1024xf32, #tpu.memory_space<hbm>>
    tpu.wait_dma2 semaphore(%arg14 : memref<!tpu.dma_semaphore, #tpu.memory_space<semaphore_mem>>) src(%dma_wait3A_218 : memref<16x1024xf32, #tpu.memory_space<hbm>>) dst(%arg9 : memref<16x1024xf32, #tpu.memory_space<vmem>>)
    %parallel_loop3A_219 = arith.constant 0 : i32
    %parallel_loop3A_220 = arith.constant 1024 : i32
    %parallel_loop3A_221 = arith.constant 1 : i32
    scf.for %parallel_loop3A_1200 = %parallel_loop3A_219 to %parallel_loop3A_220 step %parallel_loop3A_221  : i32 {
      %parallel_loop3A_1201 = arith.constant 64 : i32
      %parallel_loop3A_1202 = arith.divsi %parallel_loop3A_1200, %parallel_loop3A_1201 : i32
      %parallel_loop3A_1203 = arith.constant 0 : i32
      %parallel_loop3A_1204 = arith.cmpi sgt, %parallel_loop3A_1200, %parallel_loop3A_1203 : i32
      %parallel_loop3A_1205 = arith.extui %parallel_loop3A_1204 : i1 to i32
      %parallel_loop3A_1206 = arith.constant 0 : i32
      %parallel_loop3A_1207 = arith.cmpi slt, %parallel_loop3A_1200, %parallel_loop3A_1206 : i32
      %parallel_loop3A_1208 = arith.extui %parallel_loop3A_1207 : i1 to i32
      %parallel_loop3A_1209 = arith.subi %parallel_loop3A_1205, %parallel_loop3A_1208 : i32
      %parallel_loop3A_1210 = arith.constant 0 : i32
      %parallel_loop3A_1211 = arith.cmpi sgt, %parallel_loop3A_1201, %parallel_loop3A_1210 : i32
      %parallel_loop3A_1212 = arith.extui %parallel_loop3A_1211 : i1 to i32
      %parallel_loop3A_1213 = arith.constant 0 : i32
      %parallel_loop3A_1214 = arith.cmpi slt, %parallel_loop3A_1201, %parallel_loop3A_1213 : i32
      %parallel_loop3A_1215 = arith.extui %parallel_loop3A_1214 : i1 to i32
      %parallel_loop3A_1216 = arith.subi %parallel_loop3A_1212, %parallel_loop3A_1215 : i32
      %parallel_loop3A_1217 = arith.cmpi ne, %parallel_loop3A_1209, %parallel_loop3A_1216 : i32
      %parallel_loop3A_1218 = arith.remsi %parallel_loop3A_1200, %parallel_loop3A_1201 : i32
      %parallel_loop3A_1219 = arith.constant 0 : i32
      %parallel_loop3A_1220 = arith.cmpi ne, %parallel_loop3A_1218, %parallel_loop3A_1219 : i32
      %parallel_loop3A_1221 = arith.andi %parallel_loop3A_1217, %parallel_loop3A_1220 : i1
      %parallel_loop3A_1222 = arith.constant 1 : i32
      %parallel_loop3A_1223 = arith.subi %parallel_loop3A_1202, %parallel_loop3A_1222 : i32
      %parallel_loop3A_1224 = arith.select %parallel_loop3A_1221, %parallel_loop3A_1223, %parallel_loop3A_1202 : i32
      %parallel_loop3A_1225 = arith.constant 64 : i32
      %parallel_loop3A_1226 = arith.constant 0 : i32
      %parallel_loop3A_1227 = arith.cmpi eq, %parallel_loop3A_1225, %parallel_loop3A_1226 : i32
      %parallel_loop3A_1228 = arith.constant 1 : i32
      %parallel_loop3A_1229 = arith.select %parallel_loop3A_1227, %parallel_loop3A_1228, %parallel_loop3A_1225 : i32
      %parallel_loop3A_1230 = arith.remsi %parallel_loop3A_1200, %parallel_loop3A_1229 : i32
      %parallel_loop3A_1231 = arith.constant 0 : i32
      %parallel_loop3A_1232 = arith.cmpi ne, %parallel_loop3A_1230, %parallel_loop3A_1231 : i32
      %parallel_loop3A_1233 = arith.constant 0 : i32
      %parallel_loop3A_1234 = arith.cmpi slt, %parallel_loop3A_1230, %parallel_loop3A_1233 : i32
      %parallel_loop3A_1235 = arith.constant 0 : i32
      %parallel_loop3A_1236 = arith.cmpi slt, %parallel_loop3A_1229, %parallel_loop3A_1235 : i32
      %parallel_loop3A_1237 = arith.xori %parallel_loop3A_1234, %parallel_loop3A_1236 : i1
      %parallel_loop3A_1238 = arith.andi %parallel_loop3A_1237, %parallel_loop3A_1232 : i1
      %parallel_loop3A_1239 = arith.addi %parallel_loop3A_1230, %parallel_loop3A_1229 : i32
      %parallel_loop3A_1240 = arith.select %parallel_loop3A_1238, %parallel_loop3A_1239, %parallel_loop3A_1230 : i32
      %parallel_loop3A_1241 = arith.constant 16 : i32
      %parallel_loop3A_1242 = arith.muli %parallel_loop3A_1240, %parallel_loop3A_1241 : i32
      %parallel_loop3A_1243 = arith.index_cast %parallel_loop3A_1224 : i32 to index
      %parallel_loop3A_1244 = arith.index_cast %parallel_loop3A_1242 : i32 to index
      %parallel_loop3A_1245 = tpu.vector_load %arg6[%parallel_loop3A_1243, %parallel_loop3A_1244] {strides = array<i32>} : memref<16x1024xf32, #tpu.memory_space<vmem>>, vector<1x16xf32>,
      %parallel_loop3A_1246 = vector.shape_cast %parallel_loop3A_1245 : vector<1x16xf32> to vector<16xf32>
      %parallel_loop3A_1247 = arith.index_cast %parallel_loop3A_1224 : i32 to index
      %parallel_loop3A_1248 = arith.index_cast %parallel_loop3A_1242 : i32 to index
      %parallel_loop3A_1249 = tpu.vector_load %arg9[%parallel_loop3A_1247, %parallel_loop3A_1248] {strides = array<i32>} : memref<16x1024xf32, #tpu.memory_space<vmem>>, vector<1x16xf32>,
      %parallel_loop3A_1250 = vector.shape_cast %parallel_loop3A_1249 : vector<1x16xf32> to vector<16xf32>
      %parallel_loop3A_1251 = vector.shape_cast %parallel_loop3A_1246 : vector<16xf32> to vector<1x16xf32>
      tpu.vector_store %arg9[%parallel_loop3A_1247, %parallel_loop3A_1248], %parallel_loop3A_1251 {add = true, strides = array<i32>} : memref<16x1024xf32, #tpu.memory_space<vmem>>, vector<1x16xf32>,
    } {sc.loop_unroll_factor = 8 : i64, sc.parallel_access}
    %add3A_222 = arith.constant 16 : i32
    %add3A_223 = arith.addi %mul3A_2, %add3A_222 : i32
    %dma_start3A_224 = arith.constant 1 : i32
    %dma_start3A_225 = arith.constant 0 : i32
    %dma_start3A_226 = tpu.memref_slice %arg4[%dma_start3A_224, %add3A_223, %dma_start3A_225] : memref<4x4096x1024xf32, #tpu.memory_space<hbm>> -> memref<1x16x1024xf32, #tpu.memory_space<hbm>>
    %dma_start3A_227 = tpu.memref_squeeze %dma_start3A_226 : memref<1x16x1024xf32, #tpu.memory_space<hbm>> -> memref<16x1024xf32, #tpu.memory_space<hbm>>
    %dma_start3A_228 = arith.constant 0 : i32
    %dma_start3A_229 = tpu.memref_slice %arg4[%dma_start3A_224, %add3A_223, %dma_start3A_228] : memref<4x4096x1024xf32, #tpu.memory_space<hbm>> -> memref<1x16x1024xf32, #tpu.memory_space<hbm>>
    %dma_start3A_230 = tpu.memref_squeeze %dma_start3A_229 : memref<1x16x1024xf32, #tpu.memory_space<hbm>> -> memref<16x1024xf32, #tpu.memory_space<hbm>>
    tpu.enqueue_dma source(%arg9 : memref<16x1024xf32, #tpu.memory_space<vmem>>) target(%dma_start3A_230 : memref<16x1024xf32, #tpu.memory_space<hbm>>) target_semaphore(%arg17 : memref<!tpu.dma_semaphore, #tpu.memory_space<semaphore_mem>>)
    %dma_wait3A_231 = arith.constant 0 : i32
    %dma_wait3A_232 = arith.constant 0 : i32
    %dma_wait3A_233 = tpu.memref_slice %arg4[%dma_wait3A_231, %add3A_188, %dma_wait3A_232] : memref<4x4096x1024xf32, #tpu.memory_space<hbm>> -> memref<1x16x1024xf32, #tpu.memory_space<hbm>>
    %dma_wait3A_234 = tpu.memref_squeeze %dma_wait3A_233 : memref<1x16x1024xf32, #tpu.memory_space<hbm>> -> memref<16x1024xf32, #tpu.memory_space<hbm>>
    %dma_wait3A_235 = arith.constant 0 : i32
    %dma_wait3A_236 = tpu.memref_slice %arg4[%dma_wait3A_231, %add3A_188, %dma_wait3A_235] : memref<4x4096x1024xf32, #tpu.memory_space<hbm>> -> memref<1x16x1024xf32, #tpu.memory_space<hbm>>
    %dma_wait3A_237 = tpu.memref_squeeze %dma_wait3A_236 : memref<1x16x1024xf32, #tpu.memory_space<hbm>> -> memref<16x1024xf32, #tpu.memory_space<hbm>>
    tpu.wait_dma2 semaphore(%arg16 : memref<!tpu.dma_semaphore, #tpu.memory_space<semaphore_mem>>) src(%arg8 : memref<16x1024xf32, #tpu.memory_space<vmem>>) dst(%dma_wait3A_237 : memref<16x1024xf32, #tpu.memory_space<hbm>>)
    %add3A_238 = arith.constant 16 : i32
    %add3A_239 = arith.addi %mul3A_2, %add3A_238 : i32
    %dma_start3A_240 = arith.constant 3 : i32
    %dma_start3A_241 = arith.constant 0 : i32
    %dma_start3A_242 = tpu.memref_slice %arg2[%dma_start3A_240, %add3A_239, %dma_start3A_241] : memref<4x4096x1024xf32, #tpu.memory_space<hbm>> -> memref<1x16x1024xf32, #tpu.memory_space<hbm>>
    %dma_start3A_243 = tpu.memref_squeeze %dma_start3A_242 : memref<1x16x1024xf32, #tpu.memory_space<hbm>> -> memref<16x1024xf32, #tpu.memory_space<hbm>>
    %dma_start3A_244 = arith.constant 0 : i32
    %dma_start3A_245 = tpu.memref_slice %arg2[%dma_start3A_240, %add3A_239, %dma_start3A_244] : memref<4x4096x1024xf32, #tpu.memory_space<hbm>> -> memref<1x16x1024xf32, #tpu.memory_space<hbm>>
    %dma_start3A_246 = tpu.memref_squeeze %dma_start3A_245 : memref<1x16x1024xf32, #tpu.memory_space<hbm>> -> memref<16x1024xf32, #tpu.memory_space<hbm>>
    tpu.enqueue_dma source(%dma_start3A_246 : memref<16x1024xf32, #tpu.memory_space<hbm>>) target(%arg8 : memref<16x1024xf32, #tpu.memory_space<vmem>>) target_semaphore(%arg13 : memref<!tpu.dma_semaphore, #tpu.memory_space<semaphore_mem>>)
    %dma_wait3A_247 = arith.constant 2 : i32
    %dma_wait3A_248 = arith.constant 0 : i32
    %dma_wait3A_249 = tpu.memref_slice %arg2[%dma_wait3A_247, %add3A_204, %dma_wait3A_248] : memref<4x4096x1024xf32, #tpu.memory_space<hbm>> -> memref<1x16x1024xf32, #tpu.memory_space<hbm>>
    %dma_wait3A_250 = tpu.memref_squeeze %dma_wait3A_249 : memref<1x16x1024xf32, #tpu.memory_space<hbm>> -> memref<16x1024xf32, #tpu.memory_space<hbm>>
    %dma_wait3A_251 = arith.constant 0 : i32
    %dma_wait3A_252 = tpu.memref_slice %arg2[%dma_wait3A_247, %add3A_204, %dma_wait3A_251] : memref<4x4096x1024xf32, #tpu.memory_space<hbm>> -> memref<1x16x1024xf32, #tpu.memory_space<hbm>>
    %dma_wait3A_253 = tpu.memref_squeeze %dma_wait3A_252 : memref<1x16x1024xf32, #tpu.memory_space<hbm>> -> memref<16x1024xf32, #tpu.memory_space<hbm>>
    tpu.wait_dma2 semaphore(%arg12 : memref<!tpu.dma_semaphore, #tpu.memory_space<semaphore_mem>>) src(%dma_wait3A_253 : memref<16x1024xf32, #tpu.memory_space<hbm>>) dst(%arg7 : memref<16x1024xf32, #tpu.memory_space<vmem>>)
    %parallel_loop3A_254 = arith.constant 0 : i32
    %parallel_loop3A_255 = arith.constant 1024 : i32
    %parallel_loop3A_256 = arith.constant 1 : i32
    scf.for %parallel_loop3A_1200 = %parallel_loop3A_254 to %parallel_loop3A_255 step %parallel_loop3A_256  : i32 {
      %parallel_loop3A_1201 = arith.constant 64 : i32
      %parallel_loop3A_1202 = arith.divsi %parallel_loop3A_1200, %parallel_loop3A_1201 : i32
      %parallel_loop3A_1203 = arith.constant 0 : i32
      %parallel_loop3A_1204 = arith.cmpi sgt, %parallel_loop3A_1200, %parallel_loop3A_1203 : i32
      %parallel_loop3A_1205 = arith.extui %parallel_loop3A_1204 : i1 to i32
      %parallel_loop3A_1206 = arith.constant 0 : i32
      %parallel_loop3A_1207 = arith.cmpi slt, %parallel_loop3A_1200, %parallel_loop3A_1206 : i32
      %parallel_loop3A_1208 = arith.extui %parallel_loop3A_1207 : i1 to i32
      %parallel_loop3A_1209 = arith.subi %parallel_loop3A_1205, %parallel_loop3A_1208 : i32
      %parallel_loop3A_1210 = arith.constant 0 : i32
      %parallel_loop3A_1211 = arith.cmpi sgt, %parallel_loop3A_1201, %parallel_loop3A_1210 : i32
      %parallel_loop3A_1212 = arith.extui %parallel_loop3A_1211 : i1 to i32
      %parallel_loop3A_1213 = arith.constant 0 : i32
      %parallel_loop3A_1214 = arith.cmpi slt, %parallel_loop3A_1201, %parallel_loop3A_1213 : i32
      %parallel_loop3A_1215 = arith.extui %parallel_loop3A_1214 : i1 to i32
      %parallel_loop3A_1216 = arith.subi %parallel_loop3A_1212, %parallel_loop3A_1215 : i32
      %parallel_loop3A_1217 = arith.cmpi ne, %parallel_loop3A_1209, %parallel_loop3A_1216 : i32
      %parallel_loop3A_1218 = arith.remsi %parallel_loop3A_1200, %parallel_loop3A_1201 : i32
      %parallel_loop3A_1219 = arith.constant 0 : i32
      %parallel_loop3A_1220 = arith.cmpi ne, %parallel_loop3A_1218, %parallel_loop3A_1219 : i32
      %parallel_loop3A_1221 = arith.andi %parallel_loop3A_1217, %parallel_loop3A_1220 : i1
      %parallel_loop3A_1222 = arith.constant 1 : i32
      %parallel_loop3A_1223 = arith.subi %parallel_loop3A_1202, %parallel_loop3A_1222 : i32
      %parallel_loop3A_1224 = arith.select %parallel_loop3A_1221, %parallel_loop3A_1223, %parallel_loop3A_1202 : i32
      %parallel_loop3A_1225 = arith.constant 64 : i32
      %parallel_loop3A_1226 = arith.constant 0 : i32
      %parallel_loop3A_1227 = arith.cmpi eq, %parallel_loop3A_1225, %parallel_loop3A_1226 : i32
      %parallel_loop3A_1228 = arith.constant 1 : i32
      %parallel_loop3A_1229 = arith.select %parallel_loop3A_1227, %parallel_loop3A_1228, %parallel_loop3A_1225 : i32
      %parallel_loop3A_1230 = arith.remsi %parallel_loop3A_1200, %parallel_loop3A_1229 : i32
      %parallel_loop3A_1231 = arith.constant 0 : i32
      %parallel_loop3A_1232 = arith.cmpi ne, %parallel_loop3A_1230, %parallel_loop3A_1231 : i32
      %parallel_loop3A_1233 = arith.constant 0 : i32
      %parallel_loop3A_1234 = arith.cmpi slt, %parallel_loop3A_1230, %parallel_loop3A_1233 : i32
      %parallel_loop3A_1235 = arith.constant 0 : i32
      %parallel_loop3A_1236 = arith.cmpi slt, %parallel_loop3A_1229, %parallel_loop3A_1235 : i32
      %parallel_loop3A_1237 = arith.xori %parallel_loop3A_1234, %parallel_loop3A_1236 : i1
      %parallel_loop3A_1238 = arith.andi %parallel_loop3A_1237, %parallel_loop3A_1232 : i1
      %parallel_loop3A_1239 = arith.addi %parallel_loop3A_1230, %parallel_loop3A_1229 : i32
      %parallel_loop3A_1240 = arith.select %parallel_loop3A_1238, %parallel_loop3A_1239, %parallel_loop3A_1230 : i32
      %parallel_loop3A_1241 = arith.constant 16 : i32
      %parallel_loop3A_1242 = arith.muli %parallel_loop3A_1240, %parallel_loop3A_1241 : i32
      %parallel_loop3A_1243 = arith.index_cast %parallel_loop3A_1224 : i32 to index
      %parallel_loop3A_1244 = arith.index_cast %parallel_loop3A_1242 : i32 to index
      %parallel_loop3A_1245 = tpu.vector_load %arg6[%parallel_loop3A_1243, %parallel_loop3A_1244] {strides = array<i32>} : memref<16x1024xf32, #tpu.memory_space<vmem>>, vector<1x16xf32>,
      %parallel_loop3A_1246 = vector.shape_cast %parallel_loop3A_1245 : vector<1x16xf32> to vector<16xf32>
      %parallel_loop3A_1247 = arith.index_cast %parallel_loop3A_1224 : i32 to index
      %parallel_loop3A_1248 = arith.index_cast %parallel_loop3A_1242 : i32 to index
      %parallel_loop3A_1249 = tpu.vector_load %arg7[%parallel_loop3A_1247, %parallel_loop3A_1248] {strides = array<i32>} : memref<16x1024xf32, #tpu.memory_space<vmem>>, vector<1x16xf32>,
      %parallel_loop3A_1250 = vector.shape_cast %parallel_loop3A_1249 : vector<1x16xf32> to vector<16xf32>
      %parallel_loop3A_1251 = vector.shape_cast %parallel_loop3A_1246 : vector<16xf32> to vector<1x16xf32>
      tpu.vector_store %arg7[%parallel_loop3A_1247, %parallel_loop3A_1248], %parallel_loop3A_1251 {add = true, strides = array<i32>} : memref<16x1024xf32, #tpu.memory_space<vmem>>, vector<1x16xf32>,
    } {sc.loop_unroll_factor = 8 : i64, sc.parallel_access}
    %add3A_257 = arith.constant 16 : i32
    %add3A_258 = arith.addi %mul3A_2, %add3A_257 : i32
    %dma_start3A_259 = arith.constant 2 : i32
    %dma_start3A_260 = arith.constant 0 : i32
    %dma_start3A_261 = tpu.memref_slice %arg4[%dma_start3A_259, %add3A_258, %dma_start3A_260] : memref<4x4096x1024xf32, #tpu.memory_space<hbm>> -> memref<1x16x1024xf32, #tpu.memory_space<hbm>>
    %dma_start3A_262 = tpu.memref_squeeze %dma_start3A_261 : memref<1x16x1024xf32, #tpu.memory_space<hbm>> -> memref<16x1024xf32, #tpu.memory_space<hbm>>
    %dma_start3A_263 = arith.constant 0 : i32
    %dma_start3A_264 = tpu.memref_slice %arg4[%dma_start3A_259, %add3A_258, %dma_start3A_263] : memref<4x4096x1024xf32, #tpu.memory_space<hbm>> -> memref<1x16x1024xf32, #tpu.memory_space<hbm>>
    %dma_start3A_265 = tpu.memref_squeeze %dma_start3A_264 : memref<1x16x1024xf32, #tpu.memory_space<hbm>> -> memref<16x1024xf32, #tpu.memory_space<hbm>>
    tpu.enqueue_dma source(%arg7 : memref<16x1024xf32, #tpu.memory_space<vmem>>) target(%dma_start3A_265 : memref<16x1024xf32, #tpu.memory_space<hbm>>) target_semaphore(%arg15 : memref<!tpu.dma_semaphore, #tpu.memory_space<semaphore_mem>>)
    %dma_wait3A_266 = arith.constant 1 : i32
    %dma_wait3A_267 = arith.constant 0 : i32
    %dma_wait3A_268 = tpu.memref_slice %arg4[%dma_wait3A_266, %add3A_223, %dma_wait3A_267] : memref<4x4096x1024xf32, #tpu.memory_space<hbm>> -> memref<1x16x1024xf32, #tpu.memory_space<hbm>>
    %dma_wait3A_269 = tpu.memref_squeeze %dma_wait3A_268 : memref<1x16x1024xf32, #tpu.memory_space<hbm>> -> memref<16x1024xf32, #tpu.memory_space<hbm>>
    %dma_wait3A_270 = arith.constant 0 : i32
    %dma_wait3A_271 = tpu.memref_slice %arg4[%dma_wait3A_266, %add3A_223, %dma_wait3A_270] : memref<4x4096x1024xf32, #tpu.memory_space<hbm>> -> memref<1x16x1024xf32, #tpu.memory_space<hbm>>
    %dma_wait3A_272 = tpu.memref_squeeze %dma_wait3A_271 : memref<1x16x1024xf32, #tpu.memory_space<hbm>> -> memref<16x1024xf32, #tpu.memory_space<hbm>>
    tpu.wait_dma2 semaphore(%arg17 : memref<!tpu.dma_semaphore, #tpu.memory_space<semaphore_mem>>) src(%arg9 : memref<16x1024xf32, #tpu.memory_space<vmem>>) dst(%dma_wait3A_272 : memref<16x1024xf32, #tpu.memory_space<hbm>>)
    %add3A_273 = arith.constant 32 : i32
    %add3A_274 = arith.addi %mul3A_2, %add3A_273 : i32
    %dma_start3A_275 = arith.constant 0 : i32
    %dma_start3A_276 = arith.constant 0 : i32
    %dma_start3A_277 = tpu.memref_slice %arg2[%dma_start3A_275, %add3A_274, %dma_start3A_276] : memref<4x4096x1024xf32, #tpu.memory_space<hbm>> -> memref<1x16x1024xf32, #tpu.memory_space<hbm>>
    %dma_start3A_278 = tpu.memref_squeeze %dma_start3A_277 : memref<1x16x1024xf32, #tpu.memory_space<hbm>> -> memref<16x1024xf32, #tpu.memory_space<hbm>>
    %dma_start3A_279 = arith.constant 0 : i32
    %dma_start3A_280 = tpu.memref_slice %arg2[%dma_start3A_275, %add3A_274, %dma_start3A_279] : memref<4x4096x1024xf32, #tpu.memory_space<hbm>> -> memref<1x16x1024xf32, #tpu.memory_space<hbm>>
    %dma_start3A_281 = tpu.memref_squeeze %dma_start3A_280 : memref<1x16x1024xf32, #tpu.memory_space<hbm>> -> memref<16x1024xf32, #tpu.memory_space<hbm>>
    tpu.enqueue_dma source(%dma_start3A_281 : memref<16x1024xf32, #tpu.memory_space<hbm>>) target(%arg9 : memref<16x1024xf32, #tpu.memory_space<vmem>>) target_semaphore(%arg14 : memref<!tpu.dma_semaphore, #tpu.memory_space<semaphore_mem>>)
    %dma_wait3A_282 = arith.constant 3 : i32
    %dma_wait3A_283 = arith.constant 0 : i32
    %dma_wait3A_284 = tpu.memref_slice %arg2[%dma_wait3A_282, %add3A_239, %dma_wait3A_283] : memref<4x4096x1024xf32, #tpu.memory_space<hbm>> -> memref<1x16x1024xf32, #tpu.memory_space<hbm>>
    %dma_wait3A_285 = tpu.memref_squeeze %dma_wait3A_284 : memref<1x16x1024xf32, #tpu.memory_space<hbm>> -> memref<16x1024xf32, #tpu.memory_space<hbm>>
    %dma_wait3A_286 = arith.constant 0 : i32
    %dma_wait3A_287 = tpu.memref_slice %arg2[%dma_wait3A_282, %add3A_239, %dma_wait3A_286] : memref<4x4096x1024xf32, #tpu.memory_space<hbm>> -> memref<1x16x1024xf32, #tpu.memory_space<hbm>>
    %dma_wait3A_288 = tpu.memref_squeeze %dma_wait3A_287 : memref<1x16x1024xf32, #tpu.memory_space<hbm>> -> memref<16x1024xf32, #tpu.memory_space<hbm>>
    tpu.wait_dma2 semaphore(%arg13 : memref<!tpu.dma_semaphore, #tpu.memory_space<semaphore_mem>>) src(%dma_wait3A_288 : memref<16x1024xf32, #tpu.memory_space<hbm>>) dst(%arg8 : memref<16x1024xf32, #tpu.memory_space<vmem>>)
    %parallel_loop3A_289 = arith.constant 0 : i32
    %parallel_loop3A_290 = arith.constant 1024 : i32
    %parallel_loop3A_291 = arith.constant 1 : i32
    scf.for %parallel_loop3A_1200 = %parallel_loop3A_289 to %parallel_loop3A_290 step %parallel_loop3A_291  : i32 {
      %parallel_loop3A_1201 = arith.constant 64 : i32
      %parallel_loop3A_1202 = arith.divsi %parallel_loop3A_1200, %parallel_loop3A_1201 : i32
      %parallel_loop3A_1203 = arith.constant 0 : i32
      %parallel_loop3A_1204 = arith.cmpi sgt, %parallel_loop3A_1200, %parallel_loop3A_1203 : i32
      %parallel_loop3A_1205 = arith.extui %parallel_loop3A_1204 : i1 to i32
      %parallel_loop3A_1206 = arith.constant 0 : i32
      %parallel_loop3A_1207 = arith.cmpi slt, %parallel_loop3A_1200, %parallel_loop3A_1206 : i32
      %parallel_loop3A_1208 = arith.extui %parallel_loop3A_1207 : i1 to i32
      %parallel_loop3A_1209 = arith.subi %parallel_loop3A_1205, %parallel_loop3A_1208 : i32
      %parallel_loop3A_1210 = arith.constant 0 : i32
      %parallel_loop3A_1211 = arith.cmpi sgt, %parallel_loop3A_1201, %parallel_loop3A_1210 : i32
      %parallel_loop3A_1212 = arith.extui %parallel_loop3A_1211 : i1 to i32
      %parallel_loop3A_1213 = arith.constant 0 : i32
      %parallel_loop3A_1214 = arith.cmpi slt, %parallel_loop3A_1201, %parallel_loop3A_1213 : i32
      %parallel_loop3A_1215 = arith.extui %parallel_loop3A_1214 : i1 to i32
      %parallel_loop3A_1216 = arith.subi %parallel_loop3A_1212, %parallel_loop3A_1215 : i32
      %parallel_loop3A_1217 = arith.cmpi ne, %parallel_loop3A_1209, %parallel_loop3A_1216 : i32
      %parallel_loop3A_1218 = arith.remsi %parallel_loop3A_1200, %parallel_loop3A_1201 : i32
      %parallel_loop3A_1219 = arith.constant 0 : i32
      %parallel_loop3A_1220 = arith.cmpi ne, %parallel_loop3A_1218, %parallel_loop3A_1219 : i32
      %parallel_loop3A_1221 = arith.andi %parallel_loop3A_1217, %parallel_loop3A_1220 : i1
      %parallel_loop3A_1222 = arith.constant 1 : i32
      %parallel_loop3A_1223 = arith.subi %parallel_loop3A_1202, %parallel_loop3A_1222 : i32
      %parallel_loop3A_1224 = arith.select %parallel_loop3A_1221, %parallel_loop3A_1223, %parallel_loop3A_1202 : i32
      %parallel_loop3A_1225 = arith.constant 64 : i32
      %parallel_loop3A_1226 = arith.constant 0 : i32
      %parallel_loop3A_1227 = arith.cmpi eq, %parallel_loop3A_1225, %parallel_loop3A_1226 : i32
      %parallel_loop3A_1228 = arith.constant 1 : i32
      %parallel_loop3A_1229 = arith.select %parallel_loop3A_1227, %parallel_loop3A_1228, %parallel_loop3A_1225 : i32
      %parallel_loop3A_1230 = arith.remsi %parallel_loop3A_1200, %parallel_loop3A_1229 : i32
      %parallel_loop3A_1231 = arith.constant 0 : i32
      %parallel_loop3A_1232 = arith.cmpi ne, %parallel_loop3A_1230, %parallel_loop3A_1231 : i32
      %parallel_loop3A_1233 = arith.constant 0 : i32
      %parallel_loop3A_1234 = arith.cmpi slt, %parallel_loop3A_1230, %parallel_loop3A_1233 : i32
      %parallel_loop3A_1235 = arith.constant 0 : i32
      %parallel_loop3A_1236 = arith.cmpi slt, %parallel_loop3A_1229, %parallel_loop3A_1235 : i32
      %parallel_loop3A_1237 = arith.xori %parallel_loop3A_1234, %parallel_loop3A_1236 : i1
      %parallel_loop3A_1238 = arith.andi %parallel_loop3A_1237, %parallel_loop3A_1232 : i1
      %parallel_loop3A_1239 = arith.addi %parallel_loop3A_1230, %parallel_loop3A_1229 : i32
      %parallel_loop3A_1240 = arith.select %parallel_loop3A_1238, %parallel_loop3A_1239, %parallel_loop3A_1230 : i32
      %parallel_loop3A_1241 = arith.constant 16 : i32
      %parallel_loop3A_1242 = arith.muli %parallel_loop3A_1240, %parallel_loop3A_1241 : i32
      %parallel_loop3A_1243 = arith.index_cast %parallel_loop3A_1224 : i32 to index
      %parallel_loop3A_1244 = arith.index_cast %parallel_loop3A_1242 : i32 to index
      %parallel_loop3A_1245 = tpu.vector_load %arg6[%parallel_loop3A_1243, %parallel_loop3A_1244] {strides = array<i32>} : memref<16x1024xf32, #tpu.memory_space<vmem>>, vector<1x16xf32>,
      %parallel_loop3A_1246 = vector.shape_cast %parallel_loop3A_1245 : vector<1x16xf32> to vector<16xf32>
      %parallel_loop3A_1247 = arith.index_cast %parallel_loop3A_1224 : i32 to index
      %parallel_loop3A_1248 = arith.index_cast %parallel_loop3A_1242 : i32 to index
      %parallel_loop3A_1249 = tpu.vector_load %arg8[%parallel_loop3A_1247, %parallel_loop3A_1248] {strides = array<i32>} : memref<16x1024xf32, #tpu.memory_space<vmem>>, vector<1x16xf32>,
      %parallel_loop3A_1250 = vector.shape_cast %parallel_loop3A_1249 : vector<1x16xf32> to vector<16xf32>
      %parallel_loop3A_1251 = vector.shape_cast %parallel_loop3A_1246 : vector<16xf32> to vector<1x16xf32>
      tpu.vector_store %arg8[%parallel_loop3A_1247, %parallel_loop3A_1248], %parallel_loop3A_1251 {add = true, strides = array<i32>} : memref<16x1024xf32, #tpu.memory_space<vmem>>, vector<1x16xf32>,
    } {sc.loop_unroll_factor = 8 : i64, sc.parallel_access}
    %add3A_292 = arith.constant 16 : i32
    %add3A_293 = arith.addi %mul3A_2, %add3A_292 : i32
    %dma_start3A_294 = arith.constant 3 : i32
    %dma_start3A_295 = arith.constant 0 : i32
    %dma_start3A_296 = tpu.memref_slice %arg4[%dma_start3A_294, %add3A_293, %dma_start3A_295] : memref<4x4096x1024xf32, #tpu.memory_space<hbm>> -> memref<1x16x1024xf32, #tpu.memory_space<hbm>>
    %dma_start3A_297 = tpu.memref_squeeze %dma_start3A_296 : memref<1x16x1024xf32, #tpu.memory_space<hbm>> -> memref<16x1024xf32, #tpu.memory_space<hbm>>
    %dma_start3A_298 = arith.constant 0 : i32
    %dma_start3A_299 = tpu.memref_slice %arg4[%dma_start3A_294, %add3A_293, %dma_start3A_298] : memref<4x4096x1024xf32, #tpu.memory_space<hbm>> -> memref<1x16x1024xf32, #tpu.memory_space<hbm>>
    %dma_start3A_300 = tpu.memref_squeeze %dma_start3A_299 : memref<1x16x1024xf32, #tpu.memory_space<hbm>> -> memref<16x1024xf32, #tpu.memory_space<hbm>>
    tpu.enqueue_dma source(%arg8 : memref<16x1024xf32, #tpu.memory_space<vmem>>) target(%dma_start3A_300 : memref<16x1024xf32, #tpu.memory_space<hbm>>) target_semaphore(%arg16 : memref<!tpu.dma_semaphore, #tpu.memory_space<semaphore_mem>>)
    %dma_wait3A_301 = arith.constant 2 : i32
    %dma_wait3A_302 = arith.constant 0 : i32
    %dma_wait3A_303 = tpu.memref_slice %arg4[%dma_wait3A_301, %add3A_258, %dma_wait3A_302] : memref<4x4096x1024xf32, #tpu.memory_space<hbm>> -> memref<1x16x1024xf32, #tpu.memory_space<hbm>>
    %dma_wait3A_304 = tpu.memref_squeeze %dma_wait3A_303 : memref<1x16x1024xf32, #tpu.memory_space<hbm>> -> memref<16x1024xf32, #tpu.memory_space<hbm>>
    %dma_wait3A_305 = arith.constant 0 : i32
    %dma_wait3A_306 = tpu.memref_slice %arg4[%dma_wait3A_301, %add3A_258, %dma_wait3A_305] : memref<4x4096x1024xf32, #tpu.memory_space<hbm>> -> memref<1x16x1024xf32, #tpu.memory_space<hbm>>
    %dma_wait3A_307 = tpu.memref_squeeze %dma_wait3A_306 : memref<1x16x1024xf32, #tpu.memory_space<hbm>> -> memref<16x1024xf32, #tpu.memory_space<hbm>>
    tpu.wait_dma2 semaphore(%arg15 : memref<!tpu.dma_semaphore, #tpu.memory_space<semaphore_mem>>) src(%arg7 : memref<16x1024xf32, #tpu.memory_space<vmem>>) dst(%dma_wait3A_307 : memref<16x1024xf32, #tpu.memory_space<hbm>>)
    %add3A_308 = arith.constant 32 : i32
    %add3A_309 = arith.addi %mul3A_2, %add3A_308 : i32
    %dma_start3A_310 = arith.constant 1 : i32
    %dma_start3A_311 = arith.constant 0 : i32
    %dma_start3A_312 = tpu.memref_slice %arg2[%dma_start3A_310, %add3A_309, %dma_start3A_311] : memref<4x4096x1024xf32, #tpu.memory_space<hbm>> -> memref<1x16x1024xf32, #tpu.memory_space<hbm>>
    %dma_start3A_313 = tpu.memref_squeeze %dma_start3A_312 : memref<1x16x1024xf32, #tpu.memory_space<hbm>> -> memref<16x1024xf32, #tpu.memory_space<hbm>>
    %dma_start3A_314 = arith.constant 0 : i32
    %dma_start3A_315 = tpu.memref_slice %arg2[%dma_start3A_310, %add3A_309, %dma_start3A_314] : memref<4x4096x1024xf32, #tpu.memory_space<hbm>> -> memref<1x16x1024xf32, #tpu.memory_space<hbm>>
    %dma_start3A_316 = tpu.memref_squeeze %dma_start3A_315 : memref<1x16x1024xf32, #tpu.memory_space<hbm>> -> memref<16x1024xf32, #tpu.memory_space<hbm>>
    tpu.enqueue_dma source(%dma_start3A_316 : memref<16x1024xf32, #tpu.memory_space<hbm>>) target(%arg7 : memref<16x1024xf32, #tpu.memory_space<vmem>>) target_semaphore(%arg12 : memref<!tpu.dma_semaphore, #tpu.memory_space<semaphore_mem>>)
    %add3A_317 = arith.constant 48 : i32
    %add3A_318 = arith.addi %mul3A_2, %add3A_317 : i32
    %dma_start3A_319 = arith.constant 0 : i32
    %dma_start3A_320 = tpu.memref_slice %arg3[%add3A_318, %dma_start3A_319] : memref<4098x1024xf32, #tpu.memory_space<hbm>> -> memref<16x1024xf32, #tpu.memory_space<hbm>>
    %dma_start3A_321 = arith.constant 0 : i32
    %dma_start3A_322 = tpu.memref_slice %arg3[%add3A_318, %dma_start3A_321] : memref<4098x1024xf32, #tpu.memory_space<hbm>> -> memref<16x1024xf32, #tpu.memory_space<hbm>>
    tpu.enqueue_dma source(%dma_start3A_322 : memref<16x1024xf32, #tpu.memory_space<hbm>>) target(%arg6 : memref<16x1024xf32, #tpu.memory_space<vmem>>) target_semaphore(%arg11 : memref<!tpu.dma_semaphore, #tpu.memory_space<semaphore_mem>>)
    %dma_wait3A_323 = arith.constant 0 : i32
    %dma_wait3A_324 = tpu.memref_slice %arg3[%add3A_168, %dma_wait3A_323] : memref<4098x1024xf32, #tpu.memory_space<hbm>> -> memref<16x1024xf32, #tpu.memory_space<hbm>>
    %dma_wait3A_325 = arith.constant 0 : i32
    %dma_wait3A_326 = tpu.memref_slice %arg3[%add3A_168, %dma_wait3A_325] : memref<4098x1024xf32, #tpu.memory_space<hbm>> -> memref<16x1024xf32, #tpu.memory_space<hbm>>
    tpu.wait_dma2 semaphore(%arg10 : memref<!tpu.dma_semaphore, #tpu.memory_space<semaphore_mem>>) src(%dma_wait3A_326 : memref<16x1024xf32, #tpu.memory_space<hbm>>) dst(%arg5 : memref<16x1024xf32, #tpu.memory_space<vmem>>)
    %dma_wait3A_327 = arith.constant 0 : i32
    %dma_wait3A_328 = arith.constant 0 : i32
    %dma_wait3A_329 = tpu.memref_slice %arg2[%dma_wait3A_327, %add3A_274, %dma_wait3A_328] : memref<4x4096x1024xf32, #tpu.memory_space<hbm>> -> memref<1x16x1024xf32, #tpu.memory_space<hbm>>
    %dma_wait3A_330 = tpu.memref_squeeze %dma_wait3A_329 : memref<1x16x1024xf32, #tpu.memory_space<hbm>> -> memref<16x1024xf32, #tpu.memory_space<hbm>>
    %dma_wait3A_331 = arith.constant 0 : i32
    %dma_wait3A_332 = tpu.memref_slice %arg2[%dma_wait3A_327, %add3A_274, %dma_wait3A_331] : memref<4x4096x1024xf32, #tpu.memory_space<hbm>> -> memref<1x16x1024xf32, #tpu.memory_space<hbm>>
    %dma_wait3A_333 = tpu.memref_squeeze %dma_wait3A_332 : memref<1x16x1024xf32, #tpu.memory_space<hbm>> -> memref<16x1024xf32, #tpu.memory_space<hbm>>
    tpu.wait_dma2 semaphore(%arg14 : memref<!tpu.dma_semaphore, #tpu.memory_space<semaphore_mem>>) src(%dma_wait3A_333 : memref<16x1024xf32, #tpu.memory_space<hbm>>) dst(%arg9 : memref<16x1024xf32, #tpu.memory_space<vmem>>)
    %parallel_loop3A_334 = arith.constant 0 : i32
    %parallel_loop3A_335 = arith.constant 1024 : i32
    %parallel_loop3A_336 = arith.constant 1 : i32
    scf.for %parallel_loop3A_1200 = %parallel_loop3A_334 to %parallel_loop3A_335 step %parallel_loop3A_336  : i32 {
      %parallel_loop3A_1201 = arith.constant 64 : i32
      %parallel_loop3A_1202 = arith.divsi %parallel_loop3A_1200, %parallel_loop3A_1201 : i32
      %parallel_loop3A_1203 = arith.constant 0 : i32
      %parallel_loop3A_1204 = arith.cmpi sgt, %parallel_loop3A_1200, %parallel_loop3A_1203 : i32
      %parallel_loop3A_1205 = arith.extui %parallel_loop3A_1204 : i1 to i32
      %parallel_loop3A_1206 = arith.constant 0 : i32
      %parallel_loop3A_1207 = arith.cmpi slt, %parallel_loop3A_1200, %parallel_loop3A_1206 : i32
      %parallel_loop3A_1208 = arith.extui %parallel_loop3A_1207 : i1 to i32
      %parallel_loop3A_1209 = arith.subi %parallel_loop3A_1205, %parallel_loop3A_1208 : i32
      %parallel_loop3A_1210 = arith.constant 0 : i32
      %parallel_loop3A_1211 = arith.cmpi sgt, %parallel_loop3A_1201, %parallel_loop3A_1210 : i32
      %parallel_loop3A_1212 = arith.extui %parallel_loop3A_1211 : i1 to i32
      %parallel_loop3A_1213 = arith.constant 0 : i32
      %parallel_loop3A_1214 = arith.cmpi slt, %parallel_loop3A_1201, %parallel_loop3A_1213 : i32
      %parallel_loop3A_1215 = arith.extui %parallel_loop3A_1214 : i1 to i32
      %parallel_loop3A_1216 = arith.subi %parallel_loop3A_1212, %parallel_loop3A_1215 : i32
      %parallel_loop3A_1217 = arith.cmpi ne, %parallel_loop3A_1209, %parallel_loop3A_1216 : i32
      %parallel_loop3A_1218 = arith.remsi %parallel_loop3A_1200, %parallel_loop3A_1201 : i32
      %parallel_loop3A_1219 = arith.constant 0 : i32
      %parallel_loop3A_1220 = arith.cmpi ne, %parallel_loop3A_1218, %parallel_loop3A_1219 : i32
      %parallel_loop3A_1221 = arith.andi %parallel_loop3A_1217, %parallel_loop3A_1220 : i1
      %parallel_loop3A_1222 = arith.constant 1 : i32
      %parallel_loop3A_1223 = arith.subi %parallel_loop3A_1202, %parallel_loop3A_1222 : i32
      %parallel_loop3A_1224 = arith.select %parallel_loop3A_1221, %parallel_loop3A_1223, %parallel_loop3A_1202 : i32
      %parallel_loop3A_1225 = arith.constant 64 : i32
      %parallel_loop3A_1226 = arith.constant 0 : i32
      %parallel_loop3A_1227 = arith.cmpi eq, %parallel_loop3A_1225, %parallel_loop3A_1226 : i32
      %parallel_loop3A_1228 = arith.constant 1 : i32
      %parallel_loop3A_1229 = arith.select %parallel_loop3A_1227, %parallel_loop3A_1228, %parallel_loop3A_1225 : i32
      %parallel_loop3A_1230 = arith.remsi %parallel_loop3A_1200, %parallel_loop3A_1229 : i32
      %parallel_loop3A_1231 = arith.constant 0 : i32
      %parallel_loop3A_1232 = arith.cmpi ne, %parallel_loop3A_1230, %parallel_loop3A_1231 : i32
      %parallel_loop3A_1233 = arith.constant 0 : i32
      %parallel_loop3A_1234 = arith.cmpi slt, %parallel_loop3A_1230, %parallel_loop3A_1233 : i32
      %parallel_loop3A_1235 = arith.constant 0 : i32
      %parallel_loop3A_1236 = arith.cmpi slt, %parallel_loop3A_1229, %parallel_loop3A_1235 : i32
      %parallel_loop3A_1237 = arith.xori %parallel_loop3A_1234, %parallel_loop3A_1236 : i1
      %parallel_loop3A_1238 = arith.andi %parallel_loop3A_1237, %parallel_loop3A_1232 : i1
      %parallel_loop3A_1239 = arith.addi %parallel_loop3A_1230, %parallel_loop3A_1229 : i32
      %parallel_loop3A_1240 = arith.select %parallel_loop3A_1238, %parallel_loop3A_1239, %parallel_loop3A_1230 : i32
      %parallel_loop3A_1241 = arith.constant 16 : i32
      %parallel_loop3A_1242 = arith.muli %parallel_loop3A_1240, %parallel_loop3A_1241 : i32
      %parallel_loop3A_1243 = arith.index_cast %parallel_loop3A_1224 : i32 to index
      %parallel_loop3A_1244 = arith.index_cast %parallel_loop3A_1242 : i32 to index
      %parallel_loop3A_1245 = tpu.vector_load %arg5[%parallel_loop3A_1243, %parallel_loop3A_1244] {strides = array<i32>} : memref<16x1024xf32, #tpu.memory_space<vmem>>, vector<1x16xf32>,
      %parallel_loop3A_1246 = vector.shape_cast %parallel_loop3A_1245 : vector<1x16xf32> to vector<16xf32>
      %parallel_loop3A_1247 = arith.index_cast %parallel_loop3A_1224 : i32 to index
      %parallel_loop3A_1248 = arith.index_cast %parallel_loop3A_1242 : i32 to index
      %parallel_loop3A_1249 = tpu.vector_load %arg9[%parallel_loop3A_1247, %parallel_loop3A_1248] {strides = array<i32>} : memref<16x1024xf32, #tpu.memory_space<vmem>>, vector<1x16xf32>,
      %parallel_loop3A_1250 = vector.shape_cast %parallel_loop3A_1249 : vector<1x16xf32> to vector<16xf32>
      %parallel_loop3A_1251 = vector.shape_cast %parallel_loop3A_1246 : vector<16xf32> to vector<1x16xf32>
      tpu.vector_store %arg9[%parallel_loop3A_1247, %parallel_loop3A_1248], %parallel_loop3A_1251 {add = true, strides = array<i32>} : memref<16x1024xf32, #tpu.memory_space<vmem>>, vector<1x16xf32>,
    } {sc.loop_unroll_factor = 8 : i64, sc.parallel_access}
    %add3A_337 = arith.constant 32 : i32
    %add3A_338 = arith.addi %mul3A_2, %add3A_337 : i32
    %dma_start3A_339 = arith.constant 0 : i32
    %dma_start3A_340 = arith.constant 0 : i32
    %dma_start3A_341 = tpu.memref_slice %arg4[%dma_start3A_339, %add3A_338, %dma_start3A_340] : memref<4x4096x1024xf32, #tpu.memory_space<hbm>> -> memref<1x16x1024xf32, #tpu.memory_space<hbm>>
    %dma_start3A_342 = tpu.memref_squeeze %dma_start3A_341 : memref<1x16x1024xf32, #tpu.memory_space<hbm>> -> memref<16x1024xf32, #tpu.memory_space<hbm>>
    %dma_start3A_343 = arith.constant 0 : i32
    %dma_start3A_344 = tpu.memref_slice %arg4[%dma_start3A_339, %add3A_338, %dma_start3A_343] : memref<4x4096x1024xf32, #tpu.memory_space<hbm>> -> memref<1x16x1024xf32, #tpu.memory_space<hbm>>
    %dma_start3A_345 = tpu.memref_squeeze %dma_start3A_344 : memref<1x16x1024xf32, #tpu.memory_space<hbm>> -> memref<16x1024xf32, #tpu.memory_space<hbm>>
    tpu.enqueue_dma source(%arg9 : memref<16x1024xf32, #tpu.memory_space<vmem>>) target(%dma_start3A_345 : memref<16x1024xf32, #tpu.memory_space<hbm>>) target_semaphore(%arg17 : memref<!tpu.dma_semaphore, #tpu.memory_space<semaphore_mem>>)
    %dma_wait3A_346 = arith.constant 3 : i32
    %dma_wait3A_347 = arith.constant 0 : i32
    %dma_wait3A_348 = tpu.memref_slice %arg4[%dma_wait3A_346, %add3A_293, %dma_wait3A_347] : memref<4x4096x1024xf32, #tpu.memory_space<hbm>> -> memref<1x16x1024xf32, #tpu.memory_space<hbm>>
    %dma_wait3A_349 = tpu.memref_squeeze %dma_wait3A_348 : memref<1x16x1024xf32, #tpu.memory_space<hbm>> -> memref<16x1024xf32, #tpu.memory_space<hbm>>
    %dma_wait3A_350 = arith.constant 0 : i32
    %dma_wait3A_351 = tpu.memref_slice %arg4[%dma_wait3A_346, %add3A_293, %dma_wait3A_350] : memref<4x4096x1024xf32, #tpu.memory_space<hbm>> -> memref<1x16x1024xf32, #tpu.memory_space<hbm>>
    %dma_wait3A_352 = tpu.memref_squeeze %dma_wait3A_351 : memref<1x16x1024xf32, #tpu.memory_space<hbm>> -> memref<16x1024xf32, #tpu.memory_space<hbm>>
    tpu.wait_dma2 semaphore(%arg16 : memref<!tpu.dma_semaphore, #tpu.memory_space<semaphore_mem>>) src(%arg8 : memref<16x1024xf32, #tpu.memory_space<vmem>>) dst(%dma_wait3A_352 : memref<16x1024xf32, #tpu.memory_space<hbm>>)
    %add3A_353 = arith.constant 32 : i32
    %add3A_354 = arith.addi %mul3A_2, %add3A_353 : i32
    %dma_start3A_355 = arith.constant 2 : i32
    %dma_start3A_356 = arith.constant 0 : i32
    %dma_start3A_357 = tpu.memref_slice %arg2[%dma_start3A_355, %add3A_354, %dma_start3A_356] : memref<4x4096x1024xf32, #tpu.memory_space<hbm>> -> memref<1x16x1024xf32, #tpu.memory_space<hbm>>
    %dma_start3A_358 = tpu.memref_squeeze %dma_start3A_357 : memref<1x16x1024xf32, #tpu.memory_space<hbm>> -> memref<16x1024xf32, #tpu.memory_space<hbm>>
    %dma_start3A_359 = arith.constant 0 : i32
    %dma_start3A_360 = tpu.memref_slice %arg2[%dma_start3A_355, %add3A_354, %dma_start3A_359] : memref<4x4096x1024xf32, #tpu.memory_space<hbm>> -> memref<1x16x1024xf32, #tpu.memory_space<hbm>>
    %dma_start3A_361 = tpu.memref_squeeze %dma_start3A_360 : memref<1x16x1024xf32, #tpu.memory_space<hbm>> -> memref<16x1024xf32, #tpu.memory_space<hbm>>
    tpu.enqueue_dma source(%dma_start3A_361 : memref<16x1024xf32, #tpu.memory_space<hbm>>) target(%arg8 : memref<16x1024xf32, #tpu.memory_space<vmem>>) target_semaphore(%arg13 : memref<!tpu.dma_semaphore, #tpu.memory_space<semaphore_mem>>)
    %dma_wait3A_362 = arith.constant 1 : i32
    %dma_wait3A_363 = arith.constant 0 : i32
    %dma_wait3A_364 = tpu.memref_slice %arg2[%dma_wait3A_362, %add3A_309, %dma_wait3A_363] : memref<4x4096x1024xf32, #tpu.memory_space<hbm>> -> memref<1x16x1024xf32, #tpu.memory_space<hbm>>
    %dma_wait3A_365 = tpu.memref_squeeze %dma_wait3A_364 : memref<1x16x1024xf32, #tpu.memory_space<hbm>> -> memref<16x1024xf32, #tpu.memory_space<hbm>>
    %dma_wait3A_366 = arith.constant 0 : i32
    %dma_wait3A_367 = tpu.memref_slice %arg2[%dma_wait3A_362, %add3A_309, %dma_wait3A_366] : memref<4x4096x1024xf32, #tpu.memory_space<hbm>> -> memref<1x16x1024xf32, #tpu.memory_space<hbm>>
    %dma_wait3A_368 = tpu.memref_squeeze %dma_wait3A_367 : memref<1x16x1024xf32, #tpu.memory_space<hbm>> -> memref<16x1024xf32, #tpu.memory_space<hbm>>
    tpu.wait_dma2 semaphore(%arg12 : memref<!tpu.dma_semaphore, #tpu.memory_space<semaphore_mem>>) src(%dma_wait3A_368 : memref<16x1024xf32, #tpu.memory_space<hbm>>) dst(%arg7 : memref<16x1024xf32, #tpu.memory_space<vmem>>)
    %parallel_loop3A_369 = arith.constant 0 : i32
    %parallel_loop3A_370 = arith.constant 1024 : i32
    %parallel_loop3A_371 = arith.constant 1 : i32
    scf.for %parallel_loop3A_1200 = %parallel_loop3A_369 to %parallel_loop3A_370 step %parallel_loop3A_371  : i32 {
      %parallel_loop3A_1201 = arith.constant 64 : i32
      %parallel_loop3A_1202 = arith.divsi %parallel_loop3A_1200, %parallel_loop3A_1201 : i32
      %parallel_loop3A_1203 = arith.constant 0 : i32
      %parallel_loop3A_1204 = arith.cmpi sgt, %parallel_loop3A_1200, %parallel_loop3A_1203 : i32
      %parallel_loop3A_1205 = arith.extui %parallel_loop3A_1204 : i1 to i32
      %parallel_loop3A_1206 = arith.constant 0 : i32
      %parallel_loop3A_1207 = arith.cmpi slt, %parallel_loop3A_1200, %parallel_loop3A_1206 : i32
      %parallel_loop3A_1208 = arith.extui %parallel_loop3A_1207 : i1 to i32
      %parallel_loop3A_1209 = arith.subi %parallel_loop3A_1205, %parallel_loop3A_1208 : i32
      %parallel_loop3A_1210 = arith.constant 0 : i32
      %parallel_loop3A_1211 = arith.cmpi sgt, %parallel_loop3A_1201, %parallel_loop3A_1210 : i32
      %parallel_loop3A_1212 = arith.extui %parallel_loop3A_1211 : i1 to i32
      %parallel_loop3A_1213 = arith.constant 0 : i32
      %parallel_loop3A_1214 = arith.cmpi slt, %parallel_loop3A_1201, %parallel_loop3A_1213 : i32
      %parallel_loop3A_1215 = arith.extui %parallel_loop3A_1214 : i1 to i32
      %parallel_loop3A_1216 = arith.subi %parallel_loop3A_1212, %parallel_loop3A_1215 : i32
      %parallel_loop3A_1217 = arith.cmpi ne, %parallel_loop3A_1209, %parallel_loop3A_1216 : i32
      %parallel_loop3A_1218 = arith.remsi %parallel_loop3A_1200, %parallel_loop3A_1201 : i32
      %parallel_loop3A_1219 = arith.constant 0 : i32
      %parallel_loop3A_1220 = arith.cmpi ne, %parallel_loop3A_1218, %parallel_loop3A_1219 : i32
      %parallel_loop3A_1221 = arith.andi %parallel_loop3A_1217, %parallel_loop3A_1220 : i1
      %parallel_loop3A_1222 = arith.constant 1 : i32
      %parallel_loop3A_1223 = arith.subi %parallel_loop3A_1202, %parallel_loop3A_1222 : i32
      %parallel_loop3A_1224 = arith.select %parallel_loop3A_1221, %parallel_loop3A_1223, %parallel_loop3A_1202 : i32
      %parallel_loop3A_1225 = arith.constant 64 : i32
      %parallel_loop3A_1226 = arith.constant 0 : i32
      %parallel_loop3A_1227 = arith.cmpi eq, %parallel_loop3A_1225, %parallel_loop3A_1226 : i32
      %parallel_loop3A_1228 = arith.constant 1 : i32
      %parallel_loop3A_1229 = arith.select %parallel_loop3A_1227, %parallel_loop3A_1228, %parallel_loop3A_1225 : i32
      %parallel_loop3A_1230 = arith.remsi %parallel_loop3A_1200, %parallel_loop3A_1229 : i32
      %parallel_loop3A_1231 = arith.constant 0 : i32
      %parallel_loop3A_1232 = arith.cmpi ne, %parallel_loop3A_1230, %parallel_loop3A_1231 : i32
      %parallel_loop3A_1233 = arith.constant 0 : i32
      %parallel_loop3A_1234 = arith.cmpi slt, %parallel_loop3A_1230, %parallel_loop3A_1233 : i32
      %parallel_loop3A_1235 = arith.constant 0 : i32
      %parallel_loop3A_1236 = arith.cmpi slt, %parallel_loop3A_1229, %parallel_loop3A_1235 : i32
      %parallel_loop3A_1237 = arith.xori %parallel_loop3A_1234, %parallel_loop3A_1236 : i1
      %parallel_loop3A_1238 = arith.andi %parallel_loop3A_1237, %parallel_loop3A_1232 : i1
      %parallel_loop3A_1239 = arith.addi %parallel_loop3A_1230, %parallel_loop3A_1229 : i32
      %parallel_loop3A_1240 = arith.select %parallel_loop3A_1238, %parallel_loop3A_1239, %parallel_loop3A_1230 : i32
      %parallel_loop3A_1241 = arith.constant 16 : i32
      %parallel_loop3A_1242 = arith.muli %parallel_loop3A_1240, %parallel_loop3A_1241 : i32
      %parallel_loop3A_1243 = arith.index_cast %parallel_loop3A_1224 : i32 to index
      %parallel_loop3A_1244 = arith.index_cast %parallel_loop3A_1242 : i32 to index
      %parallel_loop3A_1245 = tpu.vector_load %arg5[%parallel_loop3A_1243, %parallel_loop3A_1244] {strides = array<i32>} : memref<16x1024xf32, #tpu.memory_space<vmem>>, vector<1x16xf32>,
      %parallel_loop3A_1246 = vector.shape_cast %parallel_loop3A_1245 : vector<1x16xf32> to vector<16xf32>
      %parallel_loop3A_1247 = arith.index_cast %parallel_loop3A_1224 : i32 to index
      %parallel_loop3A_1248 = arith.index_cast %parallel_loop3A_1242 : i32 to index
      %parallel_loop3A_1249 = tpu.vector_load %arg7[%parallel_loop3A_1247, %parallel_loop3A_1248] {strides = array<i32>} : memref<16x1024xf32, #tpu.memory_space<vmem>>, vector<1x16xf32>,
      %parallel_loop3A_1250 = vector.shape_cast %parallel_loop3A_1249 : vector<1x16xf32> to vector<16xf32>
      %parallel_loop3A_1251 = vector.shape_cast %parallel_loop3A_1246 : vector<16xf32> to vector<1x16xf32>
      tpu.vector_store %arg7[%parallel_loop3A_1247, %parallel_loop3A_1248], %parallel_loop3A_1251 {add = true, strides = array<i32>} : memref<16x1024xf32, #tpu.memory_space<vmem>>, vector<1x16xf32>,
    } {sc.loop_unroll_factor = 8 : i64, sc.parallel_access}
    %add3A_372 = arith.constant 32 : i32
    %add3A_373 = arith.addi %mul3A_2, %add3A_372 : i32
    %dma_start3A_374 = arith.constant 1 : i32
    %dma_start3A_375 = arith.constant 0 : i32
    %dma_start3A_376 = tpu.memref_slice %arg4[%dma_start3A_374, %add3A_373, %dma_start3A_375] : memref<4x4096x1024xf32, #tpu.memory_space<hbm>> -> memref<1x16x1024xf32, #tpu.memory_space<hbm>>
    %dma_start3A_377 = tpu.memref_squeeze %dma_start3A_376 : memref<1x16x1024xf32, #tpu.memory_space<hbm>> -> memref<16x1024xf32, #tpu.memory_space<hbm>>
    %dma_start3A_378 = arith.constant 0 : i32
    %dma_start3A_379 = tpu.memref_slice %arg4[%dma_start3A_374, %add3A_373, %dma_start3A_378] : memref<4x4096x1024xf32, #tpu.memory_space<hbm>> -> memref<1x16x1024xf32, #tpu.memory_space<hbm>>
    %dma_start3A_380 = tpu.memref_squeeze %dma_start3A_379 : memref<1x16x1024xf32, #tpu.memory_space<hbm>> -> memref<16x1024xf32, #tpu.memory_space<hbm>>
    tpu.enqueue_dma source(%arg7 : memref<16x1024xf32, #tpu.memory_space<vmem>>) target(%dma_start3A_380 : memref<16x1024xf32, #tpu.memory_space<hbm>>) target_semaphore(%arg15 : memref<!tpu.dma_semaphore, #tpu.memory_space<semaphore_mem>>)
    %dma_wait3A_381 = arith.constant 0 : i32
    %dma_wait3A_382 = arith.constant 0 : i32
    %dma_wait3A_383 = tpu.memref_slice %arg4[%dma_wait3A_381, %add3A_338, %dma_wait3A_382] : memref<4x4096x1024xf32, #tpu.memory_space<hbm>> -> memref<1x16x1024xf32, #tpu.memory_space<hbm>>
    %dma_wait3A_384 = tpu.memref_squeeze %dma_wait3A_383 : memref<1x16x1024xf32, #tpu.memory_space<hbm>> -> memref<16x1024xf32, #tpu.memory_space<hbm>>
    %dma_wait3A_385 = arith.constant 0 : i32
    %dma_wait3A_386 = tpu.memref_slice %arg4[%dma_wait3A_381, %add3A_338, %dma_wait3A_385] : memref<4x4096x1024xf32, #tpu.memory_space<hbm>> -> memref<1x16x1024xf32, #tpu.memory_space<hbm>>
    %dma_wait3A_387 = tpu.memref_squeeze %dma_wait3A_386 : memref<1x16x1024xf32, #tpu.memory_space<hbm>> -> memref<16x1024xf32, #tpu.memory_space<hbm>>
    tpu.wait_dma2 semaphore(%arg17 : memref<!tpu.dma_semaphore, #tpu.memory_space<semaphore_mem>>) src(%arg9 : memref<16x1024xf32, #tpu.memory_space<vmem>>) dst(%dma_wait3A_387 : memref<16x1024xf32, #tpu.memory_space<hbm>>)
    %add3A_388 = arith.constant 32 : i32
    %add3A_389 = arith.addi %mul3A_2, %add3A_388 : i32
    %dma_start3A_390 = arith.constant 3 : i32
    %dma_start3A_391 = arith.constant 0 : i32
    %dma_start3A_392 = tpu.memref_slice %arg2[%dma_start3A_390, %add3A_389, %dma_start3A_391] : memref<4x4096x1024xf32, #tpu.memory_space<hbm>> -> memref<1x16x1024xf32, #tpu.memory_space<hbm>>
    %dma_start3A_393 = tpu.memref_squeeze %dma_start3A_392 : memref<1x16x1024xf32, #tpu.memory_space<hbm>> -> memref<16x1024xf32, #tpu.memory_space<hbm>>
    %dma_start3A_394 = arith.constant 0 : i32
    %dma_start3A_395 = tpu.memref_slice %arg2[%dma_start3A_390, %add3A_389, %dma_start3A_394] : memref<4x4096x1024xf32, #tpu.memory_space<hbm>> -> memref<1x16x1024xf32, #tpu.memory_space<hbm>>
    %dma_start3A_396 = tpu.memref_squeeze %dma_start3A_395 : memref<1x16x1024xf32, #tpu.memory_space<hbm>> -> memref<16x1024xf32, #tpu.memory_space<hbm>>
    tpu.enqueue_dma source(%dma_start3A_396 : memref<16x1024xf32, #tpu.memory_space<hbm>>) target(%arg9 : memref<16x1024xf32, #tpu.memory_space<vmem>>) target_semaphore(%arg14 : memref<!tpu.dma_semaphore, #tpu.memory_space<semaphore_mem>>)
    %dma_wait3A_397 = arith.constant 2 : i32
    %dma_wait3A_398 = arith.constant 0 : i32
    %dma_wait3A_399 = tpu.memref_slice %arg2[%dma_wait3A_397, %add3A_354, %dma_wait3A_398] : memref<4x4096x1024xf32, #tpu.memory_space<hbm>> -> memref<1x16x1024xf32, #tpu.memory_space<hbm>>
    %dma_wait3A_400 = tpu.memref_squeeze %dma_wait3A_399 : memref<1x16x1024xf32, #tpu.memory_space<hbm>> -> memref<16x1024xf32, #tpu.memory_space<hbm>>
    %dma_wait3A_401 = arith.constant 0 : i32
    %dma_wait3A_402 = tpu.memref_slice %arg2[%dma_wait3A_397, %add3A_354, %dma_wait3A_401] : memref<4x4096x1024xf32, #tpu.memory_space<hbm>> -> memref<1x16x1024xf32, #tpu.memory_space<hbm>>
    %dma_wait3A_403 = tpu.memref_squeeze %dma_wait3A_402 : memref<1x16x1024xf32, #tpu.memory_space<hbm>> -> memref<16x1024xf32, #tpu.memory_space<hbm>>
    tpu.wait_dma2 semaphore(%arg13 : memref<!tpu.dma_semaphore, #tpu.memory_space<semaphore_mem>>) src(%dma_wait3A_403 : memref<16x1024xf32, #tpu.memory_space<hbm>>) dst(%arg8 : memref<16x1024xf32, #tpu.memory_space<vmem>>)
    %parallel_loop3A_404 = arith.constant 0 : i32
    %parallel_loop3A_405 = arith.constant 1024 : i32
    %parallel_loop3A_406 = arith.constant 1 : i32
    scf.for %parallel_loop3A_1200 = %parallel_loop3A_404 to %parallel_loop3A_405 step %parallel_loop3A_406  : i32 {
      %parallel_loop3A_1201 = arith.constant 64 : i32
      %parallel_loop3A_1202 = arith.divsi %parallel_loop3A_1200, %parallel_loop3A_1201 : i32
      %parallel_loop3A_1203 = arith.constant 0 : i32
      %parallel_loop3A_1204 = arith.cmpi sgt, %parallel_loop3A_1200, %parallel_loop3A_1203 : i32
      %parallel_loop3A_1205 = arith.extui %parallel_loop3A_1204 : i1 to i32
      %parallel_loop3A_1206 = arith.constant 0 : i32
      %parallel_loop3A_1207 = arith.cmpi slt, %parallel_loop3A_1200, %parallel_loop3A_1206 : i32
      %parallel_loop3A_1208 = arith.extui %parallel_loop3A_1207 : i1 to i32
      %parallel_loop3A_1209 = arith.subi %parallel_loop3A_1205, %parallel_loop3A_1208 : i32
      %parallel_loop3A_1210 = arith.constant 0 : i32
      %parallel_loop3A_1211 = arith.cmpi sgt, %parallel_loop3A_1201, %parallel_loop3A_1210 : i32
      %parallel_loop3A_1212 = arith.extui %parallel_loop3A_1211 : i1 to i32
      %parallel_loop3A_1213 = arith.constant 0 : i32
      %parallel_loop3A_1214 = arith.cmpi slt, %parallel_loop3A_1201, %parallel_loop3A_1213 : i32
      %parallel_loop3A_1215 = arith.extui %parallel_loop3A_1214 : i1 to i32
      %parallel_loop3A_1216 = arith.subi %parallel_loop3A_1212, %parallel_loop3A_1215 : i32
      %parallel_loop3A_1217 = arith.cmpi ne, %parallel_loop3A_1209, %parallel_loop3A_1216 : i32
      %parallel_loop3A_1218 = arith.remsi %parallel_loop3A_1200, %parallel_loop3A_1201 : i32
      %parallel_loop3A_1219 = arith.constant 0 : i32
      %parallel_loop3A_1220 = arith.cmpi ne, %parallel_loop3A_1218, %parallel_loop3A_1219 : i32
      %parallel_loop3A_1221 = arith.andi %parallel_loop3A_1217, %parallel_loop3A_1220 : i1
      %parallel_loop3A_1222 = arith.constant 1 : i32
      %parallel_loop3A_1223 = arith.subi %parallel_loop3A_1202, %parallel_loop3A_1222 : i32
      %parallel_loop3A_1224 = arith.select %parallel_loop3A_1221, %parallel_loop3A_1223, %parallel_loop3A_1202 : i32
      %parallel_loop3A_1225 = arith.constant 64 : i32
      %parallel_loop3A_1226 = arith.constant 0 : i32
      %parallel_loop3A_1227 = arith.cmpi eq, %parallel_loop3A_1225, %parallel_loop3A_1226 : i32
      %parallel_loop3A_1228 = arith.constant 1 : i32
      %parallel_loop3A_1229 = arith.select %parallel_loop3A_1227, %parallel_loop3A_1228, %parallel_loop3A_1225 : i32
      %parallel_loop3A_1230 = arith.remsi %parallel_loop3A_1200, %parallel_loop3A_1229 : i32
      %parallel_loop3A_1231 = arith.constant 0 : i32
      %parallel_loop3A_1232 = arith.cmpi ne, %parallel_loop3A_1230, %parallel_loop3A_1231 : i32
      %parallel_loop3A_1233 = arith.constant 0 : i32
      %parallel_loop3A_1234 = arith.cmpi slt, %parallel_loop3A_1230, %parallel_loop3A_1233 : i32
      %parallel_loop3A_1235 = arith.constant 0 : i32
      %parallel_loop3A_1236 = arith.cmpi slt, %parallel_loop3A_1229, %parallel_loop3A_1235 : i32
      %parallel_loop3A_1237 = arith.xori %parallel_loop3A_1234, %parallel_loop3A_1236 : i1
      %parallel_loop3A_1238 = arith.andi %parallel_loop3A_1237, %parallel_loop3A_1232 : i1
      %parallel_loop3A_1239 = arith.addi %parallel_loop3A_1230, %parallel_loop3A_1229 : i32
      %parallel_loop3A_1240 = arith.select %parallel_loop3A_1238, %parallel_loop3A_1239, %parallel_loop3A_1230 : i32
      %parallel_loop3A_1241 = arith.constant 16 : i32
      %parallel_loop3A_1242 = arith.muli %parallel_loop3A_1240, %parallel_loop3A_1241 : i32
      %parallel_loop3A_1243 = arith.index_cast %parallel_loop3A_1224 : i32 to index
      %parallel_loop3A_1244 = arith.index_cast %parallel_loop3A_1242 : i32 to index
      %parallel_loop3A_1245 = tpu.vector_load %arg5[%parallel_loop3A_1243, %parallel_loop3A_1244] {strides = array<i32>} : memref<16x1024xf32, #tpu.memory_space<vmem>>, vector<1x16xf32>,
      %parallel_loop3A_1246 = vector.shape_cast %parallel_loop3A_1245 : vector<1x16xf32> to vector<16xf32>
      %parallel_loop3A_1247 = arith.index_cast %parallel_loop3A_1224 : i32 to index
      %parallel_loop3A_1248 = arith.index_cast %parallel_loop3A_1242 : i32 to index
      %parallel_loop3A_1249 = tpu.vector_load %arg8[%parallel_loop3A_1247, %parallel_loop3A_1248] {strides = array<i32>} : memref<16x1024xf32, #tpu.memory_space<vmem>>, vector<1x16xf32>,
      %parallel_loop3A_1250 = vector.shape_cast %parallel_loop3A_1249 : vector<1x16xf32> to vector<16xf32>
      %parallel_loop3A_1251 = vector.shape_cast %parallel_loop3A_1246 : vector<16xf32> to vector<1x16xf32>
      tpu.vector_store %arg8[%parallel_loop3A_1247, %parallel_loop3A_1248], %parallel_loop3A_1251 {add = true, strides = array<i32>} : memref<16x1024xf32, #tpu.memory_space<vmem>>, vector<1x16xf32>,
    } {sc.loop_unroll_factor = 8 : i64, sc.parallel_access}
    %add3A_407 = arith.constant 32 : i32
    %add3A_408 = arith.addi %mul3A_2, %add3A_407 : i32
    %dma_start3A_409 = arith.constant 2 : i32
    %dma_start3A_410 = arith.constant 0 : i32
    %dma_start3A_411 = tpu.memref_slice %arg4[%dma_start3A_409, %add3A_408, %dma_start3A_410] : memref<4x4096x1024xf32, #tpu.memory_space<hbm>> -> memref<1x16x1024xf32, #tpu.memory_space<hbm>>
    %dma_start3A_412 = tpu.memref_squeeze %dma_start3A_411 : memref<1x16x1024xf32, #tpu.memory_space<hbm>> -> memref<16x1024xf32, #tpu.memory_space<hbm>>
    %dma_start3A_413 = arith.constant 0 : i32
    %dma_start3A_414 = tpu.memref_slice %arg4[%dma_start3A_409, %add3A_408, %dma_start3A_413] : memref<4x4096x1024xf32, #tpu.memory_space<hbm>> -> memref<1x16x1024xf32, #tpu.memory_space<hbm>>
    %dma_start3A_415 = tpu.memref_squeeze %dma_start3A_414 : memref<1x16x1024xf32, #tpu.memory_space<hbm>> -> memref<16x1024xf32, #tpu.memory_space<hbm>>
    tpu.enqueue_dma source(%arg8 : memref<16x1024xf32, #tpu.memory_space<vmem>>) target(%dma_start3A_415 : memref<16x1024xf32, #tpu.memory_space<hbm>>) target_semaphore(%arg16 : memref<!tpu.dma_semaphore, #tpu.memory_space<semaphore_mem>>)
    %dma_wait3A_416 = arith.constant 1 : i32
    %dma_wait3A_417 = arith.constant 0 : i32
    %dma_wait3A_418 = tpu.memref_slice %arg4[%dma_wait3A_416, %add3A_373, %dma_wait3A_417] : memref<4x4096x1024xf32, #tpu.memory_space<hbm>> -> memref<1x16x1024xf32, #tpu.memory_space<hbm>>
    %dma_wait3A_419 = tpu.memref_squeeze %dma_wait3A_418 : memref<1x16x1024xf32, #tpu.memory_space<hbm>> -> memref<16x1024xf32, #tpu.memory_space<hbm>>
    %dma_wait3A_420 = arith.constant 0 : i32
    %dma_wait3A_421 = tpu.memref_slice %arg4[%dma_wait3A_416, %add3A_373, %dma_wait3A_420] : memref<4x4096x1024xf32, #tpu.memory_space<hbm>> -> memref<1x16x1024xf32, #tpu.memory_space<hbm>>
    %dma_wait3A_422 = tpu.memref_squeeze %dma_wait3A_421 : memref<1x16x1024xf32, #tpu.memory_space<hbm>> -> memref<16x1024xf32, #tpu.memory_space<hbm>>
    tpu.wait_dma2 semaphore(%arg15 : memref<!tpu.dma_semaphore, #tpu.memory_space<semaphore_mem>>) src(%arg7 : memref<16x1024xf32, #tpu.memory_space<vmem>>) dst(%dma_wait3A_422 : memref<16x1024xf32, #tpu.memory_space<hbm>>)
    %add3A_423 = arith.constant 48 : i32
    %add3A_424 = arith.addi %mul3A_2, %add3A_423 : i32
    %dma_start3A_425 = arith.constant 0 : i32
    %dma_start3A_426 = arith.constant 0 : i32
    %dma_start3A_427 = tpu.memref_slice %arg2[%dma_start3A_425, %add3A_424, %dma_start3A_426] : memref<4x4096x1024xf32, #tpu.memory_space<hbm>> -> memref<1x16x1024xf32, #tpu.memory_space<hbm>>
    %dma_start3A_428 = tpu.memref_squeeze %dma_start3A_427 : memref<1x16x1024xf32, #tpu.memory_space<hbm>> -> memref<16x1024xf32, #tpu.memory_space<hbm>>
    %dma_start3A_429 = arith.constant 0 : i32
    %dma_start3A_430 = tpu.memref_slice %arg2[%dma_start3A_425, %add3A_424, %dma_start3A_429] : memref<4x4096x1024xf32, #tpu.memory_space<hbm>> -> memref<1x16x1024xf32, #tpu.memory_space<hbm>>
    %dma_start3A_431 = tpu.memref_squeeze %dma_start3A_430 : memref<1x16x1024xf32, #tpu.memory_space<hbm>> -> memref<16x1024xf32, #tpu.memory_space<hbm>>
    tpu.enqueue_dma source(%dma_start3A_431 : memref<16x1024xf32, #tpu.memory_space<hbm>>) target(%arg7 : memref<16x1024xf32, #tpu.memory_space<vmem>>) target_semaphore(%arg12 : memref<!tpu.dma_semaphore, #tpu.memory_space<semaphore_mem>>)
    %dma_wait3A_432 = arith.constant 3 : i32
    %dma_wait3A_433 = arith.constant 0 : i32
    %dma_wait3A_434 = tpu.memref_slice %arg2[%dma_wait3A_432, %add3A_389, %dma_wait3A_433] : memref<4x4096x1024xf32, #tpu.memory_space<hbm>> -> memref<1x16x1024xf32, #tpu.memory_space<hbm>>
    %dma_wait3A_435 = tpu.memref_squeeze %dma_wait3A_434 : memref<1x16x1024xf32, #tpu.memory_space<hbm>> -> memref<16x1024xf32, #tpu.memory_space<hbm>>
    %dma_wait3A_436 = arith.constant 0 : i32
    %dma_wait3A_437 = tpu.memref_slice %arg2[%dma_wait3A_432, %add3A_389, %dma_wait3A_436] : memref<4x4096x1024xf32, #tpu.memory_space<hbm>> -> memref<1x16x1024xf32, #tpu.memory_space<hbm>>
    %dma_wait3A_438 = tpu.memref_squeeze %dma_wait3A_437 : memref<1x16x1024xf32, #tpu.memory_space<hbm>> -> memref<16x1024xf32, #tpu.memory_space<hbm>>
    tpu.wait_dma2 semaphore(%arg14 : memref<!tpu.dma_semaphore, #tpu.memory_space<semaphore_mem>>) src(%dma_wait3A_438 : memref<16x1024xf32, #tpu.memory_space<hbm>>) dst(%arg9 : memref<16x1024xf32, #tpu.memory_space<vmem>>)
    %parallel_loop3A_439 = arith.constant 0 : i32
    %parallel_loop3A_440 = arith.constant 1024 : i32
    %parallel_loop3A_441 = arith.constant 1 : i32
    scf.for %parallel_loop3A_1200 = %parallel_loop3A_439 to %parallel_loop3A_440 step %parallel_loop3A_441  : i32 {
      %parallel_loop3A_1201 = arith.constant 64 : i32
      %parallel_loop3A_1202 = arith.divsi %parallel_loop3A_1200, %parallel_loop3A_1201 : i32
      %parallel_loop3A_1203 = arith.constant 0 : i32
      %parallel_loop3A_1204 = arith.cmpi sgt, %parallel_loop3A_1200, %parallel_loop3A_1203 : i32
      %parallel_loop3A_1205 = arith.extui %parallel_loop3A_1204 : i1 to i32
      %parallel_loop3A_1206 = arith.constant 0 : i32
      %parallel_loop3A_1207 = arith.cmpi slt, %parallel_loop3A_1200, %parallel_loop3A_1206 : i32
      %parallel_loop3A_1208 = arith.extui %parallel_loop3A_1207 : i1 to i32
      %parallel_loop3A_1209 = arith.subi %parallel_loop3A_1205, %parallel_loop3A_1208 : i32
      %parallel_loop3A_1210 = arith.constant 0 : i32
      %parallel_loop3A_1211 = arith.cmpi sgt, %parallel_loop3A_1201, %parallel_loop3A_1210 : i32
      %parallel_loop3A_1212 = arith.extui %parallel_loop3A_1211 : i1 to i32
      %parallel_loop3A_1213 = arith.constant 0 : i32
      %parallel_loop3A_1214 = arith.cmpi slt, %parallel_loop3A_1201, %parallel_loop3A_1213 : i32
      %parallel_loop3A_1215 = arith.extui %parallel_loop3A_1214 : i1 to i32
      %parallel_loop3A_1216 = arith.subi %parallel_loop3A_1212, %parallel_loop3A_1215 : i32
      %parallel_loop3A_1217 = arith.cmpi ne, %parallel_loop3A_1209, %parallel_loop3A_1216 : i32
      %parallel_loop3A_1218 = arith.remsi %parallel_loop3A_1200, %parallel_loop3A_1201 : i32
      %parallel_loop3A_1219 = arith.constant 0 : i32
      %parallel_loop3A_1220 = arith.cmpi ne, %parallel_loop3A_1218, %parallel_loop3A_1219 : i32
      %parallel_loop3A_1221 = arith.andi %parallel_loop3A_1217, %parallel_loop3A_1220 : i1
      %parallel_loop3A_1222 = arith.constant 1 : i32
      %parallel_loop3A_1223 = arith.subi %parallel_loop3A_1202, %parallel_loop3A_1222 : i32
      %parallel_loop3A_1224 = arith.select %parallel_loop3A_1221, %parallel_loop3A_1223, %parallel_loop3A_1202 : i32
      %parallel_loop3A_1225 = arith.constant 64 : i32
      %parallel_loop3A_1226 = arith.constant 0 : i32
      %parallel_loop3A_1227 = arith.cmpi eq, %parallel_loop3A_1225, %parallel_loop3A_1226 : i32
      %parallel_loop3A_1228 = arith.constant 1 : i32
      %parallel_loop3A_1229 = arith.select %parallel_loop3A_1227, %parallel_loop3A_1228, %parallel_loop3A_1225 : i32
      %parallel_loop3A_1230 = arith.remsi %parallel_loop3A_1200, %parallel_loop3A_1229 : i32
      %parallel_loop3A_1231 = arith.constant 0 : i32
      %parallel_loop3A_1232 = arith.cmpi ne, %parallel_loop3A_1230, %parallel_loop3A_1231 : i32
      %parallel_loop3A_1233 = arith.constant 0 : i32
      %parallel_loop3A_1234 = arith.cmpi slt, %parallel_loop3A_1230, %parallel_loop3A_1233 : i32
      %parallel_loop3A_1235 = arith.constant 0 : i32
      %parallel_loop3A_1236 = arith.cmpi slt, %parallel_loop3A_1229, %parallel_loop3A_1235 : i32
      %parallel_loop3A_1237 = arith.xori %parallel_loop3A_1234, %parallel_loop3A_1236 : i1
      %parallel_loop3A_1238 = arith.andi %parallel_loop3A_1237, %parallel_loop3A_1232 : i1
      %parallel_loop3A_1239 = arith.addi %parallel_loop3A_1230, %parallel_loop3A_1229 : i32
      %parallel_loop3A_1240 = arith.select %parallel_loop3A_1238, %parallel_loop3A_1239, %parallel_loop3A_1230 : i32
      %parallel_loop3A_1241 = arith.constant 16 : i32
      %parallel_loop3A_1242 = arith.muli %parallel_loop3A_1240, %parallel_loop3A_1241 : i32
      %parallel_loop3A_1243 = arith.index_cast %parallel_loop3A_1224 : i32 to index
      %parallel_loop3A_1244 = arith.index_cast %parallel_loop3A_1242 : i32 to index
      %parallel_loop3A_1245 = tpu.vector_load %arg5[%parallel_loop3A_1243, %parallel_loop3A_1244] {strides = array<i32>} : memref<16x1024xf32, #tpu.memory_space<vmem>>, vector<1x16xf32>,
      %parallel_loop3A_1246 = vector.shape_cast %parallel_loop3A_1245 : vector<1x16xf32> to vector<16xf32>
      %parallel_loop3A_1247 = arith.index_cast %parallel_loop3A_1224 : i32 to index
      %parallel_loop3A_1248 = arith.index_cast %parallel_loop3A_1242 : i32 to index
      %parallel_loop3A_1249 = tpu.vector_load %arg9[%parallel_loop3A_1247, %parallel_loop3A_1248] {strides = array<i32>} : memref<16x1024xf32, #tpu.memory_space<vmem>>, vector<1x16xf32>,
      %parallel_loop3A_1250 = vector.shape_cast %parallel_loop3A_1249 : vector<1x16xf32> to vector<16xf32>
      %parallel_loop3A_1251 = vector.shape_cast %parallel_loop3A_1246 : vector<16xf32> to vector<1x16xf32>
      tpu.vector_store %arg9[%parallel_loop3A_1247, %parallel_loop3A_1248], %parallel_loop3A_1251 {add = true, strides = array<i32>} : memref<16x1024xf32, #tpu.memory_space<vmem>>, vector<1x16xf32>,
    } {sc.loop_unroll_factor = 8 : i64, sc.parallel_access}
    %add3A_442 = arith.constant 32 : i32
    %add3A_443 = arith.addi %mul3A_2, %add3A_442 : i32
    %dma_start3A_444 = arith.constant 3 : i32
    %dma_start3A_445 = arith.constant 0 : i32
    %dma_start3A_446 = tpu.memref_slice %arg4[%dma_start3A_444, %add3A_443, %dma_start3A_445] : memref<4x4096x1024xf32, #tpu.memory_space<hbm>> -> memref<1x16x1024xf32, #tpu.memory_space<hbm>>
    %dma_start3A_447 = tpu.memref_squeeze %dma_start3A_446 : memref<1x16x1024xf32, #tpu.memory_space<hbm>> -> memref<16x1024xf32, #tpu.memory_space<hbm>>
    %dma_start3A_448 = arith.constant 0 : i32
    %dma_start3A_449 = tpu.memref_slice %arg4[%dma_start3A_444, %add3A_443, %dma_start3A_448] : memref<4x4096x1024xf32, #tpu.memory_space<hbm>> -> memref<1x16x1024xf32, #tpu.memory_space<hbm>>
    %dma_start3A_450 = tpu.memref_squeeze %dma_start3A_449 : memref<1x16x1024xf32, #tpu.memory_space<hbm>> -> memref<16x1024xf32, #tpu.memory_space<hbm>>
    tpu.enqueue_dma source(%arg9 : memref<16x1024xf32, #tpu.memory_space<vmem>>) target(%dma_start3A_450 : memref<16x1024xf32, #tpu.memory_space<hbm>>) target_semaphore(%arg17 : memref<!tpu.dma_semaphore, #tpu.memory_space<semaphore_mem>>)
    %dma_wait3A_451 = arith.constant 2 : i32
    %dma_wait3A_452 = arith.constant 0 : i32
    %dma_wait3A_453 = tpu.memref_slice %arg4[%dma_wait3A_451, %add3A_408, %dma_wait3A_452] : memref<4x4096x1024xf32, #tpu.memory_space<hbm>> -> memref<1x16x1024xf32, #tpu.memory_space<hbm>>
    %dma_wait3A_454 = tpu.memref_squeeze %dma_wait3A_453 : memref<1x16x1024xf32, #tpu.memory_space<hbm>> -> memref<16x1024xf32, #tpu.memory_space<hbm>>
    %dma_wait3A_455 = arith.constant 0 : i32
    %dma_wait3A_456 = tpu.memref_slice %arg4[%dma_wait3A_451, %add3A_408, %dma_wait3A_455] : memref<4x4096x1024xf32, #tpu.memory_space<hbm>> -> memref<1x16x1024xf32, #tpu.memory_space<hbm>>
    %dma_wait3A_457 = tpu.memref_squeeze %dma_wait3A_456 : memref<1x16x1024xf32, #tpu.memory_space<hbm>> -> memref<16x1024xf32, #tpu.memory_space<hbm>>
    tpu.wait_dma2 semaphore(%arg16 : memref<!tpu.dma_semaphore, #tpu.memory_space<semaphore_mem>>) src(%arg8 : memref<16x1024xf32, #tpu.memory_space<vmem>>) dst(%dma_wait3A_457 : memref<16x1024xf32, #tpu.memory_space<hbm>>)
    %add3A_458 = arith.constant 48 : i32
    %add3A_459 = arith.addi %mul3A_2, %add3A_458 : i32
    %dma_start3A_460 = arith.constant 1 : i32
    %dma_start3A_461 = arith.constant 0 : i32
    %dma_start3A_462 = tpu.memref_slice %arg2[%dma_start3A_460, %add3A_459, %dma_start3A_461] : memref<4x4096x1024xf32, #tpu.memory_space<hbm>> -> memref<1x16x1024xf32, #tpu.memory_space<hbm>>
    %dma_start3A_463 = tpu.memref_squeeze %dma_start3A_462 : memref<1x16x1024xf32, #tpu.memory_space<hbm>> -> memref<16x1024xf32, #tpu.memory_space<hbm>>
    %dma_start3A_464 = arith.constant 0 : i32
    %dma_start3A_465 = tpu.memref_slice %arg2[%dma_start3A_460, %add3A_459, %dma_start3A_464] : memref<4x4096x1024xf32, #tpu.memory_space<hbm>> -> memref<1x16x1024xf32, #tpu.memory_space<hbm>>
    %dma_start3A_466 = tpu.memref_squeeze %dma_start3A_465 : memref<1x16x1024xf32, #tpu.memory_space<hbm>> -> memref<16x1024xf32, #tpu.memory_space<hbm>>
    tpu.enqueue_dma source(%dma_start3A_466 : memref<16x1024xf32, #tpu.memory_space<hbm>>) target(%arg8 : memref<16x1024xf32, #tpu.memory_space<vmem>>) target_semaphore(%arg13 : memref<!tpu.dma_semaphore, #tpu.memory_space<semaphore_mem>>)
    %add3A_467 = arith.constant 64 : i32
    %add3A_468 = arith.addi %mul3A_2, %add3A_467 : i32
    %dma_start3A_469 = arith.constant 0 : i32
    %dma_start3A_470 = tpu.memref_slice %arg3[%add3A_468, %dma_start3A_469] : memref<4098x1024xf32, #tpu.memory_space<hbm>> -> memref<16x1024xf32, #tpu.memory_space<hbm>>
    %dma_start3A_471 = arith.constant 0 : i32
    %dma_start3A_472 = tpu.memref_slice %arg3[%add3A_468, %dma_start3A_471] : memref<4098x1024xf32, #tpu.memory_space<hbm>> -> memref<16x1024xf32, #tpu.memory_space<hbm>>
    tpu.enqueue_dma source(%dma_start3A_472 : memref<16x1024xf32, #tpu.memory_space<hbm>>) target(%arg5 : memref<16x1024xf32, #tpu.memory_space<vmem>>) target_semaphore(%arg10 : memref<!tpu.dma_semaphore, #tpu.memory_space<semaphore_mem>>)
    %dma_wait3A_473 = arith.constant 0 : i32
    %dma_wait3A_474 = tpu.memref_slice %arg3[%add3A_318, %dma_wait3A_473] : memref<4098x1024xf32, #tpu.memory_space<hbm>> -> memref<16x1024xf32, #tpu.memory_space<hbm>>
    %dma_wait3A_475 = arith.constant 0 : i32
    %dma_wait3A_476 = tpu.memref_slice %arg3[%add3A_318, %dma_wait3A_475] : memref<4098x1024xf32, #tpu.memory_space<hbm>> -> memref<16x1024xf32, #tpu.memory_space<hbm>>
    tpu.wait_dma2 semaphore(%arg11 : memref<!tpu.dma_semaphore, #tpu.memory_space<semaphore_mem>>) src(%dma_wait3A_476 : memref<16x1024xf32, #tpu.memory_space<hbm>>) dst(%arg6 : memref<16x1024xf32, #tpu.memory_space<vmem>>)
    %dma_wait3A_477 = arith.constant 0 : i32
    %dma_wait3A_478 = arith.constant 0 : i32
    %dma_wait3A_479 = tpu.memref_slice %arg2[%dma_wait3A_477, %add3A_424, %dma_wait3A_478] : memref<4x4096x1024xf32, #tpu.memory_space<hbm>> -> memref<1x16x1024xf32, #tpu.memory_space<hbm>>
    %dma_wait3A_480 = tpu.memref_squeeze %dma_wait3A_479 : memref<1x16x1024xf32, #tpu.memory_space<hbm>> -> memref<16x1024xf32, #tpu.memory_space<hbm>>
    %dma_wait3A_481 = arith.constant 0 : i32
    %dma_wait3A_482 = tpu.memref_slice %arg2[%dma_wait3A_477, %add3A_424, %dma_wait3A_481] : memref<4x4096x1024xf32, #tpu.memory_space<hbm>> -> memref<1x16x1024xf32, #tpu.memory_space<hbm>>
    %dma_wait3A_483 = tpu.memref_squeeze %dma_wait3A_482 : memref<1x16x1024xf32, #tpu.memory_space<hbm>> -> memref<16x1024xf32, #tpu.memory_space<hbm>>
    tpu.wait_dma2 semaphore(%arg12 : memref<!tpu.dma_semaphore, #tpu.memory_space<semaphore_mem>>) src(%dma_wait3A_483 : memref<16x1024xf32, #tpu.memory_space<hbm>>) dst(%arg7 : memref<16x1024xf32, #tpu.memory_space<vmem>>)
    %parallel_loop3A_484 = arith.constant 0 : i32
    %parallel_loop3A_485 = arith.constant 1024 : i32
    %parallel_loop3A_486 = arith.constant 1 : i32
    scf.for %parallel_loop3A_1200 = %parallel_loop3A_484 to %parallel_loop3A_485 step %parallel_loop3A_486  : i32 {
      %parallel_loop3A_1201 = arith.constant 64 : i32
      %parallel_loop3A_1202 = arith.divsi %parallel_loop3A_1200, %parallel_loop3A_1201 : i32
      %parallel_loop3A_1203 = arith.constant 0 : i32
      %parallel_loop3A_1204 = arith.cmpi sgt, %parallel_loop3A_1200, %parallel_loop3A_1203 : i32
      %parallel_loop3A_1205 = arith.extui %parallel_loop3A_1204 : i1 to i32
      %parallel_loop3A_1206 = arith.constant 0 : i32
      %parallel_loop3A_1207 = arith.cmpi slt, %parallel_loop3A_1200, %parallel_loop3A_1206 : i32
      %parallel_loop3A_1208 = arith.extui %parallel_loop3A_1207 : i1 to i32
      %parallel_loop3A_1209 = arith.subi %parallel_loop3A_1205, %parallel_loop3A_1208 : i32
      %parallel_loop3A_1210 = arith.constant 0 : i32
      %parallel_loop3A_1211 = arith.cmpi sgt, %parallel_loop3A_1201, %parallel_loop3A_1210 : i32
      %parallel_loop3A_1212 = arith.extui %parallel_loop3A_1211 : i1 to i32
      %parallel_loop3A_1213 = arith.constant 0 : i32
      %parallel_loop3A_1214 = arith.cmpi slt, %parallel_loop3A_1201, %parallel_loop3A_1213 : i32
      %parallel_loop3A_1215 = arith.extui %parallel_loop3A_1214 : i1 to i32
      %parallel_loop3A_1216 = arith.subi %parallel_loop3A_1212, %parallel_loop3A_1215 : i32
      %parallel_loop3A_1217 = arith.cmpi ne, %parallel_loop3A_1209, %parallel_loop3A_1216 : i32
      %parallel_loop3A_1218 = arith.remsi %parallel_loop3A_1200, %parallel_loop3A_1201 : i32
      %parallel_loop3A_1219 = arith.constant 0 : i32
      %parallel_loop3A_1220 = arith.cmpi ne, %parallel_loop3A_1218, %parallel_loop3A_1219 : i32
      %parallel_loop3A_1221 = arith.andi %parallel_loop3A_1217, %parallel_loop3A_1220 : i1
      %parallel_loop3A_1222 = arith.constant 1 : i32
      %parallel_loop3A_1223 = arith.subi %parallel_loop3A_1202, %parallel_loop3A_1222 : i32
      %parallel_loop3A_1224 = arith.select %parallel_loop3A_1221, %parallel_loop3A_1223, %parallel_loop3A_1202 : i32
      %parallel_loop3A_1225 = arith.constant 64 : i32
      %parallel_loop3A_1226 = arith.constant 0 : i32
      %parallel_loop3A_1227 = arith.cmpi eq, %parallel_loop3A_1225, %parallel_loop3A_1226 : i32
      %parallel_loop3A_1228 = arith.constant 1 : i32
      %parallel_loop3A_1229 = arith.select %parallel_loop3A_1227, %parallel_loop3A_1228, %parallel_loop3A_1225 : i32
      %parallel_loop3A_1230 = arith.remsi %parallel_loop3A_1200, %parallel_loop3A_1229 : i32
      %parallel_loop3A_1231 = arith.constant 0 : i32
      %parallel_loop3A_1232 = arith.cmpi ne, %parallel_loop3A_1230, %parallel_loop3A_1231 : i32
      %parallel_loop3A_1233 = arith.constant 0 : i32
      %parallel_loop3A_1234 = arith.cmpi slt, %parallel_loop3A_1230, %parallel_loop3A_1233 : i32
      %parallel_loop3A_1235 = arith.constant 0 : i32
      %parallel_loop3A_1236 = arith.cmpi slt, %parallel_loop3A_1229, %parallel_loop3A_1235 : i32
      %parallel_loop3A_1237 = arith.xori %parallel_loop3A_1234, %parallel_loop3A_1236 : i1
      %parallel_loop3A_1238 = arith.andi %parallel_loop3A_1237, %parallel_loop3A_1232 : i1
      %parallel_loop3A_1239 = arith.addi %parallel_loop3A_1230, %parallel_loop3A_1229 : i32
      %parallel_loop3A_1240 = arith.select %parallel_loop3A_1238, %parallel_loop3A_1239, %parallel_loop3A_1230 : i32
      %parallel_loop3A_1241 = arith.constant 16 : i32
      %parallel_loop3A_1242 = arith.muli %parallel_loop3A_1240, %parallel_loop3A_1241 : i32
      %parallel_loop3A_1243 = arith.index_cast %parallel_loop3A_1224 : i32 to index
      %parallel_loop3A_1244 = arith.index_cast %parallel_loop3A_1242 : i32 to index
      %parallel_loop3A_1245 = tpu.vector_load %arg6[%parallel_loop3A_1243, %parallel_loop3A_1244] {strides = array<i32>} : memref<16x1024xf32, #tpu.memory_space<vmem>>, vector<1x16xf32>,
      %parallel_loop3A_1246 = vector.shape_cast %parallel_loop3A_1245 : vector<1x16xf32> to vector<16xf32>
      %parallel_loop3A_1247 = arith.index_cast %parallel_loop3A_1224 : i32 to index
      %parallel_loop3A_1248 = arith.index_cast %parallel_loop3A_1242 : i32 to index
      %parallel_loop3A_1249 = tpu.vector_load %arg7[%parallel_loop3A_1247, %parallel_loop3A_1248] {strides = array<i32>} : memref<16x1024xf32, #tpu.memory_space<vmem>>, vector<1x16xf32>,
      %parallel_loop3A_1250 = vector.shape_cast %parallel_loop3A_1249 : vector<1x16xf32> to vector<16xf32>
      %parallel_loop3A_1251 = vector.shape_cast %parallel_loop3A_1246 : vector<16xf32> to vector<1x16xf32>
      tpu.vector_store %arg7[%parallel_loop3A_1247, %parallel_loop3A_1248], %parallel_loop3A_1251 {add = true, strides = array<i32>} : memref<16x1024xf32, #tpu.memory_space<vmem>>, vector<1x16xf32>,
    } {sc.loop_unroll_factor = 8 : i64, sc.parallel_access}
    %add3A_487 = arith.constant 48 : i32
    %add3A_488 = arith.addi %mul3A_2, %add3A_487 : i32
    %dma_start3A_489 = arith.constant 0 : i32
    %dma_start3A_490 = arith.constant 0 : i32
    %dma_start3A_491 = tpu.memref_slice %arg4[%dma_start3A_489, %add3A_488, %dma_start3A_490] : memref<4x4096x1024xf32, #tpu.memory_space<hbm>> -> memref<1x16x1024xf32, #tpu.memory_space<hbm>>
    %dma_start3A_492 = tpu.memref_squeeze %dma_start3A_491 : memref<1x16x1024xf32, #tpu.memory_space<hbm>> -> memref<16x1024xf32, #tpu.memory_space<hbm>>
    %dma_start3A_493 = arith.constant 0 : i32
    %dma_start3A_494 = tpu.memref_slice %arg4[%dma_start3A_489, %add3A_488, %dma_start3A_493] : memref<4x4096x1024xf32, #tpu.memory_space<hbm>> -> memref<1x16x1024xf32, #tpu.memory_space<hbm>>
    %dma_start3A_495 = tpu.memref_squeeze %dma_start3A_494 : memref<1x16x1024xf32, #tpu.memory_space<hbm>> -> memref<16x1024xf32, #tpu.memory_space<hbm>>
    tpu.enqueue_dma source(%arg7 : memref<16x1024xf32, #tpu.memory_space<vmem>>) target(%dma_start3A_495 : memref<16x1024xf32, #tpu.memory_space<hbm>>) target_semaphore(%arg15 : memref<!tpu.dma_semaphore, #tpu.memory_space<semaphore_mem>>)
    %dma_wait3A_496 = arith.constant 3 : i32
    %dma_wait3A_497 = arith.constant 0 : i32
    %dma_wait3A_498 = tpu.memref_slice %arg4[%dma_wait3A_496, %add3A_443, %dma_wait3A_497] : memref<4x4096x1024xf32, #tpu.memory_space<hbm>> -> memref<1x16x1024xf32, #tpu.memory_space<hbm>>
    %dma_wait3A_499 = tpu.memref_squeeze %dma_wait3A_498 : memref<1x16x1024xf32, #tpu.memory_space<hbm>> -> memref<16x1024xf32, #tpu.memory_space<hbm>>
    %dma_wait3A_500 = arith.constant 0 : i32
    %dma_wait3A_501 = tpu.memref_slice %arg4[%dma_wait3A_496, %add3A_443, %dma_wait3A_500] : memref<4x4096x1024xf32, #tpu.memory_space<hbm>> -> memref<1x16x1024xf32, #tpu.memory_space<hbm>>
    %dma_wait3A_502 = tpu.memref_squeeze %dma_wait3A_501 : memref<1x16x1024xf32, #tpu.memory_space<hbm>> -> memref<16x1024xf32, #tpu.memory_space<hbm>>
    tpu.wait_dma2 semaphore(%arg17 : memref<!tpu.dma_semaphore, #tpu.memory_space<semaphore_mem>>) src(%arg9 : memref<16x1024xf32, #tpu.memory_space<vmem>>) dst(%dma_wait3A_502 : memref<16x1024xf32, #tpu.memory_space<hbm>>)
    %add3A_503 = arith.constant 48 : i32
    %add3A_504 = arith.addi %mul3A_2, %add3A_503 : i32
    %dma_start3A_505 = arith.constant 2 : i32
    %dma_start3A_506 = arith.constant 0 : i32
    %dma_start3A_507 = tpu.memref_slice %arg2[%dma_start3A_505, %add3A_504, %dma_start3A_506] : memref<4x4096x1024xf32, #tpu.memory_space<hbm>> -> memref<1x16x1024xf32, #tpu.memory_space<hbm>>
    %dma_start3A_508 = tpu.memref_squeeze %dma_start3A_507 : memref<1x16x1024xf32, #tpu.memory_space<hbm>> -> memref<16x1024xf32, #tpu.memory_space<hbm>>
    %dma_start3A_509 = arith.constant 0 : i32
    %dma_start3A_510 = tpu.memref_slice %arg2[%dma_start3A_505, %add3A_504, %dma_start3A_509] : memref<4x4096x1024xf32, #tpu.memory_space<hbm>> -> memref<1x16x1024xf32, #tpu.memory_space<hbm>>
    %dma_start3A_511 = tpu.memref_squeeze %dma_start3A_510 : memref<1x16x1024xf32, #tpu.memory_space<hbm>> -> memref<16x1024xf32, #tpu.memory_space<hbm>>
    tpu.enqueue_dma source(%dma_start3A_511 : memref<16x1024xf32, #tpu.memory_space<hbm>>) target(%arg9 : memref<16x1024xf32, #tpu.memory_space<vmem>>) target_semaphore(%arg14 : memref<!tpu.dma_semaphore, #tpu.memory_space<semaphore_mem>>)
    %dma_wait3A_512 = arith.constant 1 : i32
    %dma_wait3A_513 = arith.constant 0 : i32
    %dma_wait3A_514 = tpu.memref_slice %arg2[%dma_wait3A_512, %add3A_459, %dma_wait3A_513] : memref<4x4096x1024xf32, #tpu.memory_space<hbm>> -> memref<1x16x1024xf32, #tpu.memory_space<hbm>>
    %dma_wait3A_515 = tpu.memref_squeeze %dma_wait3A_514 : memref<1x16x1024xf32, #tpu.memory_space<hbm>> -> memref<16x1024xf32, #tpu.memory_space<hbm>>
    %dma_wait3A_516 = arith.constant 0 : i32
    %dma_wait3A_517 = tpu.memref_slice %arg2[%dma_wait3A_512, %add3A_459, %dma_wait3A_516] : memref<4x4096x1024xf32, #tpu.memory_space<hbm>> -> memref<1x16x1024xf32, #tpu.memory_space<hbm>>
    %dma_wait3A_518 = tpu.memref_squeeze %dma_wait3A_517 : memref<1x16x1024xf32, #tpu.memory_space<hbm>> -> memref<16x1024xf32, #tpu.memory_space<hbm>>
    tpu.wait_dma2 semaphore(%arg13 : memref<!tpu.dma_semaphore, #tpu.memory_space<semaphore_mem>>) src(%dma_wait3A_518 : memref<16x1024xf32, #tpu.memory_space<hbm>>) dst(%arg8 : memref<16x1024xf32, #tpu.memory_space<vmem>>)
    %parallel_loop3A_519 = arith.constant 0 : i32
    %parallel_loop3A_520 = arith.constant 1024 : i32
    %parallel_loop3A_521 = arith.constant 1 : i32
    scf.for %parallel_loop3A_1200 = %parallel_loop3A_519 to %parallel_loop3A_520 step %parallel_loop3A_521  : i32 {
      %parallel_loop3A_1201 = arith.constant 64 : i32
      %parallel_loop3A_1202 = arith.divsi %parallel_loop3A_1200, %parallel_loop3A_1201 : i32
      %parallel_loop3A_1203 = arith.constant 0 : i32
      %parallel_loop3A_1204 = arith.cmpi sgt, %parallel_loop3A_1200, %parallel_loop3A_1203 : i32
      %parallel_loop3A_1205 = arith.extui %parallel_loop3A_1204 : i1 to i32
      %parallel_loop3A_1206 = arith.constant 0 : i32
      %parallel_loop3A_1207 = arith.cmpi slt, %parallel_loop3A_1200, %parallel_loop3A_1206 : i32
      %parallel_loop3A_1208 = arith.extui %parallel_loop3A_1207 : i1 to i32
      %parallel_loop3A_1209 = arith.subi %parallel_loop3A_1205, %parallel_loop3A_1208 : i32
      %parallel_loop3A_1210 = arith.constant 0 : i32
      %parallel_loop3A_1211 = arith.cmpi sgt, %parallel_loop3A_1201, %parallel_loop3A_1210 : i32
      %parallel_loop3A_1212 = arith.extui %parallel_loop3A_1211 : i1 to i32
      %parallel_loop3A_1213 = arith.constant 0 : i32
      %parallel_loop3A_1214 = arith.cmpi slt, %parallel_loop3A_1201, %parallel_loop3A_1213 : i32
      %parallel_loop3A_1215 = arith.extui %parallel_loop3A_1214 : i1 to i32
      %parallel_loop3A_1216 = arith.subi %parallel_loop3A_1212, %parallel_loop3A_1215 : i32
      %parallel_loop3A_1217 = arith.cmpi ne, %parallel_loop3A_1209, %parallel_loop3A_1216 : i32
      %parallel_loop3A_1218 = arith.remsi %parallel_loop3A_1200, %parallel_loop3A_1201 : i32
      %parallel_loop3A_1219 = arith.constant 0 : i32
      %parallel_loop3A_1220 = arith.cmpi ne, %parallel_loop3A_1218, %parallel_loop3A_1219 : i32
      %parallel_loop3A_1221 = arith.andi %parallel_loop3A_1217, %parallel_loop3A_1220 : i1
      %parallel_loop3A_1222 = arith.constant 1 : i32
      %parallel_loop3A_1223 = arith.subi %parallel_loop3A_1202, %parallel_loop3A_1222 : i32
      %parallel_loop3A_1224 = arith.select %parallel_loop3A_1221, %parallel_loop3A_1223, %parallel_loop3A_1202 : i32
      %parallel_loop3A_1225 = arith.constant 64 : i32
      %parallel_loop3A_1226 = arith.constant 0 : i32
      %parallel_loop3A_1227 = arith.cmpi eq, %parallel_loop3A_1225, %parallel_loop3A_1226 : i32
      %parallel_loop3A_1228 = arith.constant 1 : i32
      %parallel_loop3A_1229 = arith.select %parallel_loop3A_1227, %parallel_loop3A_1228, %parallel_loop3A_1225 : i32
      %parallel_loop3A_1230 = arith.remsi %parallel_loop3A_1200, %parallel_loop3A_1229 : i32
      %parallel_loop3A_1231 = arith.constant 0 : i32
      %parallel_loop3A_1232 = arith.cmpi ne, %parallel_loop3A_1230, %parallel_loop3A_1231 : i32
      %parallel_loop3A_1233 = arith.constant 0 : i32
      %parallel_loop3A_1234 = arith.cmpi slt, %parallel_loop3A_1230, %parallel_loop3A_1233 : i32
      %parallel_loop3A_1235 = arith.constant 0 : i32
      %parallel_loop3A_1236 = arith.cmpi slt, %parallel_loop3A_1229, %parallel_loop3A_1235 : i32
      %parallel_loop3A_1237 = arith.xori %parallel_loop3A_1234, %parallel_loop3A_1236 : i1
      %parallel_loop3A_1238 = arith.andi %parallel_loop3A_1237, %parallel_loop3A_1232 : i1
      %parallel_loop3A_1239 = arith.addi %parallel_loop3A_1230, %parallel_loop3A_1229 : i32
      %parallel_loop3A_1240 = arith.select %parallel_loop3A_1238, %parallel_loop3A_1239, %parallel_loop3A_1230 : i32
      %parallel_loop3A_1241 = arith.constant 16 : i32
      %parallel_loop3A_1242 = arith.muli %parallel_loop3A_1240, %parallel_loop3A_1241 : i32
      %parallel_loop3A_1243 = arith.index_cast %parallel_loop3A_1224 : i32 to index
      %parallel_loop3A_1244 = arith.index_cast %parallel_loop3A_1242 : i32 to index
      %parallel_loop3A_1245 = tpu.vector_load %arg6[%parallel_loop3A_1243, %parallel_loop3A_1244] {strides = array<i32>} : memref<16x1024xf32, #tpu.memory_space<vmem>>, vector<1x16xf32>,
      %parallel_loop3A_1246 = vector.shape_cast %parallel_loop3A_1245 : vector<1x16xf32> to vector<16xf32>
      %parallel_loop3A_1247 = arith.index_cast %parallel_loop3A_1224 : i32 to index
      %parallel_loop3A_1248 = arith.index_cast %parallel_loop3A_1242 : i32 to index
      %parallel_loop3A_1249 = tpu.vector_load %arg8[%parallel_loop3A_1247, %parallel_loop3A_1248] {strides = array<i32>} : memref<16x1024xf32, #tpu.memory_space<vmem>>, vector<1x16xf32>,
      %parallel_loop3A_1250 = vector.shape_cast %parallel_loop3A_1249 : vector<1x16xf32> to vector<16xf32>
      %parallel_loop3A_1251 = vector.shape_cast %parallel_loop3A_1246 : vector<16xf32> to vector<1x16xf32>
      tpu.vector_store %arg8[%parallel_loop3A_1247, %parallel_loop3A_1248], %parallel_loop3A_1251 {add = true, strides = array<i32>} : memref<16x1024xf32, #tpu.memory_space<vmem>>, vector<1x16xf32>,
    } {sc.loop_unroll_factor = 8 : i64, sc.parallel_access}
    %add3A_522 = arith.constant 48 : i32
    %add3A_523 = arith.addi %mul3A_2, %add3A_522 : i32
    %dma_start3A_524 = arith.constant 1 : i32
    %dma_start3A_525 = arith.constant 0 : i32
    %dma_start3A_526 = tpu.memref_slice %arg4[%dma_start3A_524, %add3A_523, %dma_start3A_525] : memref<4x4096x1024xf32, #tpu.memory_space<hbm>> -> memref<1x16x1024xf32, #tpu.memory_space<hbm>>
    %dma_start3A_527 = tpu.memref_squeeze %dma_start3A_526 : memref<1x16x1024xf32, #tpu.memory_space<hbm>> -> memref<16x1024xf32, #tpu.memory_space<hbm>>
    %dma_start3A_528 = arith.constant 0 : i32
    %dma_start3A_529 = tpu.memref_slice %arg4[%dma_start3A_524, %add3A_523, %dma_start3A_528] : memref<4x4096x1024xf32, #tpu.memory_space<hbm>> -> memref<1x16x1024xf32, #tpu.memory_space<hbm>>
    %dma_start3A_530 = tpu.memref_squeeze %dma_start3A_529 : memref<1x16x1024xf32, #tpu.memory_space<hbm>> -> memref<16x1024xf32, #tpu.memory_space<hbm>>
    tpu.enqueue_dma source(%arg8 : memref<16x1024xf32, #tpu.memory_space<vmem>>) target(%dma_start3A_530 : memref<16x1024xf32, #tpu.memory_space<hbm>>) target_semaphore(%arg16 : memref<!tpu.dma_semaphore, #tpu.memory_space<semaphore_mem>>)
    %dma_wait3A_531 = arith.constant 0 : i32
    %dma_wait3A_532 = arith.constant 0 : i32
    %dma_wait3A_533 = tpu.memref_slice %arg4[%dma_wait3A_531, %add3A_488, %dma_wait3A_532] : memref<4x4096x1024xf32, #tpu.memory_space<hbm>> -> memref<1x16x1024xf32, #tpu.memory_space<hbm>>
    %dma_wait3A_534 = tpu.memref_squeeze %dma_wait3A_533 : memref<1x16x1024xf32, #tpu.memory_space<hbm>> -> memref<16x1024xf32, #tpu.memory_space<hbm>>
    %dma_wait3A_535 = arith.constant 0 : i32
    %dma_wait3A_536 = tpu.memref_slice %arg4[%dma_wait3A_531, %add3A_488, %dma_wait3A_535] : memref<4x4096x1024xf32, #tpu.memory_space<hbm>> -> memref<1x16x1024xf32, #tpu.memory_space<hbm>>
    %dma_wait3A_537 = tpu.memref_squeeze %dma_wait3A_536 : memref<1x16x1024xf32, #tpu.memory_space<hbm>> -> memref<16x1024xf32, #tpu.memory_space<hbm>>
    tpu.wait_dma2 semaphore(%arg15 : memref<!tpu.dma_semaphore, #tpu.memory_space<semaphore_mem>>) src(%arg7 : memref<16x1024xf32, #tpu.memory_space<vmem>>) dst(%dma_wait3A_537 : memref<16x1024xf32, #tpu.memory_space<hbm>>)
    %add3A_538 = arith.constant 48 : i32
    %add3A_539 = arith.addi %mul3A_2, %add3A_538 : i32
    %dma_start3A_540 = arith.constant 3 : i32
    %dma_start3A_541 = arith.constant 0 : i32
    %dma_start3A_542 = tpu.memref_slice %arg2[%dma_start3A_540, %add3A_539, %dma_start3A_541] : memref<4x4096x1024xf32, #tpu.memory_space<hbm>> -> memref<1x16x1024xf32, #tpu.memory_space<hbm>>
    %dma_start3A_543 = tpu.memref_squeeze %dma_start3A_542 : memref<1x16x1024xf32, #tpu.memory_space<hbm>> -> memref<16x1024xf32, #tpu.memory_space<hbm>>
    %dma_start3A_544 = arith.constant 0 : i32
    %dma_start3A_545 = tpu.memref_slice %arg2[%dma_start3A_540, %add3A_539, %dma_start3A_544] : memref<4x4096x1024xf32, #tpu.memory_space<hbm>> -> memref<1x16x1024xf32, #tpu.memory_space<hbm>>
    %dma_start3A_546 = tpu.memref_squeeze %dma_start3A_545 : memref<1x16x1024xf32, #tpu.memory_space<hbm>> -> memref<16x1024xf32, #tpu.memory_space<hbm>>
    tpu.enqueue_dma source(%dma_start3A_546 : memref<16x1024xf32, #tpu.memory_space<hbm>>) target(%arg7 : memref<16x1024xf32, #tpu.memory_space<vmem>>) target_semaphore(%arg12 : memref<!tpu.dma_semaphore, #tpu.memory_space<semaphore_mem>>)
    %dma_wait3A_547 = arith.constant 2 : i32
    %dma_wait3A_548 = arith.constant 0 : i32
    %dma_wait3A_549 = tpu.memref_slice %arg2[%dma_wait3A_547, %add3A_504, %dma_wait3A_548] : memref<4x4096x1024xf32, #tpu.memory_space<hbm>> -> memref<1x16x1024xf32, #tpu.memory_space<hbm>>
    %dma_wait3A_550 = tpu.memref_squeeze %dma_wait3A_549 : memref<1x16x1024xf32, #tpu.memory_space<hbm>> -> memref<16x1024xf32, #tpu.memory_space<hbm>>
    %dma_wait3A_551 = arith.constant 0 : i32
    %dma_wait3A_552 = tpu.memref_slice %arg2[%dma_wait3A_547, %add3A_504, %dma_wait3A_551] : memref<4x4096x1024xf32, #tpu.memory_space<hbm>> -> memref<1x16x1024xf32, #tpu.memory_space<hbm>>
    %dma_wait3A_553 = tpu.memref_squeeze %dma_wait3A_552 : memref<1x16x1024xf32, #tpu.memory_space<hbm>> -> memref<16x1024xf32, #tpu.memory_space<hbm>>
    tpu.wait_dma2 semaphore(%arg14 : memref<!tpu.dma_semaphore, #tpu.memory_space<semaphore_mem>>) src(%dma_wait3A_553 : memref<16x1024xf32, #tpu.memory_space<hbm>>) dst(%arg9 : memref<16x1024xf32, #tpu.memory_space<vmem>>)
    %parallel_loop3A_554 = arith.constant 0 : i32
    %parallel_loop3A_555 = arith.constant 1024 : i32
    %parallel_loop3A_556 = arith.constant 1 : i32
    scf.for %parallel_loop3A_1200 = %parallel_loop3A_554 to %parallel_loop3A_555 step %parallel_loop3A_556  : i32 {
      %parallel_loop3A_1201 = arith.constant 64 : i32
      %parallel_loop3A_1202 = arith.divsi %parallel_loop3A_1200, %parallel_loop3A_1201 : i32
      %parallel_loop3A_1203 = arith.constant 0 : i32
      %parallel_loop3A_1204 = arith.cmpi sgt, %parallel_loop3A_1200, %parallel_loop3A_1203 : i32
      %parallel_loop3A_1205 = arith.extui %parallel_loop3A_1204 : i1 to i32
      %parallel_loop3A_1206 = arith.constant 0 : i32
      %parallel_loop3A_1207 = arith.cmpi slt, %parallel_loop3A_1200, %parallel_loop3A_1206 : i32
      %parallel_loop3A_1208 = arith.extui %parallel_loop3A_1207 : i1 to i32
      %parallel_loop3A_1209 = arith.subi %parallel_loop3A_1205, %parallel_loop3A_1208 : i32
      %parallel_loop3A_1210 = arith.constant 0 : i32
      %parallel_loop3A_1211 = arith.cmpi sgt, %parallel_loop3A_1201, %parallel_loop3A_1210 : i32
      %parallel_loop3A_1212 = arith.extui %parallel_loop3A_1211 : i1 to i32
      %parallel_loop3A_1213 = arith.constant 0 : i32
      %parallel_loop3A_1214 = arith.cmpi slt, %parallel_loop3A_1201, %parallel_loop3A_1213 : i32
      %parallel_loop3A_1215 = arith.extui %parallel_loop3A_1214 : i1 to i32
      %parallel_loop3A_1216 = arith.subi %parallel_loop3A_1212, %parallel_loop3A_1215 : i32
      %parallel_loop3A_1217 = arith.cmpi ne, %parallel_loop3A_1209, %parallel_loop3A_1216 : i32
      %parallel_loop3A_1218 = arith.remsi %parallel_loop3A_1200, %parallel_loop3A_1201 : i32
      %parallel_loop3A_1219 = arith.constant 0 : i32
      %parallel_loop3A_1220 = arith.cmpi ne, %parallel_loop3A_1218, %parallel_loop3A_1219 : i32
      %parallel_loop3A_1221 = arith.andi %parallel_loop3A_1217, %parallel_loop3A_1220 : i1
      %parallel_loop3A_1222 = arith.constant 1 : i32
      %parallel_loop3A_1223 = arith.subi %parallel_loop3A_1202, %parallel_loop3A_1222 : i32
      %parallel_loop3A_1224 = arith.select %parallel_loop3A_1221, %parallel_loop3A_1223, %parallel_loop3A_1202 : i32
      %parallel_loop3A_1225 = arith.constant 64 : i32
      %parallel_loop3A_1226 = arith.constant 0 : i32
      %parallel_loop3A_1227 = arith.cmpi eq, %parallel_loop3A_1225, %parallel_loop3A_1226 : i32
      %parallel_loop3A_1228 = arith.constant 1 : i32
      %parallel_loop3A_1229 = arith.select %parallel_loop3A_1227, %parallel_loop3A_1228, %parallel_loop3A_1225 : i32
      %parallel_loop3A_1230 = arith.remsi %parallel_loop3A_1200, %parallel_loop3A_1229 : i32
      %parallel_loop3A_1231 = arith.constant 0 : i32
      %parallel_loop3A_1232 = arith.cmpi ne, %parallel_loop3A_1230, %parallel_loop3A_1231 : i32
      %parallel_loop3A_1233 = arith.constant 0 : i32
      %parallel_loop3A_1234 = arith.cmpi slt, %parallel_loop3A_1230, %parallel_loop3A_1233 : i32
      %parallel_loop3A_1235 = arith.constant 0 : i32
      %parallel_loop3A_1236 = arith.cmpi slt, %parallel_loop3A_1229, %parallel_loop3A_1235 : i32
      %parallel_loop3A_1237 = arith.xori %parallel_loop3A_1234, %parallel_loop3A_1236 : i1
      %parallel_loop3A_1238 = arith.andi %parallel_loop3A_1237, %parallel_loop3A_1232 : i1
      %parallel_loop3A_1239 = arith.addi %parallel_loop3A_1230, %parallel_loop3A_1229 : i32
      %parallel_loop3A_1240 = arith.select %parallel_loop3A_1238, %parallel_loop3A_1239, %parallel_loop3A_1230 : i32
      %parallel_loop3A_1241 = arith.constant 16 : i32
      %parallel_loop3A_1242 = arith.muli %parallel_loop3A_1240, %parallel_loop3A_1241 : i32
      %parallel_loop3A_1243 = arith.index_cast %parallel_loop3A_1224 : i32 to index
      %parallel_loop3A_1244 = arith.index_cast %parallel_loop3A_1242 : i32 to index
      %parallel_loop3A_1245 = tpu.vector_load %arg6[%parallel_loop3A_1243, %parallel_loop3A_1244] {strides = array<i32>} : memref<16x1024xf32, #tpu.memory_space<vmem>>, vector<1x16xf32>,
      %parallel_loop3A_1246 = vector.shape_cast %parallel_loop3A_1245 : vector<1x16xf32> to vector<16xf32>
      %parallel_loop3A_1247 = arith.index_cast %parallel_loop3A_1224 : i32 to index
      %parallel_loop3A_1248 = arith.index_cast %parallel_loop3A_1242 : i32 to index
      %parallel_loop3A_1249 = tpu.vector_load %arg9[%parallel_loop3A_1247, %parallel_loop3A_1248] {strides = array<i32>} : memref<16x1024xf32, #tpu.memory_space<vmem>>, vector<1x16xf32>,
      %parallel_loop3A_1250 = vector.shape_cast %parallel_loop3A_1249 : vector<1x16xf32> to vector<16xf32>
      %parallel_loop3A_1251 = vector.shape_cast %parallel_loop3A_1246 : vector<16xf32> to vector<1x16xf32>
      tpu.vector_store %arg9[%parallel_loop3A_1247, %parallel_loop3A_1248], %parallel_loop3A_1251 {add = true, strides = array<i32>} : memref<16x1024xf32, #tpu.memory_space<vmem>>, vector<1x16xf32>,
    } {sc.loop_unroll_factor = 8 : i64, sc.parallel_access}
    %add3A_557 = arith.constant 48 : i32
    %add3A_558 = arith.addi %mul3A_2, %add3A_557 : i32
    %dma_start3A_559 = arith.constant 2 : i32
    %dma_start3A_560 = arith.constant 0 : i32
    %dma_start3A_561 = tpu.memref_slice %arg4[%dma_start3A_559, %add3A_558, %dma_start3A_560] : memref<4x4096x1024xf32, #tpu.memory_space<hbm>> -> memref<1x16x1024xf32, #tpu.memory_space<hbm>>
    %dma_start3A_562 = tpu.memref_squeeze %dma_start3A_561 : memref<1x16x1024xf32, #tpu.memory_space<hbm>> -> memref<16x1024xf32, #tpu.memory_space<hbm>>
    %dma_start3A_563 = arith.constant 0 : i32
    %dma_start3A_564 = tpu.memref_slice %arg4[%dma_start3A_559, %add3A_558, %dma_start3A_563] : memref<4x4096x1024xf32, #tpu.memory_space<hbm>> -> memref<1x16x1024xf32, #tpu.memory_space<hbm>>
    %dma_start3A_565 = tpu.memref_squeeze %dma_start3A_564 : memref<1x16x1024xf32, #tpu.memory_space<hbm>> -> memref<16x1024xf32, #tpu.memory_space<hbm>>
    tpu.enqueue_dma source(%arg9 : memref<16x1024xf32, #tpu.memory_space<vmem>>) target(%dma_start3A_565 : memref<16x1024xf32, #tpu.memory_space<hbm>>) target_semaphore(%arg17 : memref<!tpu.dma_semaphore, #tpu.memory_space<semaphore_mem>>)
    %dma_wait3A_566 = arith.constant 1 : i32
    %dma_wait3A_567 = arith.constant 0 : i32
    %dma_wait3A_568 = tpu.memref_slice %arg4[%dma_wait3A_566, %add3A_523, %dma_wait3A_567] : memref<4x4096x1024xf32, #tpu.memory_space<hbm>> -> memref<1x16x1024xf32, #tpu.memory_space<hbm>>
    %dma_wait3A_569 = tpu.memref_squeeze %dma_wait3A_568 : memref<1x16x1024xf32, #tpu.memory_space<hbm>> -> memref<16x1024xf32, #tpu.memory_space<hbm>>
    %dma_wait3A_570 = arith.constant 0 : i32
    %dma_wait3A_571 = tpu.memref_slice %arg4[%dma_wait3A_566, %add3A_523, %dma_wait3A_570] : memref<4x4096x1024xf32, #tpu.memory_space<hbm>> -> memref<1x16x1024xf32, #tpu.memory_space<hbm>>
    %dma_wait3A_572 = tpu.memref_squeeze %dma_wait3A_571 : memref<1x16x1024xf32, #tpu.memory_space<hbm>> -> memref<16x1024xf32, #tpu.memory_space<hbm>>
    tpu.wait_dma2 semaphore(%arg16 : memref<!tpu.dma_semaphore, #tpu.memory_space<semaphore_mem>>) src(%arg8 : memref<16x1024xf32, #tpu.memory_space<vmem>>) dst(%dma_wait3A_572 : memref<16x1024xf32, #tpu.memory_space<hbm>>)
    %add3A_573 = arith.constant 64 : i32
    %add3A_574 = arith.addi %mul3A_2, %add3A_573 : i32
    %dma_start3A_575 = arith.constant 0 : i32
    %dma_start3A_576 = arith.constant 0 : i32
    %dma_start3A_577 = tpu.memref_slice %arg2[%dma_start3A_575, %add3A_574, %dma_start3A_576] : memref<4x4096x1024xf32, #tpu.memory_space<hbm>> -> memref<1x16x1024xf32, #tpu.memory_space<hbm>>
    %dma_start3A_578 = tpu.memref_squeeze %dma_start3A_577 : memref<1x16x1024xf32, #tpu.memory_space<hbm>> -> memref<16x1024xf32, #tpu.memory_space<hbm>>
    %dma_start3A_579 = arith.constant 0 : i32
    %dma_start3A_580 = tpu.memref_slice %arg2[%dma_start3A_575, %add3A_574, %dma_start3A_579] : memref<4x4096x1024xf32, #tpu.memory_space<hbm>> -> memref<1x16x1024xf32, #tpu.memory_space<hbm>>
    %dma_start3A_581 = tpu.memref_squeeze %dma_start3A_580 : memref<1x16x1024xf32, #tpu.memory_space<hbm>> -> memref<16x1024xf32, #tpu.memory_space<hbm>>
    tpu.enqueue_dma source(%dma_start3A_581 : memref<16x1024xf32, #tpu.memory_space<hbm>>) target(%arg8 : memref<16x1024xf32, #tpu.memory_space<vmem>>) target_semaphore(%arg13 : memref<!tpu.dma_semaphore, #tpu.memory_space<semaphore_mem>>)
    %dma_wait3A_582 = arith.constant 3 : i32
    %dma_wait3A_583 = arith.constant 0 : i32
    %dma_wait3A_584 = tpu.memref_slice %arg2[%dma_wait3A_582, %add3A_539, %dma_wait3A_583] : memref<4x4096x1024xf32, #tpu.memory_space<hbm>> -> memref<1x16x1024xf32, #tpu.memory_space<hbm>>
    %dma_wait3A_585 = tpu.memref_squeeze %dma_wait3A_584 : memref<1x16x1024xf32, #tpu.memory_space<hbm>> -> memref<16x1024xf32, #tpu.memory_space<hbm>>
    %dma_wait3A_586 = arith.constant 0 : i32
    %dma_wait3A_587 = tpu.memref_slice %arg2[%dma_wait3A_582, %add3A_539, %dma_wait3A_586] : memref<4x4096x1024xf32, #tpu.memory_space<hbm>> -> memref<1x16x1024xf32, #tpu.memory_space<hbm>>
    %dma_wait3A_588 = tpu.memref_squeeze %dma_wait3A_587 : memref<1x16x1024xf32, #tpu.memory_space<hbm>> -> memref<16x1024xf32, #tpu.memory_space<hbm>>
    tpu.wait_dma2 semaphore(%arg12 : memref<!tpu.dma_semaphore, #tpu.memory_space<semaphore_mem>>) src(%dma_wait3A_588 : memref<16x1024xf32, #tpu.memory_space<hbm>>) dst(%arg7 : memref<16x1024xf32, #tpu.memory_space<vmem>>)
    %parallel_loop3A_589 = arith.constant 0 : i32
    %parallel_loop3A_590 = arith.constant 1024 : i32
    %parallel_loop3A_591 = arith.constant 1 : i32
    scf.for %parallel_loop3A_1200 = %parallel_loop3A_589 to %parallel_loop3A_590 step %parallel_loop3A_591  : i32 {
      %parallel_loop3A_1201 = arith.constant 64 : i32
      %parallel_loop3A_1202 = arith.divsi %parallel_loop3A_1200, %parallel_loop3A_1201 : i32
      %parallel_loop3A_1203 = arith.constant 0 : i32
      %parallel_loop3A_1204 = arith.cmpi sgt, %parallel_loop3A_1200, %parallel_loop3A_1203 : i32
      %parallel_loop3A_1205 = arith.extui %parallel_loop3A_1204 : i1 to i32
      %parallel_loop3A_1206 = arith.constant 0 : i32
      %parallel_loop3A_1207 = arith.cmpi slt, %parallel_loop3A_1200, %parallel_loop3A_1206 : i32
      %parallel_loop3A_1208 = arith.extui %parallel_loop3A_1207 : i1 to i32
      %parallel_loop3A_1209 = arith.subi %parallel_loop3A_1205, %parallel_loop3A_1208 : i32
      %parallel_loop3A_1210 = arith.constant 0 : i32
      %parallel_loop3A_1211 = arith.cmpi sgt, %parallel_loop3A_1201, %parallel_loop3A_1210 : i32
      %parallel_loop3A_1212 = arith.extui %parallel_loop3A_1211 : i1 to i32
      %parallel_loop3A_1213 = arith.constant 0 : i32
      %parallel_loop3A_1214 = arith.cmpi slt, %parallel_loop3A_1201, %parallel_loop3A_1213 : i32
      %parallel_loop3A_1215 = arith.extui %parallel_loop3A_1214 : i1 to i32
      %parallel_loop3A_1216 = arith.subi %parallel_loop3A_1212, %parallel_loop3A_1215 : i32
      %parallel_loop3A_1217 = arith.cmpi ne, %parallel_loop3A_1209, %parallel_loop3A_1216 : i32
      %parallel_loop3A_1218 = arith.remsi %parallel_loop3A_1200, %parallel_loop3A_1201 : i32
      %parallel_loop3A_1219 = arith.constant 0 : i32
      %parallel_loop3A_1220 = arith.cmpi ne, %parallel_loop3A_1218, %parallel_loop3A_1219 : i32
      %parallel_loop3A_1221 = arith.andi %parallel_loop3A_1217, %parallel_loop3A_1220 : i1
      %parallel_loop3A_1222 = arith.constant 1 : i32
      %parallel_loop3A_1223 = arith.subi %parallel_loop3A_1202, %parallel_loop3A_1222 : i32
      %parallel_loop3A_1224 = arith.select %parallel_loop3A_1221, %parallel_loop3A_1223, %parallel_loop3A_1202 : i32
      %parallel_loop3A_1225 = arith.constant 64 : i32
      %parallel_loop3A_1226 = arith.constant 0 : i32
      %parallel_loop3A_1227 = arith.cmpi eq, %parallel_loop3A_1225, %parallel_loop3A_1226 : i32
      %parallel_loop3A_1228 = arith.constant 1 : i32
      %parallel_loop3A_1229 = arith.select %parallel_loop3A_1227, %parallel_loop3A_1228, %parallel_loop3A_1225 : i32
      %parallel_loop3A_1230 = arith.remsi %parallel_loop3A_1200, %parallel_loop3A_1229 : i32
      %parallel_loop3A_1231 = arith.constant 0 : i32
      %parallel_loop3A_1232 = arith.cmpi ne, %parallel_loop3A_1230, %parallel_loop3A_1231 : i32
      %parallel_loop3A_1233 = arith.constant 0 : i32
      %parallel_loop3A_1234 = arith.cmpi slt, %parallel_loop3A_1230, %parallel_loop3A_1233 : i32
      %parallel_loop3A_1235 = arith.constant 0 : i32
      %parallel_loop3A_1236 = arith.cmpi slt, %parallel_loop3A_1229, %parallel_loop3A_1235 : i32
      %parallel_loop3A_1237 = arith.xori %parallel_loop3A_1234, %parallel_loop3A_1236 : i1
      %parallel_loop3A_1238 = arith.andi %parallel_loop3A_1237, %parallel_loop3A_1232 : i1
      %parallel_loop3A_1239 = arith.addi %parallel_loop3A_1230, %parallel_loop3A_1229 : i32
      %parallel_loop3A_1240 = arith.select %parallel_loop3A_1238, %parallel_loop3A_1239, %parallel_loop3A_1230 : i32
      %parallel_loop3A_1241 = arith.constant 16 : i32
      %parallel_loop3A_1242 = arith.muli %parallel_loop3A_1240, %parallel_loop3A_1241 : i32
      %parallel_loop3A_1243 = arith.index_cast %parallel_loop3A_1224 : i32 to index
      %parallel_loop3A_1244 = arith.index_cast %parallel_loop3A_1242 : i32 to index
      %parallel_loop3A_1245 = tpu.vector_load %arg6[%parallel_loop3A_1243, %parallel_loop3A_1244] {strides = array<i32>} : memref<16x1024xf32, #tpu.memory_space<vmem>>, vector<1x16xf32>,
      %parallel_loop3A_1246 = vector.shape_cast %parallel_loop3A_1245 : vector<1x16xf32> to vector<16xf32>
      %parallel_loop3A_1247 = arith.index_cast %parallel_loop3A_1224 : i32 to index
      %parallel_loop3A_1248 = arith.index_cast %parallel_loop3A_1242 : i32 to index
      %parallel_loop3A_1249 = tpu.vector_load %arg7[%parallel_loop3A_1247, %parallel_loop3A_1248] {strides = array<i32>} : memref<16x1024xf32, #tpu.memory_space<vmem>>, vector<1x16xf32>,
      %parallel_loop3A_1250 = vector.shape_cast %parallel_loop3A_1249 : vector<1x16xf32> to vector<16xf32>
      %parallel_loop3A_1251 = vector.shape_cast %parallel_loop3A_1246 : vector<16xf32> to vector<1x16xf32>
      tpu.vector_store %arg7[%parallel_loop3A_1247, %parallel_loop3A_1248], %parallel_loop3A_1251 {add = true, strides = array<i32>} : memref<16x1024xf32, #tpu.memory_space<vmem>>, vector<1x16xf32>,
    } {sc.loop_unroll_factor = 8 : i64, sc.parallel_access}
    %add3A_592 = arith.constant 48 : i32
    %add3A_593 = arith.addi %mul3A_2, %add3A_592 : i32
    %dma_start3A_594 = arith.constant 3 : i32
    %dma_start3A_595 = arith.constant 0 : i32
    %dma_start3A_596 = tpu.memref_slice %arg4[%dma_start3A_594, %add3A_593, %dma_start3A_595] : memref<4x4096x1024xf32, #tpu.memory_space<hbm>> -> memref<1x16x1024xf32, #tpu.memory_space<hbm>>
    %dma_start3A_597 = tpu.memref_squeeze %dma_start3A_596 : memref<1x16x1024xf32, #tpu.memory_space<hbm>> -> memref<16x1024xf32, #tpu.memory_space<hbm>>
    %dma_start3A_598 = arith.constant 0 : i32
    %dma_start3A_599 = tpu.memref_slice %arg4[%dma_start3A_594, %add3A_593, %dma_start3A_598] : memref<4x4096x1024xf32, #tpu.memory_space<hbm>> -> memref<1x16x1024xf32, #tpu.memory_space<hbm>>
    %dma_start3A_600 = tpu.memref_squeeze %dma_start3A_599 : memref<1x16x1024xf32, #tpu.memory_space<hbm>> -> memref<16x1024xf32, #tpu.memory_space<hbm>>
    tpu.enqueue_dma source(%arg7 : memref<16x1024xf32, #tpu.memory_space<vmem>>) target(%dma_start3A_600 : memref<16x1024xf32, #tpu.memory_space<hbm>>) target_semaphore(%arg15 : memref<!tpu.dma_semaphore, #tpu.memory_space<semaphore_mem>>)
    %dma_wait3A_601 = arith.constant 2 : i32
    %dma_wait3A_602 = arith.constant 0 : i32
    %dma_wait3A_603 = tpu.memref_slice %arg4[%dma_wait3A_601, %add3A_558, %dma_wait3A_602] : memref<4x4096x1024xf32, #tpu.memory_space<hbm>> -> memref<1x16x1024xf32, #tpu.memory_space<hbm>>
    %dma_wait3A_604 = tpu.memref_squeeze %dma_wait3A_603 : memref<1x16x1024xf32, #tpu.memory_space<hbm>> -> memref<16x1024xf32, #tpu.memory_space<hbm>>
    %dma_wait3A_605 = arith.constant 0 : i32
    %dma_wait3A_606 = tpu.memref_slice %arg4[%dma_wait3A_601, %add3A_558, %dma_wait3A_605] : memref<4x4096x1024xf32, #tpu.memory_space<hbm>> -> memref<1x16x1024xf32, #tpu.memory_space<hbm>>
    %dma_wait3A_607 = tpu.memref_squeeze %dma_wait3A_606 : memref<1x16x1024xf32, #tpu.memory_space<hbm>> -> memref<16x1024xf32, #tpu.memory_space<hbm>>
    tpu.wait_dma2 semaphore(%arg17 : memref<!tpu.dma_semaphore, #tpu.memory_space<semaphore_mem>>) src(%arg9 : memref<16x1024xf32, #tpu.memory_space<vmem>>) dst(%dma_wait3A_607 : memref<16x1024xf32, #tpu.memory_space<hbm>>)
    %add3A_608 = arith.constant 64 : i32
    %add3A_609 = arith.addi %mul3A_2, %add3A_608 : i32
    %dma_start3A_610 = arith.constant 1 : i32
    %dma_start3A_611 = arith.constant 0 : i32
    %dma_start3A_612 = tpu.memref_slice %arg2[%dma_start3A_610, %add3A_609, %dma_start3A_611] : memref<4x4096x1024xf32, #tpu.memory_space<hbm>> -> memref<1x16x1024xf32, #tpu.memory_space<hbm>>
    %dma_start3A_613 = tpu.memref_squeeze %dma_start3A_612 : memref<1x16x1024xf32, #tpu.memory_space<hbm>> -> memref<16x1024xf32, #tpu.memory_space<hbm>>
    %dma_start3A_614 = arith.constant 0 : i32
    %dma_start3A_615 = tpu.memref_slice %arg2[%dma_start3A_610, %add3A_609, %dma_start3A_614] : memref<4x4096x1024xf32, #tpu.memory_space<hbm>> -> memref<1x16x1024xf32, #tpu.memory_space<hbm>>
    %dma_start3A_616 = tpu.memref_squeeze %dma_start3A_615 : memref<1x16x1024xf32, #tpu.memory_space<hbm>> -> memref<16x1024xf32, #tpu.memory_space<hbm>>
    tpu.enqueue_dma source(%dma_start3A_616 : memref<16x1024xf32, #tpu.memory_space<hbm>>) target(%arg9 : memref<16x1024xf32, #tpu.memory_space<vmem>>) target_semaphore(%arg14 : memref<!tpu.dma_semaphore, #tpu.memory_space<semaphore_mem>>)
    %add3A_617 = arith.constant 80 : i32
    %add3A_618 = arith.addi %mul3A_2, %add3A_617 : i32
    %dma_start3A_619 = arith.constant 0 : i32
    %dma_start3A_620 = tpu.memref_slice %arg3[%add3A_618, %dma_start3A_619] : memref<4098x1024xf32, #tpu.memory_space<hbm>> -> memref<16x1024xf32, #tpu.memory_space<hbm>>
    %dma_start3A_621 = arith.constant 0 : i32
    %dma_start3A_622 = tpu.memref_slice %arg3[%add3A_618, %dma_start3A_621] : memref<4098x1024xf32, #tpu.memory_space<hbm>> -> memref<16x1024xf32, #tpu.memory_space<hbm>>
    tpu.enqueue_dma source(%dma_start3A_622 : memref<16x1024xf32, #tpu.memory_space<hbm>>) target(%arg6 : memref<16x1024xf32, #tpu.memory_space<vmem>>) target_semaphore(%arg11 : memref<!tpu.dma_semaphore, #tpu.memory_space<semaphore_mem>>)
    %dma_wait3A_623 = arith.constant 0 : i32
    %dma_wait3A_624 = tpu.memref_slice %arg3[%add3A_468, %dma_wait3A_623] : memref<4098x1024xf32, #tpu.memory_space<hbm>> -> memref<16x1024xf32, #tpu.memory_space<hbm>>
    %dma_wait3A_625 = arith.constant 0 : i32
    %dma_wait3A_626 = tpu.memref_slice %arg3[%add3A_468, %dma_wait3A_625] : memref<4098x1024xf32, #tpu.memory_space<hbm>> -> memref<16x1024xf32, #tpu.memory_space<hbm>>
    tpu.wait_dma2 semaphore(%arg10 : memref<!tpu.dma_semaphore, #tpu.memory_space<semaphore_mem>>) src(%dma_wait3A_626 : memref<16x1024xf32, #tpu.memory_space<hbm>>) dst(%arg5 : memref<16x1024xf32, #tpu.memory_space<vmem>>)
    %dma_wait3A_627 = arith.constant 0 : i32
    %dma_wait3A_628 = arith.constant 0 : i32
    %dma_wait3A_629 = tpu.memref_slice %arg2[%dma_wait3A_627, %add3A_574, %dma_wait3A_628] : memref<4x4096x1024xf32, #tpu.memory_space<hbm>> -> memref<1x16x1024xf32, #tpu.memory_space<hbm>>
    %dma_wait3A_630 = tpu.memref_squeeze %dma_wait3A_629 : memref<1x16x1024xf32, #tpu.memory_space<hbm>> -> memref<16x1024xf32, #tpu.memory_space<hbm>>
    %dma_wait3A_631 = arith.constant 0 : i32
    %dma_wait3A_632 = tpu.memref_slice %arg2[%dma_wait3A_627, %add3A_574, %dma_wait3A_631] : memref<4x4096x1024xf32, #tpu.memory_space<hbm>> -> memref<1x16x1024xf32, #tpu.memory_space<hbm>>
    %dma_wait3A_633 = tpu.memref_squeeze %dma_wait3A_632 : memref<1x16x1024xf32, #tpu.memory_space<hbm>> -> memref<16x1024xf32, #tpu.memory_space<hbm>>
    tpu.wait_dma2 semaphore(%arg13 : memref<!tpu.dma_semaphore, #tpu.memory_space<semaphore_mem>>) src(%dma_wait3A_633 : memref<16x1024xf32, #tpu.memory_space<hbm>>) dst(%arg8 : memref<16x1024xf32, #tpu.memory_space<vmem>>)
    %parallel_loop3A_634 = arith.constant 0 : i32
    %parallel_loop3A_635 = arith.constant 1024 : i32
    %parallel_loop3A_636 = arith.constant 1 : i32
    scf.for %parallel_loop3A_1200 = %parallel_loop3A_634 to %parallel_loop3A_635 step %parallel_loop3A_636  : i32 {
      %parallel_loop3A_1201 = arith.constant 64 : i32
      %parallel_loop3A_1202 = arith.divsi %parallel_loop3A_1200, %parallel_loop3A_1201 : i32
      %parallel_loop3A_1203 = arith.constant 0 : i32
      %parallel_loop3A_1204 = arith.cmpi sgt, %parallel_loop3A_1200, %parallel_loop3A_1203 : i32
      %parallel_loop3A_1205 = arith.extui %parallel_loop3A_1204 : i1 to i32
      %parallel_loop3A_1206 = arith.constant 0 : i32
      %parallel_loop3A_1207 = arith.cmpi slt, %parallel_loop3A_1200, %parallel_loop3A_1206 : i32
      %parallel_loop3A_1208 = arith.extui %parallel_loop3A_1207 : i1 to i32
      %parallel_loop3A_1209 = arith.subi %parallel_loop3A_1205, %parallel_loop3A_1208 : i32
      %parallel_loop3A_1210 = arith.constant 0 : i32
      %parallel_loop3A_1211 = arith.cmpi sgt, %parallel_loop3A_1201, %parallel_loop3A_1210 : i32
      %parallel_loop3A_1212 = arith.extui %parallel_loop3A_1211 : i1 to i32
      %parallel_loop3A_1213 = arith.constant 0 : i32
      %parallel_loop3A_1214 = arith.cmpi slt, %parallel_loop3A_1201, %parallel_loop3A_1213 : i32
      %parallel_loop3A_1215 = arith.extui %parallel_loop3A_1214 : i1 to i32
      %parallel_loop3A_1216 = arith.subi %parallel_loop3A_1212, %parallel_loop3A_1215 : i32
      %parallel_loop3A_1217 = arith.cmpi ne, %parallel_loop3A_1209, %parallel_loop3A_1216 : i32
      %parallel_loop3A_1218 = arith.remsi %parallel_loop3A_1200, %parallel_loop3A_1201 : i32
      %parallel_loop3A_1219 = arith.constant 0 : i32
      %parallel_loop3A_1220 = arith.cmpi ne, %parallel_loop3A_1218, %parallel_loop3A_1219 : i32
      %parallel_loop3A_1221 = arith.andi %parallel_loop3A_1217, %parallel_loop3A_1220 : i1
      %parallel_loop3A_1222 = arith.constant 1 : i32
      %parallel_loop3A_1223 = arith.subi %parallel_loop3A_1202, %parallel_loop3A_1222 : i32
      %parallel_loop3A_1224 = arith.select %parallel_loop3A_1221, %parallel_loop3A_1223, %parallel_loop3A_1202 : i32
      %parallel_loop3A_1225 = arith.constant 64 : i32
      %parallel_loop3A_1226 = arith.constant 0 : i32
      %parallel_loop3A_1227 = arith.cmpi eq, %parallel_loop3A_1225, %parallel_loop3A_1226 : i32
      %parallel_loop3A_1228 = arith.constant 1 : i32
      %parallel_loop3A_1229 = arith.select %parallel_loop3A_1227, %parallel_loop3A_1228, %parallel_loop3A_1225 : i32
      %parallel_loop3A_1230 = arith.remsi %parallel_loop3A_1200, %parallel_loop3A_1229 : i32
      %parallel_loop3A_1231 = arith.constant 0 : i32
      %parallel_loop3A_1232 = arith.cmpi ne, %parallel_loop3A_1230, %parallel_loop3A_1231 : i32
      %parallel_loop3A_1233 = arith.constant 0 : i32
      %parallel_loop3A_1234 = arith.cmpi slt, %parallel_loop3A_1230, %parallel_loop3A_1233 : i32
      %parallel_loop3A_1235 = arith.constant 0 : i32
      %parallel_loop3A_1236 = arith.cmpi slt, %parallel_loop3A_1229, %parallel_loop3A_1235 : i32
      %parallel_loop3A_1237 = arith.xori %parallel_loop3A_1234, %parallel_loop3A_1236 : i1
      %parallel_loop3A_1238 = arith.andi %parallel_loop3A_1237, %parallel_loop3A_1232 : i1
      %parallel_loop3A_1239 = arith.addi %parallel_loop3A_1230, %parallel_loop3A_1229 : i32
      %parallel_loop3A_1240 = arith.select %parallel_loop3A_1238, %parallel_loop3A_1239, %parallel_loop3A_1230 : i32
      %parallel_loop3A_1241 = arith.constant 16 : i32
      %parallel_loop3A_1242 = arith.muli %parallel_loop3A_1240, %parallel_loop3A_1241 : i32
      %parallel_loop3A_1243 = arith.index_cast %parallel_loop3A_1224 : i32 to index
      %parallel_loop3A_1244 = arith.index_cast %parallel_loop3A_1242 : i32 to index
      %parallel_loop3A_1245 = tpu.vector_load %arg5[%parallel_loop3A_1243, %parallel_loop3A_1244] {strides = array<i32>} : memref<16x1024xf32, #tpu.memory_space<vmem>>, vector<1x16xf32>,
      %parallel_loop3A_1246 = vector.shape_cast %parallel_loop3A_1245 : vector<1x16xf32> to vector<16xf32>
      %parallel_loop3A_1247 = arith.index_cast %parallel_loop3A_1224 : i32 to index
      %parallel_loop3A_1248 = arith.index_cast %parallel_loop3A_1242 : i32 to index
      %parallel_loop3A_1249 = tpu.vector_load %arg8[%parallel_loop3A_1247, %parallel_loop3A_1248] {strides = array<i32>} : memref<16x1024xf32, #tpu.memory_space<vmem>>, vector<1x16xf32>,
      %parallel_loop3A_1250 = vector.shape_cast %parallel_loop3A_1249 : vector<1x16xf32> to vector<16xf32>
      %parallel_loop3A_1251 = vector.shape_cast %parallel_loop3A_1246 : vector<16xf32> to vector<1x16xf32>
      tpu.vector_store %arg8[%parallel_loop3A_1247, %parallel_loop3A_1248], %parallel_loop3A_1251 {add = true, strides = array<i32>} : memref<16x1024xf32, #tpu.memory_space<vmem>>, vector<1x16xf32>,
    } {sc.loop_unroll_factor = 8 : i64, sc.parallel_access}
    %add3A_637 = arith.constant 64 : i32
    %add3A_638 = arith.addi %mul3A_2, %add3A_637 : i32
    %dma_start3A_639 = arith.constant 0 : i32
    %dma_start3A_640 = arith.constant 0 : i32
    %dma_start3A_641 = tpu.memref_slice %arg4[%dma_start3A_639, %add3A_638, %dma_start3A_640] : memref<4x4096x1024xf32, #tpu.memory_space<hbm>> -> memref<1x16x1024xf32, #tpu.memory_space<hbm>>
    %dma_start3A_642 = tpu.memref_squeeze %dma_start3A_641 : memref<1x16x1024xf32, #tpu.memory_space<hbm>> -> memref<16x1024xf32, #tpu.memory_space<hbm>>
    %dma_start3A_643 = arith.constant 0 : i32
    %dma_start3A_644 = tpu.memref_slice %arg4[%dma_start3A_639, %add3A_638, %dma_start3A_643] : memref<4x4096x1024xf32, #tpu.memory_space<hbm>> -> memref<1x16x1024xf32, #tpu.memory_space<hbm>>
    %dma_start3A_645 = tpu.memref_squeeze %dma_start3A_644 : memref<1x16x1024xf32, #tpu.memory_space<hbm>> -> memref<16x1024xf32, #tpu.memory_space<hbm>>
    tpu.enqueue_dma source(%arg8 : memref<16x1024xf32, #tpu.memory_space<vmem>>) target(%dma_start3A_645 : memref<16x1024xf32, #tpu.memory_space<hbm>>) target_semaphore(%arg16 : memref<!tpu.dma_semaphore, #tpu.memory_space<semaphore_mem>>)
    %dma_wait3A_646 = arith.constant 3 : i32
    %dma_wait3A_647 = arith.constant 0 : i32
    %dma_wait3A_648 = tpu.memref_slice %arg4[%dma_wait3A_646, %add3A_593, %dma_wait3A_647] : memref<4x4096x1024xf32, #tpu.memory_space<hbm>> -> memref<1x16x1024xf32, #tpu.memory_space<hbm>>
    %dma_wait3A_649 = tpu.memref_squeeze %dma_wait3A_648 : memref<1x16x1024xf32, #tpu.memory_space<hbm>> -> memref<16x1024xf32, #tpu.memory_space<hbm>>
    %dma_wait3A_650 = arith.constant 0 : i32
    %dma_wait3A_651 = tpu.memref_slice %arg4[%dma_wait3A_646, %add3A_593, %dma_wait3A_650] : memref<4x4096x1024xf32, #tpu.memory_space<hbm>> -> memref<1x16x1024xf32, #tpu.memory_space<hbm>>
    %dma_wait3A_652 = tpu.memref_squeeze %dma_wait3A_651 : memref<1x16x1024xf32, #tpu.memory_space<hbm>> -> memref<16x1024xf32, #tpu.memory_space<hbm>>
    tpu.wait_dma2 semaphore(%arg15 : memref<!tpu.dma_semaphore, #tpu.memory_space<semaphore_mem>>) src(%arg7 : memref<16x1024xf32, #tpu.memory_space<vmem>>) dst(%dma_wait3A_652 : memref<16x1024xf32, #tpu.memory_space<hbm>>)
    %add3A_653 = arith.constant 64 : i32
    %add3A_654 = arith.addi %mul3A_2, %add3A_653 : i32
    %dma_start3A_655 = arith.constant 2 : i32
    %dma_start3A_656 = arith.constant 0 : i32
    %dma_start3A_657 = tpu.memref_slice %arg2[%dma_start3A_655, %add3A_654, %dma_start3A_656] : memref<4x4096x1024xf32, #tpu.memory_space<hbm>> -> memref<1x16x1024xf32, #tpu.memory_space<hbm>>
    %dma_start3A_658 = tpu.memref_squeeze %dma_start3A_657 : memref<1x16x1024xf32, #tpu.memory_space<hbm>> -> memref<16x1024xf32, #tpu.memory_space<hbm>>
    %dma_start3A_659 = arith.constant 0 : i32
    %dma_start3A_660 = tpu.memref_slice %arg2[%dma_start3A_655, %add3A_654, %dma_start3A_659] : memref<4x4096x1024xf32, #tpu.memory_space<hbm>> -> memref<1x16x1024xf32, #tpu.memory_space<hbm>>
    %dma_start3A_661 = tpu.memref_squeeze %dma_start3A_660 : memref<1x16x1024xf32, #tpu.memory_space<hbm>> -> memref<16x1024xf32, #tpu.memory_space<hbm>>
    tpu.enqueue_dma source(%dma_start3A_661 : memref<16x1024xf32, #tpu.memory_space<hbm>>) target(%arg7 : memref<16x1024xf32, #tpu.memory_space<vmem>>) target_semaphore(%arg12 : memref<!tpu.dma_semaphore, #tpu.memory_space<semaphore_mem>>)
    %dma_wait3A_662 = arith.constant 1 : i32
    %dma_wait3A_663 = arith.constant 0 : i32
    %dma_wait3A_664 = tpu.memref_slice %arg2[%dma_wait3A_662, %add3A_609, %dma_wait3A_663] : memref<4x4096x1024xf32, #tpu.memory_space<hbm>> -> memref<1x16x1024xf32, #tpu.memory_space<hbm>>
    %dma_wait3A_665 = tpu.memref_squeeze %dma_wait3A_664 : memref<1x16x1024xf32, #tpu.memory_space<hbm>> -> memref<16x1024xf32, #tpu.memory_space<hbm>>
    %dma_wait3A_666 = arith.constant 0 : i32
    %dma_wait3A_667 = tpu.memref_slice %arg2[%dma_wait3A_662, %add3A_609, %dma_wait3A_666] : memref<4x4096x1024xf32, #tpu.memory_space<hbm>> -> memref<1x16x1024xf32, #tpu.memory_space<hbm>>
    %dma_wait3A_668 = tpu.memref_squeeze %dma_wait3A_667 : memref<1x16x1024xf32, #tpu.memory_space<hbm>> -> memref<16x1024xf32, #tpu.memory_space<hbm>>
    tpu.wait_dma2 semaphore(%arg14 : memref<!tpu.dma_semaphore, #tpu.memory_space<semaphore_mem>>) src(%dma_wait3A_668 : memref<16x1024xf32, #tpu.memory_space<hbm>>) dst(%arg9 : memref<16x1024xf32, #tpu.memory_space<vmem>>)
    %parallel_loop3A_669 = arith.constant 0 : i32
    %parallel_loop3A_670 = arith.constant 1024 : i32
    %parallel_loop3A_671 = arith.constant 1 : i32
    scf.for %parallel_loop3A_1200 = %parallel_loop3A_669 to %parallel_loop3A_670 step %parallel_loop3A_671  : i32 {
      %parallel_loop3A_1201 = arith.constant 64 : i32
      %parallel_loop3A_1202 = arith.divsi %parallel_loop3A_1200, %parallel_loop3A_1201 : i32
      %parallel_loop3A_1203 = arith.constant 0 : i32
      %parallel_loop3A_1204 = arith.cmpi sgt, %parallel_loop3A_1200, %parallel_loop3A_1203 : i32
      %parallel_loop3A_1205 = arith.extui %parallel_loop3A_1204 : i1 to i32
      %parallel_loop3A_1206 = arith.constant 0 : i32
      %parallel_loop3A_1207 = arith.cmpi slt, %parallel_loop3A_1200, %parallel_loop3A_1206 : i32
      %parallel_loop3A_1208 = arith.extui %parallel_loop3A_1207 : i1 to i32
      %parallel_loop3A_1209 = arith.subi %parallel_loop3A_1205, %parallel_loop3A_1208 : i32
      %parallel_loop3A_1210 = arith.constant 0 : i32
      %parallel_loop3A_1211 = arith.cmpi sgt, %parallel_loop3A_1201, %parallel_loop3A_1210 : i32
      %parallel_loop3A_1212 = arith.extui %parallel_loop3A_1211 : i1 to i32
      %parallel_loop3A_1213 = arith.constant 0 : i32
      %parallel_loop3A_1214 = arith.cmpi slt, %parallel_loop3A_1201, %parallel_loop3A_1213 : i32
      %parallel_loop3A_1215 = arith.extui %parallel_loop3A_1214 : i1 to i32
      %parallel_loop3A_1216 = arith.subi %parallel_loop3A_1212, %parallel_loop3A_1215 : i32
      %parallel_loop3A_1217 = arith.cmpi ne, %parallel_loop3A_1209, %parallel_loop3A_1216 : i32
      %parallel_loop3A_1218 = arith.remsi %parallel_loop3A_1200, %parallel_loop3A_1201 : i32
      %parallel_loop3A_1219 = arith.constant 0 : i32
      %parallel_loop3A_1220 = arith.cmpi ne, %parallel_loop3A_1218, %parallel_loop3A_1219 : i32
      %parallel_loop3A_1221 = arith.andi %parallel_loop3A_1217, %parallel_loop3A_1220 : i1
      %parallel_loop3A_1222 = arith.constant 1 : i32
      %parallel_loop3A_1223 = arith.subi %parallel_loop3A_1202, %parallel_loop3A_1222 : i32
      %parallel_loop3A_1224 = arith.select %parallel_loop3A_1221, %parallel_loop3A_1223, %parallel_loop3A_1202 : i32
      %parallel_loop3A_1225 = arith.constant 64 : i32
      %parallel_loop3A_1226 = arith.constant 0 : i32
      %parallel_loop3A_1227 = arith.cmpi eq, %parallel_loop3A_1225, %parallel_loop3A_1226 : i32
      %parallel_loop3A_1228 = arith.constant 1 : i32
      %parallel_loop3A_1229 = arith.select %parallel_loop3A_1227, %parallel_loop3A_1228, %parallel_loop3A_1225 : i32
      %parallel_loop3A_1230 = arith.remsi %parallel_loop3A_1200, %parallel_loop3A_1229 : i32
      %parallel_loop3A_1231 = arith.constant 0 : i32
      %parallel_loop3A_1232 = arith.cmpi ne, %parallel_loop3A_1230, %parallel_loop3A_1231 : i32
      %parallel_loop3A_1233 = arith.constant 0 : i32
      %parallel_loop3A_1234 = arith.cmpi slt, %parallel_loop3A_1230, %parallel_loop3A_1233 : i32
      %parallel_loop3A_1235 = arith.constant 0 : i32
      %parallel_loop3A_1236 = arith.cmpi slt, %parallel_loop3A_1229, %parallel_loop3A_1235 : i32
      %parallel_loop3A_1237 = arith.xori %parallel_loop3A_1234, %parallel_loop3A_1236 : i1
      %parallel_loop3A_1238 = arith.andi %parallel_loop3A_1237, %parallel_loop3A_1232 : i1
      %parallel_loop3A_1239 = arith.addi %parallel_loop3A_1230, %parallel_loop3A_1229 : i32
      %parallel_loop3A_1240 = arith.select %parallel_loop3A_1238, %parallel_loop3A_1239, %parallel_loop3A_1230 : i32
      %parallel_loop3A_1241 = arith.constant 16 : i32
      %parallel_loop3A_1242 = arith.muli %parallel_loop3A_1240, %parallel_loop3A_1241 : i32
      %parallel_loop3A_1243 = arith.index_cast %parallel_loop3A_1224 : i32 to index
      %parallel_loop3A_1244 = arith.index_cast %parallel_loop3A_1242 : i32 to index
      %parallel_loop3A_1245 = tpu.vector_load %arg5[%parallel_loop3A_1243, %parallel_loop3A_1244] {strides = array<i32>} : memref<16x1024xf32, #tpu.memory_space<vmem>>, vector<1x16xf32>,
      %parallel_loop3A_1246 = vector.shape_cast %parallel_loop3A_1245 : vector<1x16xf32> to vector<16xf32>
      %parallel_loop3A_1247 = arith.index_cast %parallel_loop3A_1224 : i32 to index
      %parallel_loop3A_1248 = arith.index_cast %parallel_loop3A_1242 : i32 to index
      %parallel_loop3A_1249 = tpu.vector_load %arg9[%parallel_loop3A_1247, %parallel_loop3A_1248] {strides = array<i32>} : memref<16x1024xf32, #tpu.memory_space<vmem>>, vector<1x16xf32>,
      %parallel_loop3A_1250 = vector.shape_cast %parallel_loop3A_1249 : vector<1x16xf32> to vector<16xf32>
      %parallel_loop3A_1251 = vector.shape_cast %parallel_loop3A_1246 : vector<16xf32> to vector<1x16xf32>
      tpu.vector_store %arg9[%parallel_loop3A_1247, %parallel_loop3A_1248], %parallel_loop3A_1251 {add = true, strides = array<i32>} : memref<16x1024xf32, #tpu.memory_space<vmem>>, vector<1x16xf32>,
    } {sc.loop_unroll_factor = 8 : i64, sc.parallel_access}
    %add3A_672 = arith.constant 64 : i32
    %add3A_673 = arith.addi %mul3A_2, %add3A_672 : i32
    %dma_start3A_674 = arith.constant 1 : i32
    %dma_start3A_675 = arith.constant 0 : i32
    %dma_start3A_676 = tpu.memref_slice %arg4[%dma_start3A_674, %add3A_673, %dma_start3A_675] : memref<4x4096x1024xf32, #tpu.memory_space<hbm>> -> memref<1x16x1024xf32, #tpu.memory_space<hbm>>
    %dma_start3A_677 = tpu.memref_squeeze %dma_start3A_676 : memref<1x16x1024xf32, #tpu.memory_space<hbm>> -> memref<16x1024xf32, #tpu.memory_space<hbm>>
    %dma_start3A_678 = arith.constant 0 : i32
    %dma_start3A_679 = tpu.memref_slice %arg4[%dma_start3A_674, %add3A_673, %dma_start3A_678] : memref<4x4096x1024xf32, #tpu.memory_space<hbm>> -> memref<1x16x1024xf32, #tpu.memory_space<hbm>>
    %dma_start3A_680 = tpu.memref_squeeze %dma_start3A_679 : memref<1x16x1024xf32, #tpu.memory_space<hbm>> -> memref<16x1024xf32, #tpu.memory_space<hbm>>
    tpu.enqueue_dma source(%arg9 : memref<16x1024xf32, #tpu.memory_space<vmem>>) target(%dma_start3A_680 : memref<16x1024xf32, #tpu.memory_space<hbm>>) target_semaphore(%arg17 : memref<!tpu.dma_semaphore, #tpu.memory_space<semaphore_mem>>)
    %dma_wait3A_681 = arith.constant 0 : i32
    %dma_wait3A_682 = arith.constant 0 : i32
    %dma_wait3A_683 = tpu.memref_slice %arg4[%dma_wait3A_681, %add3A_638, %dma_wait3A_682] : memref<4x4096x1024xf32, #tpu.memory_space<hbm>> -> memref<1x16x1024xf32, #tpu.memory_space<hbm>>
    %dma_wait3A_684 = tpu.memref_squeeze %dma_wait3A_683 : memref<1x16x1024xf32, #tpu.memory_space<hbm>> -> memref<16x1024xf32, #tpu.memory_space<hbm>>
    %dma_wait3A_685 = arith.constant 0 : i32
    %dma_wait3A_686 = tpu.memref_slice %arg4[%dma_wait3A_681, %add3A_638, %dma_wait3A_685] : memref<4x4096x1024xf32, #tpu.memory_space<hbm>> -> memref<1x16x1024xf32, #tpu.memory_space<hbm>>
    %dma_wait3A_687 = tpu.memref_squeeze %dma_wait3A_686 : memref<1x16x1024xf32, #tpu.memory_space<hbm>> -> memref<16x1024xf32, #tpu.memory_space<hbm>>
    tpu.wait_dma2 semaphore(%arg16 : memref<!tpu.dma_semaphore, #tpu.memory_space<semaphore_mem>>) src(%arg8 : memref<16x1024xf32, #tpu.memory_space<vmem>>) dst(%dma_wait3A_687 : memref<16x1024xf32, #tpu.memory_space<hbm>>)
    %add3A_688 = arith.constant 64 : i32
    %add3A_689 = arith.addi %mul3A_2, %add3A_688 : i32
    %dma_start3A_690 = arith.constant 3 : i32
    %dma_start3A_691 = arith.constant 0 : i32
    %dma_start3A_692 = tpu.memref_slice %arg2[%dma_start3A_690, %add3A_689, %dma_start3A_691] : memref<4x4096x1024xf32, #tpu.memory_space<hbm>> -> memref<1x16x1024xf32, #tpu.memory_space<hbm>>
    %dma_start3A_693 = tpu.memref_squeeze %dma_start3A_692 : memref<1x16x1024xf32, #tpu.memory_space<hbm>> -> memref<16x1024xf32, #tpu.memory_space<hbm>>
    %dma_start3A_694 = arith.constant 0 : i32
    %dma_start3A_695 = tpu.memref_slice %arg2[%dma_start3A_690, %add3A_689, %dma_start3A_694] : memref<4x4096x1024xf32, #tpu.memory_space<hbm>> -> memref<1x16x1024xf32, #tpu.memory_space<hbm>>
    %dma_start3A_696 = tpu.memref_squeeze %dma_start3A_695 : memref<1x16x1024xf32, #tpu.memory_space<hbm>> -> memref<16x1024xf32, #tpu.memory_space<hbm>>
    tpu.enqueue_dma source(%dma_start3A_696 : memref<16x1024xf32, #tpu.memory_space<hbm>>) target(%arg8 : memref<16x1024xf32, #tpu.memory_space<vmem>>) target_semaphore(%arg13 : memref<!tpu.dma_semaphore, #tpu.memory_space<semaphore_mem>>)
    %dma_wait3A_697 = arith.constant 2 : i32
    %dma_wait3A_698 = arith.constant 0 : i32
    %dma_wait3A_699 = tpu.memref_slice %arg2[%dma_wait3A_697, %add3A_654, %dma_wait3A_698] : memref<4x4096x1024xf32, #tpu.memory_space<hbm>> -> memref<1x16x1024xf32, #tpu.memory_space<hbm>>
    %dma_wait3A_700 = tpu.memref_squeeze %dma_wait3A_699 : memref<1x16x1024xf32, #tpu.memory_space<hbm>> -> memref<16x1024xf32, #tpu.memory_space<hbm>>
    %dma_wait3A_701 = arith.constant 0 : i32
    %dma_wait3A_702 = tpu.memref_slice %arg2[%dma_wait3A_697, %add3A_654, %dma_wait3A_701] : memref<4x4096x1024xf32, #tpu.memory_space<hbm>> -> memref<1x16x1024xf32, #tpu.memory_space<hbm>>
    %dma_wait3A_703 = tpu.memref_squeeze %dma_wait3A_702 : memref<1x16x1024xf32, #tpu.memory_space<hbm>> -> memref<16x1024xf32, #tpu.memory_space<hbm>>
    tpu.wait_dma2 semaphore(%arg12 : memref<!tpu.dma_semaphore, #tpu.memory_space<semaphore_mem>>) src(%dma_wait3A_703 : memref<16x1024xf32, #tpu.memory_space<hbm>>) dst(%arg7 : memref<16x1024xf32, #tpu.memory_space<vmem>>)
    %parallel_loop3A_704 = arith.constant 0 : i32
    %parallel_loop3A_705 = arith.constant 1024 : i32
    %parallel_loop3A_706 = arith.constant 1 : i32
    scf.for %parallel_loop3A_1200 = %parallel_loop3A_704 to %parallel_loop3A_705 step %parallel_loop3A_706  : i32 {
      %parallel_loop3A_1201 = arith.constant 64 : i32
      %parallel_loop3A_1202 = arith.divsi %parallel_loop3A_1200, %parallel_loop3A_1201 : i32
      %parallel_loop3A_1203 = arith.constant 0 : i32
      %parallel_loop3A_1204 = arith.cmpi sgt, %parallel_loop3A_1200, %parallel_loop3A_1203 : i32
      %parallel_loop3A_1205 = arith.extui %parallel_loop3A_1204 : i1 to i32
      %parallel_loop3A_1206 = arith.constant 0 : i32
      %parallel_loop3A_1207 = arith.cmpi slt, %parallel_loop3A_1200, %parallel_loop3A_1206 : i32
      %parallel_loop3A_1208 = arith.extui %parallel_loop3A_1207 : i1 to i32
      %parallel_loop3A_1209 = arith.subi %parallel_loop3A_1205, %parallel_loop3A_1208 : i32
      %parallel_loop3A_1210 = arith.constant 0 : i32
      %parallel_loop3A_1211 = arith.cmpi sgt, %parallel_loop3A_1201, %parallel_loop3A_1210 : i32
      %parallel_loop3A_1212 = arith.extui %parallel_loop3A_1211 : i1 to i32
      %parallel_loop3A_1213 = arith.constant 0 : i32
      %parallel_loop3A_1214 = arith.cmpi slt, %parallel_loop3A_1201, %parallel_loop3A_1213 : i32
      %parallel_loop3A_1215 = arith.extui %parallel_loop3A_1214 : i1 to i32
      %parallel_loop3A_1216 = arith.subi %parallel_loop3A_1212, %parallel_loop3A_1215 : i32
      %parallel_loop3A_1217 = arith.cmpi ne, %parallel_loop3A_1209, %parallel_loop3A_1216 : i32
      %parallel_loop3A_1218 = arith.remsi %parallel_loop3A_1200, %parallel_loop3A_1201 : i32
      %parallel_loop3A_1219 = arith.constant 0 : i32
      %parallel_loop3A_1220 = arith.cmpi ne, %parallel_loop3A_1218, %parallel_loop3A_1219 : i32
      %parallel_loop3A_1221 = arith.andi %parallel_loop3A_1217, %parallel_loop3A_1220 : i1
      %parallel_loop3A_1222 = arith.constant 1 : i32
      %parallel_loop3A_1223 = arith.subi %parallel_loop3A_1202, %parallel_loop3A_1222 : i32
      %parallel_loop3A_1224 = arith.select %parallel_loop3A_1221, %parallel_loop3A_1223, %parallel_loop3A_1202 : i32
      %parallel_loop3A_1225 = arith.constant 64 : i32
      %parallel_loop3A_1226 = arith.constant 0 : i32
      %parallel_loop3A_1227 = arith.cmpi eq, %parallel_loop3A_1225, %parallel_loop3A_1226 : i32
      %parallel_loop3A_1228 = arith.constant 1 : i32
      %parallel_loop3A_1229 = arith.select %parallel_loop3A_1227, %parallel_loop3A_1228, %parallel_loop3A_1225 : i32
      %parallel_loop3A_1230 = arith.remsi %parallel_loop3A_1200, %parallel_loop3A_1229 : i32
      %parallel_loop3A_1231 = arith.constant 0 : i32
      %parallel_loop3A_1232 = arith.cmpi ne, %parallel_loop3A_1230, %parallel_loop3A_1231 : i32
      %parallel_loop3A_1233 = arith.constant 0 : i32
      %parallel_loop3A_1234 = arith.cmpi slt, %parallel_loop3A_1230, %parallel_loop3A_1233 : i32
      %parallel_loop3A_1235 = arith.constant 0 : i32
      %parallel_loop3A_1236 = arith.cmpi slt, %parallel_loop3A_1229, %parallel_loop3A_1235 : i32
      %parallel_loop3A_1237 = arith.xori %parallel_loop3A_1234, %parallel_loop3A_1236 : i1
      %parallel_loop3A_1238 = arith.andi %parallel_loop3A_1237, %parallel_loop3A_1232 : i1
      %parallel_loop3A_1239 = arith.addi %parallel_loop3A_1230, %parallel_loop3A_1229 : i32
      %parallel_loop3A_1240 = arith.select %parallel_loop3A_1238, %parallel_loop3A_1239, %parallel_loop3A_1230 : i32
      %parallel_loop3A_1241 = arith.constant 16 : i32
      %parallel_loop3A_1242 = arith.muli %parallel_loop3A_1240, %parallel_loop3A_1241 : i32
      %parallel_loop3A_1243 = arith.index_cast %parallel_loop3A_1224 : i32 to index
      %parallel_loop3A_1244 = arith.index_cast %parallel_loop3A_1242 : i32 to index
      %parallel_loop3A_1245 = tpu.vector_load %arg5[%parallel_loop3A_1243, %parallel_loop3A_1244] {strides = array<i32>} : memref<16x1024xf32, #tpu.memory_space<vmem>>, vector<1x16xf32>,
      %parallel_loop3A_1246 = vector.shape_cast %parallel_loop3A_1245 : vector<1x16xf32> to vector<16xf32>
      %parallel_loop3A_1247 = arith.index_cast %parallel_loop3A_1224 : i32 to index
      %parallel_loop3A_1248 = arith.index_cast %parallel_loop3A_1242 : i32 to index
      %parallel_loop3A_1249 = tpu.vector_load %arg7[%parallel_loop3A_1247, %parallel_loop3A_1248] {strides = array<i32>} : memref<16x1024xf32, #tpu.memory_space<vmem>>, vector<1x16xf32>,
      %parallel_loop3A_1250 = vector.shape_cast %parallel_loop3A_1249 : vector<1x16xf32> to vector<16xf32>
      %parallel_loop3A_1251 = vector.shape_cast %parallel_loop3A_1246 : vector<16xf32> to vector<1x16xf32>
      tpu.vector_store %arg7[%parallel_loop3A_1247, %parallel_loop3A_1248], %parallel_loop3A_1251 {add = true, strides = array<i32>} : memref<16x1024xf32, #tpu.memory_space<vmem>>, vector<1x16xf32>,
    } {sc.loop_unroll_factor = 8 : i64, sc.parallel_access}
    %add3A_707 = arith.constant 64 : i32
    %add3A_708 = arith.addi %mul3A_2, %add3A_707 : i32
    %dma_start3A_709 = arith.constant 2 : i32
    %dma_start3A_710 = arith.constant 0 : i32
    %dma_start3A_711 = tpu.memref_slice %arg4[%dma_start3A_709, %add3A_708, %dma_start3A_710] : memref<4x4096x1024xf32, #tpu.memory_space<hbm>> -> memref<1x16x1024xf32, #tpu.memory_space<hbm>>
    %dma_start3A_712 = tpu.memref_squeeze %dma_start3A_711 : memref<1x16x1024xf32, #tpu.memory_space<hbm>> -> memref<16x1024xf32, #tpu.memory_space<hbm>>
    %dma_start3A_713 = arith.constant 0 : i32
    %dma_start3A_714 = tpu.memref_slice %arg4[%dma_start3A_709, %add3A_708, %dma_start3A_713] : memref<4x4096x1024xf32, #tpu.memory_space<hbm>> -> memref<1x16x1024xf32, #tpu.memory_space<hbm>>
    %dma_start3A_715 = tpu.memref_squeeze %dma_start3A_714 : memref<1x16x1024xf32, #tpu.memory_space<hbm>> -> memref<16x1024xf32, #tpu.memory_space<hbm>>
    tpu.enqueue_dma source(%arg7 : memref<16x1024xf32, #tpu.memory_space<vmem>>) target(%dma_start3A_715 : memref<16x1024xf32, #tpu.memory_space<hbm>>) target_semaphore(%arg15 : memref<!tpu.dma_semaphore, #tpu.memory_space<semaphore_mem>>)
    %dma_wait3A_716 = arith.constant 1 : i32
    %dma_wait3A_717 = arith.constant 0 : i32
    %dma_wait3A_718 = tpu.memref_slice %arg4[%dma_wait3A_716, %add3A_673, %dma_wait3A_717] : memref<4x4096x1024xf32, #tpu.memory_space<hbm>> -> memref<1x16x1024xf32, #tpu.memory_space<hbm>>
    %dma_wait3A_719 = tpu.memref_squeeze %dma_wait3A_718 : memref<1x16x1024xf32, #tpu.memory_space<hbm>> -> memref<16x1024xf32, #tpu.memory_space<hbm>>
    %dma_wait3A_720 = arith.constant 0 : i32
    %dma_wait3A_721 = tpu.memref_slice %arg4[%dma_wait3A_716, %add3A_673, %dma_wait3A_720] : memref<4x4096x1024xf32, #tpu.memory_space<hbm>> -> memref<1x16x1024xf32, #tpu.memory_space<hbm>>
    %dma_wait3A_722 = tpu.memref_squeeze %dma_wait3A_721 : memref<1x16x1024xf32, #tpu.memory_space<hbm>> -> memref<16x1024xf32, #tpu.memory_space<hbm>>
    tpu.wait_dma2 semaphore(%arg17 : memref<!tpu.dma_semaphore, #tpu.memory_space<semaphore_mem>>) src(%arg9 : memref<16x1024xf32, #tpu.memory_space<vmem>>) dst(%dma_wait3A_722 : memref<16x1024xf32, #tpu.memory_space<hbm>>)
    %add3A_723 = arith.constant 80 : i32
    %add3A_724 = arith.addi %mul3A_2, %add3A_723 : i32
    %dma_start3A_725 = arith.constant 0 : i32
    %dma_start3A_726 = arith.constant 0 : i32
    %dma_start3A_727 = tpu.memref_slice %arg2[%dma_start3A_725, %add3A_724, %dma_start3A_726] : memref<4x4096x1024xf32, #tpu.memory_space<hbm>> -> memref<1x16x1024xf32, #tpu.memory_space<hbm>>
    %dma_start3A_728 = tpu.memref_squeeze %dma_start3A_727 : memref<1x16x1024xf32, #tpu.memory_space<hbm>> -> memref<16x1024xf32, #tpu.memory_space<hbm>>
    %dma_start3A_729 = arith.constant 0 : i32
    %dma_start3A_730 = tpu.memref_slice %arg2[%dma_start3A_725, %add3A_724, %dma_start3A_729] : memref<4x4096x1024xf32, #tpu.memory_space<hbm>> -> memref<1x16x1024xf32, #tpu.memory_space<hbm>>
    %dma_start3A_731 = tpu.memref_squeeze %dma_start3A_730 : memref<1x16x1024xf32, #tpu.memory_space<hbm>> -> memref<16x1024xf32, #tpu.memory_space<hbm>>
    tpu.enqueue_dma source(%dma_start3A_731 : memref<16x1024xf32, #tpu.memory_space<hbm>>) target(%arg9 : memref<16x1024xf32, #tpu.memory_space<vmem>>) target_semaphore(%arg14 : memref<!tpu.dma_semaphore, #tpu.memory_space<semaphore_mem>>)
    %dma_wait3A_732 = arith.constant 3 : i32
    %dma_wait3A_733 = arith.constant 0 : i32
    %dma_wait3A_734 = tpu.memref_slice %arg2[%dma_wait3A_732, %add3A_689, %dma_wait3A_733] : memref<4x4096x1024xf32, #tpu.memory_space<hbm>> -> memref<1x16x1024xf32, #tpu.memory_space<hbm>>
    %dma_wait3A_735 = tpu.memref_squeeze %dma_wait3A_734 : memref<1x16x1024xf32, #tpu.memory_space<hbm>> -> memref<16x1024xf32, #tpu.memory_space<hbm>>
    %dma_wait3A_736 = arith.constant 0 : i32
    %dma_wait3A_737 = tpu.memref_slice %arg2[%dma_wait3A_732, %add3A_689, %dma_wait3A_736] : memref<4x4096x1024xf32, #tpu.memory_space<hbm>> -> memref<1x16x1024xf32, #tpu.memory_space<hbm>>
    %dma_wait3A_738 = tpu.memref_squeeze %dma_wait3A_737 : memref<1x16x1024xf32, #tpu.memory_space<hbm>> -> memref<16x1024xf32, #tpu.memory_space<hbm>>
    tpu.wait_dma2 semaphore(%arg13 : memref<!tpu.dma_semaphore, #tpu.memory_space<semaphore_mem>>) src(%dma_wait3A_738 : memref<16x1024xf32, #tpu.memory_space<hbm>>) dst(%arg8 : memref<16x1024xf32, #tpu.memory_space<vmem>>)
    %parallel_loop3A_739 = arith.constant 0 : i32
    %parallel_loop3A_740 = arith.constant 1024 : i32
    %parallel_loop3A_741 = arith.constant 1 : i32
    scf.for %parallel_loop3A_1200 = %parallel_loop3A_739 to %parallel_loop3A_740 step %parallel_loop3A_741  : i32 {
      %parallel_loop3A_1201 = arith.constant 64 : i32
      %parallel_loop3A_1202 = arith.divsi %parallel_loop3A_1200, %parallel_loop3A_1201 : i32
      %parallel_loop3A_1203 = arith.constant 0 : i32
      %parallel_loop3A_1204 = arith.cmpi sgt, %parallel_loop3A_1200, %parallel_loop3A_1203 : i32
      %parallel_loop3A_1205 = arith.extui %parallel_loop3A_1204 : i1 to i32
      %parallel_loop3A_1206 = arith.constant 0 : i32
      %parallel_loop3A_1207 = arith.cmpi slt, %parallel_loop3A_1200, %parallel_loop3A_1206 : i32
      %parallel_loop3A_1208 = arith.extui %parallel_loop3A_1207 : i1 to i32
      %parallel_loop3A_1209 = arith.subi %parallel_loop3A_1205, %parallel_loop3A_1208 : i32
      %parallel_loop3A_1210 = arith.constant 0 : i32
      %parallel_loop3A_1211 = arith.cmpi sgt, %parallel_loop3A_1201, %parallel_loop3A_1210 : i32
      %parallel_loop3A_1212 = arith.extui %parallel_loop3A_1211 : i1 to i32
      %parallel_loop3A_1213 = arith.constant 0 : i32
      %parallel_loop3A_1214 = arith.cmpi slt, %parallel_loop3A_1201, %parallel_loop3A_1213 : i32
      %parallel_loop3A_1215 = arith.extui %parallel_loop3A_1214 : i1 to i32
      %parallel_loop3A_1216 = arith.subi %parallel_loop3A_1212, %parallel_loop3A_1215 : i32
      %parallel_loop3A_1217 = arith.cmpi ne, %parallel_loop3A_1209, %parallel_loop3A_1216 : i32
      %parallel_loop3A_1218 = arith.remsi %parallel_loop3A_1200, %parallel_loop3A_1201 : i32
      %parallel_loop3A_1219 = arith.constant 0 : i32
      %parallel_loop3A_1220 = arith.cmpi ne, %parallel_loop3A_1218, %parallel_loop3A_1219 : i32
      %parallel_loop3A_1221 = arith.andi %parallel_loop3A_1217, %parallel_loop3A_1220 : i1
      %parallel_loop3A_1222 = arith.constant 1 : i32
      %parallel_loop3A_1223 = arith.subi %parallel_loop3A_1202, %parallel_loop3A_1222 : i32
      %parallel_loop3A_1224 = arith.select %parallel_loop3A_1221, %parallel_loop3A_1223, %parallel_loop3A_1202 : i32
      %parallel_loop3A_1225 = arith.constant 64 : i32
      %parallel_loop3A_1226 = arith.constant 0 : i32
      %parallel_loop3A_1227 = arith.cmpi eq, %parallel_loop3A_1225, %parallel_loop3A_1226 : i32
      %parallel_loop3A_1228 = arith.constant 1 : i32
      %parallel_loop3A_1229 = arith.select %parallel_loop3A_1227, %parallel_loop3A_1228, %parallel_loop3A_1225 : i32
      %parallel_loop3A_1230 = arith.remsi %parallel_loop3A_1200, %parallel_loop3A_1229 : i32
      %parallel_loop3A_1231 = arith.constant 0 : i32
      %parallel_loop3A_1232 = arith.cmpi ne, %parallel_loop3A_1230, %parallel_loop3A_1231 : i32
      %parallel_loop3A_1233 = arith.constant 0 : i32
      %parallel_loop3A_1234 = arith.cmpi slt, %parallel_loop3A_1230, %parallel_loop3A_1233 : i32
      %parallel_loop3A_1235 = arith.constant 0 : i32
      %parallel_loop3A_1236 = arith.cmpi slt, %parallel_loop3A_1229, %parallel_loop3A_1235 : i32
      %parallel_loop3A_1237 = arith.xori %parallel_loop3A_1234, %parallel_loop3A_1236 : i1
      %parallel_loop3A_1238 = arith.andi %parallel_loop3A_1237, %parallel_loop3A_1232 : i1
      %parallel_loop3A_1239 = arith.addi %parallel_loop3A_1230, %parallel_loop3A_1229 : i32
      %parallel_loop3A_1240 = arith.select %parallel_loop3A_1238, %parallel_loop3A_1239, %parallel_loop3A_1230 : i32
      %parallel_loop3A_1241 = arith.constant 16 : i32
      %parallel_loop3A_1242 = arith.muli %parallel_loop3A_1240, %parallel_loop3A_1241 : i32
      %parallel_loop3A_1243 = arith.index_cast %parallel_loop3A_1224 : i32 to index
      %parallel_loop3A_1244 = arith.index_cast %parallel_loop3A_1242 : i32 to index
      %parallel_loop3A_1245 = tpu.vector_load %arg5[%parallel_loop3A_1243, %parallel_loop3A_1244] {strides = array<i32>} : memref<16x1024xf32, #tpu.memory_space<vmem>>, vector<1x16xf32>,
      %parallel_loop3A_1246 = vector.shape_cast %parallel_loop3A_1245 : vector<1x16xf32> to vector<16xf32>
      %parallel_loop3A_1247 = arith.index_cast %parallel_loop3A_1224 : i32 to index
      %parallel_loop3A_1248 = arith.index_cast %parallel_loop3A_1242 : i32 to index
      %parallel_loop3A_1249 = tpu.vector_load %arg8[%parallel_loop3A_1247, %parallel_loop3A_1248] {strides = array<i32>} : memref<16x1024xf32, #tpu.memory_space<vmem>>, vector<1x16xf32>,
      %parallel_loop3A_1250 = vector.shape_cast %parallel_loop3A_1249 : vector<1x16xf32> to vector<16xf32>
      %parallel_loop3A_1251 = vector.shape_cast %parallel_loop3A_1246 : vector<16xf32> to vector<1x16xf32>
      tpu.vector_store %arg8[%parallel_loop3A_1247, %parallel_loop3A_1248], %parallel_loop3A_1251 {add = true, strides = array<i32>} : memref<16x1024xf32, #tpu.memory_space<vmem>>, vector<1x16xf32>,
    } {sc.loop_unroll_factor = 8 : i64, sc.parallel_access}
    %add3A_742 = arith.constant 64 : i32
    %add3A_743 = arith.addi %mul3A_2, %add3A_742 : i32
    %dma_start3A_744 = arith.constant 3 : i32
    %dma_start3A_745 = arith.constant 0 : i32
    %dma_start3A_746 = tpu.memref_slice %arg4[%dma_start3A_744, %add3A_743, %dma_start3A_745] : memref<4x4096x1024xf32, #tpu.memory_space<hbm>> -> memref<1x16x1024xf32, #tpu.memory_space<hbm>>
    %dma_start3A_747 = tpu.memref_squeeze %dma_start3A_746 : memref<1x16x1024xf32, #tpu.memory_space<hbm>> -> memref<16x1024xf32, #tpu.memory_space<hbm>>
    %dma_start3A_748 = arith.constant 0 : i32
    %dma_start3A_749 = tpu.memref_slice %arg4[%dma_start3A_744, %add3A_743, %dma_start3A_748] : memref<4x4096x1024xf32, #tpu.memory_space<hbm>> -> memref<1x16x1024xf32, #tpu.memory_space<hbm>>
    %dma_start3A_750 = tpu.memref_squeeze %dma_start3A_749 : memref<1x16x1024xf32, #tpu.memory_space<hbm>> -> memref<16x1024xf32, #tpu.memory_space<hbm>>
    tpu.enqueue_dma source(%arg8 : memref<16x1024xf32, #tpu.memory_space<vmem>>) target(%dma_start3A_750 : memref<16x1024xf32, #tpu.memory_space<hbm>>) target_semaphore(%arg16 : memref<!tpu.dma_semaphore, #tpu.memory_space<semaphore_mem>>)
    %dma_wait3A_751 = arith.constant 2 : i32
    %dma_wait3A_752 = arith.constant 0 : i32
    %dma_wait3A_753 = tpu.memref_slice %arg4[%dma_wait3A_751, %add3A_708, %dma_wait3A_752] : memref<4x4096x1024xf32, #tpu.memory_space<hbm>> -> memref<1x16x1024xf32, #tpu.memory_space<hbm>>
    %dma_wait3A_754 = tpu.memref_squeeze %dma_wait3A_753 : memref<1x16x1024xf32, #tpu.memory_space<hbm>> -> memref<16x1024xf32, #tpu.memory_space<hbm>>
    %dma_wait3A_755 = arith.constant 0 : i32
    %dma_wait3A_756 = tpu.memref_slice %arg4[%dma_wait3A_751, %add3A_708, %dma_wait3A_755] : memref<4x4096x1024xf32, #tpu.memory_space<hbm>> -> memref<1x16x1024xf32, #tpu.memory_space<hbm>>
    %dma_wait3A_757 = tpu.memref_squeeze %dma_wait3A_756 : memref<1x16x1024xf32, #tpu.memory_space<hbm>> -> memref<16x1024xf32, #tpu.memory_space<hbm>>
    tpu.wait_dma2 semaphore(%arg15 : memref<!tpu.dma_semaphore, #tpu.memory_space<semaphore_mem>>) src(%arg7 : memref<16x1024xf32, #tpu.memory_space<vmem>>) dst(%dma_wait3A_757 : memref<16x1024xf32, #tpu.memory_space<hbm>>)
    %add3A_758 = arith.constant 80 : i32
    %add3A_759 = arith.addi %mul3A_2, %add3A_758 : i32
    %dma_start3A_760 = arith.constant 1 : i32
    %dma_start3A_761 = arith.constant 0 : i32
    %dma_start3A_762 = tpu.memref_slice %arg2[%dma_start3A_760, %add3A_759, %dma_start3A_761] : memref<4x4096x1024xf32, #tpu.memory_space<hbm>> -> memref<1x16x1024xf32, #tpu.memory_space<hbm>>
    %dma_start3A_763 = tpu.memref_squeeze %dma_start3A_762 : memref<1x16x1024xf32, #tpu.memory_space<hbm>> -> memref<16x1024xf32, #tpu.memory_space<hbm>>
    %dma_start3A_764 = arith.constant 0 : i32
    %dma_start3A_765 = tpu.memref_slice %arg2[%dma_start3A_760, %add3A_759, %dma_start3A_764] : memref<4x4096x1024xf32, #tpu.memory_space<hbm>> -> memref<1x16x1024xf32, #tpu.memory_space<hbm>>
    %dma_start3A_766 = tpu.memref_squeeze %dma_start3A_765 : memref<1x16x1024xf32, #tpu.memory_space<hbm>> -> memref<16x1024xf32, #tpu.memory_space<hbm>>
    tpu.enqueue_dma source(%dma_start3A_766 : memref<16x1024xf32, #tpu.memory_space<hbm>>) target(%arg7 : memref<16x1024xf32, #tpu.memory_space<vmem>>) target_semaphore(%arg12 : memref<!tpu.dma_semaphore, #tpu.memory_space<semaphore_mem>>)
    %add3A_767 = arith.constant 96 : i32
    %add3A_768 = arith.addi %mul3A_2, %add3A_767 : i32
    %dma_start3A_769 = arith.constant 0 : i32
    %dma_start3A_770 = tpu.memref_slice %arg3[%add3A_768, %dma_start3A_769] : memref<4098x1024xf32, #tpu.memory_space<hbm>> -> memref<16x1024xf32, #tpu.memory_space<hbm>>
    %dma_start3A_771 = arith.constant 0 : i32
    %dma_start3A_772 = tpu.memref_slice %arg3[%add3A_768, %dma_start3A_771] : memref<4098x1024xf32, #tpu.memory_space<hbm>> -> memref<16x1024xf32, #tpu.memory_space<hbm>>
    tpu.enqueue_dma source(%dma_start3A_772 : memref<16x1024xf32, #tpu.memory_space<hbm>>) target(%arg5 : memref<16x1024xf32, #tpu.memory_space<vmem>>) target_semaphore(%arg10 : memref<!tpu.dma_semaphore, #tpu.memory_space<semaphore_mem>>)
    %dma_wait3A_773 = arith.constant 0 : i32
    %dma_wait3A_774 = tpu.memref_slice %arg3[%add3A_618, %dma_wait3A_773] : memref<4098x1024xf32, #tpu.memory_space<hbm>> -> memref<16x1024xf32, #tpu.memory_space<hbm>>
    %dma_wait3A_775 = arith.constant 0 : i32
    %dma_wait3A_776 = tpu.memref_slice %arg3[%add3A_618, %dma_wait3A_775] : memref<4098x1024xf32, #tpu.memory_space<hbm>> -> memref<16x1024xf32, #tpu.memory_space<hbm>>
    tpu.wait_dma2 semaphore(%arg11 : memref<!tpu.dma_semaphore, #tpu.memory_space<semaphore_mem>>) src(%dma_wait3A_776 : memref<16x1024xf32, #tpu.memory_space<hbm>>) dst(%arg6 : memref<16x1024xf32, #tpu.memory_space<vmem>>)
    %dma_wait3A_777 = arith.constant 0 : i32
    %dma_wait3A_778 = arith.constant 0 : i32
    %dma_wait3A_779 = tpu.memref_slice %arg2[%dma_wait3A_777, %add3A_724, %dma_wait3A_778] : memref<4x4096x1024xf32, #tpu.memory_space<hbm>> -> memref<1x16x1024xf32, #tpu.memory_space<hbm>>
    %dma_wait3A_780 = tpu.memref_squeeze %dma_wait3A_779 : memref<1x16x1024xf32, #tpu.memory_space<hbm>> -> memref<16x1024xf32, #tpu.memory_space<hbm>>
    %dma_wait3A_781 = arith.constant 0 : i32
    %dma_wait3A_782 = tpu.memref_slice %arg2[%dma_wait3A_777, %add3A_724, %dma_wait3A_781] : memref<4x4096x1024xf32, #tpu.memory_space<hbm>> -> memref<1x16x1024xf32, #tpu.memory_space<hbm>>
    %dma_wait3A_783 = tpu.memref_squeeze %dma_wait3A_782 : memref<1x16x1024xf32, #tpu.memory_space<hbm>> -> memref<16x1024xf32, #tpu.memory_space<hbm>>
    tpu.wait_dma2 semaphore(%arg14 : memref<!tpu.dma_semaphore, #tpu.memory_space<semaphore_mem>>) src(%dma_wait3A_783 : memref<16x1024xf32, #tpu.memory_space<hbm>>) dst(%arg9 : memref<16x1024xf32, #tpu.memory_space<vmem>>)
    %parallel_loop3A_784 = arith.constant 0 : i32
    %parallel_loop3A_785 = arith.constant 1024 : i32
    %parallel_loop3A_786 = arith.constant 1 : i32
    scf.for %parallel_loop3A_1200 = %parallel_loop3A_784 to %parallel_loop3A_785 step %parallel_loop3A_786  : i32 {
      %parallel_loop3A_1201 = arith.constant 64 : i32
      %parallel_loop3A_1202 = arith.divsi %parallel_loop3A_1200, %parallel_loop3A_1201 : i32
      %parallel_loop3A_1203 = arith.constant 0 : i32
      %parallel_loop3A_1204 = arith.cmpi sgt, %parallel_loop3A_1200, %parallel_loop3A_1203 : i32
      %parallel_loop3A_1205 = arith.extui %parallel_loop3A_1204 : i1 to i32
      %parallel_loop3A_1206 = arith.constant 0 : i32
      %parallel_loop3A_1207 = arith.cmpi slt, %parallel_loop3A_1200, %parallel_loop3A_1206 : i32
      %parallel_loop3A_1208 = arith.extui %parallel_loop3A_1207 : i1 to i32
      %parallel_loop3A_1209 = arith.subi %parallel_loop3A_1205, %parallel_loop3A_1208 : i32
      %parallel_loop3A_1210 = arith.constant 0 : i32
      %parallel_loop3A_1211 = arith.cmpi sgt, %parallel_loop3A_1201, %parallel_loop3A_1210 : i32
      %parallel_loop3A_1212 = arith.extui %parallel_loop3A_1211 : i1 to i32
      %parallel_loop3A_1213 = arith.constant 0 : i32
      %parallel_loop3A_1214 = arith.cmpi slt, %parallel_loop3A_1201, %parallel_loop3A_1213 : i32
      %parallel_loop3A_1215 = arith.extui %parallel_loop3A_1214 : i1 to i32
      %parallel_loop3A_1216 = arith.subi %parallel_loop3A_1212, %parallel_loop3A_1215 : i32
      %parallel_loop3A_1217 = arith.cmpi ne, %parallel_loop3A_1209, %parallel_loop3A_1216 : i32
      %parallel_loop3A_1218 = arith.remsi %parallel_loop3A_1200, %parallel_loop3A_1201 : i32
      %parallel_loop3A_1219 = arith.constant 0 : i32
      %parallel_loop3A_1220 = arith.cmpi ne, %parallel_loop3A_1218, %parallel_loop3A_1219 : i32
      %parallel_loop3A_1221 = arith.andi %parallel_loop3A_1217, %parallel_loop3A_1220 : i1
      %parallel_loop3A_1222 = arith.constant 1 : i32
      %parallel_loop3A_1223 = arith.subi %parallel_loop3A_1202, %parallel_loop3A_1222 : i32
      %parallel_loop3A_1224 = arith.select %parallel_loop3A_1221, %parallel_loop3A_1223, %parallel_loop3A_1202 : i32
      %parallel_loop3A_1225 = arith.constant 64 : i32
      %parallel_loop3A_1226 = arith.constant 0 : i32
      %parallel_loop3A_1227 = arith.cmpi eq, %parallel_loop3A_1225, %parallel_loop3A_1226 : i32
      %parallel_loop3A_1228 = arith.constant 1 : i32
      %parallel_loop3A_1229 = arith.select %parallel_loop3A_1227, %parallel_loop3A_1228, %parallel_loop3A_1225 : i32
      %parallel_loop3A_1230 = arith.remsi %parallel_loop3A_1200, %parallel_loop3A_1229 : i32
      %parallel_loop3A_1231 = arith.constant 0 : i32
      %parallel_loop3A_1232 = arith.cmpi ne, %parallel_loop3A_1230, %parallel_loop3A_1231 : i32
      %parallel_loop3A_1233 = arith.constant 0 : i32
      %parallel_loop3A_1234 = arith.cmpi slt, %parallel_loop3A_1230, %parallel_loop3A_1233 : i32
      %parallel_loop3A_1235 = arith.constant 0 : i32
      %parallel_loop3A_1236 = arith.cmpi slt, %parallel_loop3A_1229, %parallel_loop3A_1235 : i32
      %parallel_loop3A_1237 = arith.xori %parallel_loop3A_1234, %parallel_loop3A_1236 : i1
      %parallel_loop3A_1238 = arith.andi %parallel_loop3A_1237, %parallel_loop3A_1232 : i1
      %parallel_loop3A_1239 = arith.addi %parallel_loop3A_1230, %parallel_loop3A_1229 : i32
      %parallel_loop3A_1240 = arith.select %parallel_loop3A_1238, %parallel_loop3A_1239, %parallel_loop3A_1230 : i32
      %parallel_loop3A_1241 = arith.constant 16 : i32
      %parallel_loop3A_1242 = arith.muli %parallel_loop3A_1240, %parallel_loop3A_1241 : i32
      %parallel_loop3A_1243 = arith.index_cast %parallel_loop3A_1224 : i32 to index
      %parallel_loop3A_1244 = arith.index_cast %parallel_loop3A_1242 : i32 to index
      %parallel_loop3A_1245 = tpu.vector_load %arg6[%parallel_loop3A_1243, %parallel_loop3A_1244] {strides = array<i32>} : memref<16x1024xf32, #tpu.memory_space<vmem>>, vector<1x16xf32>,
      %parallel_loop3A_1246 = vector.shape_cast %parallel_loop3A_1245 : vector<1x16xf32> to vector<16xf32>
      %parallel_loop3A_1247 = arith.index_cast %parallel_loop3A_1224 : i32 to index
      %parallel_loop3A_1248 = arith.index_cast %parallel_loop3A_1242 : i32 to index
      %parallel_loop3A_1249 = tpu.vector_load %arg9[%parallel_loop3A_1247, %parallel_loop3A_1248] {strides = array<i32>} : memref<16x1024xf32, #tpu.memory_space<vmem>>, vector<1x16xf32>,
      %parallel_loop3A_1250 = vector.shape_cast %parallel_loop3A_1249 : vector<1x16xf32> to vector<16xf32>
      %parallel_loop3A_1251 = vector.shape_cast %parallel_loop3A_1246 : vector<16xf32> to vector<1x16xf32>
      tpu.vector_store %arg9[%parallel_loop3A_1247, %parallel_loop3A_1248], %parallel_loop3A_1251 {add = true, strides = array<i32>} : memref<16x1024xf32, #tpu.memory_space<vmem>>, vector<1x16xf32>,
    } {sc.loop_unroll_factor = 8 : i64, sc.parallel_access}
    %add3A_787 = arith.constant 80 : i32
    %add3A_788 = arith.addi %mul3A_2, %add3A_787 : i32
    %dma_start3A_789 = arith.constant 0 : i32
    %dma_start3A_790 = arith.constant 0 : i32
    %dma_start3A_791 = tpu.memref_slice %arg4[%dma_start3A_789, %add3A_788, %dma_start3A_790] : memref<4x4096x1024xf32, #tpu.memory_space<hbm>> -> memref<1x16x1024xf32, #tpu.memory_space<hbm>>
    %dma_start3A_792 = tpu.memref_squeeze %dma_start3A_791 : memref<1x16x1024xf32, #tpu.memory_space<hbm>> -> memref<16x1024xf32, #tpu.memory_space<hbm>>
    %dma_start3A_793 = arith.constant 0 : i32
    %dma_start3A_794 = tpu.memref_slice %arg4[%dma_start3A_789, %add3A_788, %dma_start3A_793] : memref<4x4096x1024xf32, #tpu.memory_space<hbm>> -> memref<1x16x1024xf32, #tpu.memory_space<hbm>>
    %dma_start3A_795 = tpu.memref_squeeze %dma_start3A_794 : memref<1x16x1024xf32, #tpu.memory_space<hbm>> -> memref<16x1024xf32, #tpu.memory_space<hbm>>
    tpu.enqueue_dma source(%arg9 : memref<16x1024xf32, #tpu.memory_space<vmem>>) target(%dma_start3A_795 : memref<16x1024xf32, #tpu.memory_space<hbm>>) target_semaphore(%arg17 : memref<!tpu.dma_semaphore, #tpu.memory_space<semaphore_mem>>)
    %dma_wait3A_796 = arith.constant 3 : i32
    %dma_wait3A_797 = arith.constant 0 : i32
    %dma_wait3A_798 = tpu.memref_slice %arg4[%dma_wait3A_796, %add3A_743, %dma_wait3A_797] : memref<4x4096x1024xf32, #tpu.memory_space<hbm>> -> memref<1x16x1024xf32, #tpu.memory_space<hbm>>
    %dma_wait3A_799 = tpu.memref_squeeze %dma_wait3A_798 : memref<1x16x1024xf32, #tpu.memory_space<hbm>> -> memref<16x1024xf32, #tpu.memory_space<hbm>>
    %dma_wait3A_800 = arith.constant 0 : i32
    %dma_wait3A_801 = tpu.memref_slice %arg4[%dma_wait3A_796, %add3A_743, %dma_wait3A_800] : memref<4x4096x1024xf32, #tpu.memory_space<hbm>> -> memref<1x16x1024xf32, #tpu.memory_space<hbm>>
    %dma_wait3A_802 = tpu.memref_squeeze %dma_wait3A_801 : memref<1x16x1024xf32, #tpu.memory_space<hbm>> -> memref<16x1024xf32, #tpu.memory_space<hbm>>
    tpu.wait_dma2 semaphore(%arg16 : memref<!tpu.dma_semaphore, #tpu.memory_space<semaphore_mem>>) src(%arg8 : memref<16x1024xf32, #tpu.memory_space<vmem>>) dst(%dma_wait3A_802 : memref<16x1024xf32, #tpu.memory_space<hbm>>)
    %add3A_803 = arith.constant 80 : i32
    %add3A_804 = arith.addi %mul3A_2, %add3A_803 : i32
    %dma_start3A_805 = arith.constant 2 : i32
    %dma_start3A_806 = arith.constant 0 : i32
    %dma_start3A_807 = tpu.memref_slice %arg2[%dma_start3A_805, %add3A_804, %dma_start3A_806] : memref<4x4096x1024xf32, #tpu.memory_space<hbm>> -> memref<1x16x1024xf32, #tpu.memory_space<hbm>>
    %dma_start3A_808 = tpu.memref_squeeze %dma_start3A_807 : memref<1x16x1024xf32, #tpu.memory_space<hbm>> -> memref<16x1024xf32, #tpu.memory_space<hbm>>
    %dma_start3A_809 = arith.constant 0 : i32
    %dma_start3A_810 = tpu.memref_slice %arg2[%dma_start3A_805, %add3A_804, %dma_start3A_809] : memref<4x4096x1024xf32, #tpu.memory_space<hbm>> -> memref<1x16x1024xf32, #tpu.memory_space<hbm>>
    %dma_start3A_811 = tpu.memref_squeeze %dma_start3A_810 : memref<1x16x1024xf32, #tpu.memory_space<hbm>> -> memref<16x1024xf32, #tpu.memory_space<hbm>>
    tpu.enqueue_dma source(%dma_start3A_811 : memref<16x1024xf32, #tpu.memory_space<hbm>>) target(%arg8 : memref<16x1024xf32, #tpu.memory_space<vmem>>) target_semaphore(%arg13 : memref<!tpu.dma_semaphore, #tpu.memory_space<semaphore_mem>>)
    %dma_wait3A_812 = arith.constant 1 : i32
    %dma_wait3A_813 = arith.constant 0 : i32
    %dma_wait3A_814 = tpu.memref_slice %arg2[%dma_wait3A_812, %add3A_759, %dma_wait3A_813] : memref<4x4096x1024xf32, #tpu.memory_space<hbm>> -> memref<1x16x1024xf32, #tpu.memory_space<hbm>>
    %dma_wait3A_815 = tpu.memref_squeeze %dma_wait3A_814 : memref<1x16x1024xf32, #tpu.memory_space<hbm>> -> memref<16x1024xf32, #tpu.memory_space<hbm>>
    %dma_wait3A_816 = arith.constant 0 : i32
    %dma_wait3A_817 = tpu.memref_slice %arg2[%dma_wait3A_812, %add3A_759, %dma_wait3A_816] : memref<4x4096x1024xf32, #tpu.memory_space<hbm>> -> memref<1x16x1024xf32, #tpu.memory_space<hbm>>
    %dma_wait3A_818 = tpu.memref_squeeze %dma_wait3A_817 : memref<1x16x1024xf32, #tpu.memory_space<hbm>> -> memref<16x1024xf32, #tpu.memory_space<hbm>>
    tpu.wait_dma2 semaphore(%arg12 : memref<!tpu.dma_semaphore, #tpu.memory_space<semaphore_mem>>) src(%dma_wait3A_818 : memref<16x1024xf32, #tpu.memory_space<hbm>>) dst(%arg7 : memref<16x1024xf32, #tpu.memory_space<vmem>>)
    %parallel_loop3A_819 = arith.constant 0 : i32
    %parallel_loop3A_820 = arith.constant 1024 : i32
    %parallel_loop3A_821 = arith.constant 1 : i32
    scf.for %parallel_loop3A_1200 = %parallel_loop3A_819 to %parallel_loop3A_820 step %parallel_loop3A_821  : i32 {
      %parallel_loop3A_1201 = arith.constant 64 : i32
      %parallel_loop3A_1202 = arith.divsi %parallel_loop3A_1200, %parallel_loop3A_1201 : i32
      %parallel_loop3A_1203 = arith.constant 0 : i32
      %parallel_loop3A_1204 = arith.cmpi sgt, %parallel_loop3A_1200, %parallel_loop3A_1203 : i32
      %parallel_loop3A_1205 = arith.extui %parallel_loop3A_1204 : i1 to i32
      %parallel_loop3A_1206 = arith.constant 0 : i32
      %parallel_loop3A_1207 = arith.cmpi slt, %parallel_loop3A_1200, %parallel_loop3A_1206 : i32
      %parallel_loop3A_1208 = arith.extui %parallel_loop3A_1207 : i1 to i32
      %parallel_loop3A_1209 = arith.subi %parallel_loop3A_1205, %parallel_loop3A_1208 : i32
      %parallel_loop3A_1210 = arith.constant 0 : i32
      %parallel_loop3A_1211 = arith.cmpi sgt, %parallel_loop3A_1201, %parallel_loop3A_1210 : i32
      %parallel_loop3A_1212 = arith.extui %parallel_loop3A_1211 : i1 to i32
      %parallel_loop3A_1213 = arith.constant 0 : i32
      %parallel_loop3A_1214 = arith.cmpi slt, %parallel_loop3A_1201, %parallel_loop3A_1213 : i32
      %parallel_loop3A_1215 = arith.extui %parallel_loop3A_1214 : i1 to i32
      %parallel_loop3A_1216 = arith.subi %parallel_loop3A_1212, %parallel_loop3A_1215 : i32
      %parallel_loop3A_1217 = arith.cmpi ne, %parallel_loop3A_1209, %parallel_loop3A_1216 : i32
      %parallel_loop3A_1218 = arith.remsi %parallel_loop3A_1200, %parallel_loop3A_1201 : i32
      %parallel_loop3A_1219 = arith.constant 0 : i32
      %parallel_loop3A_1220 = arith.cmpi ne, %parallel_loop3A_1218, %parallel_loop3A_1219 : i32
      %parallel_loop3A_1221 = arith.andi %parallel_loop3A_1217, %parallel_loop3A_1220 : i1
      %parallel_loop3A_1222 = arith.constant 1 : i32
      %parallel_loop3A_1223 = arith.subi %parallel_loop3A_1202, %parallel_loop3A_1222 : i32
      %parallel_loop3A_1224 = arith.select %parallel_loop3A_1221, %parallel_loop3A_1223, %parallel_loop3A_1202 : i32
      %parallel_loop3A_1225 = arith.constant 64 : i32
      %parallel_loop3A_1226 = arith.constant 0 : i32
      %parallel_loop3A_1227 = arith.cmpi eq, %parallel_loop3A_1225, %parallel_loop3A_1226 : i32
      %parallel_loop3A_1228 = arith.constant 1 : i32
      %parallel_loop3A_1229 = arith.select %parallel_loop3A_1227, %parallel_loop3A_1228, %parallel_loop3A_1225 : i32
      %parallel_loop3A_1230 = arith.remsi %parallel_loop3A_1200, %parallel_loop3A_1229 : i32
      %parallel_loop3A_1231 = arith.constant 0 : i32
      %parallel_loop3A_1232 = arith.cmpi ne, %parallel_loop3A_1230, %parallel_loop3A_1231 : i32
      %parallel_loop3A_1233 = arith.constant 0 : i32
      %parallel_loop3A_1234 = arith.cmpi slt, %parallel_loop3A_1230, %parallel_loop3A_1233 : i32
      %parallel_loop3A_1235 = arith.constant 0 : i32
      %parallel_loop3A_1236 = arith.cmpi slt, %parallel_loop3A_1229, %parallel_loop3A_1235 : i32
      %parallel_loop3A_1237 = arith.xori %parallel_loop3A_1234, %parallel_loop3A_1236 : i1
      %parallel_loop3A_1238 = arith.andi %parallel_loop3A_1237, %parallel_loop3A_1232 : i1
      %parallel_loop3A_1239 = arith.addi %parallel_loop3A_1230, %parallel_loop3A_1229 : i32
      %parallel_loop3A_1240 = arith.select %parallel_loop3A_1238, %parallel_loop3A_1239, %parallel_loop3A_1230 : i32
      %parallel_loop3A_1241 = arith.constant 16 : i32
      %parallel_loop3A_1242 = arith.muli %parallel_loop3A_1240, %parallel_loop3A_1241 : i32
      %parallel_loop3A_1243 = arith.index_cast %parallel_loop3A_1224 : i32 to index
      %parallel_loop3A_1244 = arith.index_cast %parallel_loop3A_1242 : i32 to index
      %parallel_loop3A_1245 = tpu.vector_load %arg6[%parallel_loop3A_1243, %parallel_loop3A_1244] {strides = array<i32>} : memref<16x1024xf32, #tpu.memory_space<vmem>>, vector<1x16xf32>,
      %parallel_loop3A_1246 = vector.shape_cast %parallel_loop3A_1245 : vector<1x16xf32> to vector<16xf32>
      %parallel_loop3A_1247 = arith.index_cast %parallel_loop3A_1224 : i32 to index
      %parallel_loop3A_1248 = arith.index_cast %parallel_loop3A_1242 : i32 to index
      %parallel_loop3A_1249 = tpu.vector_load %arg7[%parallel_loop3A_1247, %parallel_loop3A_1248] {strides = array<i32>} : memref<16x1024xf32, #tpu.memory_space<vmem>>, vector<1x16xf32>,
      %parallel_loop3A_1250 = vector.shape_cast %parallel_loop3A_1249 : vector<1x16xf32> to vector<16xf32>
      %parallel_loop3A_1251 = vector.shape_cast %parallel_loop3A_1246 : vector<16xf32> to vector<1x16xf32>
      tpu.vector_store %arg7[%parallel_loop3A_1247, %parallel_loop3A_1248], %parallel_loop3A_1251 {add = true, strides = array<i32>} : memref<16x1024xf32, #tpu.memory_space<vmem>>, vector<1x16xf32>,
    } {sc.loop_unroll_factor = 8 : i64, sc.parallel_access}
    %add3A_822 = arith.constant 80 : i32
    %add3A_823 = arith.addi %mul3A_2, %add3A_822 : i32
    %dma_start3A_824 = arith.constant 1 : i32
    %dma_start3A_825 = arith.constant 0 : i32
    %dma_start3A_826 = tpu.memref_slice %arg4[%dma_start3A_824, %add3A_823, %dma_start3A_825] : memref<4x4096x1024xf32, #tpu.memory_space<hbm>> -> memref<1x16x1024xf32, #tpu.memory_space<hbm>>
    %dma_start3A_827 = tpu.memref_squeeze %dma_start3A_826 : memref<1x16x1024xf32, #tpu.memory_space<hbm>> -> memref<16x1024xf32, #tpu.memory_space<hbm>>
    %dma_start3A_828 = arith.constant 0 : i32
    %dma_start3A_829 = tpu.memref_slice %arg4[%dma_start3A_824, %add3A_823, %dma_start3A_828] : memref<4x4096x1024xf32, #tpu.memory_space<hbm>> -> memref<1x16x1024xf32, #tpu.memory_space<hbm>>
    %dma_start3A_830 = tpu.memref_squeeze %dma_start3A_829 : memref<1x16x1024xf32, #tpu.memory_space<hbm>> -> memref<16x1024xf32, #tpu.memory_space<hbm>>
    tpu.enqueue_dma source(%arg7 : memref<16x1024xf32, #tpu.memory_space<vmem>>) target(%dma_start3A_830 : memref<16x1024xf32, #tpu.memory_space<hbm>>) target_semaphore(%arg15 : memref<!tpu.dma_semaphore, #tpu.memory_space<semaphore_mem>>)
    %dma_wait3A_831 = arith.constant 0 : i32
    %dma_wait3A_832 = arith.constant 0 : i32
    %dma_wait3A_833 = tpu.memref_slice %arg4[%dma_wait3A_831, %add3A_788, %dma_wait3A_832] : memref<4x4096x1024xf32, #tpu.memory_space<hbm>> -> memref<1x16x1024xf32, #tpu.memory_space<hbm>>
    %dma_wait3A_834 = tpu.memref_squeeze %dma_wait3A_833 : memref<1x16x1024xf32, #tpu.memory_space<hbm>> -> memref<16x1024xf32, #tpu.memory_space<hbm>>
    %dma_wait3A_835 = arith.constant 0 : i32
    %dma_wait3A_836 = tpu.memref_slice %arg4[%dma_wait3A_831, %add3A_788, %dma_wait3A_835] : memref<4x4096x1024xf32, #tpu.memory_space<hbm>> -> memref<1x16x1024xf32, #tpu.memory_space<hbm>>
    %dma_wait3A_837 = tpu.memref_squeeze %dma_wait3A_836 : memref<1x16x1024xf32, #tpu.memory_space<hbm>> -> memref<16x1024xf32, #tpu.memory_space<hbm>>
    tpu.wait_dma2 semaphore(%arg17 : memref<!tpu.dma_semaphore, #tpu.memory_space<semaphore_mem>>) src(%arg9 : memref<16x1024xf32, #tpu.memory_space<vmem>>) dst(%dma_wait3A_837 : memref<16x1024xf32, #tpu.memory_space<hbm>>)
    %add3A_838 = arith.constant 80 : i32
    %add3A_839 = arith.addi %mul3A_2, %add3A_838 : i32
    %dma_start3A_840 = arith.constant 3 : i32
    %dma_start3A_841 = arith.constant 0 : i32
    %dma_start3A_842 = tpu.memref_slice %arg2[%dma_start3A_840, %add3A_839, %dma_start3A_841] : memref<4x4096x1024xf32, #tpu.memory_space<hbm>> -> memref<1x16x1024xf32, #tpu.memory_space<hbm>>
    %dma_start3A_843 = tpu.memref_squeeze %dma_start3A_842 : memref<1x16x1024xf32, #tpu.memory_space<hbm>> -> memref<16x1024xf32, #tpu.memory_space<hbm>>
    %dma_start3A_844 = arith.constant 0 : i32
    %dma_start3A_845 = tpu.memref_slice %arg2[%dma_start3A_840, %add3A_839, %dma_start3A_844] : memref<4x4096x1024xf32, #tpu.memory_space<hbm>> -> memref<1x16x1024xf32, #tpu.memory_space<hbm>>
    %dma_start3A_846 = tpu.memref_squeeze %dma_start3A_845 : memref<1x16x1024xf32, #tpu.memory_space<hbm>> -> memref<16x1024xf32, #tpu.memory_space<hbm>>
    tpu.enqueue_dma source(%dma_start3A_846 : memref<16x1024xf32, #tpu.memory_space<hbm>>) target(%arg9 : memref<16x1024xf32, #tpu.memory_space<vmem>>) target_semaphore(%arg14 : memref<!tpu.dma_semaphore, #tpu.memory_space<semaphore_mem>>)
    %dma_wait3A_847 = arith.constant 2 : i32
    %dma_wait3A_848 = arith.constant 0 : i32
    %dma_wait3A_849 = tpu.memref_slice %arg2[%dma_wait3A_847, %add3A_804, %dma_wait3A_848] : memref<4x4096x1024xf32, #tpu.memory_space<hbm>> -> memref<1x16x1024xf32, #tpu.memory_space<hbm>>
    %dma_wait3A_850 = tpu.memref_squeeze %dma_wait3A_849 : memref<1x16x1024xf32, #tpu.memory_space<hbm>> -> memref<16x1024xf32, #tpu.memory_space<hbm>>
    %dma_wait3A_851 = arith.constant 0 : i32
    %dma_wait3A_852 = tpu.memref_slice %arg2[%dma_wait3A_847, %add3A_804, %dma_wait3A_851] : memref<4x4096x1024xf32, #tpu.memory_space<hbm>> -> memref<1x16x1024xf32, #tpu.memory_space<hbm>>
    %dma_wait3A_853 = tpu.memref_squeeze %dma_wait3A_852 : memref<1x16x1024xf32, #tpu.memory_space<hbm>> -> memref<16x1024xf32, #tpu.memory_space<hbm>>
    tpu.wait_dma2 semaphore(%arg13 : memref<!tpu.dma_semaphore, #tpu.memory_space<semaphore_mem>>) src(%dma_wait3A_853 : memref<16x1024xf32, #tpu.memory_space<hbm>>) dst(%arg8 : memref<16x1024xf32, #tpu.memory_space<vmem>>)
    %parallel_loop3A_854 = arith.constant 0 : i32
    %parallel_loop3A_855 = arith.constant 1024 : i32
    %parallel_loop3A_856 = arith.constant 1 : i32
    scf.for %parallel_loop3A_1200 = %parallel_loop3A_854 to %parallel_loop3A_855 step %parallel_loop3A_856  : i32 {
      %parallel_loop3A_1201 = arith.constant 64 : i32
      %parallel_loop3A_1202 = arith.divsi %parallel_loop3A_1200, %parallel_loop3A_1201 : i32
      %parallel_loop3A_1203 = arith.constant 0 : i32
      %parallel_loop3A_1204 = arith.cmpi sgt, %parallel_loop3A_1200, %parallel_loop3A_1203 : i32
      %parallel_loop3A_1205 = arith.extui %parallel_loop3A_1204 : i1 to i32
      %parallel_loop3A_1206 = arith.constant 0 : i32
      %parallel_loop3A_1207 = arith.cmpi slt, %parallel_loop3A_1200, %parallel_loop3A_1206 : i32
      %parallel_loop3A_1208 = arith.extui %parallel_loop3A_1207 : i1 to i32
      %parallel_loop3A_1209 = arith.subi %parallel_loop3A_1205, %parallel_loop3A_1208 : i32
      %parallel_loop3A_1210 = arith.constant 0 : i32
      %parallel_loop3A_1211 = arith.cmpi sgt, %parallel_loop3A_1201, %parallel_loop3A_1210 : i32
      %parallel_loop3A_1212 = arith.extui %parallel_loop3A_1211 : i1 to i32
      %parallel_loop3A_1213 = arith.constant 0 : i32
      %parallel_loop3A_1214 = arith.cmpi slt, %parallel_loop3A_1201, %parallel_loop3A_1213 : i32
      %parallel_loop3A_1215 = arith.extui %parallel_loop3A_1214 : i1 to i32
      %parallel_loop3A_1216 = arith.subi %parallel_loop3A_1212, %parallel_loop3A_1215 : i32
      %parallel_loop3A_1217 = arith.cmpi ne, %parallel_loop3A_1209, %parallel_loop3A_1216 : i32
      %parallel_loop3A_1218 = arith.remsi %parallel_loop3A_1200, %parallel_loop3A_1201 : i32
      %parallel_loop3A_1219 = arith.constant 0 : i32
      %parallel_loop3A_1220 = arith.cmpi ne, %parallel_loop3A_1218, %parallel_loop3A_1219 : i32
      %parallel_loop3A_1221 = arith.andi %parallel_loop3A_1217, %parallel_loop3A_1220 : i1
      %parallel_loop3A_1222 = arith.constant 1 : i32
      %parallel_loop3A_1223 = arith.subi %parallel_loop3A_1202, %parallel_loop3A_1222 : i32
      %parallel_loop3A_1224 = arith.select %parallel_loop3A_1221, %parallel_loop3A_1223, %parallel_loop3A_1202 : i32
      %parallel_loop3A_1225 = arith.constant 64 : i32
      %parallel_loop3A_1226 = arith.constant 0 : i32
      %parallel_loop3A_1227 = arith.cmpi eq, %parallel_loop3A_1225, %parallel_loop3A_1226 : i32
      %parallel_loop3A_1228 = arith.constant 1 : i32
      %parallel_loop3A_1229 = arith.select %parallel_loop3A_1227, %parallel_loop3A_1228, %parallel_loop3A_1225 : i32
      %parallel_loop3A_1230 = arith.remsi %parallel_loop3A_1200, %parallel_loop3A_1229 : i32
      %parallel_loop3A_1231 = arith.constant 0 : i32
      %parallel_loop3A_1232 = arith.cmpi ne, %parallel_loop3A_1230, %parallel_loop3A_1231 : i32
      %parallel_loop3A_1233 = arith.constant 0 : i32
      %parallel_loop3A_1234 = arith.cmpi slt, %parallel_loop3A_1230, %parallel_loop3A_1233 : i32
      %parallel_loop3A_1235 = arith.constant 0 : i32
      %parallel_loop3A_1236 = arith.cmpi slt, %parallel_loop3A_1229, %parallel_loop3A_1235 : i32
      %parallel_loop3A_1237 = arith.xori %parallel_loop3A_1234, %parallel_loop3A_1236 : i1
      %parallel_loop3A_1238 = arith.andi %parallel_loop3A_1237, %parallel_loop3A_1232 : i1
      %parallel_loop3A_1239 = arith.addi %parallel_loop3A_1230, %parallel_loop3A_1229 : i32
      %parallel_loop3A_1240 = arith.select %parallel_loop3A_1238, %parallel_loop3A_1239, %parallel_loop3A_1230 : i32
      %parallel_loop3A_1241 = arith.constant 16 : i32
      %parallel_loop3A_1242 = arith.muli %parallel_loop3A_1240, %parallel_loop3A_1241 : i32
      %parallel_loop3A_1243 = arith.index_cast %parallel_loop3A_1224 : i32 to index
      %parallel_loop3A_1244 = arith.index_cast %parallel_loop3A_1242 : i32 to index
      %parallel_loop3A_1245 = tpu.vector_load %arg6[%parallel_loop3A_1243, %parallel_loop3A_1244] {strides = array<i32>} : memref<16x1024xf32, #tpu.memory_space<vmem>>, vector<1x16xf32>,
      %parallel_loop3A_1246 = vector.shape_cast %parallel_loop3A_1245 : vector<1x16xf32> to vector<16xf32>
      %parallel_loop3A_1247 = arith.index_cast %parallel_loop3A_1224 : i32 to index
      %parallel_loop3A_1248 = arith.index_cast %parallel_loop3A_1242 : i32 to index
      %parallel_loop3A_1249 = tpu.vector_load %arg8[%parallel_loop3A_1247, %parallel_loop3A_1248] {strides = array<i32>} : memref<16x1024xf32, #tpu.memory_space<vmem>>, vector<1x16xf32>,
      %parallel_loop3A_1250 = vector.shape_cast %parallel_loop3A_1249 : vector<1x16xf32> to vector<16xf32>
      %parallel_loop3A_1251 = vector.shape_cast %parallel_loop3A_1246 : vector<16xf32> to vector<1x16xf32>
      tpu.vector_store %arg8[%parallel_loop3A_1247, %parallel_loop3A_1248], %parallel_loop3A_1251 {add = true, strides = array<i32>} : memref<16x1024xf32, #tpu.memory_space<vmem>>, vector<1x16xf32>,
    } {sc.loop_unroll_factor = 8 : i64, sc.parallel_access}
    %add3A_857 = arith.constant 80 : i32
    %add3A_858 = arith.addi %mul3A_2, %add3A_857 : i32
    %dma_start3A_859 = arith.constant 2 : i32
    %dma_start3A_860 = arith.constant 0 : i32
    %dma_start3A_861 = tpu.memref_slice %arg4[%dma_start3A_859, %add3A_858, %dma_start3A_860] : memref<4x4096x1024xf32, #tpu.memory_space<hbm>> -> memref<1x16x1024xf32, #tpu.memory_space<hbm>>
    %dma_start3A_862 = tpu.memref_squeeze %dma_start3A_861 : memref<1x16x1024xf32, #tpu.memory_space<hbm>> -> memref<16x1024xf32, #tpu.memory_space<hbm>>
    %dma_start3A_863 = arith.constant 0 : i32
    %dma_start3A_864 = tpu.memref_slice %arg4[%dma_start3A_859, %add3A_858, %dma_start3A_863] : memref<4x4096x1024xf32, #tpu.memory_space<hbm>> -> memref<1x16x1024xf32, #tpu.memory_space<hbm>>
    %dma_start3A_865 = tpu.memref_squeeze %dma_start3A_864 : memref<1x16x1024xf32, #tpu.memory_space<hbm>> -> memref<16x1024xf32, #tpu.memory_space<hbm>>
    tpu.enqueue_dma source(%arg8 : memref<16x1024xf32, #tpu.memory_space<vmem>>) target(%dma_start3A_865 : memref<16x1024xf32, #tpu.memory_space<hbm>>) target_semaphore(%arg16 : memref<!tpu.dma_semaphore, #tpu.memory_space<semaphore_mem>>)
    %dma_wait3A_866 = arith.constant 1 : i32
    %dma_wait3A_867 = arith.constant 0 : i32
    %dma_wait3A_868 = tpu.memref_slice %arg4[%dma_wait3A_866, %add3A_823, %dma_wait3A_867] : memref<4x4096x1024xf32, #tpu.memory_space<hbm>> -> memref<1x16x1024xf32, #tpu.memory_space<hbm>>
    %dma_wait3A_869 = tpu.memref_squeeze %dma_wait3A_868 : memref<1x16x1024xf32, #tpu.memory_space<hbm>> -> memref<16x1024xf32, #tpu.memory_space<hbm>>
    %dma_wait3A_870 = arith.constant 0 : i32
    %dma_wait3A_871 = tpu.memref_slice %arg4[%dma_wait3A_866, %add3A_823, %dma_wait3A_870] : memref<4x4096x1024xf32, #tpu.memory_space<hbm>> -> memref<1x16x1024xf32, #tpu.memory_space<hbm>>
    %dma_wait3A_872 = tpu.memref_squeeze %dma_wait3A_871 : memref<1x16x1024xf32, #tpu.memory_space<hbm>> -> memref<16x1024xf32, #tpu.memory_space<hbm>>
    tpu.wait_dma2 semaphore(%arg15 : memref<!tpu.dma_semaphore, #tpu.memory_space<semaphore_mem>>) src(%arg7 : memref<16x1024xf32, #tpu.memory_space<vmem>>) dst(%dma_wait3A_872 : memref<16x1024xf32, #tpu.memory_space<hbm>>)
    %add3A_873 = arith.constant 96 : i32
    %add3A_874 = arith.addi %mul3A_2, %add3A_873 : i32
    %dma_start3A_875 = arith.constant 0 : i32
    %dma_start3A_876 = arith.constant 0 : i32
    %dma_start3A_877 = tpu.memref_slice %arg2[%dma_start3A_875, %add3A_874, %dma_start3A_876] : memref<4x4096x1024xf32, #tpu.memory_space<hbm>> -> memref<1x16x1024xf32, #tpu.memory_space<hbm>>
    %dma_start3A_878 = tpu.memref_squeeze %dma_start3A_877 : memref<1x16x1024xf32, #tpu.memory_space<hbm>> -> memref<16x1024xf32, #tpu.memory_space<hbm>>
    %dma_start3A_879 = arith.constant 0 : i32
    %dma_start3A_880 = tpu.memref_slice %arg2[%dma_start3A_875, %add3A_874, %dma_start3A_879] : memref<4x4096x1024xf32, #tpu.memory_space<hbm>> -> memref<1x16x1024xf32, #tpu.memory_space<hbm>>
    %dma_start3A_881 = tpu.memref_squeeze %dma_start3A_880 : memref<1x16x1024xf32, #tpu.memory_space<hbm>> -> memref<16x1024xf32, #tpu.memory_space<hbm>>
    tpu.enqueue_dma source(%dma_start3A_881 : memref<16x1024xf32, #tpu.memory_space<hbm>>) target(%arg7 : memref<16x1024xf32, #tpu.memory_space<vmem>>) target_semaphore(%arg12 : memref<!tpu.dma_semaphore, #tpu.memory_space<semaphore_mem>>)
    %dma_wait3A_882 = arith.constant 3 : i32
    %dma_wait3A_883 = arith.constant 0 : i32
    %dma_wait3A_884 = tpu.memref_slice %arg2[%dma_wait3A_882, %add3A_839, %dma_wait3A_883] : memref<4x4096x1024xf32, #tpu.memory_space<hbm>> -> memref<1x16x1024xf32, #tpu.memory_space<hbm>>
    %dma_wait3A_885 = tpu.memref_squeeze %dma_wait3A_884 : memref<1x16x1024xf32, #tpu.memory_space<hbm>> -> memref<16x1024xf32, #tpu.memory_space<hbm>>
    %dma_wait3A_886 = arith.constant 0 : i32
    %dma_wait3A_887 = tpu.memref_slice %arg2[%dma_wait3A_882, %add3A_839, %dma_wait3A_886] : memref<4x4096x1024xf32, #tpu.memory_space<hbm>> -> memref<1x16x1024xf32, #tpu.memory_space<hbm>>
    %dma_wait3A_888 = tpu.memref_squeeze %dma_wait3A_887 : memref<1x16x1024xf32, #tpu.memory_space<hbm>> -> memref<16x1024xf32, #tpu.memory_space<hbm>>
    tpu.wait_dma2 semaphore(%arg14 : memref<!tpu.dma_semaphore, #tpu.memory_space<semaphore_mem>>) src(%dma_wait3A_888 : memref<16x1024xf32, #tpu.memory_space<hbm>>) dst(%arg9 : memref<16x1024xf32, #tpu.memory_space<vmem>>)
    %parallel_loop3A_889 = arith.constant 0 : i32
    %parallel_loop3A_890 = arith.constant 1024 : i32
    %parallel_loop3A_891 = arith.constant 1 : i32
    scf.for %parallel_loop3A_1200 = %parallel_loop3A_889 to %parallel_loop3A_890 step %parallel_loop3A_891  : i32 {
      %parallel_loop3A_1201 = arith.constant 64 : i32
      %parallel_loop3A_1202 = arith.divsi %parallel_loop3A_1200, %parallel_loop3A_1201 : i32
      %parallel_loop3A_1203 = arith.constant 0 : i32
      %parallel_loop3A_1204 = arith.cmpi sgt, %parallel_loop3A_1200, %parallel_loop3A_1203 : i32
      %parallel_loop3A_1205 = arith.extui %parallel_loop3A_1204 : i1 to i32
      %parallel_loop3A_1206 = arith.constant 0 : i32
      %parallel_loop3A_1207 = arith.cmpi slt, %parallel_loop3A_1200, %parallel_loop3A_1206 : i32
      %parallel_loop3A_1208 = arith.extui %parallel_loop3A_1207 : i1 to i32
      %parallel_loop3A_1209 = arith.subi %parallel_loop3A_1205, %parallel_loop3A_1208 : i32
      %parallel_loop3A_1210 = arith.constant 0 : i32
      %parallel_loop3A_1211 = arith.cmpi sgt, %parallel_loop3A_1201, %parallel_loop3A_1210 : i32
      %parallel_loop3A_1212 = arith.extui %parallel_loop3A_1211 : i1 to i32
      %parallel_loop3A_1213 = arith.constant 0 : i32
      %parallel_loop3A_1214 = arith.cmpi slt, %parallel_loop3A_1201, %parallel_loop3A_1213 : i32
      %parallel_loop3A_1215 = arith.extui %parallel_loop3A_1214 : i1 to i32
      %parallel_loop3A_1216 = arith.subi %parallel_loop3A_1212, %parallel_loop3A_1215 : i32
      %parallel_loop3A_1217 = arith.cmpi ne, %parallel_loop3A_1209, %parallel_loop3A_1216 : i32
      %parallel_loop3A_1218 = arith.remsi %parallel_loop3A_1200, %parallel_loop3A_1201 : i32
      %parallel_loop3A_1219 = arith.constant 0 : i32
      %parallel_loop3A_1220 = arith.cmpi ne, %parallel_loop3A_1218, %parallel_loop3A_1219 : i32
      %parallel_loop3A_1221 = arith.andi %parallel_loop3A_1217, %parallel_loop3A_1220 : i1
      %parallel_loop3A_1222 = arith.constant 1 : i32
      %parallel_loop3A_1223 = arith.subi %parallel_loop3A_1202, %parallel_loop3A_1222 : i32
      %parallel_loop3A_1224 = arith.select %parallel_loop3A_1221, %parallel_loop3A_1223, %parallel_loop3A_1202 : i32
      %parallel_loop3A_1225 = arith.constant 64 : i32
      %parallel_loop3A_1226 = arith.constant 0 : i32
      %parallel_loop3A_1227 = arith.cmpi eq, %parallel_loop3A_1225, %parallel_loop3A_1226 : i32
      %parallel_loop3A_1228 = arith.constant 1 : i32
      %parallel_loop3A_1229 = arith.select %parallel_loop3A_1227, %parallel_loop3A_1228, %parallel_loop3A_1225 : i32
      %parallel_loop3A_1230 = arith.remsi %parallel_loop3A_1200, %parallel_loop3A_1229 : i32
      %parallel_loop3A_1231 = arith.constant 0 : i32
      %parallel_loop3A_1232 = arith.cmpi ne, %parallel_loop3A_1230, %parallel_loop3A_1231 : i32
      %parallel_loop3A_1233 = arith.constant 0 : i32
      %parallel_loop3A_1234 = arith.cmpi slt, %parallel_loop3A_1230, %parallel_loop3A_1233 : i32
      %parallel_loop3A_1235 = arith.constant 0 : i32
      %parallel_loop3A_1236 = arith.cmpi slt, %parallel_loop3A_1229, %parallel_loop3A_1235 : i32
      %parallel_loop3A_1237 = arith.xori %parallel_loop3A_1234, %parallel_loop3A_1236 : i1
      %parallel_loop3A_1238 = arith.andi %parallel_loop3A_1237, %parallel_loop3A_1232 : i1
      %parallel_loop3A_1239 = arith.addi %parallel_loop3A_1230, %parallel_loop3A_1229 : i32
      %parallel_loop3A_1240 = arith.select %parallel_loop3A_1238, %parallel_loop3A_1239, %parallel_loop3A_1230 : i32
      %parallel_loop3A_1241 = arith.constant 16 : i32
      %parallel_loop3A_1242 = arith.muli %parallel_loop3A_1240, %parallel_loop3A_1241 : i32
      %parallel_loop3A_1243 = arith.index_cast %parallel_loop3A_1224 : i32 to index
      %parallel_loop3A_1244 = arith.index_cast %parallel_loop3A_1242 : i32 to index
      %parallel_loop3A_1245 = tpu.vector_load %arg6[%parallel_loop3A_1243, %parallel_loop3A_1244] {strides = array<i32>} : memref<16x1024xf32, #tpu.memory_space<vmem>>, vector<1x16xf32>,
      %parallel_loop3A_1246 = vector.shape_cast %parallel_loop3A_1245 : vector<1x16xf32> to vector<16xf32>
      %parallel_loop3A_1247 = arith.index_cast %parallel_loop3A_1224 : i32 to index
      %parallel_loop3A_1248 = arith.index_cast %parallel_loop3A_1242 : i32 to index
      %parallel_loop3A_1249 = tpu.vector_load %arg9[%parallel_loop3A_1247, %parallel_loop3A_1248] {strides = array<i32>} : memref<16x1024xf32, #tpu.memory_space<vmem>>, vector<1x16xf32>,
      %parallel_loop3A_1250 = vector.shape_cast %parallel_loop3A_1249 : vector<1x16xf32> to vector<16xf32>
      %parallel_loop3A_1251 = vector.shape_cast %parallel_loop3A_1246 : vector<16xf32> to vector<1x16xf32>
      tpu.vector_store %arg9[%parallel_loop3A_1247, %parallel_loop3A_1248], %parallel_loop3A_1251 {add = true, strides = array<i32>} : memref<16x1024xf32, #tpu.memory_space<vmem>>, vector<1x16xf32>,
    } {sc.loop_unroll_factor = 8 : i64, sc.parallel_access}
    %add3A_892 = arith.constant 80 : i32
    %add3A_893 = arith.addi %mul3A_2, %add3A_892 : i32
    %dma_start3A_894 = arith.constant 3 : i32
    %dma_start3A_895 = arith.constant 0 : i32
    %dma_start3A_896 = tpu.memref_slice %arg4[%dma_start3A_894, %add3A_893, %dma_start3A_895] : memref<4x4096x1024xf32, #tpu.memory_space<hbm>> -> memref<1x16x1024xf32, #tpu.memory_space<hbm>>
    %dma_start3A_897 = tpu.memref_squeeze %dma_start3A_896 : memref<1x16x1024xf32, #tpu.memory_space<hbm>> -> memref<16x1024xf32, #tpu.memory_space<hbm>>
    %dma_start3A_898 = arith.constant 0 : i32
    %dma_start3A_899 = tpu.memref_slice %arg4[%dma_start3A_894, %add3A_893, %dma_start3A_898] : memref<4x4096x1024xf32, #tpu.memory_space<hbm>> -> memref<1x16x1024xf32, #tpu.memory_space<hbm>>
    %dma_start3A_900 = tpu.memref_squeeze %dma_start3A_899 : memref<1x16x1024xf32, #tpu.memory_space<hbm>> -> memref<16x1024xf32, #tpu.memory_space<hbm>>
    tpu.enqueue_dma source(%arg9 : memref<16x1024xf32, #tpu.memory_space<vmem>>) target(%dma_start3A_900 : memref<16x1024xf32, #tpu.memory_space<hbm>>) target_semaphore(%arg17 : memref<!tpu.dma_semaphore, #tpu.memory_space<semaphore_mem>>)
    %dma_wait3A_901 = arith.constant 2 : i32
    %dma_wait3A_902 = arith.constant 0 : i32
    %dma_wait3A_903 = tpu.memref_slice %arg4[%dma_wait3A_901, %add3A_858, %dma_wait3A_902] : memref<4x4096x1024xf32, #tpu.memory_space<hbm>> -> memref<1x16x1024xf32, #tpu.memory_space<hbm>>
    %dma_wait3A_904 = tpu.memref_squeeze %dma_wait3A_903 : memref<1x16x1024xf32, #tpu.memory_space<hbm>> -> memref<16x1024xf32, #tpu.memory_space<hbm>>
    %dma_wait3A_905 = arith.constant 0 : i32
    %dma_wait3A_906 = tpu.memref_slice %arg4[%dma_wait3A_901, %add3A_858, %dma_wait3A_905] : memref<4x4096x1024xf32, #tpu.memory_space<hbm>> -> memref<1x16x1024xf32, #tpu.memory_space<hbm>>
    %dma_wait3A_907 = tpu.memref_squeeze %dma_wait3A_906 : memref<1x16x1024xf32, #tpu.memory_space<hbm>> -> memref<16x1024xf32, #tpu.memory_space<hbm>>
    tpu.wait_dma2 semaphore(%arg16 : memref<!tpu.dma_semaphore, #tpu.memory_space<semaphore_mem>>) src(%arg8 : memref<16x1024xf32, #tpu.memory_space<vmem>>) dst(%dma_wait3A_907 : memref<16x1024xf32, #tpu.memory_space<hbm>>)
    %add3A_908 = arith.constant 96 : i32
    %add3A_909 = arith.addi %mul3A_2, %add3A_908 : i32
    %dma_start3A_910 = arith.constant 1 : i32
    %dma_start3A_911 = arith.constant 0 : i32
    %dma_start3A_912 = tpu.memref_slice %arg2[%dma_start3A_910, %add3A_909, %dma_start3A_911] : memref<4x4096x1024xf32, #tpu.memory_space<hbm>> -> memref<1x16x1024xf32, #tpu.memory_space<hbm>>
    %dma_start3A_913 = tpu.memref_squeeze %dma_start3A_912 : memref<1x16x1024xf32, #tpu.memory_space<hbm>> -> memref<16x1024xf32, #tpu.memory_space<hbm>>
    %dma_start3A_914 = arith.constant 0 : i32
    %dma_start3A_915 = tpu.memref_slice %arg2[%dma_start3A_910, %add3A_909, %dma_start3A_914] : memref<4x4096x1024xf32, #tpu.memory_space<hbm>> -> memref<1x16x1024xf32, #tpu.memory_space<hbm>>
    %dma_start3A_916 = tpu.memref_squeeze %dma_start3A_915 : memref<1x16x1024xf32, #tpu.memory_space<hbm>> -> memref<16x1024xf32, #tpu.memory_space<hbm>>
    tpu.enqueue_dma source(%dma_start3A_916 : memref<16x1024xf32, #tpu.memory_space<hbm>>) target(%arg8 : memref<16x1024xf32, #tpu.memory_space<vmem>>) target_semaphore(%arg13 : memref<!tpu.dma_semaphore, #tpu.memory_space<semaphore_mem>>)
    %add3A_917 = arith.constant 112 : i32
    %add3A_918 = arith.addi %mul3A_2, %add3A_917 : i32
    %dma_start3A_919 = arith.constant 0 : i32
    %dma_start3A_920 = tpu.memref_slice %arg3[%add3A_918, %dma_start3A_919] : memref<4098x1024xf32, #tpu.memory_space<hbm>> -> memref<16x1024xf32, #tpu.memory_space<hbm>>
    %dma_start3A_921 = arith.constant 0 : i32
    %dma_start3A_922 = tpu.memref_slice %arg3[%add3A_918, %dma_start3A_921] : memref<4098x1024xf32, #tpu.memory_space<hbm>> -> memref<16x1024xf32, #tpu.memory_space<hbm>>
    tpu.enqueue_dma source(%dma_start3A_922 : memref<16x1024xf32, #tpu.memory_space<hbm>>) target(%arg6 : memref<16x1024xf32, #tpu.memory_space<vmem>>) target_semaphore(%arg11 : memref<!tpu.dma_semaphore, #tpu.memory_space<semaphore_mem>>)
    %dma_wait3A_923 = arith.constant 0 : i32
    %dma_wait3A_924 = tpu.memref_slice %arg3[%add3A_768, %dma_wait3A_923] : memref<4098x1024xf32, #tpu.memory_space<hbm>> -> memref<16x1024xf32, #tpu.memory_space<hbm>>
    %dma_wait3A_925 = arith.constant 0 : i32
    %dma_wait3A_926 = tpu.memref_slice %arg3[%add3A_768, %dma_wait3A_925] : memref<4098x1024xf32, #tpu.memory_space<hbm>> -> memref<16x1024xf32, #tpu.memory_space<hbm>>
    tpu.wait_dma2 semaphore(%arg10 : memref<!tpu.dma_semaphore, #tpu.memory_space<semaphore_mem>>) src(%dma_wait3A_926 : memref<16x1024xf32, #tpu.memory_space<hbm>>) dst(%arg5 : memref<16x1024xf32, #tpu.memory_space<vmem>>)
    %dma_wait3A_927 = arith.constant 0 : i32
    %dma_wait3A_928 = arith.constant 0 : i32
    %dma_wait3A_929 = tpu.memref_slice %arg2[%dma_wait3A_927, %add3A_874, %dma_wait3A_928] : memref<4x4096x1024xf32, #tpu.memory_space<hbm>> -> memref<1x16x1024xf32, #tpu.memory_space<hbm>>
    %dma_wait3A_930 = tpu.memref_squeeze %dma_wait3A_929 : memref<1x16x1024xf32, #tpu.memory_space<hbm>> -> memref<16x1024xf32, #tpu.memory_space<hbm>>
    %dma_wait3A_931 = arith.constant 0 : i32
    %dma_wait3A_932 = tpu.memref_slice %arg2[%dma_wait3A_927, %add3A_874, %dma_wait3A_931] : memref<4x4096x1024xf32, #tpu.memory_space<hbm>> -> memref<1x16x1024xf32, #tpu.memory_space<hbm>>
    %dma_wait3A_933 = tpu.memref_squeeze %dma_wait3A_932 : memref<1x16x1024xf32, #tpu.memory_space<hbm>> -> memref<16x1024xf32, #tpu.memory_space<hbm>>
    tpu.wait_dma2 semaphore(%arg12 : memref<!tpu.dma_semaphore, #tpu.memory_space<semaphore_mem>>) src(%dma_wait3A_933 : memref<16x1024xf32, #tpu.memory_space<hbm>>) dst(%arg7 : memref<16x1024xf32, #tpu.memory_space<vmem>>)
    %parallel_loop3A_934 = arith.constant 0 : i32
    %parallel_loop3A_935 = arith.constant 1024 : i32
    %parallel_loop3A_936 = arith.constant 1 : i32
    scf.for %parallel_loop3A_1200 = %parallel_loop3A_934 to %parallel_loop3A_935 step %parallel_loop3A_936  : i32 {
      %parallel_loop3A_1201 = arith.constant 64 : i32
      %parallel_loop3A_1202 = arith.divsi %parallel_loop3A_1200, %parallel_loop3A_1201 : i32
      %parallel_loop3A_1203 = arith.constant 0 : i32
      %parallel_loop3A_1204 = arith.cmpi sgt, %parallel_loop3A_1200, %parallel_loop3A_1203 : i32
      %parallel_loop3A_1205 = arith.extui %parallel_loop3A_1204 : i1 to i32
      %parallel_loop3A_1206 = arith.constant 0 : i32
      %parallel_loop3A_1207 = arith.cmpi slt, %parallel_loop3A_1200, %parallel_loop3A_1206 : i32
      %parallel_loop3A_1208 = arith.extui %parallel_loop3A_1207 : i1 to i32
      %parallel_loop3A_1209 = arith.subi %parallel_loop3A_1205, %parallel_loop3A_1208 : i32
      %parallel_loop3A_1210 = arith.constant 0 : i32
      %parallel_loop3A_1211 = arith.cmpi sgt, %parallel_loop3A_1201, %parallel_loop3A_1210 : i32
      %parallel_loop3A_1212 = arith.extui %parallel_loop3A_1211 : i1 to i32
      %parallel_loop3A_1213 = arith.constant 0 : i32
      %parallel_loop3A_1214 = arith.cmpi slt, %parallel_loop3A_1201, %parallel_loop3A_1213 : i32
      %parallel_loop3A_1215 = arith.extui %parallel_loop3A_1214 : i1 to i32
      %parallel_loop3A_1216 = arith.subi %parallel_loop3A_1212, %parallel_loop3A_1215 : i32
      %parallel_loop3A_1217 = arith.cmpi ne, %parallel_loop3A_1209, %parallel_loop3A_1216 : i32
      %parallel_loop3A_1218 = arith.remsi %parallel_loop3A_1200, %parallel_loop3A_1201 : i32
      %parallel_loop3A_1219 = arith.constant 0 : i32
      %parallel_loop3A_1220 = arith.cmpi ne, %parallel_loop3A_1218, %parallel_loop3A_1219 : i32
      %parallel_loop3A_1221 = arith.andi %parallel_loop3A_1217, %parallel_loop3A_1220 : i1
      %parallel_loop3A_1222 = arith.constant 1 : i32
      %parallel_loop3A_1223 = arith.subi %parallel_loop3A_1202, %parallel_loop3A_1222 : i32
      %parallel_loop3A_1224 = arith.select %parallel_loop3A_1221, %parallel_loop3A_1223, %parallel_loop3A_1202 : i32
      %parallel_loop3A_1225 = arith.constant 64 : i32
      %parallel_loop3A_1226 = arith.constant 0 : i32
      %parallel_loop3A_1227 = arith.cmpi eq, %parallel_loop3A_1225, %parallel_loop3A_1226 : i32
      %parallel_loop3A_1228 = arith.constant 1 : i32
      %parallel_loop3A_1229 = arith.select %parallel_loop3A_1227, %parallel_loop3A_1228, %parallel_loop3A_1225 : i32
      %parallel_loop3A_1230 = arith.remsi %parallel_loop3A_1200, %parallel_loop3A_1229 : i32
      %parallel_loop3A_1231 = arith.constant 0 : i32
      %parallel_loop3A_1232 = arith.cmpi ne, %parallel_loop3A_1230, %parallel_loop3A_1231 : i32
      %parallel_loop3A_1233 = arith.constant 0 : i32
      %parallel_loop3A_1234 = arith.cmpi slt, %parallel_loop3A_1230, %parallel_loop3A_1233 : i32
      %parallel_loop3A_1235 = arith.constant 0 : i32
      %parallel_loop3A_1236 = arith.cmpi slt, %parallel_loop3A_1229, %parallel_loop3A_1235 : i32
      %parallel_loop3A_1237 = arith.xori %parallel_loop3A_1234, %parallel_loop3A_1236 : i1
      %parallel_loop3A_1238 = arith.andi %parallel_loop3A_1237, %parallel_loop3A_1232 : i1
      %parallel_loop3A_1239 = arith.addi %parallel_loop3A_1230, %parallel_loop3A_1229 : i32
      %parallel_loop3A_1240 = arith.select %parallel_loop3A_1238, %parallel_loop3A_1239, %parallel_loop3A_1230 : i32
      %parallel_loop3A_1241 = arith.constant 16 : i32
      %parallel_loop3A_1242 = arith.muli %parallel_loop3A_1240, %parallel_loop3A_1241 : i32
      %parallel_loop3A_1243 = arith.index_cast %parallel_loop3A_1224 : i32 to index
      %parallel_loop3A_1244 = arith.index_cast %parallel_loop3A_1242 : i32 to index
      %parallel_loop3A_1245 = tpu.vector_load %arg5[%parallel_loop3A_1243, %parallel_loop3A_1244] {strides = array<i32>} : memref<16x1024xf32, #tpu.memory_space<vmem>>, vector<1x16xf32>,
      %parallel_loop3A_1246 = vector.shape_cast %parallel_loop3A_1245 : vector<1x16xf32> to vector<16xf32>
      %parallel_loop3A_1247 = arith.index_cast %parallel_loop3A_1224 : i32 to index
      %parallel_loop3A_1248 = arith.index_cast %parallel_loop3A_1242 : i32 to index
      %parallel_loop3A_1249 = tpu.vector_load %arg7[%parallel_loop3A_1247, %parallel_loop3A_1248] {strides = array<i32>} : memref<16x1024xf32, #tpu.memory_space<vmem>>, vector<1x16xf32>,
      %parallel_loop3A_1250 = vector.shape_cast %parallel_loop3A_1249 : vector<1x16xf32> to vector<16xf32>
      %parallel_loop3A_1251 = vector.shape_cast %parallel_loop3A_1246 : vector<16xf32> to vector<1x16xf32>
      tpu.vector_store %arg7[%parallel_loop3A_1247, %parallel_loop3A_1248], %parallel_loop3A_1251 {add = true, strides = array<i32>} : memref<16x1024xf32, #tpu.memory_space<vmem>>, vector<1x16xf32>,
    } {sc.loop_unroll_factor = 8 : i64, sc.parallel_access}
    %add3A_937 = arith.constant 96 : i32
    %add3A_938 = arith.addi %mul3A_2, %add3A_937 : i32
    %dma_start3A_939 = arith.constant 0 : i32
    %dma_start3A_940 = arith.constant 0 : i32
    %dma_start3A_941 = tpu.memref_slice %arg4[%dma_start3A_939, %add3A_938, %dma_start3A_940] : memref<4x4096x1024xf32, #tpu.memory_space<hbm>> -> memref<1x16x1024xf32, #tpu.memory_space<hbm>>
    %dma_start3A_942 = tpu.memref_squeeze %dma_start3A_941 : memref<1x16x1024xf32, #tpu.memory_space<hbm>> -> memref<16x1024xf32, #tpu.memory_space<hbm>>
    %dma_start3A_943 = arith.constant 0 : i32
    %dma_start3A_944 = tpu.memref_slice %arg4[%dma_start3A_939, %add3A_938, %dma_start3A_943] : memref<4x4096x1024xf32, #tpu.memory_space<hbm>> -> memref<1x16x1024xf32, #tpu.memory_space<hbm>>
    %dma_start3A_945 = tpu.memref_squeeze %dma_start3A_944 : memref<1x16x1024xf32, #tpu.memory_space<hbm>> -> memref<16x1024xf32, #tpu.memory_space<hbm>>
    tpu.enqueue_dma source(%arg7 : memref<16x1024xf32, #tpu.memory_space<vmem>>) target(%dma_start3A_945 : memref<16x1024xf32, #tpu.memory_space<hbm>>) target_semaphore(%arg15 : memref<!tpu.dma_semaphore, #tpu.memory_space<semaphore_mem>>)
    %dma_wait3A_946 = arith.constant 3 : i32
    %dma_wait3A_947 = arith.constant 0 : i32
    %dma_wait3A_948 = tpu.memref_slice %arg4[%dma_wait3A_946, %add3A_893, %dma_wait3A_947] : memref<4x4096x1024xf32, #tpu.memory_space<hbm>> -> memref<1x16x1024xf32, #tpu.memory_space<hbm>>
    %dma_wait3A_949 = tpu.memref_squeeze %dma_wait3A_948 : memref<1x16x1024xf32, #tpu.memory_space<hbm>> -> memref<16x1024xf32, #tpu.memory_space<hbm>>
    %dma_wait3A_950 = arith.constant 0 : i32
    %dma_wait3A_951 = tpu.memref_slice %arg4[%dma_wait3A_946, %add3A_893, %dma_wait3A_950] : memref<4x4096x1024xf32, #tpu.memory_space<hbm>> -> memref<1x16x1024xf32, #tpu.memory_space<hbm>>
    %dma_wait3A_952 = tpu.memref_squeeze %dma_wait3A_951 : memref<1x16x1024xf32, #tpu.memory_space<hbm>> -> memref<16x1024xf32, #tpu.memory_space<hbm>>
    tpu.wait_dma2 semaphore(%arg17 : memref<!tpu.dma_semaphore, #tpu.memory_space<semaphore_mem>>) src(%arg9 : memref<16x1024xf32, #tpu.memory_space<vmem>>) dst(%dma_wait3A_952 : memref<16x1024xf32, #tpu.memory_space<hbm>>)
    %add3A_953 = arith.constant 96 : i32
    %add3A_954 = arith.addi %mul3A_2, %add3A_953 : i32
    %dma_start3A_955 = arith.constant 2 : i32
    %dma_start3A_956 = arith.constant 0 : i32
    %dma_start3A_957 = tpu.memref_slice %arg2[%dma_start3A_955, %add3A_954, %dma_start3A_956] : memref<4x4096x1024xf32, #tpu.memory_space<hbm>> -> memref<1x16x1024xf32, #tpu.memory_space<hbm>>
    %dma_start3A_958 = tpu.memref_squeeze %dma_start3A_957 : memref<1x16x1024xf32, #tpu.memory_space<hbm>> -> memref<16x1024xf32, #tpu.memory_space<hbm>>
    %dma_start3A_959 = arith.constant 0 : i32
    %dma_start3A_960 = tpu.memref_slice %arg2[%dma_start3A_955, %add3A_954, %dma_start3A_959] : memref<4x4096x1024xf32, #tpu.memory_space<hbm>> -> memref<1x16x1024xf32, #tpu.memory_space<hbm>>
    %dma_start3A_961 = tpu.memref_squeeze %dma_start3A_960 : memref<1x16x1024xf32, #tpu.memory_space<hbm>> -> memref<16x1024xf32, #tpu.memory_space<hbm>>
    tpu.enqueue_dma source(%dma_start3A_961 : memref<16x1024xf32, #tpu.memory_space<hbm>>) target(%arg9 : memref<16x1024xf32, #tpu.memory_space<vmem>>) target_semaphore(%arg14 : memref<!tpu.dma_semaphore, #tpu.memory_space<semaphore_mem>>)
    %dma_wait3A_962 = arith.constant 1 : i32
    %dma_wait3A_963 = arith.constant 0 : i32
    %dma_wait3A_964 = tpu.memref_slice %arg2[%dma_wait3A_962, %add3A_909, %dma_wait3A_963] : memref<4x4096x1024xf32, #tpu.memory_space<hbm>> -> memref<1x16x1024xf32, #tpu.memory_space<hbm>>
    %dma_wait3A_965 = tpu.memref_squeeze %dma_wait3A_964 : memref<1x16x1024xf32, #tpu.memory_space<hbm>> -> memref<16x1024xf32, #tpu.memory_space<hbm>>
    %dma_wait3A_966 = arith.constant 0 : i32
    %dma_wait3A_967 = tpu.memref_slice %arg2[%dma_wait3A_962, %add3A_909, %dma_wait3A_966] : memref<4x4096x1024xf32, #tpu.memory_space<hbm>> -> memref<1x16x1024xf32, #tpu.memory_space<hbm>>
    %dma_wait3A_968 = tpu.memref_squeeze %dma_wait3A_967 : memref<1x16x1024xf32, #tpu.memory_space<hbm>> -> memref<16x1024xf32, #tpu.memory_space<hbm>>
    tpu.wait_dma2 semaphore(%arg13 : memref<!tpu.dma_semaphore, #tpu.memory_space<semaphore_mem>>) src(%dma_wait3A_968 : memref<16x1024xf32, #tpu.memory_space<hbm>>) dst(%arg8 : memref<16x1024xf32, #tpu.memory_space<vmem>>)
    %parallel_loop3A_969 = arith.constant 0 : i32
    %parallel_loop3A_970 = arith.constant 1024 : i32
    %parallel_loop3A_971 = arith.constant 1 : i32
    scf.for %parallel_loop3A_1200 = %parallel_loop3A_969 to %parallel_loop3A_970 step %parallel_loop3A_971  : i32 {
      %parallel_loop3A_1201 = arith.constant 64 : i32
      %parallel_loop3A_1202 = arith.divsi %parallel_loop3A_1200, %parallel_loop3A_1201 : i32
      %parallel_loop3A_1203 = arith.constant 0 : i32
      %parallel_loop3A_1204 = arith.cmpi sgt, %parallel_loop3A_1200, %parallel_loop3A_1203 : i32
      %parallel_loop3A_1205 = arith.extui %parallel_loop3A_1204 : i1 to i32
      %parallel_loop3A_1206 = arith.constant 0 : i32
      %parallel_loop3A_1207 = arith.cmpi slt, %parallel_loop3A_1200, %parallel_loop3A_1206 : i32
      %parallel_loop3A_1208 = arith.extui %parallel_loop3A_1207 : i1 to i32
      %parallel_loop3A_1209 = arith.subi %parallel_loop3A_1205, %parallel_loop3A_1208 : i32
      %parallel_loop3A_1210 = arith.constant 0 : i32
      %parallel_loop3A_1211 = arith.cmpi sgt, %parallel_loop3A_1201, %parallel_loop3A_1210 : i32
      %parallel_loop3A_1212 = arith.extui %parallel_loop3A_1211 : i1 to i32
      %parallel_loop3A_1213 = arith.constant 0 : i32
      %parallel_loop3A_1214 = arith.cmpi slt, %parallel_loop3A_1201, %parallel_loop3A_1213 : i32
      %parallel_loop3A_1215 = arith.extui %parallel_loop3A_1214 : i1 to i32
      %parallel_loop3A_1216 = arith.subi %parallel_loop3A_1212, %parallel_loop3A_1215 : i32
      %parallel_loop3A_1217 = arith.cmpi ne, %parallel_loop3A_1209, %parallel_loop3A_1216 : i32
      %parallel_loop3A_1218 = arith.remsi %parallel_loop3A_1200, %parallel_loop3A_1201 : i32
      %parallel_loop3A_1219 = arith.constant 0 : i32
      %parallel_loop3A_1220 = arith.cmpi ne, %parallel_loop3A_1218, %parallel_loop3A_1219 : i32
      %parallel_loop3A_1221 = arith.andi %parallel_loop3A_1217, %parallel_loop3A_1220 : i1
      %parallel_loop3A_1222 = arith.constant 1 : i32
      %parallel_loop3A_1223 = arith.subi %parallel_loop3A_1202, %parallel_loop3A_1222 : i32
      %parallel_loop3A_1224 = arith.select %parallel_loop3A_1221, %parallel_loop3A_1223, %parallel_loop3A_1202 : i32
      %parallel_loop3A_1225 = arith.constant 64 : i32
      %parallel_loop3A_1226 = arith.constant 0 : i32
      %parallel_loop3A_1227 = arith.cmpi eq, %parallel_loop3A_1225, %parallel_loop3A_1226 : i32
      %parallel_loop3A_1228 = arith.constant 1 : i32
      %parallel_loop3A_1229 = arith.select %parallel_loop3A_1227, %parallel_loop3A_1228, %parallel_loop3A_1225 : i32
      %parallel_loop3A_1230 = arith.remsi %parallel_loop3A_1200, %parallel_loop3A_1229 : i32
      %parallel_loop3A_1231 = arith.constant 0 : i32
      %parallel_loop3A_1232 = arith.cmpi ne, %parallel_loop3A_1230, %parallel_loop3A_1231 : i32
      %parallel_loop3A_1233 = arith.constant 0 : i32
      %parallel_loop3A_1234 = arith.cmpi slt, %parallel_loop3A_1230, %parallel_loop3A_1233 : i32
      %parallel_loop3A_1235 = arith.constant 0 : i32
      %parallel_loop3A_1236 = arith.cmpi slt, %parallel_loop3A_1229, %parallel_loop3A_1235 : i32
      %parallel_loop3A_1237 = arith.xori %parallel_loop3A_1234, %parallel_loop3A_1236 : i1
      %parallel_loop3A_1238 = arith.andi %parallel_loop3A_1237, %parallel_loop3A_1232 : i1
      %parallel_loop3A_1239 = arith.addi %parallel_loop3A_1230, %parallel_loop3A_1229 : i32
      %parallel_loop3A_1240 = arith.select %parallel_loop3A_1238, %parallel_loop3A_1239, %parallel_loop3A_1230 : i32
      %parallel_loop3A_1241 = arith.constant 16 : i32
      %parallel_loop3A_1242 = arith.muli %parallel_loop3A_1240, %parallel_loop3A_1241 : i32
      %parallel_loop3A_1243 = arith.index_cast %parallel_loop3A_1224 : i32 to index
      %parallel_loop3A_1244 = arith.index_cast %parallel_loop3A_1242 : i32 to index
      %parallel_loop3A_1245 = tpu.vector_load %arg5[%parallel_loop3A_1243, %parallel_loop3A_1244] {strides = array<i32>} : memref<16x1024xf32, #tpu.memory_space<vmem>>, vector<1x16xf32>,
      %parallel_loop3A_1246 = vector.shape_cast %parallel_loop3A_1245 : vector<1x16xf32> to vector<16xf32>
      %parallel_loop3A_1247 = arith.index_cast %parallel_loop3A_1224 : i32 to index
      %parallel_loop3A_1248 = arith.index_cast %parallel_loop3A_1242 : i32 to index
      %parallel_loop3A_1249 = tpu.vector_load %arg8[%parallel_loop3A_1247, %parallel_loop3A_1248] {strides = array<i32>} : memref<16x1024xf32, #tpu.memory_space<vmem>>, vector<1x16xf32>,
      %parallel_loop3A_1250 = vector.shape_cast %parallel_loop3A_1249 : vector<1x16xf32> to vector<16xf32>
      %parallel_loop3A_1251 = vector.shape_cast %parallel_loop3A_1246 : vector<16xf32> to vector<1x16xf32>
      tpu.vector_store %arg8[%parallel_loop3A_1247, %parallel_loop3A_1248], %parallel_loop3A_1251 {add = true, strides = array<i32>} : memref<16x1024xf32, #tpu.memory_space<vmem>>, vector<1x16xf32>,
    } {sc.loop_unroll_factor = 8 : i64, sc.parallel_access}
    %add3A_972 = arith.constant 96 : i32
    %add3A_973 = arith.addi %mul3A_2, %add3A_972 : i32
    %dma_start3A_974 = arith.constant 1 : i32
    %dma_start3A_975 = arith.constant 0 : i32
    %dma_start3A_976 = tpu.memref_slice %arg4[%dma_start3A_974, %add3A_973, %dma_start3A_975] : memref<4x4096x1024xf32, #tpu.memory_space<hbm>> -> memref<1x16x1024xf32, #tpu.memory_space<hbm>>
    %dma_start3A_977 = tpu.memref_squeeze %dma_start3A_976 : memref<1x16x1024xf32, #tpu.memory_space<hbm>> -> memref<16x1024xf32, #tpu.memory_space<hbm>>
    %dma_start3A_978 = arith.constant 0 : i32
    %dma_start3A_979 = tpu.memref_slice %arg4[%dma_start3A_974, %add3A_973, %dma_start3A_978] : memref<4x4096x1024xf32, #tpu.memory_space<hbm>> -> memref<1x16x1024xf32, #tpu.memory_space<hbm>>
    %dma_start3A_980 = tpu.memref_squeeze %dma_start3A_979 : memref<1x16x1024xf32, #tpu.memory_space<hbm>> -> memref<16x1024xf32, #tpu.memory_space<hbm>>
    tpu.enqueue_dma source(%arg8 : memref<16x1024xf32, #tpu.memory_space<vmem>>) target(%dma_start3A_980 : memref<16x1024xf32, #tpu.memory_space<hbm>>) target_semaphore(%arg16 : memref<!tpu.dma_semaphore, #tpu.memory_space<semaphore_mem>>)
    %dma_wait3A_981 = arith.constant 0 : i32
    %dma_wait3A_982 = arith.constant 0 : i32
    %dma_wait3A_983 = tpu.memref_slice %arg4[%dma_wait3A_981, %add3A_938, %dma_wait3A_982] : memref<4x4096x1024xf32, #tpu.memory_space<hbm>> -> memref<1x16x1024xf32, #tpu.memory_space<hbm>>
    %dma_wait3A_984 = tpu.memref_squeeze %dma_wait3A_983 : memref<1x16x1024xf32, #tpu.memory_space<hbm>> -> memref<16x1024xf32, #tpu.memory_space<hbm>>
    %dma_wait3A_985 = arith.constant 0 : i32
    %dma_wait3A_986 = tpu.memref_slice %arg4[%dma_wait3A_981, %add3A_938, %dma_wait3A_985] : memref<4x4096x1024xf32, #tpu.memory_space<hbm>> -> memref<1x16x1024xf32, #tpu.memory_space<hbm>>
    %dma_wait3A_987 = tpu.memref_squeeze %dma_wait3A_986 : memref<1x16x1024xf32, #tpu.memory_space<hbm>> -> memref<16x1024xf32, #tpu.memory_space<hbm>>
    tpu.wait_dma2 semaphore(%arg15 : memref<!tpu.dma_semaphore, #tpu.memory_space<semaphore_mem>>) src(%arg7 : memref<16x1024xf32, #tpu.memory_space<vmem>>) dst(%dma_wait3A_987 : memref<16x1024xf32, #tpu.memory_space<hbm>>)
    %add3A_988 = arith.constant 96 : i32
    %add3A_989 = arith.addi %mul3A_2, %add3A_988 : i32
    %dma_start3A_990 = arith.constant 3 : i32
    %dma_start3A_991 = arith.constant 0 : i32
    %dma_start3A_992 = tpu.memref_slice %arg2[%dma_start3A_990, %add3A_989, %dma_start3A_991] : memref<4x4096x1024xf32, #tpu.memory_space<hbm>> -> memref<1x16x1024xf32, #tpu.memory_space<hbm>>
    %dma_start3A_993 = tpu.memref_squeeze %dma_start3A_992 : memref<1x16x1024xf32, #tpu.memory_space<hbm>> -> memref<16x1024xf32, #tpu.memory_space<hbm>>
    %dma_start3A_994 = arith.constant 0 : i32
    %dma_start3A_995 = tpu.memref_slice %arg2[%dma_start3A_990, %add3A_989, %dma_start3A_994] : memref<4x4096x1024xf32, #tpu.memory_space<hbm>> -> memref<1x16x1024xf32, #tpu.memory_space<hbm>>
    %dma_start3A_996 = tpu.memref_squeeze %dma_start3A_995 : memref<1x16x1024xf32, #tpu.memory_space<hbm>> -> memref<16x1024xf32, #tpu.memory_space<hbm>>
    tpu.enqueue_dma source(%dma_start3A_996 : memref<16x1024xf32, #tpu.memory_space<hbm>>) target(%arg7 : memref<16x1024xf32, #tpu.memory_space<vmem>>) target_semaphore(%arg12 : memref<!tpu.dma_semaphore, #tpu.memory_space<semaphore_mem>>)
    %dma_wait3A_997 = arith.constant 2 : i32
    %dma_wait3A_998 = arith.constant 0 : i32
    %dma_wait3A_999 = tpu.memref_slice %arg2[%dma_wait3A_997, %add3A_954, %dma_wait3A_998] : memref<4x4096x1024xf32, #tpu.memory_space<hbm>> -> memref<1x16x1024xf32, #tpu.memory_space<hbm>>
    %dma_wait3A_1000 = tpu.memref_squeeze %dma_wait3A_999 : memref<1x16x1024xf32, #tpu.memory_space<hbm>> -> memref<16x1024xf32, #tpu.memory_space<hbm>>
    %dma_wait3A_1001 = arith.constant 0 : i32
    %dma_wait3A_1002 = tpu.memref_slice %arg2[%dma_wait3A_997, %add3A_954, %dma_wait3A_1001] : memref<4x4096x1024xf32, #tpu.memory_space<hbm>> -> memref<1x16x1024xf32, #tpu.memory_space<hbm>>
    %dma_wait3A_1003 = tpu.memref_squeeze %dma_wait3A_1002 : memref<1x16x1024xf32, #tpu.memory_space<hbm>> -> memref<16x1024xf32, #tpu.memory_space<hbm>>
    tpu.wait_dma2 semaphore(%arg14 : memref<!tpu.dma_semaphore, #tpu.memory_space<semaphore_mem>>) src(%dma_wait3A_1003 : memref<16x1024xf32, #tpu.memory_space<hbm>>) dst(%arg9 : memref<16x1024xf32, #tpu.memory_space<vmem>>)
    %parallel_loop3A_1004 = arith.constant 0 : i32
    %parallel_loop3A_1005 = arith.constant 1024 : i32
    %parallel_loop3A_1006 = arith.constant 1 : i32
    scf.for %parallel_loop3A_1200 = %parallel_loop3A_1004 to %parallel_loop3A_1005 step %parallel_loop3A_1006  : i32 {
      %parallel_loop3A_1201 = arith.constant 64 : i32
      %parallel_loop3A_1202 = arith.divsi %parallel_loop3A_1200, %parallel_loop3A_1201 : i32
      %parallel_loop3A_1203 = arith.constant 0 : i32
      %parallel_loop3A_1204 = arith.cmpi sgt, %parallel_loop3A_1200, %parallel_loop3A_1203 : i32
      %parallel_loop3A_1205 = arith.extui %parallel_loop3A_1204 : i1 to i32
      %parallel_loop3A_1206 = arith.constant 0 : i32
      %parallel_loop3A_1207 = arith.cmpi slt, %parallel_loop3A_1200, %parallel_loop3A_1206 : i32
      %parallel_loop3A_1208 = arith.extui %parallel_loop3A_1207 : i1 to i32
      %parallel_loop3A_1209 = arith.subi %parallel_loop3A_1205, %parallel_loop3A_1208 : i32
      %parallel_loop3A_1210 = arith.constant 0 : i32
      %parallel_loop3A_1211 = arith.cmpi sgt, %parallel_loop3A_1201, %parallel_loop3A_1210 : i32
      %parallel_loop3A_1212 = arith.extui %parallel_loop3A_1211 : i1 to i32
      %parallel_loop3A_1213 = arith.constant 0 : i32
      %parallel_loop3A_1214 = arith.cmpi slt, %parallel_loop3A_1201, %parallel_loop3A_1213 : i32
      %parallel_loop3A_1215 = arith.extui %parallel_loop3A_1214 : i1 to i32
      %parallel_loop3A_1216 = arith.subi %parallel_loop3A_1212, %parallel_loop3A_1215 : i32
      %parallel_loop3A_1217 = arith.cmpi ne, %parallel_loop3A_1209, %parallel_loop3A_1216 : i32
      %parallel_loop3A_1218 = arith.remsi %parallel_loop3A_1200, %parallel_loop3A_1201 : i32
      %parallel_loop3A_1219 = arith.constant 0 : i32
      %parallel_loop3A_1220 = arith.cmpi ne, %parallel_loop3A_1218, %parallel_loop3A_1219 : i32
      %parallel_loop3A_1221 = arith.andi %parallel_loop3A_1217, %parallel_loop3A_1220 : i1
      %parallel_loop3A_1222 = arith.constant 1 : i32
      %parallel_loop3A_1223 = arith.subi %parallel_loop3A_1202, %parallel_loop3A_1222 : i32
      %parallel_loop3A_1224 = arith.select %parallel_loop3A_1221, %parallel_loop3A_1223, %parallel_loop3A_1202 : i32
      %parallel_loop3A_1225 = arith.constant 64 : i32
      %parallel_loop3A_1226 = arith.constant 0 : i32
      %parallel_loop3A_1227 = arith.cmpi eq, %parallel_loop3A_1225, %parallel_loop3A_1226 : i32
      %parallel_loop3A_1228 = arith.constant 1 : i32
      %parallel_loop3A_1229 = arith.select %parallel_loop3A_1227, %parallel_loop3A_1228, %parallel_loop3A_1225 : i32
      %parallel_loop3A_1230 = arith.remsi %parallel_loop3A_1200, %parallel_loop3A_1229 : i32
      %parallel_loop3A_1231 = arith.constant 0 : i32
      %parallel_loop3A_1232 = arith.cmpi ne, %parallel_loop3A_1230, %parallel_loop3A_1231 : i32
      %parallel_loop3A_1233 = arith.constant 0 : i32
      %parallel_loop3A_1234 = arith.cmpi slt, %parallel_loop3A_1230, %parallel_loop3A_1233 : i32
      %parallel_loop3A_1235 = arith.constant 0 : i32
      %parallel_loop3A_1236 = arith.cmpi slt, %parallel_loop3A_1229, %parallel_loop3A_1235 : i32
      %parallel_loop3A_1237 = arith.xori %parallel_loop3A_1234, %parallel_loop3A_1236 : i1
      %parallel_loop3A_1238 = arith.andi %parallel_loop3A_1237, %parallel_loop3A_1232 : i1
      %parallel_loop3A_1239 = arith.addi %parallel_loop3A_1230, %parallel_loop3A_1229 : i32
      %parallel_loop3A_1240 = arith.select %parallel_loop3A_1238, %parallel_loop3A_1239, %parallel_loop3A_1230 : i32
      %parallel_loop3A_1241 = arith.constant 16 : i32
      %parallel_loop3A_1242 = arith.muli %parallel_loop3A_1240, %parallel_loop3A_1241 : i32
      %parallel_loop3A_1243 = arith.index_cast %parallel_loop3A_1224 : i32 to index
      %parallel_loop3A_1244 = arith.index_cast %parallel_loop3A_1242 : i32 to index
      %parallel_loop3A_1245 = tpu.vector_load %arg5[%parallel_loop3A_1243, %parallel_loop3A_1244] {strides = array<i32>} : memref<16x1024xf32, #tpu.memory_space<vmem>>, vector<1x16xf32>,
      %parallel_loop3A_1246 = vector.shape_cast %parallel_loop3A_1245 : vector<1x16xf32> to vector<16xf32>
      %parallel_loop3A_1247 = arith.index_cast %parallel_loop3A_1224 : i32 to index
      %parallel_loop3A_1248 = arith.index_cast %parallel_loop3A_1242 : i32 to index
      %parallel_loop3A_1249 = tpu.vector_load %arg9[%parallel_loop3A_1247, %parallel_loop3A_1248] {strides = array<i32>} : memref<16x1024xf32, #tpu.memory_space<vmem>>, vector<1x16xf32>,
      %parallel_loop3A_1250 = vector.shape_cast %parallel_loop3A_1249 : vector<1x16xf32> to vector<16xf32>
      %parallel_loop3A_1251 = vector.shape_cast %parallel_loop3A_1246 : vector<16xf32> to vector<1x16xf32>
      tpu.vector_store %arg9[%parallel_loop3A_1247, %parallel_loop3A_1248], %parallel_loop3A_1251 {add = true, strides = array<i32>} : memref<16x1024xf32, #tpu.memory_space<vmem>>, vector<1x16xf32>,
    } {sc.loop_unroll_factor = 8 : i64, sc.parallel_access}
    %add3A_1007 = arith.constant 96 : i32
    %add3A_1008 = arith.addi %mul3A_2, %add3A_1007 : i32
    %dma_start3A_1009 = arith.constant 2 : i32
    %dma_start3A_1010 = arith.constant 0 : i32
    %dma_start3A_1011 = tpu.memref_slice %arg4[%dma_start3A_1009, %add3A_1008, %dma_start3A_1010] : memref<4x4096x1024xf32, #tpu.memory_space<hbm>> -> memref<1x16x1024xf32, #tpu.memory_space<hbm>>
    %dma_start3A_1012 = tpu.memref_squeeze %dma_start3A_1011 : memref<1x16x1024xf32, #tpu.memory_space<hbm>> -> memref<16x1024xf32, #tpu.memory_space<hbm>>
    %dma_start3A_1013 = arith.constant 0 : i32
    %dma_start3A_1014 = tpu.memref_slice %arg4[%dma_start3A_1009, %add3A_1008, %dma_start3A_1013] : memref<4x4096x1024xf32, #tpu.memory_space<hbm>> -> memref<1x16x1024xf32, #tpu.memory_space<hbm>>
    %dma_start3A_1015 = tpu.memref_squeeze %dma_start3A_1014 : memref<1x16x1024xf32, #tpu.memory_space<hbm>> -> memref<16x1024xf32, #tpu.memory_space<hbm>>
    tpu.enqueue_dma source(%arg9 : memref<16x1024xf32, #tpu.memory_space<vmem>>) target(%dma_start3A_1015 : memref<16x1024xf32, #tpu.memory_space<hbm>>) target_semaphore(%arg17 : memref<!tpu.dma_semaphore, #tpu.memory_space<semaphore_mem>>)
    %dma_wait3A_1016 = arith.constant 1 : i32
    %dma_wait3A_1017 = arith.constant 0 : i32
    %dma_wait3A_1018 = tpu.memref_slice %arg4[%dma_wait3A_1016, %add3A_973, %dma_wait3A_1017] : memref<4x4096x1024xf32, #tpu.memory_space<hbm>> -> memref<1x16x1024xf32, #tpu.memory_space<hbm>>
    %dma_wait3A_1019 = tpu.memref_squeeze %dma_wait3A_1018 : memref<1x16x1024xf32, #tpu.memory_space<hbm>> -> memref<16x1024xf32, #tpu.memory_space<hbm>>
    %dma_wait3A_1020 = arith.constant 0 : i32
    %dma_wait3A_1021 = tpu.memref_slice %arg4[%dma_wait3A_1016, %add3A_973, %dma_wait3A_1020] : memref<4x4096x1024xf32, #tpu.memory_space<hbm>> -> memref<1x16x1024xf32, #tpu.memory_space<hbm>>
    %dma_wait3A_1022 = tpu.memref_squeeze %dma_wait3A_1021 : memref<1x16x1024xf32, #tpu.memory_space<hbm>> -> memref<16x1024xf32, #tpu.memory_space<hbm>>
    tpu.wait_dma2 semaphore(%arg16 : memref<!tpu.dma_semaphore, #tpu.memory_space<semaphore_mem>>) src(%arg8 : memref<16x1024xf32, #tpu.memory_space<vmem>>) dst(%dma_wait3A_1022 : memref<16x1024xf32, #tpu.memory_space<hbm>>)
    %add3A_1023 = arith.constant 112 : i32
    %add3A_1024 = arith.addi %mul3A_2, %add3A_1023 : i32
    %dma_start3A_1025 = arith.constant 0 : i32
    %dma_start3A_1026 = arith.constant 0 : i32
    %dma_start3A_1027 = tpu.memref_slice %arg2[%dma_start3A_1025, %add3A_1024, %dma_start3A_1026] : memref<4x4096x1024xf32, #tpu.memory_space<hbm>> -> memref<1x16x1024xf32, #tpu.memory_space<hbm>>
    %dma_start3A_1028 = tpu.memref_squeeze %dma_start3A_1027 : memref<1x16x1024xf32, #tpu.memory_space<hbm>> -> memref<16x1024xf32, #tpu.memory_space<hbm>>
    %dma_start3A_1029 = arith.constant 0 : i32
    %dma_start3A_1030 = tpu.memref_slice %arg2[%dma_start3A_1025, %add3A_1024, %dma_start3A_1029] : memref<4x4096x1024xf32, #tpu.memory_space<hbm>> -> memref<1x16x1024xf32, #tpu.memory_space<hbm>>
    %dma_start3A_1031 = tpu.memref_squeeze %dma_start3A_1030 : memref<1x16x1024xf32, #tpu.memory_space<hbm>> -> memref<16x1024xf32, #tpu.memory_space<hbm>>
    tpu.enqueue_dma source(%dma_start3A_1031 : memref<16x1024xf32, #tpu.memory_space<hbm>>) target(%arg8 : memref<16x1024xf32, #tpu.memory_space<vmem>>) target_semaphore(%arg13 : memref<!tpu.dma_semaphore, #tpu.memory_space<semaphore_mem>>)
    %dma_wait3A_1032 = arith.constant 3 : i32
    %dma_wait3A_1033 = arith.constant 0 : i32
    %dma_wait3A_1034 = tpu.memref_slice %arg2[%dma_wait3A_1032, %add3A_989, %dma_wait3A_1033] : memref<4x4096x1024xf32, #tpu.memory_space<hbm>> -> memref<1x16x1024xf32, #tpu.memory_space<hbm>>
    %dma_wait3A_1035 = tpu.memref_squeeze %dma_wait3A_1034 : memref<1x16x1024xf32, #tpu.memory_space<hbm>> -> memref<16x1024xf32, #tpu.memory_space<hbm>>
    %dma_wait3A_1036 = arith.constant 0 : i32
    %dma_wait3A_1037 = tpu.memref_slice %arg2[%dma_wait3A_1032, %add3A_989, %dma_wait3A_1036] : memref<4x4096x1024xf32, #tpu.memory_space<hbm>> -> memref<1x16x1024xf32, #tpu.memory_space<hbm>>
    %dma_wait3A_1038 = tpu.memref_squeeze %dma_wait3A_1037 : memref<1x16x1024xf32, #tpu.memory_space<hbm>> -> memref<16x1024xf32, #tpu.memory_space<hbm>>
    tpu.wait_dma2 semaphore(%arg12 : memref<!tpu.dma_semaphore, #tpu.memory_space<semaphore_mem>>) src(%dma_wait3A_1038 : memref<16x1024xf32, #tpu.memory_space<hbm>>) dst(%arg7 : memref<16x1024xf32, #tpu.memory_space<vmem>>)
    %parallel_loop3A_1039 = arith.constant 0 : i32
    %parallel_loop3A_1040 = arith.constant 1024 : i32
    %parallel_loop3A_1041 = arith.constant 1 : i32
    scf.for %parallel_loop3A_1200 = %parallel_loop3A_1039 to %parallel_loop3A_1040 step %parallel_loop3A_1041  : i32 {
      %parallel_loop3A_1201 = arith.constant 64 : i32
      %parallel_loop3A_1202 = arith.divsi %parallel_loop3A_1200, %parallel_loop3A_1201 : i32
      %parallel_loop3A_1203 = arith.constant 0 : i32
      %parallel_loop3A_1204 = arith.cmpi sgt, %parallel_loop3A_1200, %parallel_loop3A_1203 : i32
      %parallel_loop3A_1205 = arith.extui %parallel_loop3A_1204 : i1 to i32
      %parallel_loop3A_1206 = arith.constant 0 : i32
      %parallel_loop3A_1207 = arith.cmpi slt, %parallel_loop3A_1200, %parallel_loop3A_1206 : i32
      %parallel_loop3A_1208 = arith.extui %parallel_loop3A_1207 : i1 to i32
      %parallel_loop3A_1209 = arith.subi %parallel_loop3A_1205, %parallel_loop3A_1208 : i32
      %parallel_loop3A_1210 = arith.constant 0 : i32
      %parallel_loop3A_1211 = arith.cmpi sgt, %parallel_loop3A_1201, %parallel_loop3A_1210 : i32
      %parallel_loop3A_1212 = arith.extui %parallel_loop3A_1211 : i1 to i32
      %parallel_loop3A_1213 = arith.constant 0 : i32
      %parallel_loop3A_1214 = arith.cmpi slt, %parallel_loop3A_1201, %parallel_loop3A_1213 : i32
      %parallel_loop3A_1215 = arith.extui %parallel_loop3A_1214 : i1 to i32
      %parallel_loop3A_1216 = arith.subi %parallel_loop3A_1212, %parallel_loop3A_1215 : i32
      %parallel_loop3A_1217 = arith.cmpi ne, %parallel_loop3A_1209, %parallel_loop3A_1216 : i32
      %parallel_loop3A_1218 = arith.remsi %parallel_loop3A_1200, %parallel_loop3A_1201 : i32
      %parallel_loop3A_1219 = arith.constant 0 : i32
      %parallel_loop3A_1220 = arith.cmpi ne, %parallel_loop3A_1218, %parallel_loop3A_1219 : i32
      %parallel_loop3A_1221 = arith.andi %parallel_loop3A_1217, %parallel_loop3A_1220 : i1
      %parallel_loop3A_1222 = arith.constant 1 : i32
      %parallel_loop3A_1223 = arith.subi %parallel_loop3A_1202, %parallel_loop3A_1222 : i32
      %parallel_loop3A_1224 = arith.select %parallel_loop3A_1221, %parallel_loop3A_1223, %parallel_loop3A_1202 : i32
      %parallel_loop3A_1225 = arith.constant 64 : i32
      %parallel_loop3A_1226 = arith.constant 0 : i32
      %parallel_loop3A_1227 = arith.cmpi eq, %parallel_loop3A_1225, %parallel_loop3A_1226 : i32
      %parallel_loop3A_1228 = arith.constant 1 : i32
      %parallel_loop3A_1229 = arith.select %parallel_loop3A_1227, %parallel_loop3A_1228, %parallel_loop3A_1225 : i32
      %parallel_loop3A_1230 = arith.remsi %parallel_loop3A_1200, %parallel_loop3A_1229 : i32
      %parallel_loop3A_1231 = arith.constant 0 : i32
      %parallel_loop3A_1232 = arith.cmpi ne, %parallel_loop3A_1230, %parallel_loop3A_1231 : i32
      %parallel_loop3A_1233 = arith.constant 0 : i32
      %parallel_loop3A_1234 = arith.cmpi slt, %parallel_loop3A_1230, %parallel_loop3A_1233 : i32
      %parallel_loop3A_1235 = arith.constant 0 : i32
      %parallel_loop3A_1236 = arith.cmpi slt, %parallel_loop3A_1229, %parallel_loop3A_1235 : i32
      %parallel_loop3A_1237 = arith.xori %parallel_loop3A_1234, %parallel_loop3A_1236 : i1
      %parallel_loop3A_1238 = arith.andi %parallel_loop3A_1237, %parallel_loop3A_1232 : i1
      %parallel_loop3A_1239 = arith.addi %parallel_loop3A_1230, %parallel_loop3A_1229 : i32
      %parallel_loop3A_1240 = arith.select %parallel_loop3A_1238, %parallel_loop3A_1239, %parallel_loop3A_1230 : i32
      %parallel_loop3A_1241 = arith.constant 16 : i32
      %parallel_loop3A_1242 = arith.muli %parallel_loop3A_1240, %parallel_loop3A_1241 : i32
      %parallel_loop3A_1243 = arith.index_cast %parallel_loop3A_1224 : i32 to index
      %parallel_loop3A_1244 = arith.index_cast %parallel_loop3A_1242 : i32 to index
      %parallel_loop3A_1245 = tpu.vector_load %arg5[%parallel_loop3A_1243, %parallel_loop3A_1244] {strides = array<i32>} : memref<16x1024xf32, #tpu.memory_space<vmem>>, vector<1x16xf32>,
      %parallel_loop3A_1246 = vector.shape_cast %parallel_loop3A_1245 : vector<1x16xf32> to vector<16xf32>
      %parallel_loop3A_1247 = arith.index_cast %parallel_loop3A_1224 : i32 to index
      %parallel_loop3A_1248 = arith.index_cast %parallel_loop3A_1242 : i32 to index
      %parallel_loop3A_1249 = tpu.vector_load %arg7[%parallel_loop3A_1247, %parallel_loop3A_1248] {strides = array<i32>} : memref<16x1024xf32, #tpu.memory_space<vmem>>, vector<1x16xf32>,
      %parallel_loop3A_1250 = vector.shape_cast %parallel_loop3A_1249 : vector<1x16xf32> to vector<16xf32>
      %parallel_loop3A_1251 = vector.shape_cast %parallel_loop3A_1246 : vector<16xf32> to vector<1x16xf32>
      tpu.vector_store %arg7[%parallel_loop3A_1247, %parallel_loop3A_1248], %parallel_loop3A_1251 {add = true, strides = array<i32>} : memref<16x1024xf32, #tpu.memory_space<vmem>>, vector<1x16xf32>,
    } {sc.loop_unroll_factor = 8 : i64, sc.parallel_access}
    %add3A_1042 = arith.constant 96 : i32
    %add3A_1043 = arith.addi %mul3A_2, %add3A_1042 : i32
    %dma_start3A_1044 = arith.constant 3 : i32
    %dma_start3A_1045 = arith.constant 0 : i32
    %dma_start3A_1046 = tpu.memref_slice %arg4[%dma_start3A_1044, %add3A_1043, %dma_start3A_1045] : memref<4x4096x1024xf32, #tpu.memory_space<hbm>> -> memref<1x16x1024xf32, #tpu.memory_space<hbm>>
    %dma_start3A_1047 = tpu.memref_squeeze %dma_start3A_1046 : memref<1x16x1024xf32, #tpu.memory_space<hbm>> -> memref<16x1024xf32, #tpu.memory_space<hbm>>
    %dma_start3A_1048 = arith.constant 0 : i32
    %dma_start3A_1049 = tpu.memref_slice %arg4[%dma_start3A_1044, %add3A_1043, %dma_start3A_1048] : memref<4x4096x1024xf32, #tpu.memory_space<hbm>> -> memref<1x16x1024xf32, #tpu.memory_space<hbm>>
    %dma_start3A_1050 = tpu.memref_squeeze %dma_start3A_1049 : memref<1x16x1024xf32, #tpu.memory_space<hbm>> -> memref<16x1024xf32, #tpu.memory_space<hbm>>
    tpu.enqueue_dma source(%arg7 : memref<16x1024xf32, #tpu.memory_space<vmem>>) target(%dma_start3A_1050 : memref<16x1024xf32, #tpu.memory_space<hbm>>) target_semaphore(%arg15 : memref<!tpu.dma_semaphore, #tpu.memory_space<semaphore_mem>>)
    %dma_wait3A_1051 = arith.constant 2 : i32
    %dma_wait3A_1052 = arith.constant 0 : i32
    %dma_wait3A_1053 = tpu.memref_slice %arg4[%dma_wait3A_1051, %add3A_1008, %dma_wait3A_1052] : memref<4x4096x1024xf32, #tpu.memory_space<hbm>> -> memref<1x16x1024xf32, #tpu.memory_space<hbm>>
    %dma_wait3A_1054 = tpu.memref_squeeze %dma_wait3A_1053 : memref<1x16x1024xf32, #tpu.memory_space<hbm>> -> memref<16x1024xf32, #tpu.memory_space<hbm>>
    %dma_wait3A_1055 = arith.constant 0 : i32
    %dma_wait3A_1056 = tpu.memref_slice %arg4[%dma_wait3A_1051, %add3A_1008, %dma_wait3A_1055] : memref<4x4096x1024xf32, #tpu.memory_space<hbm>> -> memref<1x16x1024xf32, #tpu.memory_space<hbm>>
    %dma_wait3A_1057 = tpu.memref_squeeze %dma_wait3A_1056 : memref<1x16x1024xf32, #tpu.memory_space<hbm>> -> memref<16x1024xf32, #tpu.memory_space<hbm>>
    tpu.wait_dma2 semaphore(%arg17 : memref<!tpu.dma_semaphore, #tpu.memory_space<semaphore_mem>>) src(%arg9 : memref<16x1024xf32, #tpu.memory_space<vmem>>) dst(%dma_wait3A_1057 : memref<16x1024xf32, #tpu.memory_space<hbm>>)
    %add3A_1058 = arith.constant 112 : i32
    %add3A_1059 = arith.addi %mul3A_2, %add3A_1058 : i32
    %dma_start3A_1060 = arith.constant 1 : i32
    %dma_start3A_1061 = arith.constant 0 : i32
    %dma_start3A_1062 = tpu.memref_slice %arg2[%dma_start3A_1060, %add3A_1059, %dma_start3A_1061] : memref<4x4096x1024xf32, #tpu.memory_space<hbm>> -> memref<1x16x1024xf32, #tpu.memory_space<hbm>>
    %dma_start3A_1063 = tpu.memref_squeeze %dma_start3A_1062 : memref<1x16x1024xf32, #tpu.memory_space<hbm>> -> memref<16x1024xf32, #tpu.memory_space<hbm>>
    %dma_start3A_1064 = arith.constant 0 : i32
    %dma_start3A_1065 = tpu.memref_slice %arg2[%dma_start3A_1060, %add3A_1059, %dma_start3A_1064] : memref<4x4096x1024xf32, #tpu.memory_space<hbm>> -> memref<1x16x1024xf32, #tpu.memory_space<hbm>>
    %dma_start3A_1066 = tpu.memref_squeeze %dma_start3A_1065 : memref<1x16x1024xf32, #tpu.memory_space<hbm>> -> memref<16x1024xf32, #tpu.memory_space<hbm>>
    tpu.enqueue_dma source(%dma_start3A_1066 : memref<16x1024xf32, #tpu.memory_space<hbm>>) target(%arg9 : memref<16x1024xf32, #tpu.memory_space<vmem>>) target_semaphore(%arg14 : memref<!tpu.dma_semaphore, #tpu.memory_space<semaphore_mem>>)
    %dma_wait3A_1067 = arith.constant 0 : i32
    %dma_wait3A_1068 = tpu.memref_slice %arg3[%add3A_918, %dma_wait3A_1067] : memref<4098x1024xf32, #tpu.memory_space<hbm>> -> memref<16x1024xf32, #tpu.memory_space<hbm>>
    %dma_wait3A_1069 = arith.constant 0 : i32
    %dma_wait3A_1070 = tpu.memref_slice %arg3[%add3A_918, %dma_wait3A_1069] : memref<4098x1024xf32, #tpu.memory_space<hbm>> -> memref<16x1024xf32, #tpu.memory_space<hbm>>
    tpu.wait_dma2 semaphore(%arg11 : memref<!tpu.dma_semaphore, #tpu.memory_space<semaphore_mem>>) src(%dma_wait3A_1070 : memref<16x1024xf32, #tpu.memory_space<hbm>>) dst(%arg6 : memref<16x1024xf32, #tpu.memory_space<vmem>>)
    %dma_wait3A_1071 = arith.constant 0 : i32
    %dma_wait3A_1072 = arith.constant 0 : i32
    %dma_wait3A_1073 = tpu.memref_slice %arg2[%dma_wait3A_1071, %add3A_1024, %dma_wait3A_1072] : memref<4x4096x1024xf32, #tpu.memory_space<hbm>> -> memref<1x16x1024xf32, #tpu.memory_space<hbm>>
    %dma_wait3A_1074 = tpu.memref_squeeze %dma_wait3A_1073 : memref<1x16x1024xf32, #tpu.memory_space<hbm>> -> memref<16x1024xf32, #tpu.memory_space<hbm>>
    %dma_wait3A_1075 = arith.constant 0 : i32
    %dma_wait3A_1076 = tpu.memref_slice %arg2[%dma_wait3A_1071, %add3A_1024, %dma_wait3A_1075] : memref<4x4096x1024xf32, #tpu.memory_space<hbm>> -> memref<1x16x1024xf32, #tpu.memory_space<hbm>>
    %dma_wait3A_1077 = tpu.memref_squeeze %dma_wait3A_1076 : memref<1x16x1024xf32, #tpu.memory_space<hbm>> -> memref<16x1024xf32, #tpu.memory_space<hbm>>
    tpu.wait_dma2 semaphore(%arg13 : memref<!tpu.dma_semaphore, #tpu.memory_space<semaphore_mem>>) src(%dma_wait3A_1077 : memref<16x1024xf32, #tpu.memory_space<hbm>>) dst(%arg8 : memref<16x1024xf32, #tpu.memory_space<vmem>>)
    %parallel_loop3A_1078 = arith.constant 0 : i32
    %parallel_loop3A_1079 = arith.constant 1024 : i32
    %parallel_loop3A_1080 = arith.constant 1 : i32
    scf.for %parallel_loop3A_1200 = %parallel_loop3A_1078 to %parallel_loop3A_1079 step %parallel_loop3A_1080  : i32 {
      %parallel_loop3A_1201 = arith.constant 64 : i32
      %parallel_loop3A_1202 = arith.divsi %parallel_loop3A_1200, %parallel_loop3A_1201 : i32
      %parallel_loop3A_1203 = arith.constant 0 : i32
      %parallel_loop3A_1204 = arith.cmpi sgt, %parallel_loop3A_1200, %parallel_loop3A_1203 : i32
      %parallel_loop3A_1205 = arith.extui %parallel_loop3A_1204 : i1 to i32
      %parallel_loop3A_1206 = arith.constant 0 : i32
      %parallel_loop3A_1207 = arith.cmpi slt, %parallel_loop3A_1200, %parallel_loop3A_1206 : i32
      %parallel_loop3A_1208 = arith.extui %parallel_loop3A_1207 : i1 to i32
      %parallel_loop3A_1209 = arith.subi %parallel_loop3A_1205, %parallel_loop3A_1208 : i32
      %parallel_loop3A_1210 = arith.constant 0 : i32
      %parallel_loop3A_1211 = arith.cmpi sgt, %parallel_loop3A_1201, %parallel_loop3A_1210 : i32
      %parallel_loop3A_1212 = arith.extui %parallel_loop3A_1211 : i1 to i32
      %parallel_loop3A_1213 = arith.constant 0 : i32
      %parallel_loop3A_1214 = arith.cmpi slt, %parallel_loop3A_1201, %parallel_loop3A_1213 : i32
      %parallel_loop3A_1215 = arith.extui %parallel_loop3A_1214 : i1 to i32
      %parallel_loop3A_1216 = arith.subi %parallel_loop3A_1212, %parallel_loop3A_1215 : i32
      %parallel_loop3A_1217 = arith.cmpi ne, %parallel_loop3A_1209, %parallel_loop3A_1216 : i32
      %parallel_loop3A_1218 = arith.remsi %parallel_loop3A_1200, %parallel_loop3A_1201 : i32
      %parallel_loop3A_1219 = arith.constant 0 : i32
      %parallel_loop3A_1220 = arith.cmpi ne, %parallel_loop3A_1218, %parallel_loop3A_1219 : i32
      %parallel_loop3A_1221 = arith.andi %parallel_loop3A_1217, %parallel_loop3A_1220 : i1
      %parallel_loop3A_1222 = arith.constant 1 : i32
      %parallel_loop3A_1223 = arith.subi %parallel_loop3A_1202, %parallel_loop3A_1222 : i32
      %parallel_loop3A_1224 = arith.select %parallel_loop3A_1221, %parallel_loop3A_1223, %parallel_loop3A_1202 : i32
      %parallel_loop3A_1225 = arith.constant 64 : i32
      %parallel_loop3A_1226 = arith.constant 0 : i32
      %parallel_loop3A_1227 = arith.cmpi eq, %parallel_loop3A_1225, %parallel_loop3A_1226 : i32
      %parallel_loop3A_1228 = arith.constant 1 : i32
      %parallel_loop3A_1229 = arith.select %parallel_loop3A_1227, %parallel_loop3A_1228, %parallel_loop3A_1225 : i32
      %parallel_loop3A_1230 = arith.remsi %parallel_loop3A_1200, %parallel_loop3A_1229 : i32
      %parallel_loop3A_1231 = arith.constant 0 : i32
      %parallel_loop3A_1232 = arith.cmpi ne, %parallel_loop3A_1230, %parallel_loop3A_1231 : i32
      %parallel_loop3A_1233 = arith.constant 0 : i32
      %parallel_loop3A_1234 = arith.cmpi slt, %parallel_loop3A_1230, %parallel_loop3A_1233 : i32
      %parallel_loop3A_1235 = arith.constant 0 : i32
      %parallel_loop3A_1236 = arith.cmpi slt, %parallel_loop3A_1229, %parallel_loop3A_1235 : i32
      %parallel_loop3A_1237 = arith.xori %parallel_loop3A_1234, %parallel_loop3A_1236 : i1
      %parallel_loop3A_1238 = arith.andi %parallel_loop3A_1237, %parallel_loop3A_1232 : i1
      %parallel_loop3A_1239 = arith.addi %parallel_loop3A_1230, %parallel_loop3A_1229 : i32
      %parallel_loop3A_1240 = arith.select %parallel_loop3A_1238, %parallel_loop3A_1239, %parallel_loop3A_1230 : i32
      %parallel_loop3A_1241 = arith.constant 16 : i32
      %parallel_loop3A_1242 = arith.muli %parallel_loop3A_1240, %parallel_loop3A_1241 : i32
      %parallel_loop3A_1243 = arith.index_cast %parallel_loop3A_1224 : i32 to index
      %parallel_loop3A_1244 = arith.index_cast %parallel_loop3A_1242 : i32 to index
      %parallel_loop3A_1245 = tpu.vector_load %arg6[%parallel_loop3A_1243, %parallel_loop3A_1244] {strides = array<i32>} : memref<16x1024xf32, #tpu.memory_space<vmem>>, vector<1x16xf32>,
      %parallel_loop3A_1246 = vector.shape_cast %parallel_loop3A_1245 : vector<1x16xf32> to vector<16xf32>
      %parallel_loop3A_1247 = arith.index_cast %parallel_loop3A_1224 : i32 to index
      %parallel_loop3A_1248 = arith.index_cast %parallel_loop3A_1242 : i32 to index
      %parallel_loop3A_1249 = tpu.vector_load %arg8[%parallel_loop3A_1247, %parallel_loop3A_1248] {strides = array<i32>} : memref<16x1024xf32, #tpu.memory_space<vmem>>, vector<1x16xf32>,
      %parallel_loop3A_1250 = vector.shape_cast %parallel_loop3A_1249 : vector<1x16xf32> to vector<16xf32>
      %parallel_loop3A_1251 = vector.shape_cast %parallel_loop3A_1246 : vector<16xf32> to vector<1x16xf32>
      tpu.vector_store %arg8[%parallel_loop3A_1247, %parallel_loop3A_1248], %parallel_loop3A_1251 {add = true, strides = array<i32>} : memref<16x1024xf32, #tpu.memory_space<vmem>>, vector<1x16xf32>,
    } {sc.loop_unroll_factor = 8 : i64, sc.parallel_access}
    %add3A_1081 = arith.constant 112 : i32
    %add3A_1082 = arith.addi %mul3A_2, %add3A_1081 : i32
    %dma_start3A_1083 = arith.constant 0 : i32
    %dma_start3A_1084 = arith.constant 0 : i32
    %dma_start3A_1085 = tpu.memref_slice %arg4[%dma_start3A_1083, %add3A_1082, %dma_start3A_1084] : memref<4x4096x1024xf32, #tpu.memory_space<hbm>> -> memref<1x16x1024xf32, #tpu.memory_space<hbm>>
    %dma_start3A_1086 = tpu.memref_squeeze %dma_start3A_1085 : memref<1x16x1024xf32, #tpu.memory_space<hbm>> -> memref<16x1024xf32, #tpu.memory_space<hbm>>
    %dma_start3A_1087 = arith.constant 0 : i32
    %dma_start3A_1088 = tpu.memref_slice %arg4[%dma_start3A_1083, %add3A_1082, %dma_start3A_1087] : memref<4x4096x1024xf32, #tpu.memory_space<hbm>> -> memref<1x16x1024xf32, #tpu.memory_space<hbm>>
    %dma_start3A_1089 = tpu.memref_squeeze %dma_start3A_1088 : memref<1x16x1024xf32, #tpu.memory_space<hbm>> -> memref<16x1024xf32, #tpu.memory_space<hbm>>
    tpu.enqueue_dma source(%arg8 : memref<16x1024xf32, #tpu.memory_space<vmem>>) target(%dma_start3A_1089 : memref<16x1024xf32, #tpu.memory_space<hbm>>) target_semaphore(%arg16 : memref<!tpu.dma_semaphore, #tpu.memory_space<semaphore_mem>>)
    %dma_wait3A_1090 = arith.constant 3 : i32
    %dma_wait3A_1091 = arith.constant 0 : i32
    %dma_wait3A_1092 = tpu.memref_slice %arg4[%dma_wait3A_1090, %add3A_1043, %dma_wait3A_1091] : memref<4x4096x1024xf32, #tpu.memory_space<hbm>> -> memref<1x16x1024xf32, #tpu.memory_space<hbm>>
    %dma_wait3A_1093 = tpu.memref_squeeze %dma_wait3A_1092 : memref<1x16x1024xf32, #tpu.memory_space<hbm>> -> memref<16x1024xf32, #tpu.memory_space<hbm>>
    %dma_wait3A_1094 = arith.constant 0 : i32
    %dma_wait3A_1095 = tpu.memref_slice %arg4[%dma_wait3A_1090, %add3A_1043, %dma_wait3A_1094] : memref<4x4096x1024xf32, #tpu.memory_space<hbm>> -> memref<1x16x1024xf32, #tpu.memory_space<hbm>>
    %dma_wait3A_1096 = tpu.memref_squeeze %dma_wait3A_1095 : memref<1x16x1024xf32, #tpu.memory_space<hbm>> -> memref<16x1024xf32, #tpu.memory_space<hbm>>
    tpu.wait_dma2 semaphore(%arg15 : memref<!tpu.dma_semaphore, #tpu.memory_space<semaphore_mem>>) src(%arg7 : memref<16x1024xf32, #tpu.memory_space<vmem>>) dst(%dma_wait3A_1096 : memref<16x1024xf32, #tpu.memory_space<hbm>>)
    %add3A_1097 = arith.constant 112 : i32
    %add3A_1098 = arith.addi %mul3A_2, %add3A_1097 : i32
    %dma_start3A_1099 = arith.constant 2 : i32
    %dma_start3A_1100 = arith.constant 0 : i32
    %dma_start3A_1101 = tpu.memref_slice %arg2[%dma_start3A_1099, %add3A_1098, %dma_start3A_1100] : memref<4x4096x1024xf32, #tpu.memory_space<hbm>> -> memref<1x16x1024xf32, #tpu.memory_space<hbm>>
    %dma_start3A_1102 = tpu.memref_squeeze %dma_start3A_1101 : memref<1x16x1024xf32, #tpu.memory_space<hbm>> -> memref<16x1024xf32, #tpu.memory_space<hbm>>
    %dma_start3A_1103 = arith.constant 0 : i32
    %dma_start3A_1104 = tpu.memref_slice %arg2[%dma_start3A_1099, %add3A_1098, %dma_start3A_1103] : memref<4x4096x1024xf32, #tpu.memory_space<hbm>> -> memref<1x16x1024xf32, #tpu.memory_space<hbm>>
    %dma_start3A_1105 = tpu.memref_squeeze %dma_start3A_1104 : memref<1x16x1024xf32, #tpu.memory_space<hbm>> -> memref<16x1024xf32, #tpu.memory_space<hbm>>
    tpu.enqueue_dma source(%dma_start3A_1105 : memref<16x1024xf32, #tpu.memory_space<hbm>>) target(%arg7 : memref<16x1024xf32, #tpu.memory_space<vmem>>) target_semaphore(%arg12 : memref<!tpu.dma_semaphore, #tpu.memory_space<semaphore_mem>>)
    %dma_wait3A_1106 = arith.constant 1 : i32
    %dma_wait3A_1107 = arith.constant 0 : i32
    %dma_wait3A_1108 = tpu.memref_slice %arg2[%dma_wait3A_1106, %add3A_1059, %dma_wait3A_1107] : memref<4x4096x1024xf32, #tpu.memory_space<hbm>> -> memref<1x16x1024xf32, #tpu.memory_space<hbm>>
    %dma_wait3A_1109 = tpu.memref_squeeze %dma_wait3A_1108 : memref<1x16x1024xf32, #tpu.memory_space<hbm>> -> memref<16x1024xf32, #tpu.memory_space<hbm>>
    %dma_wait3A_1110 = arith.constant 0 : i32
    %dma_wait3A_1111 = tpu.memref_slice %arg2[%dma_wait3A_1106, %add3A_1059, %dma_wait3A_1110] : memref<4x4096x1024xf32, #tpu.memory_space<hbm>> -> memref<1x16x1024xf32, #tpu.memory_space<hbm>>
    %dma_wait3A_1112 = tpu.memref_squeeze %dma_wait3A_1111 : memref<1x16x1024xf32, #tpu.memory_space<hbm>> -> memref<16x1024xf32, #tpu.memory_space<hbm>>
    tpu.wait_dma2 semaphore(%arg14 : memref<!tpu.dma_semaphore, #tpu.memory_space<semaphore_mem>>) src(%dma_wait3A_1112 : memref<16x1024xf32, #tpu.memory_space<hbm>>) dst(%arg9 : memref<16x1024xf32, #tpu.memory_space<vmem>>)
    %parallel_loop3A_1113 = arith.constant 0 : i32
    %parallel_loop3A_1114 = arith.constant 1024 : i32
    %parallel_loop3A_1115 = arith.constant 1 : i32
    scf.for %parallel_loop3A_1200 = %parallel_loop3A_1113 to %parallel_loop3A_1114 step %parallel_loop3A_1115  : i32 {
      %parallel_loop3A_1201 = arith.constant 64 : i32
      %parallel_loop3A_1202 = arith.divsi %parallel_loop3A_1200, %parallel_loop3A_1201 : i32
      %parallel_loop3A_1203 = arith.constant 0 : i32
      %parallel_loop3A_1204 = arith.cmpi sgt, %parallel_loop3A_1200, %parallel_loop3A_1203 : i32
      %parallel_loop3A_1205 = arith.extui %parallel_loop3A_1204 : i1 to i32
      %parallel_loop3A_1206 = arith.constant 0 : i32
      %parallel_loop3A_1207 = arith.cmpi slt, %parallel_loop3A_1200, %parallel_loop3A_1206 : i32
      %parallel_loop3A_1208 = arith.extui %parallel_loop3A_1207 : i1 to i32
      %parallel_loop3A_1209 = arith.subi %parallel_loop3A_1205, %parallel_loop3A_1208 : i32
      %parallel_loop3A_1210 = arith.constant 0 : i32
      %parallel_loop3A_1211 = arith.cmpi sgt, %parallel_loop3A_1201, %parallel_loop3A_1210 : i32
      %parallel_loop3A_1212 = arith.extui %parallel_loop3A_1211 : i1 to i32
      %parallel_loop3A_1213 = arith.constant 0 : i32
      %parallel_loop3A_1214 = arith.cmpi slt, %parallel_loop3A_1201, %parallel_loop3A_1213 : i32
      %parallel_loop3A_1215 = arith.extui %parallel_loop3A_1214 : i1 to i32
      %parallel_loop3A_1216 = arith.subi %parallel_loop3A_1212, %parallel_loop3A_1215 : i32
      %parallel_loop3A_1217 = arith.cmpi ne, %parallel_loop3A_1209, %parallel_loop3A_1216 : i32
      %parallel_loop3A_1218 = arith.remsi %parallel_loop3A_1200, %parallel_loop3A_1201 : i32
      %parallel_loop3A_1219 = arith.constant 0 : i32
      %parallel_loop3A_1220 = arith.cmpi ne, %parallel_loop3A_1218, %parallel_loop3A_1219 : i32
      %parallel_loop3A_1221 = arith.andi %parallel_loop3A_1217, %parallel_loop3A_1220 : i1
      %parallel_loop3A_1222 = arith.constant 1 : i32
      %parallel_loop3A_1223 = arith.subi %parallel_loop3A_1202, %parallel_loop3A_1222 : i32
      %parallel_loop3A_1224 = arith.select %parallel_loop3A_1221, %parallel_loop3A_1223, %parallel_loop3A_1202 : i32
      %parallel_loop3A_1225 = arith.constant 64 : i32
      %parallel_loop3A_1226 = arith.constant 0 : i32
      %parallel_loop3A_1227 = arith.cmpi eq, %parallel_loop3A_1225, %parallel_loop3A_1226 : i32
      %parallel_loop3A_1228 = arith.constant 1 : i32
      %parallel_loop3A_1229 = arith.select %parallel_loop3A_1227, %parallel_loop3A_1228, %parallel_loop3A_1225 : i32
      %parallel_loop3A_1230 = arith.remsi %parallel_loop3A_1200, %parallel_loop3A_1229 : i32
      %parallel_loop3A_1231 = arith.constant 0 : i32
      %parallel_loop3A_1232 = arith.cmpi ne, %parallel_loop3A_1230, %parallel_loop3A_1231 : i32
      %parallel_loop3A_1233 = arith.constant 0 : i32
      %parallel_loop3A_1234 = arith.cmpi slt, %parallel_loop3A_1230, %parallel_loop3A_1233 : i32
      %parallel_loop3A_1235 = arith.constant 0 : i32
      %parallel_loop3A_1236 = arith.cmpi slt, %parallel_loop3A_1229, %parallel_loop3A_1235 : i32
      %parallel_loop3A_1237 = arith.xori %parallel_loop3A_1234, %parallel_loop3A_1236 : i1
      %parallel_loop3A_1238 = arith.andi %parallel_loop3A_1237, %parallel_loop3A_1232 : i1
      %parallel_loop3A_1239 = arith.addi %parallel_loop3A_1230, %parallel_loop3A_1229 : i32
      %parallel_loop3A_1240 = arith.select %parallel_loop3A_1238, %parallel_loop3A_1239, %parallel_loop3A_1230 : i32
      %parallel_loop3A_1241 = arith.constant 16 : i32
      %parallel_loop3A_1242 = arith.muli %parallel_loop3A_1240, %parallel_loop3A_1241 : i32
      %parallel_loop3A_1243 = arith.index_cast %parallel_loop3A_1224 : i32 to index
      %parallel_loop3A_1244 = arith.index_cast %parallel_loop3A_1242 : i32 to index
      %parallel_loop3A_1245 = tpu.vector_load %arg6[%parallel_loop3A_1243, %parallel_loop3A_1244] {strides = array<i32>} : memref<16x1024xf32, #tpu.memory_space<vmem>>, vector<1x16xf32>,
      %parallel_loop3A_1246 = vector.shape_cast %parallel_loop3A_1245 : vector<1x16xf32> to vector<16xf32>
      %parallel_loop3A_1247 = arith.index_cast %parallel_loop3A_1224 : i32 to index
      %parallel_loop3A_1248 = arith.index_cast %parallel_loop3A_1242 : i32 to index
      %parallel_loop3A_1249 = tpu.vector_load %arg9[%parallel_loop3A_1247, %parallel_loop3A_1248] {strides = array<i32>} : memref<16x1024xf32, #tpu.memory_space<vmem>>, vector<1x16xf32>,
      %parallel_loop3A_1250 = vector.shape_cast %parallel_loop3A_1249 : vector<1x16xf32> to vector<16xf32>
      %parallel_loop3A_1251 = vector.shape_cast %parallel_loop3A_1246 : vector<16xf32> to vector<1x16xf32>
      tpu.vector_store %arg9[%parallel_loop3A_1247, %parallel_loop3A_1248], %parallel_loop3A_1251 {add = true, strides = array<i32>} : memref<16x1024xf32, #tpu.memory_space<vmem>>, vector<1x16xf32>,
    } {sc.loop_unroll_factor = 8 : i64, sc.parallel_access}
    %add3A_1116 = arith.constant 112 : i32
    %add3A_1117 = arith.addi %mul3A_2, %add3A_1116 : i32
    %dma_start3A_1118 = arith.constant 1 : i32
    %dma_start3A_1119 = arith.constant 0 : i32
    %dma_start3A_1120 = tpu.memref_slice %arg4[%dma_start3A_1118, %add3A_1117, %dma_start3A_1119] : memref<4x4096x1024xf32, #tpu.memory_space<hbm>> -> memref<1x16x1024xf32, #tpu.memory_space<hbm>>
    %dma_start3A_1121 = tpu.memref_squeeze %dma_start3A_1120 : memref<1x16x1024xf32, #tpu.memory_space<hbm>> -> memref<16x1024xf32, #tpu.memory_space<hbm>>
    %dma_start3A_1122 = arith.constant 0 : i32
    %dma_start3A_1123 = tpu.memref_slice %arg4[%dma_start3A_1118, %add3A_1117, %dma_start3A_1122] : memref<4x4096x1024xf32, #tpu.memory_space<hbm>> -> memref<1x16x1024xf32, #tpu.memory_space<hbm>>
    %dma_start3A_1124 = tpu.memref_squeeze %dma_start3A_1123 : memref<1x16x1024xf32, #tpu.memory_space<hbm>> -> memref<16x1024xf32, #tpu.memory_space<hbm>>
    tpu.enqueue_dma source(%arg9 : memref<16x1024xf32, #tpu.memory_space<vmem>>) target(%dma_start3A_1124 : memref<16x1024xf32, #tpu.memory_space<hbm>>) target_semaphore(%arg17 : memref<!tpu.dma_semaphore, #tpu.memory_space<semaphore_mem>>)
    %dma_wait3A_1125 = arith.constant 0 : i32
    %dma_wait3A_1126 = arith.constant 0 : i32
    %dma_wait3A_1127 = tpu.memref_slice %arg4[%dma_wait3A_1125, %add3A_1082, %dma_wait3A_1126] : memref<4x4096x1024xf32, #tpu.memory_space<hbm>> -> memref<1x16x1024xf32, #tpu.memory_space<hbm>>
    %dma_wait3A_1128 = tpu.memref_squeeze %dma_wait3A_1127 : memref<1x16x1024xf32, #tpu.memory_space<hbm>> -> memref<16x1024xf32, #tpu.memory_space<hbm>>
    %dma_wait3A_1129 = arith.constant 0 : i32
    %dma_wait3A_1130 = tpu.memref_slice %arg4[%dma_wait3A_1125, %add3A_1082, %dma_wait3A_1129] : memref<4x4096x1024xf32, #tpu.memory_space<hbm>> -> memref<1x16x1024xf32, #tpu.memory_space<hbm>>
    %dma_wait3A_1131 = tpu.memref_squeeze %dma_wait3A_1130 : memref<1x16x1024xf32, #tpu.memory_space<hbm>> -> memref<16x1024xf32, #tpu.memory_space<hbm>>
    tpu.wait_dma2 semaphore(%arg16 : memref<!tpu.dma_semaphore, #tpu.memory_space<semaphore_mem>>) src(%arg8 : memref<16x1024xf32, #tpu.memory_space<vmem>>) dst(%dma_wait3A_1131 : memref<16x1024xf32, #tpu.memory_space<hbm>>)
    %add3A_1132 = arith.constant 112 : i32
    %add3A_1133 = arith.addi %mul3A_2, %add3A_1132 : i32
    %dma_start3A_1134 = arith.constant 3 : i32
    %dma_start3A_1135 = arith.constant 0 : i32
    %dma_start3A_1136 = tpu.memref_slice %arg2[%dma_start3A_1134, %add3A_1133, %dma_start3A_1135] : memref<4x4096x1024xf32, #tpu.memory_space<hbm>> -> memref<1x16x1024xf32, #tpu.memory_space<hbm>>
    %dma_start3A_1137 = tpu.memref_squeeze %dma_start3A_1136 : memref<1x16x1024xf32, #tpu.memory_space<hbm>> -> memref<16x1024xf32, #tpu.memory_space<hbm>>
    %dma_start3A_1138 = arith.constant 0 : i32
    %dma_start3A_1139 = tpu.memref_slice %arg2[%dma_start3A_1134, %add3A_1133, %dma_start3A_1138] : memref<4x4096x1024xf32, #tpu.memory_space<hbm>> -> memref<1x16x1024xf32, #tpu.memory_space<hbm>>
    %dma_start3A_1140 = tpu.memref_squeeze %dma_start3A_1139 : memref<1x16x1024xf32, #tpu.memory_space<hbm>> -> memref<16x1024xf32, #tpu.memory_space<hbm>>
    tpu.enqueue_dma source(%dma_start3A_1140 : memref<16x1024xf32, #tpu.memory_space<hbm>>) target(%arg8 : memref<16x1024xf32, #tpu.memory_space<vmem>>) target_semaphore(%arg13 : memref<!tpu.dma_semaphore, #tpu.memory_space<semaphore_mem>>)
    %dma_wait3A_1141 = arith.constant 2 : i32
    %dma_wait3A_1142 = arith.constant 0 : i32
    %dma_wait3A_1143 = tpu.memref_slice %arg2[%dma_wait3A_1141, %add3A_1098, %dma_wait3A_1142] : memref<4x4096x1024xf32, #tpu.memory_space<hbm>> -> memref<1x16x1024xf32, #tpu.memory_space<hbm>>
    %dma_wait3A_1144 = tpu.memref_squeeze %dma_wait3A_1143 : memref<1x16x1024xf32, #tpu.memory_space<hbm>> -> memref<16x1024xf32, #tpu.memory_space<hbm>>
    %dma_wait3A_1145 = arith.constant 0 : i32
    %dma_wait3A_1146 = tpu.memref_slice %arg2[%dma_wait3A_1141, %add3A_1098, %dma_wait3A_1145] : memref<4x4096x1024xf32, #tpu.memory_space<hbm>> -> memref<1x16x1024xf32, #tpu.memory_space<hbm>>
    %dma_wait3A_1147 = tpu.memref_squeeze %dma_wait3A_1146 : memref<1x16x1024xf32, #tpu.memory_space<hbm>> -> memref<16x1024xf32, #tpu.memory_space<hbm>>
    tpu.wait_dma2 semaphore(%arg12 : memref<!tpu.dma_semaphore, #tpu.memory_space<semaphore_mem>>) src(%dma_wait3A_1147 : memref<16x1024xf32, #tpu.memory_space<hbm>>) dst(%arg7 : memref<16x1024xf32, #tpu.memory_space<vmem>>)
    %parallel_loop3A_1148 = arith.constant 0 : i32
    %parallel_loop3A_1149 = arith.constant 1024 : i32
    %parallel_loop3A_1150 = arith.constant 1 : i32
    scf.for %parallel_loop3A_1200 = %parallel_loop3A_1148 to %parallel_loop3A_1149 step %parallel_loop3A_1150  : i32 {
      %parallel_loop3A_1201 = arith.constant 64 : i32
      %parallel_loop3A_1202 = arith.divsi %parallel_loop3A_1200, %parallel_loop3A_1201 : i32
      %parallel_loop3A_1203 = arith.constant 0 : i32
      %parallel_loop3A_1204 = arith.cmpi sgt, %parallel_loop3A_1200, %parallel_loop3A_1203 : i32
      %parallel_loop3A_1205 = arith.extui %parallel_loop3A_1204 : i1 to i32
      %parallel_loop3A_1206 = arith.constant 0 : i32
      %parallel_loop3A_1207 = arith.cmpi slt, %parallel_loop3A_1200, %parallel_loop3A_1206 : i32
      %parallel_loop3A_1208 = arith.extui %parallel_loop3A_1207 : i1 to i32
      %parallel_loop3A_1209 = arith.subi %parallel_loop3A_1205, %parallel_loop3A_1208 : i32
      %parallel_loop3A_1210 = arith.constant 0 : i32
      %parallel_loop3A_1211 = arith.cmpi sgt, %parallel_loop3A_1201, %parallel_loop3A_1210 : i32
      %parallel_loop3A_1212 = arith.extui %parallel_loop3A_1211 : i1 to i32
      %parallel_loop3A_1213 = arith.constant 0 : i32
      %parallel_loop3A_1214 = arith.cmpi slt, %parallel_loop3A_1201, %parallel_loop3A_1213 : i32
      %parallel_loop3A_1215 = arith.extui %parallel_loop3A_1214 : i1 to i32
      %parallel_loop3A_1216 = arith.subi %parallel_loop3A_1212, %parallel_loop3A_1215 : i32
      %parallel_loop3A_1217 = arith.cmpi ne, %parallel_loop3A_1209, %parallel_loop3A_1216 : i32
      %parallel_loop3A_1218 = arith.remsi %parallel_loop3A_1200, %parallel_loop3A_1201 : i32
      %parallel_loop3A_1219 = arith.constant 0 : i32
      %parallel_loop3A_1220 = arith.cmpi ne, %parallel_loop3A_1218, %parallel_loop3A_1219 : i32
      %parallel_loop3A_1221 = arith.andi %parallel_loop3A_1217, %parallel_loop3A_1220 : i1
      %parallel_loop3A_1222 = arith.constant 1 : i32
      %parallel_loop3A_1223 = arith.subi %parallel_loop3A_1202, %parallel_loop3A_1222 : i32
      %parallel_loop3A_1224 = arith.select %parallel_loop3A_1221, %parallel_loop3A_1223, %parallel_loop3A_1202 : i32
      %parallel_loop3A_1225 = arith.constant 64 : i32
      %parallel_loop3A_1226 = arith.constant 0 : i32
      %parallel_loop3A_1227 = arith.cmpi eq, %parallel_loop3A_1225, %parallel_loop3A_1226 : i32
      %parallel_loop3A_1228 = arith.constant 1 : i32
      %parallel_loop3A_1229 = arith.select %parallel_loop3A_1227, %parallel_loop3A_1228, %parallel_loop3A_1225 : i32
      %parallel_loop3A_1230 = arith.remsi %parallel_loop3A_1200, %parallel_loop3A_1229 : i32
      %parallel_loop3A_1231 = arith.constant 0 : i32
      %parallel_loop3A_1232 = arith.cmpi ne, %parallel_loop3A_1230, %parallel_loop3A_1231 : i32
      %parallel_loop3A_1233 = arith.constant 0 : i32
      %parallel_loop3A_1234 = arith.cmpi slt, %parallel_loop3A_1230, %parallel_loop3A_1233 : i32
      %parallel_loop3A_1235 = arith.constant 0 : i32
      %parallel_loop3A_1236 = arith.cmpi slt, %parallel_loop3A_1229, %parallel_loop3A_1235 : i32
      %parallel_loop3A_1237 = arith.xori %parallel_loop3A_1234, %parallel_loop3A_1236 : i1
      %parallel_loop3A_1238 = arith.andi %parallel_loop3A_1237, %parallel_loop3A_1232 : i1
      %parallel_loop3A_1239 = arith.addi %parallel_loop3A_1230, %parallel_loop3A_1229 : i32
      %parallel_loop3A_1240 = arith.select %parallel_loop3A_1238, %parallel_loop3A_1239, %parallel_loop3A_1230 : i32
      %parallel_loop3A_1241 = arith.constant 16 : i32
      %parallel_loop3A_1242 = arith.muli %parallel_loop3A_1240, %parallel_loop3A_1241 : i32
      %parallel_loop3A_1243 = arith.index_cast %parallel_loop3A_1224 : i32 to index
      %parallel_loop3A_1244 = arith.index_cast %parallel_loop3A_1242 : i32 to index
      %parallel_loop3A_1245 = tpu.vector_load %arg6[%parallel_loop3A_1243, %parallel_loop3A_1244] {strides = array<i32>} : memref<16x1024xf32, #tpu.memory_space<vmem>>, vector<1x16xf32>,
      %parallel_loop3A_1246 = vector.shape_cast %parallel_loop3A_1245 : vector<1x16xf32> to vector<16xf32>
      %parallel_loop3A_1247 = arith.index_cast %parallel_loop3A_1224 : i32 to index
      %parallel_loop3A_1248 = arith.index_cast %parallel_loop3A_1242 : i32 to index
      %parallel_loop3A_1249 = tpu.vector_load %arg7[%parallel_loop3A_1247, %parallel_loop3A_1248] {strides = array<i32>} : memref<16x1024xf32, #tpu.memory_space<vmem>>, vector<1x16xf32>,
      %parallel_loop3A_1250 = vector.shape_cast %parallel_loop3A_1249 : vector<1x16xf32> to vector<16xf32>
      %parallel_loop3A_1251 = vector.shape_cast %parallel_loop3A_1246 : vector<16xf32> to vector<1x16xf32>
      tpu.vector_store %arg7[%parallel_loop3A_1247, %parallel_loop3A_1248], %parallel_loop3A_1251 {add = true, strides = array<i32>} : memref<16x1024xf32, #tpu.memory_space<vmem>>, vector<1x16xf32>,
    } {sc.loop_unroll_factor = 8 : i64, sc.parallel_access}
    %add3A_1151 = arith.constant 112 : i32
    %add3A_1152 = arith.addi %mul3A_2, %add3A_1151 : i32
    %dma_start3A_1153 = arith.constant 2 : i32
    %dma_start3A_1154 = arith.constant 0 : i32
    %dma_start3A_1155 = tpu.memref_slice %arg4[%dma_start3A_1153, %add3A_1152, %dma_start3A_1154] : memref<4x4096x1024xf32, #tpu.memory_space<hbm>> -> memref<1x16x1024xf32, #tpu.memory_space<hbm>>
    %dma_start3A_1156 = tpu.memref_squeeze %dma_start3A_1155 : memref<1x16x1024xf32, #tpu.memory_space<hbm>> -> memref<16x1024xf32, #tpu.memory_space<hbm>>
    %dma_start3A_1157 = arith.constant 0 : i32
    %dma_start3A_1158 = tpu.memref_slice %arg4[%dma_start3A_1153, %add3A_1152, %dma_start3A_1157] : memref<4x4096x1024xf32, #tpu.memory_space<hbm>> -> memref<1x16x1024xf32, #tpu.memory_space<hbm>>
    %dma_start3A_1159 = tpu.memref_squeeze %dma_start3A_1158 : memref<1x16x1024xf32, #tpu.memory_space<hbm>> -> memref<16x1024xf32, #tpu.memory_space<hbm>>
    tpu.enqueue_dma source(%arg7 : memref<16x1024xf32, #tpu.memory_space<vmem>>) target(%dma_start3A_1159 : memref<16x1024xf32, #tpu.memory_space<hbm>>) target_semaphore(%arg15 : memref<!tpu.dma_semaphore, #tpu.memory_space<semaphore_mem>>)
    %dma_wait3A_1160 = arith.constant 3 : i32
    %dma_wait3A_1161 = arith.constant 0 : i32
    %dma_wait3A_1162 = tpu.memref_slice %arg2[%dma_wait3A_1160, %add3A_1133, %dma_wait3A_1161] : memref<4x4096x1024xf32, #tpu.memory_space<hbm>> -> memref<1x16x1024xf32, #tpu.memory_space<hbm>>
    %dma_wait3A_1163 = tpu.memref_squeeze %dma_wait3A_1162 : memref<1x16x1024xf32, #tpu.memory_space<hbm>> -> memref<16x1024xf32, #tpu.memory_space<hbm>>
    %dma_wait3A_1164 = arith.constant 0 : i32
    %dma_wait3A_1165 = tpu.memref_slice %arg2[%dma_wait3A_1160, %add3A_1133, %dma_wait3A_1164] : memref<4x4096x1024xf32, #tpu.memory_space<hbm>> -> memref<1x16x1024xf32, #tpu.memory_space<hbm>>
    %dma_wait3A_1166 = tpu.memref_squeeze %dma_wait3A_1165 : memref<1x16x1024xf32, #tpu.memory_space<hbm>> -> memref<16x1024xf32, #tpu.memory_space<hbm>>
    tpu.wait_dma2 semaphore(%arg13 : memref<!tpu.dma_semaphore, #tpu.memory_space<semaphore_mem>>) src(%dma_wait3A_1166 : memref<16x1024xf32, #tpu.memory_space<hbm>>) dst(%arg8 : memref<16x1024xf32, #tpu.memory_space<vmem>>)
    %parallel_loop3A_1167 = arith.constant 0 : i32
    %parallel_loop3A_1168 = arith.constant 1024 : i32
    %parallel_loop3A_1169 = arith.constant 1 : i32
    scf.for %parallel_loop3A_1200 = %parallel_loop3A_1167 to %parallel_loop3A_1168 step %parallel_loop3A_1169  : i32 {
      %parallel_loop3A_1201 = arith.constant 64 : i32
      %parallel_loop3A_1202 = arith.divsi %parallel_loop3A_1200, %parallel_loop3A_1201 : i32
      %parallel_loop3A_1203 = arith.constant 0 : i32
      %parallel_loop3A_1204 = arith.cmpi sgt, %parallel_loop3A_1200, %parallel_loop3A_1203 : i32
      %parallel_loop3A_1205 = arith.extui %parallel_loop3A_1204 : i1 to i32
      %parallel_loop3A_1206 = arith.constant 0 : i32
      %parallel_loop3A_1207 = arith.cmpi slt, %parallel_loop3A_1200, %parallel_loop3A_1206 : i32
      %parallel_loop3A_1208 = arith.extui %parallel_loop3A_1207 : i1 to i32
      %parallel_loop3A_1209 = arith.subi %parallel_loop3A_1205, %parallel_loop3A_1208 : i32
      %parallel_loop3A_1210 = arith.constant 0 : i32
      %parallel_loop3A_1211 = arith.cmpi sgt, %parallel_loop3A_1201, %parallel_loop3A_1210 : i32
      %parallel_loop3A_1212 = arith.extui %parallel_loop3A_1211 : i1 to i32
      %parallel_loop3A_1213 = arith.constant 0 : i32
      %parallel_loop3A_1214 = arith.cmpi slt, %parallel_loop3A_1201, %parallel_loop3A_1213 : i32
      %parallel_loop3A_1215 = arith.extui %parallel_loop3A_1214 : i1 to i32
      %parallel_loop3A_1216 = arith.subi %parallel_loop3A_1212, %parallel_loop3A_1215 : i32
      %parallel_loop3A_1217 = arith.cmpi ne, %parallel_loop3A_1209, %parallel_loop3A_1216 : i32
      %parallel_loop3A_1218 = arith.remsi %parallel_loop3A_1200, %parallel_loop3A_1201 : i32
      %parallel_loop3A_1219 = arith.constant 0 : i32
      %parallel_loop3A_1220 = arith.cmpi ne, %parallel_loop3A_1218, %parallel_loop3A_1219 : i32
      %parallel_loop3A_1221 = arith.andi %parallel_loop3A_1217, %parallel_loop3A_1220 : i1
      %parallel_loop3A_1222 = arith.constant 1 : i32
      %parallel_loop3A_1223 = arith.subi %parallel_loop3A_1202, %parallel_loop3A_1222 : i32
      %parallel_loop3A_1224 = arith.select %parallel_loop3A_1221, %parallel_loop3A_1223, %parallel_loop3A_1202 : i32
      %parallel_loop3A_1225 = arith.constant 64 : i32
      %parallel_loop3A_1226 = arith.constant 0 : i32
      %parallel_loop3A_1227 = arith.cmpi eq, %parallel_loop3A_1225, %parallel_loop3A_1226 : i32
      %parallel_loop3A_1228 = arith.constant 1 : i32
      %parallel_loop3A_1229 = arith.select %parallel_loop3A_1227, %parallel_loop3A_1228, %parallel_loop3A_1225 : i32
      %parallel_loop3A_1230 = arith.remsi %parallel_loop3A_1200, %parallel_loop3A_1229 : i32
      %parallel_loop3A_1231 = arith.constant 0 : i32
      %parallel_loop3A_1232 = arith.cmpi ne, %parallel_loop3A_1230, %parallel_loop3A_1231 : i32
      %parallel_loop3A_1233 = arith.constant 0 : i32
      %parallel_loop3A_1234 = arith.cmpi slt, %parallel_loop3A_1230, %parallel_loop3A_1233 : i32
      %parallel_loop3A_1235 = arith.constant 0 : i32
      %parallel_loop3A_1236 = arith.cmpi slt, %parallel_loop3A_1229, %parallel_loop3A_1235 : i32
      %parallel_loop3A_1237 = arith.xori %parallel_loop3A_1234, %parallel_loop3A_1236 : i1
      %parallel_loop3A_1238 = arith.andi %parallel_loop3A_1237, %parallel_loop3A_1232 : i1
      %parallel_loop3A_1239 = arith.addi %parallel_loop3A_1230, %parallel_loop3A_1229 : i32
      %parallel_loop3A_1240 = arith.select %parallel_loop3A_1238, %parallel_loop3A_1239, %parallel_loop3A_1230 : i32
      %parallel_loop3A_1241 = arith.constant 16 : i32
      %parallel_loop3A_1242 = arith.muli %parallel_loop3A_1240, %parallel_loop3A_1241 : i32
      %parallel_loop3A_1243 = arith.index_cast %parallel_loop3A_1224 : i32 to index
      %parallel_loop3A_1244 = arith.index_cast %parallel_loop3A_1242 : i32 to index
      %parallel_loop3A_1245 = tpu.vector_load %arg6[%parallel_loop3A_1243, %parallel_loop3A_1244] {strides = array<i32>} : memref<16x1024xf32, #tpu.memory_space<vmem>>, vector<1x16xf32>,
      %parallel_loop3A_1246 = vector.shape_cast %parallel_loop3A_1245 : vector<1x16xf32> to vector<16xf32>
      %parallel_loop3A_1247 = arith.index_cast %parallel_loop3A_1224 : i32 to index
      %parallel_loop3A_1248 = arith.index_cast %parallel_loop3A_1242 : i32 to index
      %parallel_loop3A_1249 = tpu.vector_load %arg8[%parallel_loop3A_1247, %parallel_loop3A_1248] {strides = array<i32>} : memref<16x1024xf32, #tpu.memory_space<vmem>>, vector<1x16xf32>,
      %parallel_loop3A_1250 = vector.shape_cast %parallel_loop3A_1249 : vector<1x16xf32> to vector<16xf32>
      %parallel_loop3A_1251 = vector.shape_cast %parallel_loop3A_1246 : vector<16xf32> to vector<1x16xf32>
      tpu.vector_store %arg8[%parallel_loop3A_1247, %parallel_loop3A_1248], %parallel_loop3A_1251 {add = true, strides = array<i32>} : memref<16x1024xf32, #tpu.memory_space<vmem>>, vector<1x16xf32>,
    } {sc.loop_unroll_factor = 8 : i64, sc.parallel_access}
    %add3A_1170 = arith.constant 112 : i32
    %add3A_1171 = arith.addi %mul3A_2, %add3A_1170 : i32
    %dma_start3A_1172 = arith.constant 3 : i32
    %dma_start3A_1173 = arith.constant 0 : i32
    %dma_start3A_1174 = tpu.memref_slice %arg4[%dma_start3A_1172, %add3A_1171, %dma_start3A_1173] : memref<4x4096x1024xf32, #tpu.memory_space<hbm>> -> memref<1x16x1024xf32, #tpu.memory_space<hbm>>
    %dma_start3A_1175 = tpu.memref_squeeze %dma_start3A_1174 : memref<1x16x1024xf32, #tpu.memory_space<hbm>> -> memref<16x1024xf32, #tpu.memory_space<hbm>>
    %dma_start3A_1176 = arith.constant 0 : i32
    %dma_start3A_1177 = tpu.memref_slice %arg4[%dma_start3A_1172, %add3A_1171, %dma_start3A_1176] : memref<4x4096x1024xf32, #tpu.memory_space<hbm>> -> memref<1x16x1024xf32, #tpu.memory_space<hbm>>
    %dma_start3A_1178 = tpu.memref_squeeze %dma_start3A_1177 : memref<1x16x1024xf32, #tpu.memory_space<hbm>> -> memref<16x1024xf32, #tpu.memory_space<hbm>>
    tpu.enqueue_dma source(%arg8 : memref<16x1024xf32, #tpu.memory_space<vmem>>) target(%dma_start3A_1178 : memref<16x1024xf32, #tpu.memory_space<hbm>>) target_semaphore(%arg16 : memref<!tpu.dma_semaphore, #tpu.memory_space<semaphore_mem>>)
    %dma_wait3A_1179 = arith.constant 1 : i32
    %dma_wait3A_1180 = arith.constant 0 : i32
    %dma_wait3A_1181 = tpu.memref_slice %arg4[%dma_wait3A_1179, %add3A_1117, %dma_wait3A_1180] : memref<4x4096x1024xf32, #tpu.memory_space<hbm>> -> memref<1x16x1024xf32, #tpu.memory_space<hbm>>
    %dma_wait3A_1182 = tpu.memref_squeeze %dma_wait3A_1181 : memref<1x16x1024xf32, #tpu.memory_space<hbm>> -> memref<16x1024xf32, #tpu.memory_space<hbm>>
    %dma_wait3A_1183 = arith.constant 0 : i32
    %dma_wait3A_1184 = tpu.memref_slice %arg4[%dma_wait3A_1179, %add3A_1117, %dma_wait3A_1183] : memref<4x4096x1024xf32, #tpu.memory_space<hbm>> -> memref<1x16x1024xf32, #tpu.memory_space<hbm>>
    %dma_wait3A_1185 = tpu.memref_squeeze %dma_wait3A_1184 : memref<1x16x1024xf32, #tpu.memory_space<hbm>> -> memref<16x1024xf32, #tpu.memory_space<hbm>>
    tpu.wait_dma2 semaphore(%arg17 : memref<!tpu.dma_semaphore, #tpu.memory_space<semaphore_mem>>) src(%arg9 : memref<16x1024xf32, #tpu.memory_space<vmem>>) dst(%dma_wait3A_1185 : memref<16x1024xf32, #tpu.memory_space<hbm>>)
    %dma_wait3A_1186 = arith.constant 2 : i32
    %dma_wait3A_1187 = arith.constant 0 : i32
    %dma_wait3A_1188 = tpu.memref_slice %arg4[%dma_wait3A_1186, %add3A_1152, %dma_wait3A_1187] : memref<4x4096x1024xf32, #tpu.memory_space<hbm>> -> memref<1x16x1024xf32, #tpu.memory_space<hbm>>
    %dma_wait3A_1189 = tpu.memref_squeeze %dma_wait3A_1188 : memref<1x16x1024xf32, #tpu.memory_space<hbm>> -> memref<16x1024xf32, #tpu.memory_space<hbm>>
    %dma_wait3A_1190 = arith.constant 0 : i32
    %dma_wait3A_1191 = tpu.memref_slice %arg4[%dma_wait3A_1186, %add3A_1152, %dma_wait3A_1190] : memref<4x4096x1024xf32, #tpu.memory_space<hbm>> -> memref<1x16x1024xf32, #tpu.memory_space<hbm>>
    %dma_wait3A_1192 = tpu.memref_squeeze %dma_wait3A_1191 : memref<1x16x1024xf32, #tpu.memory_space<hbm>> -> memref<16x1024xf32, #tpu.memory_space<hbm>>
    tpu.wait_dma2 semaphore(%arg15 : memref<!tpu.dma_semaphore, #tpu.memory_space<semaphore_mem>>) src(%arg7 : memref<16x1024xf32, #tpu.memory_space<vmem>>) dst(%dma_wait3A_1192 : memref<16x1024xf32, #tpu.memory_space<hbm>>)
    %dma_wait3A_1193 = arith.constant 3 : i32
    %dma_wait3A_1194 = arith.constant 0 : i32
    %dma_wait3A_1195 = tpu.memref_slice %arg4[%dma_wait3A_1193, %add3A_1171, %dma_wait3A_1194] : memref<4x4096x1024xf32, #tpu.memory_space<hbm>> -> memref<1x16x1024xf32, #tpu.memory_space<hbm>>
    %dma_wait3A_1196 = tpu.memref_squeeze %dma_wait3A_1195 : memref<1x16x1024xf32, #tpu.memory_space<hbm>> -> memref<16x1024xf32, #tpu.memory_space<hbm>>
    %dma_wait3A_1197 = arith.constant 0 : i32
    %dma_wait3A_1198 = tpu.memref_slice %arg4[%dma_wait3A_1193, %add3A_1171, %dma_wait3A_1197] : memref<4x4096x1024xf32, #tpu.memory_space<hbm>> -> memref<1x16x1024xf32, #tpu.memory_space<hbm>>
    %dma_wait3A_1199 = tpu.memref_squeeze %dma_wait3A_1198 : memref<1x16x1024xf32, #tpu.memory_space<hbm>> -> memref<16x1024xf32, #tpu.memory_space<hbm>>
    tpu.wait_dma2 semaphore(%arg16 : memref<!tpu.dma_semaphore, #tpu.memory_space<semaphore_mem>>) src(%arg8 : memref<16x1024xf32, #tpu.memory_space<vmem>>) dst(%dma_wait3A_1199 : memref<16x1024xf32, #tpu.memory_space<hbm>>)
    return
  }
}

</mosaic_0001>

<sc_bundles>
// kernel: kernel.3.cloned.1.call-start
scs
__scs_entry_jumppad:
0x0: {  	(pc) =	sbr.rel $0x88, $3  }
0x1: {  	(tag) =	ssettag $0x0;
	lr =	simm.s32 $0x1  }
0x2: {  	[smem:$0x3F9F] =	sst lr;
	_ =	strace $0xD0000000  }
0x3: {  	_ = 	snop  }
0x4: {  	_ = 	snop  }
0x5: {  	_ = 	snop  }
0x6: {  	_ = 	snop  }
0x7: {  	_ = 	snop  }
__scs_overlays_trampoline_lowered:
0x8: {  	[smem:$0x3FAE] =	sst s0  }
0x9: {  	[smem:$0x3FAF] =	sst s1  }
0xa: {  	[smem:$0x3FB0] =	sst s2  }
0xb: {  	[smem:$0x3FB1] =	sst s3  }
0xc: {  	[smem:$0x3FB2] =	sst s4  }
0xd: {  	[smem:$0x3FB3] =	sst s5  }
0xe: {  	[smem:$0x3FB4] =	sst s6  }
0xf: {  	[smem:$0x3FB5] =	sst s7  }
0x10: {  	[smem:$0x3FB6] =	sst s8  }
0x11: {  	[smem:$0x3FB7] =	sst s9;
	s0 =	simm.s32 @!p0 $0x0  }
0x12: {  	s1 =	sld [smem:$0x3F9D];
	s0 =	simm.s32 @p0 $0x1  }
0x13: {  	[smem:$0x3FB8] =	sst s0;
	s0 =	simm.s32 @!p1 $0x0  }
0x14: {  	s2 =	sld [smem:$0x3F9C];
	s0 =	simm.s32 @p1 $0x1  }
0x15: {  	[smem:$0x3FB9] =	sst s0;
	s0 =	simm.s32 @!p2 $0x0  }
0x16: {  	s3 =	sld [smem:$0x3FDB];
	s0 =	simm.s32 @p2 $0x1  }
0x17: {  	s4 =	simm.s32 $0x1BF5;
	[smem:$0x3FBB] =	sst s0  }
0x18: {  	s0 =	sld [smem:$0x3F9E];
	_ =	swait.ge [sflag:s4], $0x0  }
0x19: {  	s7 =	sld [smem:$0x3F9F]  }
0x1a: {  	s8 =	sadd.s32 $0xFFFFE003, lr  }
0x1b: {  	s9 =	sadd.s32 $0xFFFFFEF7, lr;
	s5 =	simm.s32 $0xFFFFFFFF;
	p2 =	slt.u32 s8, $0xFFFFF086  }
0x1c: {  	p1 =	slt.u32 s9, $0xF7A;
	s5 =	simm.s32 @!p2 $0x0  }
0x1d: {  	s5 =	simm.s32 @p1 $0x1;
	p0 =	seq.s32 s7, s2  }
0x1e: {  	s7 =	smul.u32 @!p0 $0xF7A, s2;
	p2 =	seq.s32 @!p0 s5, $0x0  }
0x1f: {  	s9 =	smul.u32 $0xF7A, s1;
	s8 =	simm.s32 @!p0 $0x1BF5;
	p2 =	por !p2, p0  }
0x20: {  	[sflag:s8] =	ssyncset.s32 @!p0 $0xFFFFF086;
	s6 =	sadd.s32 @!p0 s3, s7;
	s7 =	simm.s32 @!p0 $0x108  }
0x21: {  	s3 =	sadd.s32 s3, s9;
	s6 =	sadd.s32 @!p0 $0x88, s6;
	s7 =	simm.s32 @p2 $0x1082  }
0x22: {  	[simem:s7], [sflag:s8] =	dma.local @!p0 [hbm:s6], $0xF7A  }
0x23: {  	s9 =	sor.u32 $0xD0000000, s2;
	s6 =	simm.s32 $0x108;
	_ =	swait.ge @!p0 [sflag:s8], $0x0  }
0x24: {  	s3 =	sadd.s32 $0x88, s3;
	s6 =	simm.s32 @!p1 $0x1082;
	[sflag:s4] =	ssyncset.s32 $0xFFFFF086  }
0x25: {  	[simem:s6], [sflag:s4] =	dma.local [hbm:s3], $0xF7A  }
0x26: {  	[smem:$0x3F9F] =	sst s1;
	(tag) =	ssettag s2;
	_ =	strace s9  }
0x27: {  	s1 =	sld [smem:$0x3FAF]  }
0x28: {  	s2 =	sld [smem:$0x3FB0]  }
0x29: {  	s4 =	sld [smem:$0x3FB2]  }
0x2a: {  	p0 =	seq.s32 s5, $0x0;
	s5 =	sld [smem:$0x3FB3]  }
0x2b: {  	s6 =	sld [smem:$0x3FB4]  }
0x2c: {  	s7 =	sld [smem:$0x3FB5]  }
0x2d: {  	s3 =	simm.s32 $0x108;
	s8 =	sld [smem:$0x3FB6]  }
0x2e: {  	s3 =	simm.s32 @!p0 $0x1082;
	s9 =	sld [smem:$0x3FB7]  }
0x2f: {  	lr =	sadd.s32 s0, s3;
	s0 =	sld [smem:$0x3FAE]  }
0x30: {  	s3 =	sld [smem:$0x3FB1]  }
0x31: {  	[smem:$0x3FBA] =	sst s10  }
0x32: {  	s10 =	sld [smem:$0x3FB8];
	_ =	sdelay $0x3  }
0x33: {  	p0 =	seq.s32 s10, $0x1;
	s10 =	sld [smem:$0x3FBA];
	_ =	sdelay $0x3  }
0x34: {  	[smem:$0x3FBA] =	sst s10  }
0x35: {  	s10 =	sld [smem:$0x3FB9];
	_ =	sdelay $0x3  }
0x36: {  	p1 =	seq.s32 s10, $0x1;
	s10 =	sld [smem:$0x3FBA];
	_ =	sdelay $0x3  }
0x37: {  	[smem:$0x3FBA] =	sst s10  }
0x38: {  	s10 =	sld [smem:$0x3FBB]  }
0x39: {  	_ = 	snop;
	(pc) =	sbr.ind lr, $3  }
0x3a: {  	_ = 	snop  }
0x3b: {  	_ = 	snop  }
0x3c: {  	p2 =	seq.s32 s10, $0x1;
	s10 =	sld [smem:$0x3FBA]  }
0x3d: {  	_ =	shalt  }
0x3e: {  	_ =	shalt  }
0x3f: {  	_ =	shalt  }
0x40: {  	_ =	shalt  }
0x41: {  	_ =	shalt  }
0x42: {  	_ =	shalt  }
0x43: {  	_ =	shalt  }
0x44: {  	_ =	shalt  }
0x45: {  	_ =	shalt  }
0x46: {  	_ =	shalt  }
0x47: {  	_ =	shalt  }
0x48: {  	_ =	shalt  }
0x49: {  	_ =	shalt  }
0x4a: {  	_ =	shalt  }
0x4b: {  	_ =	shalt  }
0x4c: {  	_ =	shalt  }
0x4d: {  	_ =	shalt  }
0x4e: {  	_ =	shalt  }
0x4f: {  	_ =	shalt  }
0x50: {  	_ =	shalt  }
0x51: {  	_ =	shalt  }
0x52: {  	_ =	shalt  }
0x53: {  	_ =	shalt  }
0x54: {  	_ =	shalt  }
0x55: {  	_ =	shalt  }
0x56: {  	_ =	shalt  }
0x57: {  	_ =	shalt  }
0x58: {  	_ =	shalt  }
0x59: {  	_ =	shalt  }
0x5a: {  	_ =	shalt  }
0x5b: {  	_ =	shalt  }
0x5c: {  	_ =	shalt  }
0x5d: {  	_ =	shalt  }
0x5e: {  	_ =	shalt  }
0x5f: {  	_ =	shalt  }
0x60: {  	_ =	shalt  }
0x61: {  	_ =	shalt  }
0x62: {  	_ =	shalt  }
0x63: {  	_ =	shalt  }
0x64: {  	_ =	shalt  }
0x65: {  	_ =	shalt  }
0x66: {  	_ =	shalt  }
0x67: {  	_ =	shalt  }
0x68: {  	_ =	shalt  }
0x69: {  	_ =	shalt  }
0x6a: {  	_ =	shalt  }
0x6b: {  	_ =	shalt  }
0x6c: {  	_ =	shalt  }
0x6d: {  	_ =	shalt  }
0x6e: {  	_ =	shalt  }
0x6f: {  	_ =	shalt  }
0x70: {  	_ =	shalt  }
0x71: {  	_ =	shalt  }
0x72: {  	_ =	shalt  }
0x73: {  	_ =	shalt  }
0x74: {  	_ =	shalt  }
0x75: {  	_ =	shalt  }
0x76: {  	_ =	shalt  }
0x77: {  	_ =	shalt  }
0x78: {  	_ =	shalt  }
0x79: {  	_ =	shalt  }
0x7a: {  	_ =	shalt  }
0x7b: {  	_ =	shalt  }
0x7c: {  	_ =	shalt  }
0x7d: {  	_ =	shalt  }
0x7e: {  	_ =	shalt  }
0x7f: {  	_ =	shalt  }
0x80: {  	_ =	shalt  }
0x81: {  	_ =	shalt  }
0x82: {  	_ =	shalt  }
0x83: {  	_ =	shalt  }
0x84: {  	_ =	shalt  }
0x85: {  	_ =	shalt  }
0x86: {  	_ =	shalt  }
0x87: {  	_ =	shalt  }
.Lfunc_end0:
.L_simem_size_0:
called_computation_lowered:
.L_overlay_start_0:
0x88: {  	s2 =	sld [smem:$0x3FD9]  }
0x89: {  	s3 =	sld [smem:$0x3FFE];
	_ =	sdelay $0x1  }
0x8a: {  	s1 =	srdreg.scid  }
0x8b: {  	s0 =	sand.u32 $0x1, s1  }
0x8c: {  	s18 =	sshll.u32 s0, $0xA;
	s2 =	sadd.s32 s3, s2  }
0x8d: {  	s2 =	sadd.s32 s2, s18  }
0x8e: {  	[smem:$0x3FC6] =	sst s2  }
0x8f: {  	_ = 	snop  }
0x90: {  	s2 =	sld [smem:$0x3FC9]  }
0x91: {  	s19 =	sld [smem:$0x3FC8]  }
0x92: {  	s4 =	sld [smem:$0x3FD0];
	(tm) =	ssettm $0x1  }
0x93: {  	s5 =	sld [smem:$0x3FFB];
	_ =	sdelay $0x3  }
0x94: {  	_ =	strace s5  }
0x95: {  	s5 =	sld [smem:$0x3FFC];
	_ =	sdelay $0x3  }
0x96: {  	_ =	strace s5  }
0x97: {  	s5 =	sld [smem:$0x3FFD];
	_ =	sdelay $0x3  }
0x98: {  	_ =	strace s5  }
0x99: {  	_ =	strace $0x8FFFFFFF  }
0x9a: {  	s20 =	sld [smem:$0x3FDB];
	_ =	sdelay $0x1  }
0x9b: {  	s6 =	simm.s32 $_scs_section_size  }
0x9c: {  	s7 =	simm.s32 $_size__tile_overlayer_lowered;
	s8 =	simm.s32 $_tile_overlayer_lowered  }
0x9d: {  	s23 =	simm.s32 $0x1BFF;
	s22 =	sshll.u32 s8, $0x1;
	s5 =	sadd.s32 s6, s20  }
0x9e: {  	s9 =	simm.s32 $0x0;
	s21 =	sshll.u32 s7, $0x1;
	s7 =	sadd.s32 s22, s5  }
0x9f: {  	[timem:s9], [sflag:s23] =	dma.local [hbm:s7], s21  }
0xa0: {  	_ =	swait.ge [sflag:s23], s21  }
0xa1: {  	s6 =	ssub.s32 $0x0, s21;
	[sflag:s23] =	ssyncset.done $0x0  }
0xa2: {  	[sflag:s23] =	ssyncadd.s32 s6;
	_ =	sdelay $0x1  }
0xa3: {  	s24 =	simm.s32 $0x1B8B  }
0xa4: {  	_ =	swait.ge [sflag:s24], $0x1  }
0xa5: {  	[sflag:s24] =	ssyncset.done $0x0  }
0xa6: {  	s25 =	simm.s32 $0x1B8E;
	[sflag:s24] =	ssyncadd.s32 $0xFFFFFFFF  }
0xa7: {  	s26 =	simm.s32 $execute0_lowered;
	[smem:$0x3FD2] =	sst s25  }
0xa8: {  	s6 =	sshll.u32 s26, $0x1;
	_ =	strace $0x80000046;
	[dreg:$0x1] =	wrdreg $0xFFFFFFFF  }
0xa9: {  	s28 =	simm.s32 $_size_execute0_lowered;
	s5 =	sadd.s32 s5, s6;
	[dreg:$0x0] =	wrdreg $0x0  }
0xaa: {  	s6 =	sshll.u32 s28, $0x1;
	[dreg:$0x2] =	wrdreg s5  }
0xab: {  	[dreg:$0x3] =	wrdreg s6  }
0xac: {  	[dreg:$0x4] =	wrdreg $0xC0  }
0xad: {  	_ =	task [dreg:s9], $0x5FFFF  }
0xae: {  	[dreg:$0x1] =	wrdreg $0xFFFFFFFF  }
0xaf: {  	[dreg:$0x0] =	wrdreg $0x60  }
0xb0: {  	[dreg:$0x2] =	wrdreg s2  }
0xb1: {  	[dreg:$0x3] =	wrdreg s19  }
0xb2: {  	[dreg:$0x4] =	wrdreg s4  }
0xb3: {  	[dreg:$0x5] =	wrdreg $0x9  }
0xb4: {  	_ =	task.clear_ibuf [dreg:s9], $0x6FFFF;
	_ =	strace $0x90000046  }
0xb5: {  	s29 =	simm.s32 $0x9;
	_ =	strace $0x80000048  }
0xb6: {  	_ =	swait.ge [sflag:s29], $0x1  }
0xb7: {  	[sflag:s29] =	ssyncadd.s32 $0xFFFFFFFF  }
0xb8: {  	_ =	strace $0x90000048  }
0xb9: {  	_ =	sfence  }
0xba: {  	s30 =	sld [smem:$0x0];
	_ =	sdelay $0x2  }
0xbb: {  	s31 =	sshll.u32 s1, $0xD;
	s1 =	sshrl.u32 s1, $0x2  }
0xbc: {  	s3 =	sand.u32 $0x4000, s31;
	s1 =	sadd.s32 s1, s30  }
0xbd: {  	s0 =	sor.u32 s3, s0;
	s1 =	sshll.u32 s1, $0x11  }
0xbe: {  	s0 =	sor.u32 s1, s0  }
0xbf: {  	s0 =	sadd.s32 $0x8F2B, s0  }
0xc0: {  	[sflag:s0] =	ssyncadd.remote.s32 $0x1  }
0xc1: {  	_ =	sfence.sel $0xFFFF  }
0xc2: {  	[dreg:$0x0] =	wrdreg $0xFFFFFFFF;
	(pc) =	sbr.abs _section_cstart, $3  }
0xc3: {  	[dreg:$0x1] =	wrdreg $0xFFFFFFFF  }
0xc4: {  	_ =	task.clear_ibuf [dreg:s9], $0x2FFFF;
	_ =	strace $0x9FFFFFFF  }
0xc5: {  	(tm) =	ssettm $0x7FFFFFFF  }
tec
execute0_lowered:
.L_overlay_start_1:
0x0: {  	(tag) =	ssettag $0x1  }
0x1: {  	s2 =	srdreg.scid  }
0x2: {  	s11 =	rddreg [dreg:$0x0];
	s4 =	stileid.u32;
	s2 =	sand.u32 $0x1, s2  }
0x3: {  	s4 =	sshll.u32 s4, $0xF;
	s3 =	ssub.s32 $0x2, s2;
	s2 =	sshll.u32 s2, $0xE  }
0x4: {  	s0 =	rddreg [dreg:$0x1];
	s8 =	sor.u32 s2, s4  }
0x5: {  	s13 =	rddreg [dreg:$0x2];
	s1 =	simm.s32 $0x0;
	s2 =	sor.u32 $0x80000, s8  }
0x6: {  	[smem:$0x7FF] =	sst s1;
	s17 =	sor.u32 $0x800, s8;
	s18 =	sadd.s32 s11, s2  }
0x7: {  	s20 =	sor.u32 $0x100000, s8;
	s19 =	sadd.s32 s0, s17;
	[dreg:$0x4] =	wrdreg s18  }
0x8: {  	s21 =	sadd.s32 s11, s20;
	[dreg:$0x5] =	wrdreg s19  }
0x9: {  	s22 =	sor.u32 $0x180000, s8;
	s2 =	sadd.s32 s13, s2;
	[dreg:$0x6] =	wrdreg s21  }
0xa: {  	s23 =	sadd.s32 s11, s22;
	[dreg:$0x7] =	wrdreg s2  }
0xb: {  	s5 =	sshrl.u32 s3, $0x1;
	s4 =	sadd.s32 s13, s20;
	[dreg:$0x8] =	wrdreg s23  }
0xc: {  	s25 =	sor.u32 $0x80800, s8;
	s24 =	sadd.s32 s11, s17;
	[dreg:$0x9] =	wrdreg s4  }
0xd: {  	s26 =	sor.u32 $0x1000, s8;
	s29 =	sadd.s32 s11, s25;
	[dreg:$0xa] =	wrdreg s24  }
0xe: {  	s14 =	ssub.s32 s3, s5;
	s30 =	sadd.s32 s0, s26;
	[dreg:$0xc] =	wrdreg s29  }
0xf: {  	s31 =	sor.u32 $0x100800, s8;
	s3 =	sadd.s32 s13, s17;
	[dreg:$0xd] =	wrdreg s30  }
0x10: {  	s7 =	sor.u32 $0x180800, s8;
	s6 =	sadd.s32 s11, s31;
	[dreg:$0xe] =	wrdreg s3  }
0x11: {  	s9 =	sadd.s32 s11, s7;
	[dreg:$0xf] =	wrdreg s6  }
0x12: {  	s10 =	sadd.s32 s13, s31;
	[dreg:$0x11] =	wrdreg s9  }
0x13: {  	s12 =	sadd.s32 s11, s26;
	[dreg:$0x12] =	wrdreg s10  }
0x14: {  	s15 =	sadd.s32 s13, s7;
	[dreg:$0x13] =	wrdreg s12  }
0x15: {  	s17 =	sadd.s32 s13, s26;
	[dreg:$0x14] =	wrdreg s15  }
0x16: {  	s16 =	sor.u32 $0x81000, s8;
	s2 =	sadd.s32 s13, s22;
	[dreg:$0x15] =	wrdreg s17  }
0x17: {  	s7 =	sor.u32 $0x2000, s8;
	s18 =	sadd.s32 s11, s16;
	[dreg:$0xb] =	wrdreg s2  }
0x18: {  	s12 =	sadd.s32 s0, s7;
	[dreg:$0x16] =	wrdreg s18  }
0x19: {  	s15 =	sadd.s32 s11, s7;
	[smem:$0x7DC] =	sst s12  }
0x1a: {  	s19 =	sor.u32 $0x101000, s8;
	s2 =	sadd.s32 s13, s25;
	[smem:$0x7DD] =	sst s15  }
0x1b: {  	s20 =	sadd.s32 s11, s19;
	[dreg:$0x10] =	wrdreg s2  }
0x1c: {  	s21 =	sor.u32 $0x181000, s8;
	s3 =	sadd.s32 s13, s19;
	[dreg:$0x18] =	wrdreg s20  }
0x1d: {  	s22 =	sor.u32 $0x1800, s8;
	s23 =	sadd.s32 s11, s21;
	[dreg:$0x19] =	wrdreg s3  }
0x1e: {  	s24 =	sadd.s32 s0, s22;
	[dreg:$0x1a] =	wrdreg s23  }
0x1f: {  	s25 =	sadd.s32 s11, s22;
	[dreg:$0x1c] =	wrdreg s24  }
0x20: {  	s29 =	sor.u32 $0x81800, s8;
	s26 =	sadd.s32 s13, s22;
	[dreg:$0x1d] =	wrdreg s25  }
0x21: {  	s30 =	sor.u32 $0x101800, s8;
	s31 =	sadd.s32 s11, s29;
	[dreg:$0x1e] =	wrdreg s26  }
0x22: {  	s5 =	sadd.s32 s11, s30;
	[dreg:$0x1f] =	wrdreg s31  }
0x23: {  	s9 =	sor.u32 $0x181800, s8;
	s6 =	sadd.s32 s13, s30;
	[smem:$0x7D8] =	sst s5  }
0x24: {  	s10 =	sadd.s32 s11, s9;
	[smem:$0x7D9] =	sst s6  }
0x25: {  	s2 =	sadd.s32 s13, s16;
	[smem:$0x7DA] =	sst s10  }
0x26: {  	s18 =	sor.u32 $0x102000, s8;
	s3 =	sadd.s32 s13, s9;
	[dreg:$0x17] =	wrdreg s2  }
0x27: {  	s22 =	sor.u32 $0x2800, s8;
	s19 =	sadd.s32 s11, s18;
	[smem:$0x7DB] =	sst s3  }
0x28: {  	s23 =	sadd.s32 s0, s22;
	[smem:$0x7E1] =	sst s19  }
0x29: {  	s24 =	sadd.s32 s11, s22;
	[smem:$0x7E5] =	sst s23  }
0x2a: {  	s6 =	sadd.s32 s0, s8;
	[smem:$0x7E6] =	sst s24  }
0x2b: {  	s16 =	sor.u32 $0x82000, s8;
	s2 =	sadd.s32 s13, s21;
	[smem:$0x7EE] =	sst s6  }
0x2c: {  	s20 =	sor.u32 $0x182000, s8;
	s17 =	sadd.s32 s11, s16;
	[dreg:$0x1b] =	wrdreg s2  }
0x2d: {  	s25 =	sor.u32 $0x82800, s8;
	s21 =	sadd.s32 s11, s20;
	[smem:$0x7DF] =	sst s17  }
0x2e: {  	s26 =	sadd.s32 s11, s25;
	[smem:$0x7E3] =	sst s21  }
0x2f: {  	s31 =	sor.u32 $0x182800, s8;
	s3 =	sadd.s32 s13, s25;
	[smem:$0x7E8] =	sst s26  }
0x30: {  	s4 =	sadd.s32 s11, s31;
	[smem:$0x7E9] =	sst s3  }
0x31: {  	s9 =	sor.u32 $0x3800, s8;
	s5 =	sadd.s32 s13, s31;
	[smem:$0x7EC] =	sst s4  }
0x32: {  	s23 =	sadd.s32 s13, s9;
	[smem:$0x7ED] =	sst s5  }
0x33: {  	s24 =	sadd.s32 s11, s8;
	[smem:$0x7FA] =	sst s23  }
0x34: {  	s25 =	sadd.s32 s13, s8;
	[smem:$0x7FB] =	sst s24  }
0x35: {  	s28 =	simm.s32 $0x0;
	s2 =	sadd.s32 s13, s29;
	[smem:$0x7FC] =	sst s25  }
0x36: {  	s29 =	sor.u32 $0x102800, s8;
	[smem:$0x7D7] =	sst s2;
	s2 =	sadd.s32 s13, s7  }
0x37: {  	s17 =	sor.u32 $0x103000, s8;
	s30 =	sadd.s32 s11, s29;
	[smem:$0x7DE] =	sst s2  }
0x38: {  	s26 =	sor.u32 $0x83800, s8;
	s19 =	sadd.s32 s11, s17;
	[smem:$0x7EA] =	sst s30  }
0x39: {  	s14 =	smax.u32 s14, $0x1;
	s31 =	sadd.s32 s11, s26;
	[smem:$0x7F5] =	sst s19  }
0x3a: {  	s7 =	sor.u32 $0x3000, s8;
	s2 =	sadd.s32 s13, s16;
	[smem:$0x7FD] =	sst s31  }
0x3b: {  	s12 =	sor.u32 $0x83000, s8;
	s10 =	sadd.s32 s0, s7;
	[smem:$0x7E0] =	sst s2  }
0x3c: {  	s23 =	simm.s32 $0x5;
	s0 =	sadd.s32 s0, s9;
	[smem:$0x7EF] =	sst s10  }
0x3d: {  	s24 =	simm.s32 $0x7;
	s15 =	sadd.s32 s11, s7;
	[smem:$0x7F0] =	sst s0  }
0x3e: {  	s25 =	simm.s32 $0x8;
	s16 =	sadd.s32 s11, s12;
	[smem:$0x7F1] =	sst s15  }
0x3f: {  	s30 =	sor.u32 $0x183800, s8;
	s2 =	sadd.s32 s13, s18;
	[smem:$0x7F3] =	sst s16  }
0x40: {  	s19 =	simm.s32 $0x3;
	s0 =	sadd.s32 s13, s12;
	[smem:$0x7E2] =	sst s2  }
0x41: {  	s18 =	sor.u32 $0x183000, s8;
	s2 =	sadd.s32 s13, s20;
	[smem:$0x7F4] =	sst s0  }
0x42: {  	s15 =	simm.s32 $0x8000;
	s0 =	sadd.s32 s13, s17;
	[smem:$0x7E4] =	sst s2  }
0x43: {  	s16 =	simm.s32 $0xC000;
	s20 =	sadd.s32 s11, s18;
	[smem:$0x7F6] =	sst s0  }
0x44: {  	s21 =	sadd.s32 s13, s18;
	s17 =	simm.s32 $0x4000;
	[smem:$0x7F7] =	sst s20  }
0x45: {  	s18 =	simm.s32 $0x1;
	s2 =	sadd.s32 s13, s22;
	[smem:$0x7F8] =	sst s21  }
0x46: {  	s22 =	sadd.s32 s11, s9;
	s9 =	sadd.s32 s13, s26;
	s20 =	simm.s32 $0x10000  }
0x47: {  	s21 =	simm.s32 $0x4;
	s26 =	simm.s32 $0x2;
	[smem:$0x7E7] =	sst s2  }
0x48: {  	s2 =	sadd.s32 s13, s29;
	[smem:$0x7F9] =	sst s22;
	s29 =	sor.u32 $0x103800, s8  }
0x49: {  	s22 =	simm.s32 $0x6;
	[smem:$0x7EB] =	sst s2;
	s2 =	sadd.s32 s13, s7  }
0x4a: {  	s10 =	sadd.s32 s11, s29;
	s11 =	sadd.s32 s11, s30;
	[smem:$0x7F2] =	sst s2  }
0x4b: {  	s12 =	sadd.s32 s13, s29;
	s13 =	sadd.s32 s13, s30;
	_ =	strace $0x80000047  }
.LBB2_1:
0x4c: {  	s0 =	sld [smem:$0x7EE];
	_ =	sdelay $0x1  }
0x4d: {  	s4 =	sld [smem:$0x7FB]  }
0x4e: {  	[tilespmem:s1], [sflag:$0x1] =	stream.linear.gather [hbm4b:s0+s1], $0x4000, $0x38;
	[tilespmem:$0x14000] =	vst v63  }
0x4f: {  	_ = 	snop  }
0x50: {  	[tilespmem:s15], [sflag:$0x3] =	stream.linear.gather [hbm4b:s4+s1], $0x4000, $0x38;
	[tilespmem:$0x14000] =	vst v63  }
0x51: {  	s5 =	rddreg [dreg:$0x4]  }
0x52: {  	[tilespmem:s16], [sflag:$0x4] =	stream.linear.gather [hbm4b:s5+s1], $0x4000, $0x38;
	[tilespmem:$0x14000] =	vst v63  }
0x53: {  	s6 =	rddreg [dreg:$0x5]  }
0x54: {  	[tilespmem:s17], [sflag:$0x2] =	stream.linear.gather [hbm4b:s6+s1], $0x4000, $0x38;
	[tilespmem:$0x14000] =	vst v63  }
0x55: {  	_ =	swait.ge [sflag:s18], $0x4000  }
0x56: {  	[sflag:s18] =	ssyncset.done $0x0  }
0x57: {  	s7 =	simm.s32 $0x0;
	s2 =	sand.u32 $0x1C00, s1;
	[sflag:s18] =	ssyncadd.s32 $0xFFFFC000  }
0x58: {  	s3 =	simm.s32 $0x0;
	s0 =	sand.u32 $0x2000, s7;
	_ =	swait.ge [sflag:s19], $0x4000  }
0x59: {  	s8 =	sand.u32 $0x380, s3;
	s0 =	sor.u32 s2, s0;
	[sflag:s19] =	ssyncset.done $0x0  }
0x5a: {  	s0 =	sor.u32 s8, s0;
	[sflag:s19] =	ssyncadd.s32 $0xFFFFC000  }
0x5b: {  	v0 =	vld [tilespmem:s0+$0x70]  }
0x5c: {  	v5 =	vld [tilespmem:s0+$0x0]  }
0x5d: {  	v6 =	vld [tilespmem:s0+$0x10]  }
0x5e: {  	v4 =	vld [tilespmem:s0+$0x20]  }
0x5f: {  	v1 =	vld [tilespmem:s0+$0x30]  }
0x60: {  	v2 =	vld [tilespmem:s0+$0x40]  }
0x61: {  	s2 =	sor.u32 $0x8070, s0;
	v3 =	vld [tilespmem:s0+$0x60]  }
0x62: {  	[tilespmem:s2+$0x0] =	vst.add.f32.msk $0xffff, v0  }
0x63: {  	s29 =	simm.s32 $0x0;
	s30 =	sor.u32 $0x8000, s0;
	s3 =	sor.u32 $0x8020, s0;
	v0 =	vld [tilespmem:s0+$0x50]  }
0x64: {  	s4 =	sor.u32 $0x8030, s0;
	s31 =	sor.u32 $0x8050, s0;
	s5 =	sor.u32 $0x8010, s0;
	[tilespmem:s30+$0x0] =	vst.add.f32.msk $0xffff, v5  }
0x65: {  	s2 =	sor.u32 $0x8040, s0;
	s0 =	sor.u32 $0x8060, s0;
	[tilespmem:s5+$0x0] =	vst.add.f32.msk $0xffff, v6;
	s30 =	simm.s32 $0x0  }
.LBB2_2:
0x66: {  	s29 =	sadd.s32 $0x8, s29;
	[tilespmem:s3+$0x0] =	vst.add.f32.msk $0xffff, v4  }
0x67: {  	s30 =	sadd.s32 $0x400, s30;
	s3 =	sshll.u32 s29, $0x4;
	p0 =	slt.u32 s29, $0x3F8;
	[tilespmem:s4+$0x0] =	vst.add.f32.msk $0xffff, v1  }
0x68: {  	s4 =	sand.u32 $0x1C00, s30;
	s5 =	sshll.u32 s29, $0x1;
	s3 =	sand.u32 $0x2000, s3;
	[tilespmem:s2+$0x0] =	vst.add.f32.msk $0xffff, v2  }
0x69: {  	s2 =	sor.u32 s4, s3;
	s3 =	sand.u32 $0x380, s5;
	[tilespmem:s31+$0x0] =	vst.add.f32.msk $0xffff, v0  }
0x6a: {  	s5 =	sor.u32 s3, s2;
	[tilespmem:s0+$0x0] =	vst.add.f32.msk $0xffff, v3  }
0x6b: {  	s6 =	sor.u32 $0x8000, s5;
	s7 =	sor.u32 $0x8010, s5;
	s3 =	sor.u32 $0x8020, s5;
	v0 =	vld [tilespmem:s5+$0x70]  }
0x6c: {  	s4 =	sor.u32 $0x8030, s5;
	s2 =	sor.u32 $0x8040, s5;
	s31 =	sor.u32 $0x8050, s5;
	v5 =	vld [tilespmem:s5+$0x0]  }
0x6d: {  	s0 =	sor.u32 $0x8060, s5;
	v6 =	vld [tilespmem:s5+$0x10]  }
0x6e: {  	v4 =	vld [tilespmem:s5+$0x20]  }
0x6f: {  	s8 =	sor.u32 $0x8070, s5;
	v1 =	vld [tilespmem:s5+$0x30]  }
0x70: {  	[tilespmem:s8+$0x0] =	vst.add.f32.msk $0xffff, v0  }
.Ltmp0:
0x71: {  	v2 =	vld [tilespmem:s5+$0x40];
	(pc) =	sbr.rel @p0 .LBB2_2-.Ltmp0, $4  }
0x72: {  	v0 =	vld [tilespmem:s5+$0x50]  }
0x73: {  	v3 =	vld [tilespmem:s5+$0x60]  }
0x74: {  	[tilespmem:s6+$0x0] =	vst.add.f32.msk $0xffff, v5  }
0x75: {  	[tilespmem:s7+$0x0] =	vst.add.f32.msk $0xffff, v6  }
0x76: {  	[tilespmem:s3+$0x0] =	vst.add.f32.msk $0xffff, v4  }
0x77: {  	[tilespmem:s4+$0x0] =	vst.add.f32.msk $0xffff, v1  }
0x78: {  	[tilespmem:s2+$0x0] =	vst.add.f32.msk $0xffff, v2  }
0x79: {  	[tilespmem:s31+$0x0] =	vst.add.f32.msk $0xffff, v0  }
0x7a: {  	[tilespmem:s0+$0x0] =	vst.add.f32.msk $0xffff, v3  }
0x7b: {  	s0 =	sld [smem:$0x7FC];
	_ =	sdelay $0x1  }
0x7c: {  	s29 =	simm.s32 $0x0  }
0x7d: {  	[hbm4b:s0+s29] =	stream.linear.scatter [tilespmem:s15], [sflag:$0x6], $0x4000, $0x38;
	[tilespmem:$0x14000] =	vst v63  }
0x7e: {  	s4 =	simm.s32 $0x0;
	s6 =	simm.s32 $0x0;
	s3 =	rddreg [dreg:$0x6]  }
0x7f: {  	[tilespmem:s20], [sflag:$0x5] =	stream.linear.gather [hbm4b:s3+s29], $0x4000, $0x38;
	[tilespmem:$0x14000] =	vst v63  }
0x80: {  	s5 =	sand.u32 $0x1C00, s29;
	s0 =	sand.u32 $0x2000, s4;
	_ =	swait.ge [sflag:s21], $0x4000  }
0x81: {  	s7 =	sand.u32 $0x380, s6;
	s0 =	sor.u32 s5, s0;
	[sflag:s21] =	ssyncset.done $0x0  }
0x82: {  	s5 =	sor.u32 s7, s0;
	[sflag:s21] =	ssyncadd.s32 $0xFFFFC000  }
0x83: {  	v0 =	vld [tilespmem:s5+$0x70]  }
0x84: {  	v5 =	vld [tilespmem:s5+$0x0]  }
0x85: {  	v6 =	vld [tilespmem:s5+$0x10]  }
0x86: {  	v4 =	vld [tilespmem:s5+$0x20]  }
0x87: {  	v1 =	vld [tilespmem:s5+$0x30]  }
0x88: {  	v3 =	vld [tilespmem:s5+$0x40]  }
0x89: {  	s0 =	sor.u32 $0xC070, s5;
	v2 =	vld [tilespmem:s5+$0x60]  }
0x8a: {  	[tilespmem:s0+$0x0] =	vst.add.f32.msk $0xffff, v0  }
0x8b: {  	s30 =	simm.s32 $0x0;
	s8 =	sor.u32 $0xC000, s5;
	v0 =	vld [tilespmem:s5+$0x50]  }
0x8c: {  	s6 =	sor.u32 $0xC010, s5;
	s3 =	sor.u32 $0xC020, s5;
	s4 =	sor.u32 $0xC030, s5;
	[tilespmem:s8+$0x0] =	vst.add.f32.msk $0xffff, v5  }
0x8d: {  	s2 =	sor.u32 $0xC040, s5;
	s31 =	sor.u32 $0xC060, s5;
	s0 =	sor.u32 $0xC050, s5;
	[tilespmem:s6+$0x0] =	vst.add.f32.msk $0xffff, v6  }
.LBB2_4:
0x8e: {  	s30 =	sadd.s32 $0x8, s30;
	[tilespmem:s3+$0x0] =	vst.add.f32.msk $0xffff, v4  }
0x8f: {  	s29 =	sadd.s32 $0x400, s29;
	s3 =	sshll.u32 s30, $0x4;
	p0 =	slt.u32 s30, $0x3F8;
	[tilespmem:s4+$0x0] =	vst.add.f32.msk $0xffff, v1  }
0x90: {  	s4 =	sand.u32 $0x1C00, s29;
	s5 =	sshll.u32 s30, $0x1;
	s3 =	sand.u32 $0x2000, s3;
	[tilespmem:s2+$0x0] =	vst.add.f32.msk $0xffff, v3  }
0x91: {  	s2 =	sor.u32 s4, s3;
	s3 =	sand.u32 $0x380, s5;
	[tilespmem:s0+$0x0] =	vst.add.f32.msk $0xffff, v0  }
0x92: {  	s5 =	sor.u32 s3, s2;
	[tilespmem:s31+$0x0] =	vst.add.f32.msk $0xffff, v2  }
0x93: {  	s6 =	sor.u32 $0xC000, s5;
	s7 =	sor.u32 $0xC010, s5;
	s3 =	sor.u32 $0xC020, s5;
	v0 =	vld [tilespmem:s5+$0x70]  }
0x94: {  	s4 =	sor.u32 $0xC030, s5;
	s2 =	sor.u32 $0xC040, s5;
	s0 =	sor.u32 $0xC050, s5;
	v5 =	vld [tilespmem:s5+$0x0]  }
0x95: {  	s31 =	sor.u32 $0xC060, s5;
	v6 =	vld [tilespmem:s5+$0x10]  }
0x96: {  	v4 =	vld [tilespmem:s5+$0x20]  }
0x97: {  	s8 =	sor.u32 $0xC070, s5;
	v1 =	vld [tilespmem:s5+$0x30]  }
0x98: {  	[tilespmem:s8+$0x0] =	vst.add.f32.msk $0xffff, v0  }
.Ltmp1:
0x99: {  	v3 =	vld [tilespmem:s5+$0x40];
	(pc) =	sbr.rel @p0 .LBB2_4-.Ltmp1, $4  }
0x9a: {  	v0 =	vld [tilespmem:s5+$0x50]  }
0x9b: {  	v2 =	vld [tilespmem:s5+$0x60]  }
0x9c: {  	[tilespmem:s6+$0x0] =	vst.add.f32.msk $0xffff, v5  }
0x9d: {  	[tilespmem:s7+$0x0] =	vst.add.f32.msk $0xffff, v6  }
0x9e: {  	[tilespmem:s3+$0x0] =	vst.add.f32.msk $0xffff, v4  }
0x9f: {  	[tilespmem:s4+$0x0] =	vst.add.f32.msk $0xffff, v1  }
0xa0: {  	[tilespmem:s2+$0x0] =	vst.add.f32.msk $0xffff, v3  }
0xa1: {  	[tilespmem:s0+$0x0] =	vst.add.f32.msk $0xffff, v0  }
0xa2: {  	[tilespmem:s31+$0x0] =	vst.add.f32.msk $0xffff, v2  }
0xa3: {  	s29 =	simm.s32 $0x0;
	s0 =	rddreg [dreg:$0x7]  }
0xa4: {  	[hbm4b:s0+s29] =	stream.linear.scatter [tilespmem:s16], [sflag:$0x7], $0x4000, $0x38;
	[tilespmem:$0x14000] =	vst v63  }
0xa5: {  	_ =	swait.ge [sflag:s22], $0x4000  }
0xa6: {  	s4 =	simm.s32 $0x0;
	[sflag:s22] =	ssyncset.done $0x0  }
0xa7: {  	s6 =	simm.s32 $0x0;
	s3 =	rddreg [dreg:$0x8];
	[sflag:s22] =	ssyncadd.s32 $0xFFFFC000  }
0xa8: {  	[tilespmem:s15], [sflag:$0x3] =	stream.linear.gather [hbm4b:s3+s29], $0x4000, $0x38;
	[tilespmem:$0x14000] =	vst v63  }
0xa9: {  	s5 =	sand.u32 $0x1C00, s29;
	s0 =	sand.u32 $0x2000, s4;
	_ =	swait.ge [sflag:s23], $0x4000  }
0xaa: {  	s7 =	sand.u32 $0x380, s6;
	s0 =	sor.u32 s5, s0;
	[sflag:s23] =	ssyncset.done $0x0  }
0xab: {  	s5 =	sor.u32 s7, s0;
	[sflag:s23] =	ssyncadd.s32 $0xFFFFC000  }
0xac: {  	v0 =	vld [tilespmem:s5+$0x70]  }
0xad: {  	v5 =	vld [tilespmem:s5+$0x0]  }
0xae: {  	v6 =	vld [tilespmem:s5+$0x10]  }
0xaf: {  	v4 =	vld [tilespmem:s5+$0x20]  }
0xb0: {  	v1 =	vld [tilespmem:s5+$0x30]  }
0xb1: {  	v3 =	vld [tilespmem:s5+$0x40]  }
0xb2: {  	s0 =	sor.u32 $0x10070, s5;
	v2 =	vld [tilespmem:s5+$0x60]  }
0xb3: {  	[tilespmem:s0+$0x0] =	vst.add.f32.msk $0xffff, v0  }
0xb4: {  	s30 =	simm.s32 $0x0;
	s8 =	sor.u32 $0x10000, s5;
	v0 =	vld [tilespmem:s5+$0x50]  }
0xb5: {  	s6 =	sor.u32 $0x10010, s5;
	s4 =	sor.u32 $0x10030, s5;
	s2 =	sor.u32 $0x10040, s5;
	[tilespmem:s8+$0x0] =	vst.add.f32.msk $0xffff, v5  }
0xb6: {  	s31 =	sor.u32 $0x10060, s5;
	s3 =	sor.u32 $0x10020, s5;
	s0 =	sor.u32 $0x10050, s5;
	[tilespmem:s6+$0x0] =	vst.add.f32.msk $0xffff, v6  }
.LBB2_6:
0xb7: {  	s30 =	sadd.s32 $0x8, s30;
	[tilespmem:s3+$0x0] =	vst.add.f32.msk $0xffff, v4  }
0xb8: {  	s29 =	sadd.s32 $0x400, s29;
	s3 =	sshll.u32 s30, $0x4;
	p0 =	slt.u32 s30, $0x3F8;
	[tilespmem:s4+$0x0] =	vst.add.f32.msk $0xffff, v1  }
0xb9: {  	s4 =	sand.u32 $0x1C00, s29;
	s5 =	sshll.u32 s30, $0x1;
	s3 =	sand.u32 $0x2000, s3;
	[tilespmem:s2+$0x0] =	vst.add.f32.msk $0xffff, v3  }
0xba: {  	s2 =	sor.u32 s4, s3;
	s3 =	sand.u32 $0x380, s5;
	[tilespmem:s0+$0x0] =	vst.add.f32.msk $0xffff, v0  }
0xbb: {  	s5 =	sor.u32 s3, s2;
	[tilespmem:s31+$0x0] =	vst.add.f32.msk $0xffff, v2  }
0xbc: {  	s6 =	sor.u32 $0x10000, s5;
	s7 =	sor.u32 $0x10010, s5;
	s3 =	sor.u32 $0x10020, s5;
	v0 =	vld [tilespmem:s5+$0x70]  }
0xbd: {  	s4 =	sor.u32 $0x10030, s5;
	s2 =	sor.u32 $0x10040, s5;
	s0 =	sor.u32 $0x10050, s5;
	v5 =	vld [tilespmem:s5+$0x0]  }
0xbe: {  	s31 =	sor.u32 $0x10060, s5;
	v6 =	vld [tilespmem:s5+$0x10]  }
0xbf: {  	v4 =	vld [tilespmem:s5+$0x20]  }
0xc0: {  	s8 =	sor.u32 $0x10070, s5;
	v1 =	vld [tilespmem:s5+$0x30]  }
0xc1: {  	[tilespmem:s8+$0x0] =	vst.add.f32.msk $0xffff, v0  }
.Ltmp2:
0xc2: {  	v3 =	vld [tilespmem:s5+$0x40];
	(pc) =	sbr.rel @p0 .LBB2_6-.Ltmp2, $4  }
0xc3: {  	v0 =	vld [tilespmem:s5+$0x50]  }
0xc4: {  	v2 =	vld [tilespmem:s5+$0x60]  }
0xc5: {  	[tilespmem:s6+$0x0] =	vst.add.f32.msk $0xffff, v5  }
0xc6: {  	[tilespmem:s7+$0x0] =	vst.add.f32.msk $0xffff, v6  }
0xc7: {  	[tilespmem:s3+$0x0] =	vst.add.f32.msk $0xffff, v4  }
0xc8: {  	[tilespmem:s4+$0x0] =	vst.add.f32.msk $0xffff, v1  }
0xc9: {  	[tilespmem:s2+$0x0] =	vst.add.f32.msk $0xffff, v3  }
0xca: {  	[tilespmem:s0+$0x0] =	vst.add.f32.msk $0xffff, v0  }
0xcb: {  	[tilespmem:s31+$0x0] =	vst.add.f32.msk $0xffff, v2  }
0xcc: {  	s29 =	simm.s32 $0x0;
	s0 =	rddreg [dreg:$0x9]  }
0xcd: {  	[hbm4b:s0+s29] =	stream.linear.scatter [tilespmem:s20], [sflag:$0x8], $0x4000, $0x38;
	[tilespmem:$0x14000] =	vst v63  }
0xce: {  	_ =	swait.ge [sflag:s24], $0x4000  }
0xcf: {  	s4 =	simm.s32 $0x0;
	[sflag:s24] =	ssyncset.done $0x0  }
0xd0: {  	s6 =	simm.s32 $0x0;
	s3 =	rddreg [dreg:$0xa];
	[sflag:s24] =	ssyncadd.s32 $0xFFFFC000  }
0xd1: {  	[tilespmem:s16], [sflag:$0x4] =	stream.linear.gather [hbm4b:s3+s29], $0x4000, $0x38;
	[tilespmem:$0x14000] =	vst v63  }
0xd2: {  	s5 =	sand.u32 $0x1C00, s29;
	s0 =	sand.u32 $0x2000, s4;
	_ =	swait.ge [sflag:s19], $0x4000  }
0xd3: {  	s7 =	sand.u32 $0x380, s6;
	s0 =	sor.u32 s5, s0;
	[sflag:s19] =	ssyncset.done $0x0  }
0xd4: {  	s5 =	sor.u32 s7, s0;
	[sflag:s19] =	ssyncadd.s32 $0xFFFFC000  }
0xd5: {  	v0 =	vld [tilespmem:s5+$0x70]  }
0xd6: {  	v5 =	vld [tilespmem:s5+$0x0]  }
0xd7: {  	v6 =	vld [tilespmem:s5+$0x10]  }
0xd8: {  	v4 =	vld [tilespmem:s5+$0x20]  }
0xd9: {  	v1 =	vld [tilespmem:s5+$0x30]  }
0xda: {  	v3 =	vld [tilespmem:s5+$0x40]  }
0xdb: {  	s0 =	sor.u32 $0x8070, s5;
	v2 =	vld [tilespmem:s5+$0x60]  }
0xdc: {  	[tilespmem:s0+$0x0] =	vst.add.f32.msk $0xffff, v0  }
0xdd: {  	s30 =	simm.s32 $0x0;
	s8 =	sor.u32 $0x8000, s5;
	v0 =	vld [tilespmem:s5+$0x50]  }
0xde: {  	s6 =	sor.u32 $0x8010, s5;
	s4 =	sor.u32 $0x8030, s5;
	s2 =	sor.u32 $0x8040, s5;
	[tilespmem:s8+$0x0] =	vst.add.f32.msk $0xffff, v5  }
0xdf: {  	s31 =	sor.u32 $0x8060, s5;
	s3 =	sor.u32 $0x8020, s5;
	s0 =	sor.u32 $0x8050, s5;
	[tilespmem:s6+$0x0] =	vst.add.f32.msk $0xffff, v6  }
.LBB2_8:
0xe0: {  	s30 =	sadd.s32 $0x8, s30;
	[tilespmem:s3+$0x0] =	vst.add.f32.msk $0xffff, v4  }
0xe1: {  	s29 =	sadd.s32 $0x400, s29;
	s3 =	sshll.u32 s30, $0x4;
	p0 =	slt.u32 s30, $0x3F8;
	[tilespmem:s4+$0x0] =	vst.add.f32.msk $0xffff, v1  }
0xe2: {  	s4 =	sand.u32 $0x1C00, s29;
	s5 =	sshll.u32 s30, $0x1;
	s3 =	sand.u32 $0x2000, s3;
	[tilespmem:s2+$0x0] =	vst.add.f32.msk $0xffff, v3  }
0xe3: {  	s2 =	sor.u32 s4, s3;
	s3 =	sand.u32 $0x380, s5;
	[tilespmem:s0+$0x0] =	vst.add.f32.msk $0xffff, v0  }
0xe4: {  	s5 =	sor.u32 s3, s2;
	[tilespmem:s31+$0x0] =	vst.add.f32.msk $0xffff, v2  }
0xe5: {  	s6 =	sor.u32 $0x8000, s5;
	s7 =	sor.u32 $0x8010, s5;
	s3 =	sor.u32 $0x8020, s5;
	v0 =	vld [tilespmem:s5+$0x70]  }
0xe6: {  	s4 =	sor.u32 $0x8030, s5;
	s2 =	sor.u32 $0x8040, s5;
	s0 =	sor.u32 $0x8050, s5;
	v5 =	vld [tilespmem:s5+$0x0]  }
0xe7: {  	s31 =	sor.u32 $0x8060, s5;
	v6 =	vld [tilespmem:s5+$0x10]  }
0xe8: {  	v4 =	vld [tilespmem:s5+$0x20]  }
0xe9: {  	s8 =	sor.u32 $0x8070, s5;
	v1 =	vld [tilespmem:s5+$0x30]  }
0xea: {  	[tilespmem:s8+$0x0] =	vst.add.f32.msk $0xffff, v0  }
.Ltmp3:
0xeb: {  	v3 =	vld [tilespmem:s5+$0x40];
	(pc) =	sbr.rel @p0 .LBB2_8-.Ltmp3, $4  }
0xec: {  	v0 =	vld [tilespmem:s5+$0x50]  }
0xed: {  	v2 =	vld [tilespmem:s5+$0x60]  }
0xee: {  	[tilespmem:s6+$0x0] =	vst.add.f32.msk $0xffff, v5  }
0xef: {  	[tilespmem:s7+$0x0] =	vst.add.f32.msk $0xffff, v6  }
0xf0: {  	[tilespmem:s3+$0x0] =	vst.add.f32.msk $0xffff, v4  }
0xf1: {  	[tilespmem:s4+$0x0] =	vst.add.f32.msk $0xffff, v1  }
0xf2: {  	[tilespmem:s2+$0x0] =	vst.add.f32.msk $0xffff, v3  }
0xf3: {  	[tilespmem:s0+$0x0] =	vst.add.f32.msk $0xffff, v0  }
0xf4: {  	[tilespmem:s31+$0x0] =	vst.add.f32.msk $0xffff, v2  }
0xf5: {  	s29 =	simm.s32 $0x0;
	s0 =	rddreg [dreg:$0xb]  }
0xf6: {  	[hbm4b:s0+s29] =	stream.linear.scatter [tilespmem:s15], [sflag:$0x6], $0x4000, $0x38;
	[tilespmem:$0x14000] =	vst v63  }
0xf7: {  	_ =	swait.ge [sflag:s25], $0x4000  }
0xf8: {  	[sflag:s25] =	ssyncset.done $0x0  }
0xf9: {  	s2 =	rddreg [dreg:$0xc];
	[sflag:s25] =	ssyncadd.s32 $0xFFFFC000  }
0xfa: {  	[tilespmem:s20], [sflag:$0x5] =	stream.linear.gather [hbm4b:s2+s29], $0x4000, $0x38;
	[tilespmem:$0x14000] =	vst v63  }
0xfb: {  	s3 =	rddreg [dreg:$0xd]  }
0xfc: {  	[tilespmem:s29], [sflag:$0x1] =	stream.linear.gather [hbm4b:s3+s29], $0x4000, $0x38;
	[tilespmem:$0x14000] =	vst v63  }
0xfd: {  	_ =	swait.ge [sflag:s26], $0x4000  }
0xfe: {  	[sflag:s26] =	ssyncset.done $0x0  }
0xff: {  	s4 =	simm.s32 $0x0;
	s6 =	simm.s32 $0x0;
	[sflag:s26] =	ssyncadd.s32 $0xFFFFC000  }
0x100: {  	s5 =	sand.u32 $0x1C00, s29;
	s0 =	sand.u32 $0x2000, s4;
	_ =	swait.ge [sflag:s21], $0x4000  }
0x101: {  	s7 =	sand.u32 $0x380, s6;
	s0 =	sor.u32 s5, s0;
	[sflag:s21] =	ssyncset.done $0x0  }
0x102: {  	s5 =	sor.u32 s7, s0;
	[sflag:s21] =	ssyncadd.s32 $0xFFFFC000  }
0x103: {  	v0 =	vld [tilespmem:s5+$0x4070]  }
0x104: {  	v5 =	vld [tilespmem:s5+$0x4000]  }
0x105: {  	v6 =	vld [tilespmem:s5+$0x4010]  }
0x106: {  	v4 =	vld [tilespmem:s5+$0x4020]  }
0x107: {  	v1 =	vld [tilespmem:s5+$0x4030]  }
0x108: {  	v3 =	vld [tilespmem:s5+$0x4040]  }
0x109: {  	s0 =	sor.u32 $0xC070, s5;
	v2 =	vld [tilespmem:s5+$0x4060]  }
0x10a: {  	[tilespmem:s0+$0x0] =	vst.add.f32.msk $0xffff, v0  }
0x10b: {  	s30 =	simm.s32 $0x0;
	s8 =	sor.u32 $0xC000, s5;
	v0 =	vld [tilespmem:s5+$0x4050]  }
0x10c: {  	s6 =	sor.u32 $0xC010, s5;
	s4 =	sor.u32 $0xC030, s5;
	s31 =	sor.u32 $0xC060, s5;
	[tilespmem:s8+$0x0] =	vst.add.f32.msk $0xffff, v5  }
0x10d: {  	s2 =	sor.u32 $0xC040, s5;
	s3 =	sor.u32 $0xC020, s5;
	s0 =	sor.u32 $0xC050, s5;
	[tilespmem:s6+$0x0] =	vst.add.f32.msk $0xffff, v6  }
.LBB2_10:
0x10e: {  	s30 =	sadd.s32 $0x8, s30;
	[tilespmem:s3+$0x0] =	vst.add.f32.msk $0xffff, v4  }
0x10f: {  	s29 =	sadd.s32 $0x400, s29;
	s3 =	sshll.u32 s30, $0x4;
	p0 =	slt.u32 s30, $0x3F8;
	[tilespmem:s4+$0x0] =	vst.add.f32.msk $0xffff, v1  }
0x110: {  	s4 =	sand.u32 $0x1C00, s29;
	s5 =	sshll.u32 s30, $0x1;
	s3 =	sand.u32 $0x2000, s3;
	[tilespmem:s2+$0x0] =	vst.add.f32.msk $0xffff, v3  }
0x111: {  	s2 =	sor.u32 s4, s3;
	s3 =	sand.u32 $0x380, s5;
	[tilespmem:s0+$0x0] =	vst.add.f32.msk $0xffff, v0  }
0x112: {  	s5 =	sor.u32 s3, s2;
	[tilespmem:s31+$0x0] =	vst.add.f32.msk $0xffff, v2  }
0x113: {  	s6 =	sor.u32 $0xC000, s5;
	s7 =	sor.u32 $0xC010, s5;
	s3 =	sor.u32 $0xC020, s5;
	v0 =	vld [tilespmem:s5+$0x4070]  }
0x114: {  	s4 =	sor.u32 $0xC030, s5;
	s2 =	sor.u32 $0xC040, s5;
	s0 =	sor.u32 $0xC050, s5;
	v5 =	vld [tilespmem:s5+$0x4000]  }
0x115: {  	s31 =	sor.u32 $0xC060, s5;
	v6 =	vld [tilespmem:s5+$0x4010]  }
0x116: {  	v4 =	vld [tilespmem:s5+$0x4020]  }
0x117: {  	s8 =	sor.u32 $0xC070, s5;
	v1 =	vld [tilespmem:s5+$0x4030]  }
0x118: {  	[tilespmem:s8+$0x0] =	vst.add.f32.msk $0xffff, v0  }
.Ltmp4:
0x119: {  	v3 =	vld [tilespmem:s5+$0x4040];
	(pc) =	sbr.rel @p0 .LBB2_10-.Ltmp4, $4  }
0x11a: {  	v0 =	vld [tilespmem:s5+$0x4050]  }
0x11b: {  	v2 =	vld [tilespmem:s5+$0x4060]  }
0x11c: {  	[tilespmem:s6+$0x0] =	vst.add.f32.msk $0xffff, v5  }
0x11d: {  	[tilespmem:s7+$0x0] =	vst.add.f32.msk $0xffff, v6  }
0x11e: {  	[tilespmem:s3+$0x0] =	vst.add.f32.msk $0xffff, v4  }
0x11f: {  	[tilespmem:s4+$0x0] =	vst.add.f32.msk $0xffff, v1  }
0x120: {  	[tilespmem:s2+$0x0] =	vst.add.f32.msk $0xffff, v3  }
0x121: {  	[tilespmem:s0+$0x0] =	vst.add.f32.msk $0xffff, v0  }
0x122: {  	[tilespmem:s31+$0x0] =	vst.add.f32.msk $0xffff, v2  }
0x123: {  	s29 =	simm.s32 $0x0;
	s0 =	rddreg [dreg:$0xe]  }
0x124: {  	[hbm4b:s0+s29] =	stream.linear.scatter [tilespmem:s16], [sflag:$0x7], $0x4000, $0x38;
	[tilespmem:$0x14000] =	vst v63  }
0x125: {  	_ =	swait.ge [sflag:s22], $0x4000  }
0x126: {  	s4 =	simm.s32 $0x0;
	[sflag:s22] =	ssyncset.done $0x0  }
0x127: {  	s6 =	simm.s32 $0x0;
	s3 =	rddreg [dreg:$0xf];
	[sflag:s22] =	ssyncadd.s32 $0xFFFFC000  }
0x128: {  	[tilespmem:s15], [sflag:$0x3] =	stream.linear.gather [hbm4b:s3+s29], $0x4000, $0x38;
	[tilespmem:$0x14000] =	vst v63  }
0x129: {  	s5 =	sand.u32 $0x1C00, s29;
	s0 =	sand.u32 $0x2000, s4;
	_ =	swait.ge [sflag:s23], $0x4000  }
0x12a: {  	s7 =	sand.u32 $0x380, s6;
	s0 =	sor.u32 s5, s0;
	[sflag:s23] =	ssyncset.done $0x0  }
0x12b: {  	s5 =	sor.u32 s7, s0;
	[sflag:s23] =	ssyncadd.s32 $0xFFFFC000  }
0x12c: {  	v0 =	vld [tilespmem:s5+$0x4070]  }
0x12d: {  	v5 =	vld [tilespmem:s5+$0x4000]  }
0x12e: {  	v6 =	vld [tilespmem:s5+$0x4010]  }
0x12f: {  	v4 =	vld [tilespmem:s5+$0x4020]  }
0x130: {  	v1 =	vld [tilespmem:s5+$0x4030]  }
0x131: {  	v3 =	vld [tilespmem:s5+$0x4040]  }
0x132: {  	s0 =	sor.u32 $0x10070, s5;
	v2 =	vld [tilespmem:s5+$0x4060]  }
0x133: {  	[tilespmem:s0+$0x0] =	vst.add.f32.msk $0xffff, v0  }
0x134: {  	s30 =	simm.s32 $0x0;
	s8 =	sor.u32 $0x10000, s5;
	v0 =	vld [tilespmem:s5+$0x4050]  }
0x135: {  	s6 =	sor.u32 $0x10010, s5;
	s4 =	sor.u32 $0x10030, s5;
	s2 =	sor.u32 $0x10040, s5;
	[tilespmem:s8+$0x0] =	vst.add.f32.msk $0xffff, v5  }
0x136: {  	s31 =	sor.u32 $0x10060, s5;
	s3 =	sor.u32 $0x10020, s5;
	s0 =	sor.u32 $0x10050, s5;
	[tilespmem:s6+$0x0] =	vst.add.f32.msk $0xffff, v6  }
.LBB2_12:
0x137: {  	s30 =	sadd.s32 $0x8, s30;
	[tilespmem:s3+$0x0] =	vst.add.f32.msk $0xffff, v4  }
0x138: {  	s29 =	sadd.s32 $0x400, s29;
	s3 =	sshll.u32 s30, $0x4;
	p0 =	slt.u32 s30, $0x3F8;
	[tilespmem:s4+$0x0] =	vst.add.f32.msk $0xffff, v1  }
0x139: {  	s4 =	sand.u32 $0x1C00, s29;
	s5 =	sshll.u32 s30, $0x1;
	s3 =	sand.u32 $0x2000, s3;
	[tilespmem:s2+$0x0] =	vst.add.f32.msk $0xffff, v3  }
0x13a: {  	s2 =	sor.u32 s4, s3;
	s3 =	sand.u32 $0x380, s5;
	[tilespmem:s0+$0x0] =	vst.add.f32.msk $0xffff, v0  }
0x13b: {  	s5 =	sor.u32 s3, s2;
	[tilespmem:s31+$0x0] =	vst.add.f32.msk $0xffff, v2  }
0x13c: {  	s6 =	sor.u32 $0x10000, s5;
	s7 =	sor.u32 $0x10010, s5;
	s3 =	sor.u32 $0x10020, s5;
	v0 =	vld [tilespmem:s5+$0x4070]  }
0x13d: {  	s4 =	sor.u32 $0x10030, s5;
	s2 =	sor.u32 $0x10040, s5;
	s0 =	sor.u32 $0x10050, s5;
	v5 =	vld [tilespmem:s5+$0x4000]  }
0x13e: {  	s31 =	sor.u32 $0x10060, s5;
	v6 =	vld [tilespmem:s5+$0x4010]  }
0x13f: {  	v4 =	vld [tilespmem:s5+$0x4020]  }
0x140: {  	s8 =	sor.u32 $0x10070, s5;
	v1 =	vld [tilespmem:s5+$0x4030]  }
0x141: {  	[tilespmem:s8+$0x0] =	vst.add.f32.msk $0xffff, v0  }
.Ltmp5:
0x142: {  	v3 =	vld [tilespmem:s5+$0x4040];
	(pc) =	sbr.rel @p0 .LBB2_12-.Ltmp5, $4  }
0x143: {  	v0 =	vld [tilespmem:s5+$0x4050]  }
0x144: {  	v2 =	vld [tilespmem:s5+$0x4060]  }
0x145: {  	[tilespmem:s6+$0x0] =	vst.add.f32.msk $0xffff, v5  }
0x146: {  	[tilespmem:s7+$0x0] =	vst.add.f32.msk $0xffff, v6  }
0x147: {  	[tilespmem:s3+$0x0] =	vst.add.f32.msk $0xffff, v4  }
0x148: {  	[tilespmem:s4+$0x0] =	vst.add.f32.msk $0xffff, v1  }
0x149: {  	[tilespmem:s2+$0x0] =	vst.add.f32.msk $0xffff, v3  }
0x14a: {  	[tilespmem:s0+$0x0] =	vst.add.f32.msk $0xffff, v0  }
0x14b: {  	[tilespmem:s31+$0x0] =	vst.add.f32.msk $0xffff, v2  }
0x14c: {  	s29 =	simm.s32 $0x0;
	s0 =	rddreg [dreg:$0x10]  }
0x14d: {  	[hbm4b:s0+s29] =	stream.linear.scatter [tilespmem:s20], [sflag:$0x8], $0x4000, $0x38;
	[tilespmem:$0x14000] =	vst v63  }
0x14e: {  	_ =	swait.ge [sflag:s24], $0x4000  }
0x14f: {  	s4 =	simm.s32 $0x0;
	[sflag:s24] =	ssyncset.done $0x0  }
0x150: {  	s6 =	simm.s32 $0x0;
	s3 =	rddreg [dreg:$0x11];
	[sflag:s24] =	ssyncadd.s32 $0xFFFFC000  }
0x151: {  	[tilespmem:s16], [sflag:$0x4] =	stream.linear.gather [hbm4b:s3+s29], $0x4000, $0x38;
	[tilespmem:$0x14000] =	vst v63  }
0x152: {  	s5 =	sand.u32 $0x1C00, s29;
	s0 =	sand.u32 $0x2000, s4;
	_ =	swait.ge [sflag:s19], $0x4000  }
0x153: {  	s7 =	sand.u32 $0x380, s6;
	s0 =	sor.u32 s5, s0;
	[sflag:s19] =	ssyncset.done $0x0  }
0x154: {  	s5 =	sor.u32 s7, s0;
	[sflag:s19] =	ssyncadd.s32 $0xFFFFC000  }
0x155: {  	v0 =	vld [tilespmem:s5+$0x4070]  }
0x156: {  	v5 =	vld [tilespmem:s5+$0x4000]  }
0x157: {  	v6 =	vld [tilespmem:s5+$0x4010]  }
0x158: {  	v4 =	vld [tilespmem:s5+$0x4020]  }
0x159: {  	v1 =	vld [tilespmem:s5+$0x4030]  }
0x15a: {  	v3 =	vld [tilespmem:s5+$0x4040]  }
0x15b: {  	s0 =	sor.u32 $0x8070, s5;
	v2 =	vld [tilespmem:s5+$0x4060]  }
0x15c: {  	[tilespmem:s0+$0x0] =	vst.add.f32.msk $0xffff, v0  }
0x15d: {  	s30 =	simm.s32 $0x0;
	s8 =	sor.u32 $0x8000, s5;
	v0 =	vld [tilespmem:s5+$0x4050]  }
0x15e: {  	s6 =	sor.u32 $0x8010, s5;
	s4 =	sor.u32 $0x8030, s5;
	s2 =	sor.u32 $0x8040, s5;
	[tilespmem:s8+$0x0] =	vst.add.f32.msk $0xffff, v5  }
0x15f: {  	s31 =	sor.u32 $0x8060, s5;
	s3 =	sor.u32 $0x8020, s5;
	s0 =	sor.u32 $0x8050, s5;
	[tilespmem:s6+$0x0] =	vst.add.f32.msk $0xffff, v6  }
.LBB2_14:
0x160: {  	s30 =	sadd.s32 $0x8, s30;
	[tilespmem:s3+$0x0] =	vst.add.f32.msk $0xffff, v4  }
0x161: {  	s29 =	sadd.s32 $0x400, s29;
	s3 =	sshll.u32 s30, $0x4;
	p0 =	slt.u32 s30, $0x3F8;
	[tilespmem:s4+$0x0] =	vst.add.f32.msk $0xffff, v1  }
0x162: {  	s4 =	sand.u32 $0x1C00, s29;
	s5 =	sshll.u32 s30, $0x1;
	s3 =	sand.u32 $0x2000, s3;
	[tilespmem:s2+$0x0] =	vst.add.f32.msk $0xffff, v3  }
0x163: {  	s2 =	sor.u32 s4, s3;
	s3 =	sand.u32 $0x380, s5;
	[tilespmem:s0+$0x0] =	vst.add.f32.msk $0xffff, v0  }
0x164: {  	s5 =	sor.u32 s3, s2;
	[tilespmem:s31+$0x0] =	vst.add.f32.msk $0xffff, v2  }
0x165: {  	s6 =	sor.u32 $0x8000, s5;
	s7 =	sor.u32 $0x8010, s5;
	s3 =	sor.u32 $0x8020, s5;
	v0 =	vld [tilespmem:s5+$0x4070]  }
0x166: {  	s4 =	sor.u32 $0x8030, s5;
	s2 =	sor.u32 $0x8040, s5;
	s0 =	sor.u32 $0x8050, s5;
	v5 =	vld [tilespmem:s5+$0x4000]  }
0x167: {  	s31 =	sor.u32 $0x8060, s5;
	v6 =	vld [tilespmem:s5+$0x4010]  }
0x168: {  	v4 =	vld [tilespmem:s5+$0x4020]  }
0x169: {  	s8 =	sor.u32 $0x8070, s5;
	v1 =	vld [tilespmem:s5+$0x4030]  }
0x16a: {  	[tilespmem:s8+$0x0] =	vst.add.f32.msk $0xffff, v0  }
.Ltmp6:
0x16b: {  	v3 =	vld [tilespmem:s5+$0x4040];
	(pc) =	sbr.rel @p0 .LBB2_14-.Ltmp6, $4  }
0x16c: {  	v0 =	vld [tilespmem:s5+$0x4050]  }
0x16d: {  	v2 =	vld [tilespmem:s5+$0x4060]  }
0x16e: {  	[tilespmem:s6+$0x0] =	vst.add.f32.msk $0xffff, v5  }
0x16f: {  	[tilespmem:s7+$0x0] =	vst.add.f32.msk $0xffff, v6  }
0x170: {  	[tilespmem:s3+$0x0] =	vst.add.f32.msk $0xffff, v4  }
0x171: {  	[tilespmem:s4+$0x0] =	vst.add.f32.msk $0xffff, v1  }
0x172: {  	[tilespmem:s2+$0x0] =	vst.add.f32.msk $0xffff, v3  }
0x173: {  	[tilespmem:s0+$0x0] =	vst.add.f32.msk $0xffff, v0  }
0x174: {  	[tilespmem:s31+$0x0] =	vst.add.f32.msk $0xffff, v2  }
0x175: {  	s29 =	simm.s32 $0x0;
	s0 =	rddreg [dreg:$0x12]  }
0x176: {  	[hbm4b:s0+s29] =	stream.linear.scatter [tilespmem:s15], [sflag:$0x6], $0x4000, $0x38;
	[tilespmem:$0x14000] =	vst v63  }
0x177: {  	_ =	swait.ge [sflag:s25], $0x4000  }
0x178: {  	s4 =	simm.s32 $0x0;
	[sflag:s25] =	ssyncset.done $0x0  }
0x179: {  	s6 =	simm.s32 $0x0;
	s3 =	rddreg [dreg:$0x13];
	[sflag:s25] =	ssyncadd.s32 $0xFFFFC000  }
0x17a: {  	[tilespmem:s20], [sflag:$0x5] =	stream.linear.gather [hbm4b:s3+s29], $0x4000, $0x38;
	[tilespmem:$0x14000] =	vst v63  }
0x17b: {  	s5 =	sand.u32 $0x1C00, s29;
	s0 =	sand.u32 $0x2000, s4;
	_ =	swait.ge [sflag:s21], $0x4000  }
0x17c: {  	s7 =	sand.u32 $0x380, s6;
	s0 =	sor.u32 s5, s0;
	[sflag:s21] =	ssyncset.done $0x0  }
0x17d: {  	s5 =	sor.u32 s7, s0;
	[sflag:s21] =	ssyncadd.s32 $0xFFFFC000  }
0x17e: {  	v0 =	vld [tilespmem:s5+$0x4070]  }
0x17f: {  	v5 =	vld [tilespmem:s5+$0x4000]  }
0x180: {  	v6 =	vld [tilespmem:s5+$0x4010]  }
0x181: {  	v4 =	vld [tilespmem:s5+$0x4020]  }
0x182: {  	v1 =	vld [tilespmem:s5+$0x4030]  }
0x183: {  	v3 =	vld [tilespmem:s5+$0x4040]  }
0x184: {  	s0 =	sor.u32 $0xC070, s5;
	v2 =	vld [tilespmem:s5+$0x4060]  }
0x185: {  	[tilespmem:s0+$0x0] =	vst.add.f32.msk $0xffff, v0  }
0x186: {  	s30 =	simm.s32 $0x0;
	s8 =	sor.u32 $0xC000, s5;
	v0 =	vld [tilespmem:s5+$0x4050]  }
0x187: {  	s6 =	sor.u32 $0xC010, s5;
	s4 =	sor.u32 $0xC030, s5;
	s2 =	sor.u32 $0xC040, s5;
	[tilespmem:s8+$0x0] =	vst.add.f32.msk $0xffff, v5  }
0x188: {  	s31 =	sor.u32 $0xC060, s5;
	s3 =	sor.u32 $0xC020, s5;
	s0 =	sor.u32 $0xC050, s5;
	[tilespmem:s6+$0x0] =	vst.add.f32.msk $0xffff, v6  }
.LBB2_16:
0x189: {  	s30 =	sadd.s32 $0x8, s30;
	[tilespmem:s3+$0x0] =	vst.add.f32.msk $0xffff, v4  }
0x18a: {  	s29 =	sadd.s32 $0x400, s29;
	s3 =	sshll.u32 s30, $0x4;
	p0 =	slt.u32 s30, $0x3F8;
	[tilespmem:s4+$0x0] =	vst.add.f32.msk $0xffff, v1  }
0x18b: {  	s4 =	sand.u32 $0x1C00, s29;
	s5 =	sshll.u32 s30, $0x1;
	s3 =	sand.u32 $0x2000, s3;
	[tilespmem:s2+$0x0] =	vst.add.f32.msk $0xffff, v3  }
0x18c: {  	s2 =	sor.u32 s4, s3;
	s3 =	sand.u32 $0x380, s5;
	[tilespmem:s0+$0x0] =	vst.add.f32.msk $0xffff, v0  }
0x18d: {  	s5 =	sor.u32 s3, s2;
	[tilespmem:s31+$0x0] =	vst.add.f32.msk $0xffff, v2  }
0x18e: {  	s6 =	sor.u32 $0xC000, s5;
	s7 =	sor.u32 $0xC010, s5;
	s3 =	sor.u32 $0xC020, s5;
	v0 =	vld [tilespmem:s5+$0x4070]  }
0x18f: {  	s4 =	sor.u32 $0xC030, s5;
	s2 =	sor.u32 $0xC040, s5;
	s0 =	sor.u32 $0xC050, s5;
	v5 =	vld [tilespmem:s5+$0x4000]  }
0x190: {  	s31 =	sor.u32 $0xC060, s5;
	v6 =	vld [tilespmem:s5+$0x4010]  }
0x191: {  	v4 =	vld [tilespmem:s5+$0x4020]  }
0x192: {  	s8 =	sor.u32 $0xC070, s5;
	v1 =	vld [tilespmem:s5+$0x4030]  }
0x193: {  	[tilespmem:s8+$0x0] =	vst.add.f32.msk $0xffff, v0  }
.Ltmp7:
0x194: {  	v3 =	vld [tilespmem:s5+$0x4040];
	(pc) =	sbr.rel @p0 .LBB2_16-.Ltmp7, $4  }
0x195: {  	v0 =	vld [tilespmem:s5+$0x4050]  }
0x196: {  	v2 =	vld [tilespmem:s5+$0x4060]  }
0x197: {  	[tilespmem:s6+$0x0] =	vst.add.f32.msk $0xffff, v5  }
0x198: {  	[tilespmem:s7+$0x0] =	vst.add.f32.msk $0xffff, v6  }
0x199: {  	[tilespmem:s3+$0x0] =	vst.add.f32.msk $0xffff, v4  }
0x19a: {  	[tilespmem:s4+$0x0] =	vst.add.f32.msk $0xffff, v1  }
0x19b: {  	[tilespmem:s2+$0x0] =	vst.add.f32.msk $0xffff, v3  }
0x19c: {  	[tilespmem:s0+$0x0] =	vst.add.f32.msk $0xffff, v0  }
0x19d: {  	[tilespmem:s31+$0x0] =	vst.add.f32.msk $0xffff, v2  }
0x19e: {  	s29 =	simm.s32 $0x0;
	s0 =	rddreg [dreg:$0x14]  }
0x19f: {  	[hbm4b:s0+s29] =	stream.linear.scatter [tilespmem:s16], [sflag:$0x7], $0x4000, $0x38;
	[tilespmem:$0x14000] =	vst v63  }
0x1a0: {  	_ =	swait.ge [sflag:s22], $0x4000  }
0x1a1: {  	[sflag:s22] =	ssyncset.done $0x0  }
0x1a2: {  	s2 =	rddreg [dreg:$0x16];
	[sflag:s22] =	ssyncadd.s32 $0xFFFFC000  }
0x1a3: {  	[tilespmem:s15], [sflag:$0x3] =	stream.linear.gather [hbm4b:s2+s29], $0x4000, $0x38;
	[tilespmem:$0x14000] =	vst v63  }
0x1a4: {  	s3 =	rddreg [dreg:$0x1c]  }
0x1a5: {  	[tilespmem:s17], [sflag:$0x2] =	stream.linear.gather [hbm4b:s3+s29], $0x4000, $0x38;
	[tilespmem:$0x14000] =	vst v63  }
0x1a6: {  	_ =	swait.ge [sflag:s18], $0x4000  }
0x1a7: {  	[sflag:s18] =	ssyncset.done $0x0  }
0x1a8: {  	s4 =	simm.s32 $0x0;
	s6 =	simm.s32 $0x0;
	[sflag:s18] =	ssyncadd.s32 $0xFFFFC000  }
0x1a9: {  	s5 =	sand.u32 $0x1C00, s29;
	s0 =	sand.u32 $0x2000, s4;
	_ =	swait.ge [sflag:s23], $0x4000  }
0x1aa: {  	s7 =	sand.u32 $0x380, s6;
	s0 =	sor.u32 s5, s0;
	[sflag:s23] =	ssyncset.done $0x0  }
0x1ab: {  	s5 =	sor.u32 s7, s0;
	[sflag:s23] =	ssyncadd.s32 $0xFFFFC000  }
0x1ac: {  	v0 =	vld [tilespmem:s5+$0x70]  }
0x1ad: {  	v5 =	vld [tilespmem:s5+$0x0]  }
0x1ae: {  	v6 =	vld [tilespmem:s5+$0x10]  }
0x1af: {  	v4 =	vld [tilespmem:s5+$0x20]  }
0x1b0: {  	v1 =	vld [tilespmem:s5+$0x30]  }
0x1b1: {  	v3 =	vld [tilespmem:s5+$0x40]  }
0x1b2: {  	s0 =	sor.u32 $0x10070, s5;
	v2 =	vld [tilespmem:s5+$0x60]  }
0x1b3: {  	[tilespmem:s0+$0x0] =	vst.add.f32.msk $0xffff, v0  }
0x1b4: {  	s30 =	simm.s32 $0x0;
	s8 =	sor.u32 $0x10000, s5;
	v0 =	vld [tilespmem:s5+$0x50]  }
0x1b5: {  	s6 =	sor.u32 $0x10010, s5;
	s4 =	sor.u32 $0x10030, s5;
	s31 =	sor.u32 $0x10060, s5;
	[tilespmem:s8+$0x0] =	vst.add.f32.msk $0xffff, v5  }
0x1b6: {  	s2 =	sor.u32 $0x10040, s5;
	s3 =	sor.u32 $0x10020, s5;
	s0 =	sor.u32 $0x10050, s5;
	[tilespmem:s6+$0x0] =	vst.add.f32.msk $0xffff, v6  }
.LBB2_18:
0x1b7: {  	s30 =	sadd.s32 $0x8, s30;
	[tilespmem:s3+$0x0] =	vst.add.f32.msk $0xffff, v4  }
0x1b8: {  	s29 =	sadd.s32 $0x400, s29;
	s3 =	sshll.u32 s30, $0x4;
	p0 =	slt.u32 s30, $0x3F8;
	[tilespmem:s4+$0x0] =	vst.add.f32.msk $0xffff, v1  }
0x1b9: {  	s4 =	sand.u32 $0x1C00, s29;
	s5 =	sshll.u32 s30, $0x1;
	s3 =	sand.u32 $0x2000, s3;
	[tilespmem:s2+$0x0] =	vst.add.f32.msk $0xffff, v3  }
0x1ba: {  	s2 =	sor.u32 s4, s3;
	s3 =	sand.u32 $0x380, s5;
	[tilespmem:s0+$0x0] =	vst.add.f32.msk $0xffff, v0  }
0x1bb: {  	s5 =	sor.u32 s3, s2;
	[tilespmem:s31+$0x0] =	vst.add.f32.msk $0xffff, v2  }
0x1bc: {  	s6 =	sor.u32 $0x10000, s5;
	s7 =	sor.u32 $0x10010, s5;
	s3 =	sor.u32 $0x10020, s5;
	v0 =	vld [tilespmem:s5+$0x70]  }
0x1bd: {  	s4 =	sor.u32 $0x10030, s5;
	s2 =	sor.u32 $0x10040, s5;
	s0 =	sor.u32 $0x10050, s5;
	v5 =	vld [tilespmem:s5+$0x0]  }
0x1be: {  	s31 =	sor.u32 $0x10060, s5;
	v6 =	vld [tilespmem:s5+$0x10]  }
0x1bf: {  	v4 =	vld [tilespmem:s5+$0x20]  }
0x1c0: {  	s8 =	sor.u32 $0x10070, s5;
	v1 =	vld [tilespmem:s5+$0x30]  }
0x1c1: {  	[tilespmem:s8+$0x0] =	vst.add.f32.msk $0xffff, v0  }
.Ltmp8:
0x1c2: {  	v3 =	vld [tilespmem:s5+$0x40];
	(pc) =	sbr.rel @p0 .LBB2_18-.Ltmp8, $4  }
0x1c3: {  	v0 =	vld [tilespmem:s5+$0x50]  }
0x1c4: {  	v2 =	vld [tilespmem:s5+$0x60]  }
0x1c5: {  	[tilespmem:s6+$0x0] =	vst.add.f32.msk $0xffff, v5  }
0x1c6: {  	[tilespmem:s7+$0x0] =	vst.add.f32.msk $0xffff, v6  }
0x1c7: {  	[tilespmem:s3+$0x0] =	vst.add.f32.msk $0xffff, v4  }
0x1c8: {  	[tilespmem:s4+$0x0] =	vst.add.f32.msk $0xffff, v1  }
0x1c9: {  	[tilespmem:s2+$0x0] =	vst.add.f32.msk $0xffff, v3  }
0x1ca: {  	[tilespmem:s0+$0x0] =	vst.add.f32.msk $0xffff, v0  }
0x1cb: {  	[tilespmem:s31+$0x0] =	vst.add.f32.msk $0xffff, v2  }
0x1cc: {  	s29 =	simm.s32 $0x0;
	s0 =	rddreg [dreg:$0x15]  }
0x1cd: {  	[hbm4b:s0+s29] =	stream.linear.scatter [tilespmem:s20], [sflag:$0x8], $0x4000, $0x38;
	[tilespmem:$0x14000] =	vst v63  }
0x1ce: {  	_ =	swait.ge [sflag:s24], $0x4000  }
0x1cf: {  	s4 =	simm.s32 $0x0;
	[sflag:s24] =	ssyncset.done $0x0  }
0x1d0: {  	s6 =	simm.s32 $0x0;
	s3 =	rddreg [dreg:$0x18];
	[sflag:s24] =	ssyncadd.s32 $0xFFFFC000  }
0x1d1: {  	[tilespmem:s16], [sflag:$0x4] =	stream.linear.gather [hbm4b:s3+s29], $0x4000, $0x38;
	[tilespmem:$0x14000] =	vst v63  }
0x1d2: {  	s5 =	sand.u32 $0x1C00, s29;
	s0 =	sand.u32 $0x2000, s4;
	_ =	swait.ge [sflag:s19], $0x4000  }
0x1d3: {  	s7 =	sand.u32 $0x380, s6;
	s0 =	sor.u32 s5, s0;
	[sflag:s19] =	ssyncset.done $0x0  }
0x1d4: {  	s5 =	sor.u32 s7, s0;
	[sflag:s19] =	ssyncadd.s32 $0xFFFFC000  }
0x1d5: {  	v0 =	vld [tilespmem:s5+$0x70]  }
0x1d6: {  	v5 =	vld [tilespmem:s5+$0x0]  }
0x1d7: {  	v6 =	vld [tilespmem:s5+$0x10]  }
0x1d8: {  	v4 =	vld [tilespmem:s5+$0x20]  }
0x1d9: {  	v1 =	vld [tilespmem:s5+$0x30]  }
0x1da: {  	v3 =	vld [tilespmem:s5+$0x40]  }
0x1db: {  	s0 =	sor.u32 $0x8070, s5;
	v2 =	vld [tilespmem:s5+$0x60]  }
0x1dc: {  	[tilespmem:s0+$0x0] =	vst.add.f32.msk $0xffff, v0  }
0x1dd: {  	s30 =	simm.s32 $0x0;
	s8 =	sor.u32 $0x8000, s5;
	v0 =	vld [tilespmem:s5+$0x50]  }
0x1de: {  	s6 =	sor.u32 $0x8010, s5;
	s4 =	sor.u32 $0x8030, s5;
	s2 =	sor.u32 $0x8040, s5;
	[tilespmem:s8+$0x0] =	vst.add.f32.msk $0xffff, v5  }
0x1df: {  	s31 =	sor.u32 $0x8060, s5;
	s3 =	sor.u32 $0x8020, s5;
	s0 =	sor.u32 $0x8050, s5;
	[tilespmem:s6+$0x0] =	vst.add.f32.msk $0xffff, v6  }
.LBB2_20:
0x1e0: {  	s30 =	sadd.s32 $0x8, s30;
	[tilespmem:s3+$0x0] =	vst.add.f32.msk $0xffff, v4  }
0x1e1: {  	s29 =	sadd.s32 $0x400, s29;
	s3 =	sshll.u32 s30, $0x4;
	p0 =	slt.u32 s30, $0x3F8;
	[tilespmem:s4+$0x0] =	vst.add.f32.msk $0xffff, v1  }
0x1e2: {  	s4 =	sand.u32 $0x1C00, s29;
	s5 =	sshll.u32 s30, $0x1;
	s3 =	sand.u32 $0x2000, s3;
	[tilespmem:s2+$0x0] =	vst.add.f32.msk $0xffff, v3  }
0x1e3: {  	s2 =	sor.u32 s4, s3;
	s3 =	sand.u32 $0x380, s5;
	[tilespmem:s0+$0x0] =	vst.add.f32.msk $0xffff, v0  }
0x1e4: {  	s5 =	sor.u32 s3, s2;
	[tilespmem:s31+$0x0] =	vst.add.f32.msk $0xffff, v2  }
0x1e5: {  	s6 =	sor.u32 $0x8000, s5;
	s7 =	sor.u32 $0x8010, s5;
	s3 =	sor.u32 $0x8020, s5;
	v0 =	vld [tilespmem:s5+$0x70]  }
0x1e6: {  	s4 =	sor.u32 $0x8030, s5;
	s2 =	sor.u32 $0x8040, s5;
	s0 =	sor.u32 $0x8050, s5;
	v5 =	vld [tilespmem:s5+$0x0]  }
0x1e7: {  	s31 =	sor.u32 $0x8060, s5;
	v6 =	vld [tilespmem:s5+$0x10]  }
0x1e8: {  	v4 =	vld [tilespmem:s5+$0x20]  }
0x1e9: {  	s8 =	sor.u32 $0x8070, s5;
	v1 =	vld [tilespmem:s5+$0x30]  }
0x1ea: {  	[tilespmem:s8+$0x0] =	vst.add.f32.msk $0xffff, v0  }
.Ltmp9:
0x1eb: {  	v3 =	vld [tilespmem:s5+$0x40];
	(pc) =	sbr.rel @p0 .LBB2_20-.Ltmp9, $4  }
0x1ec: {  	v0 =	vld [tilespmem:s5+$0x50]  }
0x1ed: {  	v2 =	vld [tilespmem:s5+$0x60]  }
0x1ee: {  	[tilespmem:s6+$0x0] =	vst.add.f32.msk $0xffff, v5  }
0x1ef: {  	[tilespmem:s7+$0x0] =	vst.add.f32.msk $0xffff, v6  }
0x1f0: {  	[tilespmem:s3+$0x0] =	vst.add.f32.msk $0xffff, v4  }
0x1f1: {  	[tilespmem:s4+$0x0] =	vst.add.f32.msk $0xffff, v1  }
0x1f2: {  	[tilespmem:s2+$0x0] =	vst.add.f32.msk $0xffff, v3  }
0x1f3: {  	[tilespmem:s0+$0x0] =	vst.add.f32.msk $0xffff, v0  }
0x1f4: {  	[tilespmem:s31+$0x0] =	vst.add.f32.msk $0xffff, v2  }
0x1f5: {  	s29 =	simm.s32 $0x0;
	s0 =	rddreg [dreg:$0x17]  }
0x1f6: {  	[hbm4b:s0+s29] =	stream.linear.scatter [tilespmem:s15], [sflag:$0x6], $0x4000, $0x38;
	[tilespmem:$0x14000] =	vst v63  }
0x1f7: {  	_ =	swait.ge [sflag:s25], $0x4000  }
0x1f8: {  	s4 =	simm.s32 $0x0;
	[sflag:s25] =	ssyncset.done $0x0  }
0x1f9: {  	s6 =	simm.s32 $0x0;
	s3 =	rddreg [dreg:$0x1a];
	[sflag:s25] =	ssyncadd.s32 $0xFFFFC000  }
0x1fa: {  	[tilespmem:s20], [sflag:$0x5] =	stream.linear.gather [hbm4b:s3+s29], $0x4000, $0x38;
	[tilespmem:$0x14000] =	vst v63  }
0x1fb: {  	s5 =	sand.u32 $0x1C00, s29;
	s0 =	sand.u32 $0x2000, s4;
	_ =	swait.ge [sflag:s21], $0x4000  }
0x1fc: {  	s7 =	sand.u32 $0x380, s6;
	s0 =	sor.u32 s5, s0;
	[sflag:s21] =	ssyncset.done $0x0  }
0x1fd: {  	s5 =	sor.u32 s7, s0;
	[sflag:s21] =	ssyncadd.s32 $0xFFFFC000  }
0x1fe: {  	v0 =	vld [tilespmem:s5+$0x70]  }
0x1ff: {  	v5 =	vld [tilespmem:s5+$0x0]  }
0x200: {  	v6 =	vld [tilespmem:s5+$0x10]  }
0x201: {  	v4 =	vld [tilespmem:s5+$0x20]  }
0x202: {  	v1 =	vld [tilespmem:s5+$0x30]  }
0x203: {  	v3 =	vld [tilespmem:s5+$0x40]  }
0x204: {  	s0 =	sor.u32 $0xC070, s5;
	v2 =	vld [tilespmem:s5+$0x60]  }
0x205: {  	[tilespmem:s0+$0x0] =	vst.add.f32.msk $0xffff, v0  }
0x206: {  	s30 =	simm.s32 $0x0;
	s8 =	sor.u32 $0xC000, s5;
	v0 =	vld [tilespmem:s5+$0x50]  }
0x207: {  	s6 =	sor.u32 $0xC010, s5;
	s4 =	sor.u32 $0xC030, s5;
	s2 =	sor.u32 $0xC040, s5;
	[tilespmem:s8+$0x0] =	vst.add.f32.msk $0xffff, v5  }
0x208: {  	s31 =	sor.u32 $0xC060, s5;
	s3 =	sor.u32 $0xC020, s5;
	s0 =	sor.u32 $0xC050, s5;
	[tilespmem:s6+$0x0] =	vst.add.f32.msk $0xffff, v6  }
.LBB2_22:
0x209: {  	s30 =	sadd.s32 $0x8, s30;
	[tilespmem:s3+$0x0] =	vst.add.f32.msk $0xffff, v4  }
0x20a: {  	s29 =	sadd.s32 $0x400, s29;
	s3 =	sshll.u32 s30, $0x4;
	p0 =	slt.u32 s30, $0x3F8;
	[tilespmem:s4+$0x0] =	vst.add.f32.msk $0xffff, v1  }
0x20b: {  	s4 =	sand.u32 $0x1C00, s29;
	s5 =	sshll.u32 s30, $0x1;
	s3 =	sand.u32 $0x2000, s3;
	[tilespmem:s2+$0x0] =	vst.add.f32.msk $0xffff, v3  }
0x20c: {  	s2 =	sor.u32 s4, s3;
	s3 =	sand.u32 $0x380, s5;
	[tilespmem:s0+$0x0] =	vst.add.f32.msk $0xffff, v0  }
0x20d: {  	s5 =	sor.u32 s3, s2;
	[tilespmem:s31+$0x0] =	vst.add.f32.msk $0xffff, v2  }
0x20e: {  	s6 =	sor.u32 $0xC000, s5;
	s7 =	sor.u32 $0xC010, s5;
	s3 =	sor.u32 $0xC020, s5;
	v0 =	vld [tilespmem:s5+$0x70]  }
0x20f: {  	s4 =	sor.u32 $0xC030, s5;
	s2 =	sor.u32 $0xC040, s5;
	s0 =	sor.u32 $0xC050, s5;
	v5 =	vld [tilespmem:s5+$0x0]  }
0x210: {  	s31 =	sor.u32 $0xC060, s5;
	v6 =	vld [tilespmem:s5+$0x10]  }
0x211: {  	v4 =	vld [tilespmem:s5+$0x20]  }
0x212: {  	s8 =	sor.u32 $0xC070, s5;
	v1 =	vld [tilespmem:s5+$0x30]  }
0x213: {  	[tilespmem:s8+$0x0] =	vst.add.f32.msk $0xffff, v0  }
.Ltmp10:
0x214: {  	v3 =	vld [tilespmem:s5+$0x40];
	(pc) =	sbr.rel @p0 .LBB2_22-.Ltmp10, $4  }
0x215: {  	v0 =	vld [tilespmem:s5+$0x50]  }
0x216: {  	v2 =	vld [tilespmem:s5+$0x60]  }
0x217: {  	[tilespmem:s6+$0x0] =	vst.add.f32.msk $0xffff, v5  }
0x218: {  	[tilespmem:s7+$0x0] =	vst.add.f32.msk $0xffff, v6  }
0x219: {  	[tilespmem:s3+$0x0] =	vst.add.f32.msk $0xffff, v4  }
0x21a: {  	[tilespmem:s4+$0x0] =	vst.add.f32.msk $0xffff, v1  }
0x21b: {  	[tilespmem:s2+$0x0] =	vst.add.f32.msk $0xffff, v3  }
0x21c: {  	[tilespmem:s0+$0x0] =	vst.add.f32.msk $0xffff, v0  }
0x21d: {  	[tilespmem:s31+$0x0] =	vst.add.f32.msk $0xffff, v2  }
0x21e: {  	s29 =	simm.s32 $0x0;
	s0 =	rddreg [dreg:$0x19]  }
0x21f: {  	[hbm4b:s0+s29] =	stream.linear.scatter [tilespmem:s16], [sflag:$0x7], $0x4000, $0x38;
	[tilespmem:$0x14000] =	vst v63  }
0x220: {  	_ =	swait.ge [sflag:s22], $0x4000  }
0x221: {  	s4 =	simm.s32 $0x0;
	[sflag:s22] =	ssyncset.done $0x0  }
0x222: {  	s6 =	simm.s32 $0x0;
	s3 =	rddreg [dreg:$0x1d];
	[sflag:s22] =	ssyncadd.s32 $0xFFFFC000  }
0x223: {  	[tilespmem:s15], [sflag:$0x3] =	stream.linear.gather [hbm4b:s3+s29], $0x4000, $0x38;
	[tilespmem:$0x14000] =	vst v63  }
0x224: {  	s5 =	sand.u32 $0x1C00, s29;
	s0 =	sand.u32 $0x2000, s4;
	_ =	swait.ge [sflag:s23], $0x4000  }
0x225: {  	s7 =	sand.u32 $0x380, s6;
	s0 =	sor.u32 s5, s0;
	[sflag:s23] =	ssyncset.done $0x0  }
0x226: {  	s5 =	sor.u32 s7, s0;
	[sflag:s23] =	ssyncadd.s32 $0xFFFFC000  }
0x227: {  	v0 =	vld [tilespmem:s5+$0x70]  }
0x228: {  	v5 =	vld [tilespmem:s5+$0x0]  }
0x229: {  	v6 =	vld [tilespmem:s5+$0x10]  }
0x22a: {  	v4 =	vld [tilespmem:s5+$0x20]  }
0x22b: {  	v1 =	vld [tilespmem:s5+$0x30]  }
0x22c: {  	v3 =	vld [tilespmem:s5+$0x40]  }
0x22d: {  	s0 =	sor.u32 $0x10070, s5;
	v2 =	vld [tilespmem:s5+$0x60]  }
0x22e: {  	[tilespmem:s0+$0x0] =	vst.add.f32.msk $0xffff, v0  }
0x22f: {  	s30 =	simm.s32 $0x0;
	s8 =	sor.u32 $0x10000, s5;
	v0 =	vld [tilespmem:s5+$0x50]  }
0x230: {  	s6 =	sor.u32 $0x10010, s5;
	s4 =	sor.u32 $0x10030, s5;
	s2 =	sor.u32 $0x10040, s5;
	[tilespmem:s8+$0x0] =	vst.add.f32.msk $0xffff, v5  }
0x231: {  	s31 =	sor.u32 $0x10060, s5;
	s3 =	sor.u32 $0x10020, s5;
	s0 =	sor.u32 $0x10050, s5;
	[tilespmem:s6+$0x0] =	vst.add.f32.msk $0xffff, v6  }
.LBB2_24:
0x232: {  	s30 =	sadd.s32 $0x8, s30;
	[tilespmem:s3+$0x0] =	vst.add.f32.msk $0xffff, v4  }
0x233: {  	s29 =	sadd.s32 $0x400, s29;
	s3 =	sshll.u32 s30, $0x4;
	p0 =	slt.u32 s30, $0x3F8;
	[tilespmem:s4+$0x0] =	vst.add.f32.msk $0xffff, v1  }
0x234: {  	s4 =	sand.u32 $0x1C00, s29;
	s5 =	sshll.u32 s30, $0x1;
	s3 =	sand.u32 $0x2000, s3;
	[tilespmem:s2+$0x0] =	vst.add.f32.msk $0xffff, v3  }
0x235: {  	s2 =	sor.u32 s4, s3;
	s3 =	sand.u32 $0x380, s5;
	[tilespmem:s0+$0x0] =	vst.add.f32.msk $0xffff, v0  }
0x236: {  	s5 =	sor.u32 s3, s2;
	[tilespmem:s31+$0x0] =	vst.add.f32.msk $0xffff, v2  }
0x237: {  	s6 =	sor.u32 $0x10000, s5;
	s7 =	sor.u32 $0x10010, s5;
	s3 =	sor.u32 $0x10020, s5;
	v0 =	vld [tilespmem:s5+$0x70]  }
0x238: {  	s4 =	sor.u32 $0x10030, s5;
	s2 =	sor.u32 $0x10040, s5;
	s0 =	sor.u32 $0x10050, s5;
	v5 =	vld [tilespmem:s5+$0x0]  }
0x239: {  	s31 =	sor.u32 $0x10060, s5;
	v6 =	vld [tilespmem:s5+$0x10]  }
0x23a: {  	v4 =	vld [tilespmem:s5+$0x20]  }
0x23b: {  	s8 =	sor.u32 $0x10070, s5;
	v1 =	vld [tilespmem:s5+$0x30]  }
0x23c: {  	[tilespmem:s8+$0x0] =	vst.add.f32.msk $0xffff, v0  }
.Ltmp11:
0x23d: {  	v3 =	vld [tilespmem:s5+$0x40];
	(pc) =	sbr.rel @p0 .LBB2_24-.Ltmp11, $4  }
0x23e: {  	v0 =	vld [tilespmem:s5+$0x50]  }
0x23f: {  	v2 =	vld [tilespmem:s5+$0x60]  }
0x240: {  	[tilespmem:s6+$0x0] =	vst.add.f32.msk $0xffff, v5  }
0x241: {  	[tilespmem:s7+$0x0] =	vst.add.f32.msk $0xffff, v6  }
0x242: {  	[tilespmem:s3+$0x0] =	vst.add.f32.msk $0xffff, v4  }
0x243: {  	[tilespmem:s4+$0x0] =	vst.add.f32.msk $0xffff, v1  }
0x244: {  	[tilespmem:s2+$0x0] =	vst.add.f32.msk $0xffff, v3  }
0x245: {  	[tilespmem:s0+$0x0] =	vst.add.f32.msk $0xffff, v0  }
0x246: {  	[tilespmem:s31+$0x0] =	vst.add.f32.msk $0xffff, v2  }
0x247: {  	s29 =	simm.s32 $0x0;
	s0 =	rddreg [dreg:$0x1b]  }
0x248: {  	[hbm4b:s0+s29] =	stream.linear.scatter [tilespmem:s20], [sflag:$0x8], $0x4000, $0x38;
	[tilespmem:$0x14000] =	vst v63  }
0x249: {  	_ =	swait.ge [sflag:s24], $0x4000  }
0x24a: {  	[sflag:s24] =	ssyncset.done $0x0;
	s2 =	rddreg [dreg:$0x1f]  }
0x24b: {  	s3 =	sld [smem:$0x7DC];
	[sflag:s24] =	ssyncadd.s32 $0xFFFFC000  }
0x24c: {  	[tilespmem:s16], [sflag:$0x4] =	stream.linear.gather [hbm4b:s2+s29], $0x4000, $0x38;
	[tilespmem:$0x14000] =	vst v63  }
0x24d: {  	_ = 	snop  }
0x24e: {  	[tilespmem:s29], [sflag:$0x1] =	stream.linear.gather [hbm4b:s3+s29], $0x4000, $0x38;
	[tilespmem:$0x14000] =	vst v63  }
0x24f: {  	_ =	swait.ge [sflag:s26], $0x4000  }
0x250: {  	[sflag:s26] =	ssyncset.done $0x0  }
0x251: {  	s4 =	simm.s32 $0x0;
	s6 =	simm.s32 $0x0;
	[sflag:s26] =	ssyncadd.s32 $0xFFFFC000  }
0x252: {  	s5 =	sand.u32 $0x1C00, s29;
	s0 =	sand.u32 $0x2000, s4;
	_ =	swait.ge [sflag:s19], $0x4000  }
0x253: {  	s7 =	sand.u32 $0x380, s6;
	s0 =	sor.u32 s5, s0;
	[sflag:s19] =	ssyncset.done $0x0  }
0x254: {  	s5 =	sor.u32 s7, s0;
	[sflag:s19] =	ssyncadd.s32 $0xFFFFC000  }
0x255: {  	v0 =	vld [tilespmem:s5+$0x4070]  }
0x256: {  	v5 =	vld [tilespmem:s5+$0x4000]  }
0x257: {  	v6 =	vld [tilespmem:s5+$0x4010]  }
0x258: {  	v4 =	vld [tilespmem:s5+$0x4020]  }
0x259: {  	v1 =	vld [tilespmem:s5+$0x4030]  }
0x25a: {  	v3 =	vld [tilespmem:s5+$0x4040]  }
0x25b: {  	s0 =	sor.u32 $0x8070, s5;
	v2 =	vld [tilespmem:s5+$0x4060]  }
0x25c: {  	[tilespmem:s0+$0x0] =	vst.add.f32.msk $0xffff, v0  }
0x25d: {  	s30 =	simm.s32 $0x0;
	s8 =	sor.u32 $0x8000, s5;
	v0 =	vld [tilespmem:s5+$0x4050]  }
0x25e: {  	s6 =	sor.u32 $0x8010, s5;
	s4 =	sor.u32 $0x8030, s5;
	s31 =	sor.u32 $0x8060, s5;
	[tilespmem:s8+$0x0] =	vst.add.f32.msk $0xffff, v5  }
0x25f: {  	s2 =	sor.u32 $0x8040, s5;
	s3 =	sor.u32 $0x8020, s5;
	s0 =	sor.u32 $0x8050, s5;
	[tilespmem:s6+$0x0] =	vst.add.f32.msk $0xffff, v6  }
.LBB2_26:
0x260: {  	s30 =	sadd.s32 $0x8, s30;
	[tilespmem:s3+$0x0] =	vst.add.f32.msk $0xffff, v4  }
0x261: {  	s29 =	sadd.s32 $0x400, s29;
	s3 =	sshll.u32 s30, $0x4;
	p0 =	slt.u32 s30, $0x3F8;
	[tilespmem:s4+$0x0] =	vst.add.f32.msk $0xffff, v1  }
0x262: {  	s4 =	sand.u32 $0x1C00, s29;
	s5 =	sshll.u32 s30, $0x1;
	s3 =	sand.u32 $0x2000, s3;
	[tilespmem:s2+$0x0] =	vst.add.f32.msk $0xffff, v3  }
0x263: {  	s2 =	sor.u32 s4, s3;
	s3 =	sand.u32 $0x380, s5;
	[tilespmem:s0+$0x0] =	vst.add.f32.msk $0xffff, v0  }
0x264: {  	s5 =	sor.u32 s3, s2;
	[tilespmem:s31+$0x0] =	vst.add.f32.msk $0xffff, v2  }
0x265: {  	s6 =	sor.u32 $0x8000, s5;
	s7 =	sor.u32 $0x8010, s5;
	s3 =	sor.u32 $0x8020, s5;
	v0 =	vld [tilespmem:s5+$0x4070]  }
0x266: {  	s4 =	sor.u32 $0x8030, s5;
	s2 =	sor.u32 $0x8040, s5;
	s0 =	sor.u32 $0x8050, s5;
	v5 =	vld [tilespmem:s5+$0x4000]  }
0x267: {  	s31 =	sor.u32 $0x8060, s5;
	v6 =	vld [tilespmem:s5+$0x4010]  }
0x268: {  	v4 =	vld [tilespmem:s5+$0x4020]  }
0x269: {  	s8 =	sor.u32 $0x8070, s5;
	v1 =	vld [tilespmem:s5+$0x4030]  }
0x26a: {  	[tilespmem:s8+$0x0] =	vst.add.f32.msk $0xffff, v0  }
.Ltmp12:
0x26b: {  	v3 =	vld [tilespmem:s5+$0x4040];
	(pc) =	sbr.rel @p0 .LBB2_26-.Ltmp12, $4  }
0x26c: {  	v0 =	vld [tilespmem:s5+$0x4050]  }
0x26d: {  	v2 =	vld [tilespmem:s5+$0x4060]  }
0x26e: {  	[tilespmem:s6+$0x0] =	vst.add.f32.msk $0xffff, v5  }
0x26f: {  	[tilespmem:s7+$0x0] =	vst.add.f32.msk $0xffff, v6  }
0x270: {  	[tilespmem:s3+$0x0] =	vst.add.f32.msk $0xffff, v4  }
0x271: {  	[tilespmem:s4+$0x0] =	vst.add.f32.msk $0xffff, v1  }
0x272: {  	[tilespmem:s2+$0x0] =	vst.add.f32.msk $0xffff, v3  }
0x273: {  	[tilespmem:s0+$0x0] =	vst.add.f32.msk $0xffff, v0  }
0x274: {  	[tilespmem:s31+$0x0] =	vst.add.f32.msk $0xffff, v2  }
0x275: {  	s29 =	simm.s32 $0x0;
	s0 =	rddreg [dreg:$0x1e]  }
0x276: {  	[hbm4b:s0+s29] =	stream.linear.scatter [tilespmem:s15], [sflag:$0x6], $0x4000, $0x38;
	[tilespmem:$0x14000] =	vst v63  }
0x277: {  	_ =	swait.ge [sflag:s25], $0x4000  }
0x278: {  	s3 =	sld [smem:$0x7D8]  }
0x279: {  	[sflag:s25] =	ssyncset.done $0x0  }
0x27a: {  	s4 =	simm.s32 $0x0;
	s6 =	simm.s32 $0x0;
	[sflag:s25] =	ssyncadd.s32 $0xFFFFC000  }
0x27b: {  	[tilespmem:s20], [sflag:$0x5] =	stream.linear.gather [hbm4b:s3+s29], $0x4000, $0x38;
	[tilespmem:$0x14000] =	vst v63  }
0x27c: {  	s5 =	sand.u32 $0x1C00, s29;
	s0 =	sand.u32 $0x2000, s4;
	_ =	swait.ge [sflag:s21], $0x4000  }
0x27d: {  	s7 =	sand.u32 $0x380, s6;
	s0 =	sor.u32 s5, s0;
	[sflag:s21] =	ssyncset.done $0x0  }
0x27e: {  	s5 =	sor.u32 s7, s0;
	[sflag:s21] =	ssyncadd.s32 $0xFFFFC000  }
0x27f: {  	v0 =	vld [tilespmem:s5+$0x4070]  }
0x280: {  	v5 =	vld [tilespmem:s5+$0x4000]  }
0x281: {  	v6 =	vld [tilespmem:s5+$0x4010]  }
0x282: {  	v4 =	vld [tilespmem:s5+$0x4020]  }
0x283: {  	v1 =	vld [tilespmem:s5+$0x4030]  }
0x284: {  	v3 =	vld [tilespmem:s5+$0x4040]  }
0x285: {  	s0 =	sor.u32 $0xC070, s5;
	v2 =	vld [tilespmem:s5+$0x4060]  }
0x286: {  	[tilespmem:s0+$0x0] =	vst.add.f32.msk $0xffff, v0  }
0x287: {  	s30 =	simm.s32 $0x0;
	s8 =	sor.u32 $0xC000, s5;
	v0 =	vld [tilespmem:s5+$0x4050]  }
0x288: {  	s6 =	sor.u32 $0xC010, s5;
	s4 =	sor.u32 $0xC030, s5;
	s2 =	sor.u32 $0xC040, s5;
	[tilespmem:s8+$0x0] =	vst.add.f32.msk $0xffff, v5  }
0x289: {  	s31 =	sor.u32 $0xC060, s5;
	s3 =	sor.u32 $0xC020, s5;
	s0 =	sor.u32 $0xC050, s5;
	[tilespmem:s6+$0x0] =	vst.add.f32.msk $0xffff, v6  }
.LBB2_28:
0x28a: {  	s30 =	sadd.s32 $0x8, s30;
	[tilespmem:s3+$0x0] =	vst.add.f32.msk $0xffff, v4  }
0x28b: {  	s29 =	sadd.s32 $0x400, s29;
	s3 =	sshll.u32 s30, $0x4;
	p0 =	slt.u32 s30, $0x3F8;
	[tilespmem:s4+$0x0] =	vst.add.f32.msk $0xffff, v1  }
0x28c: {  	s4 =	sand.u32 $0x1C00, s29;
	s5 =	sshll.u32 s30, $0x1;
	s3 =	sand.u32 $0x2000, s3;
	[tilespmem:s2+$0x0] =	vst.add.f32.msk $0xffff, v3  }
0x28d: {  	s2 =	sor.u32 s4, s3;
	s3 =	sand.u32 $0x380, s5;
	[tilespmem:s0+$0x0] =	vst.add.f32.msk $0xffff, v0  }
0x28e: {  	s5 =	sor.u32 s3, s2;
	[tilespmem:s31+$0x0] =	vst.add.f32.msk $0xffff, v2  }
0x28f: {  	s6 =	sor.u32 $0xC000, s5;
	s7 =	sor.u32 $0xC010, s5;
	s3 =	sor.u32 $0xC020, s5;
	v0 =	vld [tilespmem:s5+$0x4070]  }
0x290: {  	s4 =	sor.u32 $0xC030, s5;
	s2 =	sor.u32 $0xC040, s5;
	s0 =	sor.u32 $0xC050, s5;
	v5 =	vld [tilespmem:s5+$0x4000]  }
0x291: {  	s31 =	sor.u32 $0xC060, s5;
	v6 =	vld [tilespmem:s5+$0x4010]  }
0x292: {  	v4 =	vld [tilespmem:s5+$0x4020]  }
0x293: {  	s8 =	sor.u32 $0xC070, s5;
	v1 =	vld [tilespmem:s5+$0x4030]  }
0x294: {  	[tilespmem:s8+$0x0] =	vst.add.f32.msk $0xffff, v0  }
.Ltmp13:
0x295: {  	v3 =	vld [tilespmem:s5+$0x4040];
	(pc) =	sbr.rel @p0 .LBB2_28-.Ltmp13, $4  }
0x296: {  	v0 =	vld [tilespmem:s5+$0x4050]  }
0x297: {  	v2 =	vld [tilespmem:s5+$0x4060]  }
0x298: {  	[tilespmem:s6+$0x0] =	vst.add.f32.msk $0xffff, v5  }
0x299: {  	[tilespmem:s7+$0x0] =	vst.add.f32.msk $0xffff, v6  }
0x29a: {  	[tilespmem:s3+$0x0] =	vst.add.f32.msk $0xffff, v4  }
0x29b: {  	[tilespmem:s4+$0x0] =	vst.add.f32.msk $0xffff, v1  }
0x29c: {  	[tilespmem:s2+$0x0] =	vst.add.f32.msk $0xffff, v3  }
0x29d: {  	[tilespmem:s0+$0x0] =	vst.add.f32.msk $0xffff, v0  }
0x29e: {  	[tilespmem:s31+$0x0] =	vst.add.f32.msk $0xffff, v2  }
0x29f: {  	s0 =	sld [smem:$0x7D7];
	_ =	sdelay $0x1  }
0x2a0: {  	s29 =	simm.s32 $0x0  }
0x2a1: {  	[hbm4b:s0+s29] =	stream.linear.scatter [tilespmem:s16], [sflag:$0x7], $0x4000, $0x38;
	[tilespmem:$0x14000] =	vst v63  }
0x2a2: {  	_ =	swait.ge [sflag:s22], $0x4000  }
0x2a3: {  	s3 =	sld [smem:$0x7DA]  }
0x2a4: {  	[sflag:s22] =	ssyncset.done $0x0  }
0x2a5: {  	s4 =	simm.s32 $0x0;
	s6 =	simm.s32 $0x0;
	[sflag:s22] =	ssyncadd.s32 $0xFFFFC000  }
0x2a6: {  	[tilespmem:s15], [sflag:$0x3] =	stream.linear.gather [hbm4b:s3+s29], $0x4000, $0x38;
	[tilespmem:$0x14000] =	vst v63  }
0x2a7: {  	s5 =	sand.u32 $0x1C00, s29;
	s0 =	sand.u32 $0x2000, s4;
	_ =	swait.ge [sflag:s23], $0x4000  }
0x2a8: {  	s7 =	sand.u32 $0x380, s6;
	s0 =	sor.u32 s5, s0;
	[sflag:s23] =	ssyncset.done $0x0  }
0x2a9: {  	s5 =	sor.u32 s7, s0;
	[sflag:s23] =	ssyncadd.s32 $0xFFFFC000  }
0x2aa: {  	v0 =	vld [tilespmem:s5+$0x4070]  }
0x2ab: {  	v5 =	vld [tilespmem:s5+$0x4000]  }
0x2ac: {  	v6 =	vld [tilespmem:s5+$0x4010]  }
0x2ad: {  	v4 =	vld [tilespmem:s5+$0x4020]  }
0x2ae: {  	v1 =	vld [tilespmem:s5+$0x4030]  }
0x2af: {  	v3 =	vld [tilespmem:s5+$0x4040]  }
0x2b0: {  	s0 =	sor.u32 $0x10070, s5;
	v2 =	vld [tilespmem:s5+$0x4060]  }
0x2b1: {  	[tilespmem:s0+$0x0] =	vst.add.f32.msk $0xffff, v0  }
0x2b2: {  	s30 =	simm.s32 $0x0;
	s8 =	sor.u32 $0x10000, s5;
	v0 =	vld [tilespmem:s5+$0x4050]  }
0x2b3: {  	s6 =	sor.u32 $0x10010, s5;
	s4 =	sor.u32 $0x10030, s5;
	s2 =	sor.u32 $0x10040, s5;
	[tilespmem:s8+$0x0] =	vst.add.f32.msk $0xffff, v5  }
0x2b4: {  	s31 =	sor.u32 $0x10060, s5;
	s3 =	sor.u32 $0x10020, s5;
	s0 =	sor.u32 $0x10050, s5;
	[tilespmem:s6+$0x0] =	vst.add.f32.msk $0xffff, v6  }
.LBB2_30:
0x2b5: {  	s30 =	sadd.s32 $0x8, s30;
	[tilespmem:s3+$0x0] =	vst.add.f32.msk $0xffff, v4  }
0x2b6: {  	s29 =	sadd.s32 $0x400, s29;
	s3 =	sshll.u32 s30, $0x4;
	p0 =	slt.u32 s30, $0x3F8;
	[tilespmem:s4+$0x0] =	vst.add.f32.msk $0xffff, v1  }
0x2b7: {  	s4 =	sand.u32 $0x1C00, s29;
	s5 =	sshll.u32 s30, $0x1;
	s3 =	sand.u32 $0x2000, s3;
	[tilespmem:s2+$0x0] =	vst.add.f32.msk $0xffff, v3  }
0x2b8: {  	s2 =	sor.u32 s4, s3;
	s3 =	sand.u32 $0x380, s5;
	[tilespmem:s0+$0x0] =	vst.add.f32.msk $0xffff, v0  }
0x2b9: {  	s5 =	sor.u32 s3, s2;
	[tilespmem:s31+$0x0] =	vst.add.f32.msk $0xffff, v2  }
0x2ba: {  	s6 =	sor.u32 $0x10000, s5;
	s7 =	sor.u32 $0x10010, s5;
	s3 =	sor.u32 $0x10020, s5;
	v0 =	vld [tilespmem:s5+$0x4070]  }
0x2bb: {  	s4 =	sor.u32 $0x10030, s5;
	s2 =	sor.u32 $0x10040, s5;
	s0 =	sor.u32 $0x10050, s5;
	v5 =	vld [tilespmem:s5+$0x4000]  }
0x2bc: {  	s31 =	sor.u32 $0x10060, s5;
	v6 =	vld [tilespmem:s5+$0x4010]  }
0x2bd: {  	v4 =	vld [tilespmem:s5+$0x4020]  }
0x2be: {  	s8 =	sor.u32 $0x10070, s5;
	v1 =	vld [tilespmem:s5+$0x4030]  }
0x2bf: {  	[tilespmem:s8+$0x0] =	vst.add.f32.msk $0xffff, v0  }
.Ltmp14:
0x2c0: {  	v3 =	vld [tilespmem:s5+$0x4040];
	(pc) =	sbr.rel @p0 .LBB2_30-.Ltmp14, $4  }
0x2c1: {  	v0 =	vld [tilespmem:s5+$0x4050]  }
0x2c2: {  	v2 =	vld [tilespmem:s5+$0x4060]  }
0x2c3: {  	[tilespmem:s6+$0x0] =	vst.add.f32.msk $0xffff, v5  }
0x2c4: {  	[tilespmem:s7+$0x0] =	vst.add.f32.msk $0xffff, v6  }
0x2c5: {  	[tilespmem:s3+$0x0] =	vst.add.f32.msk $0xffff, v4  }
0x2c6: {  	[tilespmem:s4+$0x0] =	vst.add.f32.msk $0xffff, v1  }
0x2c7: {  	[tilespmem:s2+$0x0] =	vst.add.f32.msk $0xffff, v3  }
0x2c8: {  	[tilespmem:s0+$0x0] =	vst.add.f32.msk $0xffff, v0  }
0x2c9: {  	[tilespmem:s31+$0x0] =	vst.add.f32.msk $0xffff, v2  }
0x2ca: {  	s0 =	sld [smem:$0x7D9];
	_ =	sdelay $0x1  }
0x2cb: {  	s29 =	simm.s32 $0x0  }
0x2cc: {  	[hbm4b:s0+s29] =	stream.linear.scatter [tilespmem:s20], [sflag:$0x8], $0x4000, $0x38;
	[tilespmem:$0x14000] =	vst v63  }
0x2cd: {  	_ =	swait.ge [sflag:s24], $0x4000  }
0x2ce: {  	s3 =	sld [smem:$0x7DD]  }
0x2cf: {  	[sflag:s24] =	ssyncset.done $0x0  }
0x2d0: {  	s4 =	simm.s32 $0x0;
	s6 =	simm.s32 $0x0;
	[sflag:s24] =	ssyncadd.s32 $0xFFFFC000  }
0x2d1: {  	[tilespmem:s16], [sflag:$0x4] =	stream.linear.gather [hbm4b:s3+s29], $0x4000, $0x38;
	[tilespmem:$0x14000] =	vst v63  }
0x2d2: {  	s5 =	sand.u32 $0x1C00, s29;
	s0 =	sand.u32 $0x2000, s4;
	_ =	swait.ge [sflag:s19], $0x4000  }
0x2d3: {  	s7 =	sand.u32 $0x380, s6;
	s0 =	sor.u32 s5, s0;
	[sflag:s19] =	ssyncset.done $0x0  }
0x2d4: {  	s5 =	sor.u32 s7, s0;
	[sflag:s19] =	ssyncadd.s32 $0xFFFFC000  }
0x2d5: {  	v0 =	vld [tilespmem:s5+$0x4070]  }
0x2d6: {  	v5 =	vld [tilespmem:s5+$0x4000]  }
0x2d7: {  	v6 =	vld [tilespmem:s5+$0x4010]  }
0x2d8: {  	v4 =	vld [tilespmem:s5+$0x4020]  }
0x2d9: {  	v1 =	vld [tilespmem:s5+$0x4030]  }
0x2da: {  	v3 =	vld [tilespmem:s5+$0x4040]  }
0x2db: {  	s0 =	sor.u32 $0x8070, s5;
	v2 =	vld [tilespmem:s5+$0x4060]  }
0x2dc: {  	[tilespmem:s0+$0x0] =	vst.add.f32.msk $0xffff, v0  }
0x2dd: {  	s30 =	simm.s32 $0x0;
	s8 =	sor.u32 $0x8000, s5;
	v0 =	vld [tilespmem:s5+$0x4050]  }
0x2de: {  	s6 =	sor.u32 $0x8010, s5;
	s4 =	sor.u32 $0x8030, s5;
	s2 =	sor.u32 $0x8040, s5;
	[tilespmem:s8+$0x0] =	vst.add.f32.msk $0xffff, v5  }
0x2df: {  	s31 =	sor.u32 $0x8060, s5;
	s3 =	sor.u32 $0x8020, s5;
	s0 =	sor.u32 $0x8050, s5;
	[tilespmem:s6+$0x0] =	vst.add.f32.msk $0xffff, v6  }
.LBB2_32:
0x2e0: {  	s30 =	sadd.s32 $0x8, s30;
	[tilespmem:s3+$0x0] =	vst.add.f32.msk $0xffff, v4  }
0x2e1: {  	s29 =	sadd.s32 $0x400, s29;
	s3 =	sshll.u32 s30, $0x4;
	p0 =	slt.u32 s30, $0x3F8;
	[tilespmem:s4+$0x0] =	vst.add.f32.msk $0xffff, v1  }
0x2e2: {  	s4 =	sand.u32 $0x1C00, s29;
	s5 =	sshll.u32 s30, $0x1;
	s3 =	sand.u32 $0x2000, s3;
	[tilespmem:s2+$0x0] =	vst.add.f32.msk $0xffff, v3  }
0x2e3: {  	s2 =	sor.u32 s4, s3;
	s3 =	sand.u32 $0x380, s5;
	[tilespmem:s0+$0x0] =	vst.add.f32.msk $0xffff, v0  }
0x2e4: {  	s5 =	sor.u32 s3, s2;
	[tilespmem:s31+$0x0] =	vst.add.f32.msk $0xffff, v2  }
0x2e5: {  	s6 =	sor.u32 $0x8000, s5;
	s7 =	sor.u32 $0x8010, s5;
	s3 =	sor.u32 $0x8020, s5;
	v0 =	vld [tilespmem:s5+$0x4070]  }
0x2e6: {  	s4 =	sor.u32 $0x8030, s5;
	s2 =	sor.u32 $0x8040, s5;
	s0 =	sor.u32 $0x8050, s5;
	v5 =	vld [tilespmem:s5+$0x4000]  }
0x2e7: {  	s31 =	sor.u32 $0x8060, s5;
	v6 =	vld [tilespmem:s5+$0x4010]  }
0x2e8: {  	v4 =	vld [tilespmem:s5+$0x4020]  }
0x2e9: {  	s8 =	sor.u32 $0x8070, s5;
	v1 =	vld [tilespmem:s5+$0x4030]  }
0x2ea: {  	[tilespmem:s8+$0x0] =	vst.add.f32.msk $0xffff, v0  }
.Ltmp15:
0x2eb: {  	v3 =	vld [tilespmem:s5+$0x4040];
	(pc) =	sbr.rel @p0 .LBB2_32-.Ltmp15, $4  }
0x2ec: {  	v0 =	vld [tilespmem:s5+$0x4050]  }
0x2ed: {  	v2 =	vld [tilespmem:s5+$0x4060]  }
0x2ee: {  	[tilespmem:s6+$0x0] =	vst.add.f32.msk $0xffff, v5  }
0x2ef: {  	[tilespmem:s7+$0x0] =	vst.add.f32.msk $0xffff, v6  }
0x2f0: {  	[tilespmem:s3+$0x0] =	vst.add.f32.msk $0xffff, v4  }
0x2f1: {  	[tilespmem:s4+$0x0] =	vst.add.f32.msk $0xffff, v1  }
0x2f2: {  	[tilespmem:s2+$0x0] =	vst.add.f32.msk $0xffff, v3  }
0x2f3: {  	[tilespmem:s0+$0x0] =	vst.add.f32.msk $0xffff, v0  }
0x2f4: {  	[tilespmem:s31+$0x0] =	vst.add.f32.msk $0xffff, v2  }
0x2f5: {  	s0 =	sld [smem:$0x7DB];
	_ =	sdelay $0x1  }
0x2f6: {  	s29 =	simm.s32 $0x0  }
0x2f7: {  	[hbm4b:s0+s29] =	stream.linear.scatter [tilespmem:s15], [sflag:$0x6], $0x4000, $0x38;
	[tilespmem:$0x14000] =	vst v63  }
0x2f8: {  	_ =	swait.ge [sflag:s25], $0x4000  }
0x2f9: {  	s2 =	sld [smem:$0x7DF]  }
0x2fa: {  	[sflag:s25] =	ssyncset.done $0x0  }
0x2fb: {  	s3 =	sld [smem:$0x7E5];
	[sflag:s25] =	ssyncadd.s32 $0xFFFFC000  }
0x2fc: {  	[tilespmem:s20], [sflag:$0x5] =	stream.linear.gather [hbm4b:s2+s29], $0x4000, $0x38;
	[tilespmem:$0x14000] =	vst v63  }
0x2fd: {  	_ = 	snop  }
0x2fe: {  	[tilespmem:s17], [sflag:$0x2] =	stream.linear.gather [hbm4b:s3+s29], $0x4000, $0x38;
	[tilespmem:$0x14000] =	vst v63  }
0x2ff: {  	_ =	swait.ge [sflag:s18], $0x4000  }
0x300: {  	[sflag:s18] =	ssyncset.done $0x0  }
0x301: {  	s4 =	simm.s32 $0x0;
	s6 =	simm.s32 $0x0;
	[sflag:s18] =	ssyncadd.s32 $0xFFFFC000  }
0x302: {  	s5 =	sand.u32 $0x1C00, s29;
	s0 =	sand.u32 $0x2000, s4;
	_ =	swait.ge [sflag:s21], $0x4000  }
0x303: {  	s7 =	sand.u32 $0x380, s6;
	s0 =	sor.u32 s5, s0;
	[sflag:s21] =	ssyncset.done $0x0  }
0x304: {  	s5 =	sor.u32 s7, s0;
	[sflag:s21] =	ssyncadd.s32 $0xFFFFC000  }
0x305: {  	v0 =	vld [tilespmem:s5+$0x70]  }
0x306: {  	v5 =	vld [tilespmem:s5+$0x0]  }
0x307: {  	v6 =	vld [tilespmem:s5+$0x10]  }
0x308: {  	v4 =	vld [tilespmem:s5+$0x20]  }
0x309: {  	v1 =	vld [tilespmem:s5+$0x30]  }
0x30a: {  	v3 =	vld [tilespmem:s5+$0x40]  }
0x30b: {  	s0 =	sor.u32 $0xC070, s5;
	v2 =	vld [tilespmem:s5+$0x60]  }
0x30c: {  	[tilespmem:s0+$0x0] =	vst.add.f32.msk $0xffff, v0  }
0x30d: {  	s30 =	simm.s32 $0x0;
	s8 =	sor.u32 $0xC000, s5;
	v0 =	vld [tilespmem:s5+$0x50]  }
0x30e: {  	s6 =	sor.u32 $0xC010, s5;
	s4 =	sor.u32 $0xC030, s5;
	s31 =	sor.u32 $0xC060, s5;
	[tilespmem:s8+$0x0] =	vst.add.f32.msk $0xffff, v5  }
0x30f: {  	s2 =	sor.u32 $0xC040, s5;
	s3 =	sor.u32 $0xC020, s5;
	s0 =	sor.u32 $0xC050, s5;
	[tilespmem:s6+$0x0] =	vst.add.f32.msk $0xffff, v6  }
.LBB2_34:
0x310: {  	s30 =	sadd.s32 $0x8, s30;
	[tilespmem:s3+$0x0] =	vst.add.f32.msk $0xffff, v4  }
0x311: {  	s29 =	sadd.s32 $0x400, s29;
	s3 =	sshll.u32 s30, $0x4;
	p0 =	slt.u32 s30, $0x3F8;
	[tilespmem:s4+$0x0] =	vst.add.f32.msk $0xffff, v1  }
0x312: {  	s4 =	sand.u32 $0x1C00, s29;
	s5 =	sshll.u32 s30, $0x1;
	s3 =	sand.u32 $0x2000, s3;
	[tilespmem:s2+$0x0] =	vst.add.f32.msk $0xffff, v3  }
0x313: {  	s2 =	sor.u32 s4, s3;
	s3 =	sand.u32 $0x380, s5;
	[tilespmem:s0+$0x0] =	vst.add.f32.msk $0xffff, v0  }
0x314: {  	s5 =	sor.u32 s3, s2;
	[tilespmem:s31+$0x0] =	vst.add.f32.msk $0xffff, v2  }
0x315: {  	s6 =	sor.u32 $0xC000, s5;
	s7 =	sor.u32 $0xC010, s5;
	s3 =	sor.u32 $0xC020, s5;
	v0 =	vld [tilespmem:s5+$0x70]  }
0x316: {  	s4 =	sor.u32 $0xC030, s5;
	s2 =	sor.u32 $0xC040, s5;
	s0 =	sor.u32 $0xC050, s5;
	v5 =	vld [tilespmem:s5+$0x0]  }
0x317: {  	s31 =	sor.u32 $0xC060, s5;
	v6 =	vld [tilespmem:s5+$0x10]  }
0x318: {  	v4 =	vld [tilespmem:s5+$0x20]  }
0x319: {  	s8 =	sor.u32 $0xC070, s5;
	v1 =	vld [tilespmem:s5+$0x30]  }
0x31a: {  	[tilespmem:s8+$0x0] =	vst.add.f32.msk $0xffff, v0  }
.Ltmp16:
0x31b: {  	v3 =	vld [tilespmem:s5+$0x40];
	(pc) =	sbr.rel @p0 .LBB2_34-.Ltmp16, $4  }
0x31c: {  	v0 =	vld [tilespmem:s5+$0x50]  }
0x31d: {  	v2 =	vld [tilespmem:s5+$0x60]  }
0x31e: {  	[tilespmem:s6+$0x0] =	vst.add.f32.msk $0xffff, v5  }
0x31f: {  	[tilespmem:s7+$0x0] =	vst.add.f32.msk $0xffff, v6  }
0x320: {  	[tilespmem:s3+$0x0] =	vst.add.f32.msk $0xffff, v4  }
0x321: {  	[tilespmem:s4+$0x0] =	vst.add.f32.msk $0xffff, v1  }
0x322: {  	[tilespmem:s2+$0x0] =	vst.add.f32.msk $0xffff, v3  }
0x323: {  	[tilespmem:s0+$0x0] =	vst.add.f32.msk $0xffff, v0  }
0x324: {  	[tilespmem:s31+$0x0] =	vst.add.f32.msk $0xffff, v2  }
0x325: {  	s0 =	sld [smem:$0x7DE];
	_ =	sdelay $0x1  }
0x326: {  	s29 =	simm.s32 $0x0  }
0x327: {  	[hbm4b:s0+s29] =	stream.linear.scatter [tilespmem:s16], [sflag:$0x7], $0x4000, $0x38;
	[tilespmem:$0x14000] =	vst v63  }
0x328: {  	_ =	swait.ge [sflag:s22], $0x4000  }
0x329: {  	s3 =	sld [smem:$0x7E1]  }
0x32a: {  	[sflag:s22] =	ssyncset.done $0x0  }
0x32b: {  	s4 =	simm.s32 $0x0;
	s6 =	simm.s32 $0x0;
	[sflag:s22] =	ssyncadd.s32 $0xFFFFC000  }
0x32c: {  	[tilespmem:s15], [sflag:$0x3] =	stream.linear.gather [hbm4b:s3+s29], $0x4000, $0x38;
	[tilespmem:$0x14000] =	vst v63  }
0x32d: {  	s5 =	sand.u32 $0x1C00, s29;
	s0 =	sand.u32 $0x2000, s4;
	_ =	swait.ge [sflag:s23], $0x4000  }
0x32e: {  	s7 =	sand.u32 $0x380, s6;
	s0 =	sor.u32 s5, s0;
	[sflag:s23] =	ssyncset.done $0x0  }
0x32f: {  	s5 =	sor.u32 s7, s0;
	[sflag:s23] =	ssyncadd.s32 $0xFFFFC000  }
0x330: {  	v0 =	vld [tilespmem:s5+$0x70]  }
0x331: {  	v5 =	vld [tilespmem:s5+$0x0]  }
0x332: {  	v6 =	vld [tilespmem:s5+$0x10]  }
0x333: {  	v4 =	vld [tilespmem:s5+$0x20]  }
0x334: {  	v1 =	vld [tilespmem:s5+$0x30]  }
0x335: {  	v3 =	vld [tilespmem:s5+$0x40]  }
0x336: {  	s0 =	sor.u32 $0x10070, s5;
	v2 =	vld [tilespmem:s5+$0x60]  }
0x337: {  	[tilespmem:s0+$0x0] =	vst.add.f32.msk $0xffff, v0  }
0x338: {  	s30 =	simm.s32 $0x0;
	s8 =	sor.u32 $0x10000, s5;
	v0 =	vld [tilespmem:s5+$0x50]  }
0x339: {  	s6 =	sor.u32 $0x10010, s5;
	s4 =	sor.u32 $0x10030, s5;
	s2 =	sor.u32 $0x10040, s5;
	[tilespmem:s8+$0x0] =	vst.add.f32.msk $0xffff, v5  }
0x33a: {  	s31 =	sor.u32 $0x10060, s5;
	s3 =	sor.u32 $0x10020, s5;
	s0 =	sor.u32 $0x10050, s5;
	[tilespmem:s6+$0x0] =	vst.add.f32.msk $0xffff, v6  }
.LBB2_36:
0x33b: {  	s30 =	sadd.s32 $0x8, s30;
	[tilespmem:s3+$0x0] =	vst.add.f32.msk $0xffff, v4  }
0x33c: {  	s29 =	sadd.s32 $0x400, s29;
	s3 =	sshll.u32 s30, $0x4;
	p0 =	slt.u32 s30, $0x3F8;
	[tilespmem:s4+$0x0] =	vst.add.f32.msk $0xffff, v1  }
0x33d: {  	s4 =	sand.u32 $0x1C00, s29;
	s5 =	sshll.u32 s30, $0x1;
	s3 =	sand.u32 $0x2000, s3;
	[tilespmem:s2+$0x0] =	vst.add.f32.msk $0xffff, v3  }
0x33e: {  	s2 =	sor.u32 s4, s3;
	s3 =	sand.u32 $0x380, s5;
	[tilespmem:s0+$0x0] =	vst.add.f32.msk $0xffff, v0  }
0x33f: {  	s5 =	sor.u32 s3, s2;
	[tilespmem:s31+$0x0] =	vst.add.f32.msk $0xffff, v2  }
0x340: {  	s6 =	sor.u32 $0x10000, s5;
	s7 =	sor.u32 $0x10010, s5;
	s3 =	sor.u32 $0x10020, s5;
	v0 =	vld [tilespmem:s5+$0x70]  }
0x341: {  	s4 =	sor.u32 $0x10030, s5;
	s2 =	sor.u32 $0x10040, s5;
	s0 =	sor.u32 $0x10050, s5;
	v5 =	vld [tilespmem:s5+$0x0]  }
0x342: {  	s31 =	sor.u32 $0x10060, s5;
	v6 =	vld [tilespmem:s5+$0x10]  }
0x343: {  	v4 =	vld [tilespmem:s5+$0x20]  }
0x344: {  	s8 =	sor.u32 $0x10070, s5;
	v1 =	vld [tilespmem:s5+$0x30]  }
0x345: {  	[tilespmem:s8+$0x0] =	vst.add.f32.msk $0xffff, v0  }
.Ltmp17:
0x346: {  	v3 =	vld [tilespmem:s5+$0x40];
	(pc) =	sbr.rel @p0 .LBB2_36-.Ltmp17, $4  }
0x347: {  	v0 =	vld [tilespmem:s5+$0x50]  }
0x348: {  	v2 =	vld [tilespmem:s5+$0x60]  }
0x349: {  	[tilespmem:s6+$0x0] =	vst.add.f32.msk $0xffff, v5  }
0x34a: {  	[tilespmem:s7+$0x0] =	vst.add.f32.msk $0xffff, v6  }
0x34b: {  	[tilespmem:s3+$0x0] =	vst.add.f32.msk $0xffff, v4  }
0x34c: {  	[tilespmem:s4+$0x0] =	vst.add.f32.msk $0xffff, v1  }
0x34d: {  	[tilespmem:s2+$0x0] =	vst.add.f32.msk $0xffff, v3  }
0x34e: {  	[tilespmem:s0+$0x0] =	vst.add.f32.msk $0xffff, v0  }
0x34f: {  	[tilespmem:s31+$0x0] =	vst.add.f32.msk $0xffff, v2  }
0x350: {  	s0 =	sld [smem:$0x7E0];
	_ =	sdelay $0x1  }
0x351: {  	s29 =	simm.s32 $0x0  }
0x352: {  	[hbm4b:s0+s29] =	stream.linear.scatter [tilespmem:s20], [sflag:$0x8], $0x4000, $0x38;
	[tilespmem:$0x14000] =	vst v63  }
0x353: {  	_ =	swait.ge [sflag:s24], $0x4000  }
0x354: {  	s3 =	sld [smem:$0x7E3]  }
0x355: {  	[sflag:s24] =	ssyncset.done $0x0  }
0x356: {  	s4 =	simm.s32 $0x0;
	s6 =	simm.s32 $0x0;
	[sflag:s24] =	ssyncadd.s32 $0xFFFFC000  }
0x357: {  	[tilespmem:s16], [sflag:$0x4] =	stream.linear.gather [hbm4b:s3+s29], $0x4000, $0x38;
	[tilespmem:$0x14000] =	vst v63  }
0x358: {  	s5 =	sand.u32 $0x1C00, s29;
	s0 =	sand.u32 $0x2000, s4;
	_ =	swait.ge [sflag:s19], $0x4000  }
0x359: {  	s7 =	sand.u32 $0x380, s6;
	s0 =	sor.u32 s5, s0;
	[sflag:s19] =	ssyncset.done $0x0  }
0x35a: {  	s5 =	sor.u32 s7, s0;
	[sflag:s19] =	ssyncadd.s32 $0xFFFFC000  }
0x35b: {  	v0 =	vld [tilespmem:s5+$0x70]  }
0x35c: {  	v5 =	vld [tilespmem:s5+$0x0]  }
0x35d: {  	v6 =	vld [tilespmem:s5+$0x10]  }
0x35e: {  	v4 =	vld [tilespmem:s5+$0x20]  }
0x35f: {  	v1 =	vld [tilespmem:s5+$0x30]  }
0x360: {  	v3 =	vld [tilespmem:s5+$0x40]  }
0x361: {  	s0 =	sor.u32 $0x8070, s5;
	v2 =	vld [tilespmem:s5+$0x60]  }
0x362: {  	[tilespmem:s0+$0x0] =	vst.add.f32.msk $0xffff, v0  }
0x363: {  	s30 =	simm.s32 $0x0;
	s8 =	sor.u32 $0x8000, s5;
	v0 =	vld [tilespmem:s5+$0x50]  }
0x364: {  	s6 =	sor.u32 $0x8010, s5;
	s4 =	sor.u32 $0x8030, s5;
	s2 =	sor.u32 $0x8040, s5;
	[tilespmem:s8+$0x0] =	vst.add.f32.msk $0xffff, v5  }
0x365: {  	s31 =	sor.u32 $0x8060, s5;
	s3 =	sor.u32 $0x8020, s5;
	s0 =	sor.u32 $0x8050, s5;
	[tilespmem:s6+$0x0] =	vst.add.f32.msk $0xffff, v6  }
.LBB2_38:
0x366: {  	s30 =	sadd.s32 $0x8, s30;
	[tilespmem:s3+$0x0] =	vst.add.f32.msk $0xffff, v4  }
0x367: {  	s29 =	sadd.s32 $0x400, s29;
	s3 =	sshll.u32 s30, $0x4;
	p0 =	slt.u32 s30, $0x3F8;
	[tilespmem:s4+$0x0] =	vst.add.f32.msk $0xffff, v1  }
0x368: {  	s4 =	sand.u32 $0x1C00, s29;
	s5 =	sshll.u32 s30, $0x1;
	s3 =	sand.u32 $0x2000, s3;
	[tilespmem:s2+$0x0] =	vst.add.f32.msk $0xffff, v3  }
0x369: {  	s2 =	sor.u32 s4, s3;
	s3 =	sand.u32 $0x380, s5;
	[tilespmem:s0+$0x0] =	vst.add.f32.msk $0xffff, v0  }
0x36a: {  	s5 =	sor.u32 s3, s2;
	[tilespmem:s31+$0x0] =	vst.add.f32.msk $0xffff, v2  }
0x36b: {  	s6 =	sor.u32 $0x8000, s5;
	s7 =	sor.u32 $0x8010, s5;
	s3 =	sor.u32 $0x8020, s5;
	v0 =	vld [tilespmem:s5+$0x70]  }
0x36c: {  	s4 =	sor.u32 $0x8030, s5;
	s2 =	sor.u32 $0x8040, s5;
	s0 =	sor.u32 $0x8050, s5;
	v5 =	vld [tilespmem:s5+$0x0]  }
0x36d: {  	s31 =	sor.u32 $0x8060, s5;
	v6 =	vld [tilespmem:s5+$0x10]  }
0x36e: {  	v4 =	vld [tilespmem:s5+$0x20]  }
0x36f: {  	s8 =	sor.u32 $0x8070, s5;
	v1 =	vld [tilespmem:s5+$0x30]  }
0x370: {  	[tilespmem:s8+$0x0] =	vst.add.f32.msk $0xffff, v0  }
.Ltmp18:
0x371: {  	v3 =	vld [tilespmem:s5+$0x40];
	(pc) =	sbr.rel @p0 .LBB2_38-.Ltmp18, $4  }
0x372: {  	v0 =	vld [tilespmem:s5+$0x50]  }
0x373: {  	v2 =	vld [tilespmem:s5+$0x60]  }
0x374: {  	[tilespmem:s6+$0x0] =	vst.add.f32.msk $0xffff, v5  }
0x375: {  	[tilespmem:s7+$0x0] =	vst.add.f32.msk $0xffff, v6  }
0x376: {  	[tilespmem:s3+$0x0] =	vst.add.f32.msk $0xffff, v4  }
0x377: {  	[tilespmem:s4+$0x0] =	vst.add.f32.msk $0xffff, v1  }
0x378: {  	[tilespmem:s2+$0x0] =	vst.add.f32.msk $0xffff, v3  }
0x379: {  	[tilespmem:s0+$0x0] =	vst.add.f32.msk $0xffff, v0  }
0x37a: {  	[tilespmem:s31+$0x0] =	vst.add.f32.msk $0xffff, v2  }
0x37b: {  	s0 =	sld [smem:$0x7E2];
	_ =	sdelay $0x1  }
0x37c: {  	s29 =	simm.s32 $0x0  }
0x37d: {  	[hbm4b:s0+s29] =	stream.linear.scatter [tilespmem:s15], [sflag:$0x6], $0x4000, $0x38;
	[tilespmem:$0x14000] =	vst v63  }
0x37e: {  	_ =	swait.ge [sflag:s25], $0x4000  }
0x37f: {  	s3 =	sld [smem:$0x7E6]  }
0x380: {  	[sflag:s25] =	ssyncset.done $0x0  }
0x381: {  	s4 =	simm.s32 $0x0;
	s6 =	simm.s32 $0x0;
	[sflag:s25] =	ssyncadd.s32 $0xFFFFC000  }
0x382: {  	[tilespmem:s20], [sflag:$0x5] =	stream.linear.gather [hbm4b:s3+s29], $0x4000, $0x38;
	[tilespmem:$0x14000] =	vst v63  }
0x383: {  	s5 =	sand.u32 $0x1C00, s29;
	s0 =	sand.u32 $0x2000, s4;
	_ =	swait.ge [sflag:s21], $0x4000  }
0x384: {  	s7 =	sand.u32 $0x380, s6;
	s0 =	sor.u32 s5, s0;
	[sflag:s21] =	ssyncset.done $0x0  }
0x385: {  	s5 =	sor.u32 s7, s0;
	[sflag:s21] =	ssyncadd.s32 $0xFFFFC000  }
0x386: {  	v0 =	vld [tilespmem:s5+$0x70]  }
0x387: {  	v5 =	vld [tilespmem:s5+$0x0]  }
0x388: {  	v6 =	vld [tilespmem:s5+$0x10]  }
0x389: {  	v4 =	vld [tilespmem:s5+$0x20]  }
0x38a: {  	v1 =	vld [tilespmem:s5+$0x30]  }
0x38b: {  	v3 =	vld [tilespmem:s5+$0x40]  }
0x38c: {  	s0 =	sor.u32 $0xC070, s5;
	v2 =	vld [tilespmem:s5+$0x60]  }
0x38d: {  	[tilespmem:s0+$0x0] =	vst.add.f32.msk $0xffff, v0  }
0x38e: {  	s30 =	simm.s32 $0x0;
	s8 =	sor.u32 $0xC000, s5;
	v0 =	vld [tilespmem:s5+$0x50]  }
0x38f: {  	s6 =	sor.u32 $0xC010, s5;
	s4 =	sor.u32 $0xC030, s5;
	s2 =	sor.u32 $0xC040, s5;
	[tilespmem:s8+$0x0] =	vst.add.f32.msk $0xffff, v5  }
0x390: {  	s31 =	sor.u32 $0xC060, s5;
	s3 =	sor.u32 $0xC020, s5;
	s0 =	sor.u32 $0xC050, s5;
	[tilespmem:s6+$0x0] =	vst.add.f32.msk $0xffff, v6  }
.LBB2_40:
0x391: {  	s30 =	sadd.s32 $0x8, s30;
	[tilespmem:s3+$0x0] =	vst.add.f32.msk $0xffff, v4  }
0x392: {  	s29 =	sadd.s32 $0x400, s29;
	s3 =	sshll.u32 s30, $0x4;
	p0 =	slt.u32 s30, $0x3F8;
	[tilespmem:s4+$0x0] =	vst.add.f32.msk $0xffff, v1  }
0x393: {  	s4 =	sand.u32 $0x1C00, s29;
	s5 =	sshll.u32 s30, $0x1;
	s3 =	sand.u32 $0x2000, s3;
	[tilespmem:s2+$0x0] =	vst.add.f32.msk $0xffff, v3  }
0x394: {  	s2 =	sor.u32 s4, s3;
	s3 =	sand.u32 $0x380, s5;
	[tilespmem:s0+$0x0] =	vst.add.f32.msk $0xffff, v0  }
0x395: {  	s5 =	sor.u32 s3, s2;
	[tilespmem:s31+$0x0] =	vst.add.f32.msk $0xffff, v2  }
0x396: {  	s6 =	sor.u32 $0xC000, s5;
	s7 =	sor.u32 $0xC010, s5;
	s3 =	sor.u32 $0xC020, s5;
	v0 =	vld [tilespmem:s5+$0x70]  }
0x397: {  	s4 =	sor.u32 $0xC030, s5;
	s2 =	sor.u32 $0xC040, s5;
	s0 =	sor.u32 $0xC050, s5;
	v5 =	vld [tilespmem:s5+$0x0]  }
0x398: {  	s31 =	sor.u32 $0xC060, s5;
	v6 =	vld [tilespmem:s5+$0x10]  }
0x399: {  	v4 =	vld [tilespmem:s5+$0x20]  }
0x39a: {  	s8 =	sor.u32 $0xC070, s5;
	v1 =	vld [tilespmem:s5+$0x30]  }
0x39b: {  	[tilespmem:s8+$0x0] =	vst.add.f32.msk $0xffff, v0  }
.Ltmp19:
0x39c: {  	v3 =	vld [tilespmem:s5+$0x40];
	(pc) =	sbr.rel @p0 .LBB2_40-.Ltmp19, $4  }
0x39d: {  	v0 =	vld [tilespmem:s5+$0x50]  }
0x39e: {  	v2 =	vld [tilespmem:s5+$0x60]  }
0x39f: {  	[tilespmem:s6+$0x0] =	vst.add.f32.msk $0xffff, v5  }
0x3a0: {  	[tilespmem:s7+$0x0] =	vst.add.f32.msk $0xffff, v6  }
0x3a1: {  	[tilespmem:s3+$0x0] =	vst.add.f32.msk $0xffff, v4  }
0x3a2: {  	[tilespmem:s4+$0x0] =	vst.add.f32.msk $0xffff, v1  }
0x3a3: {  	[tilespmem:s2+$0x0] =	vst.add.f32.msk $0xffff, v3  }
0x3a4: {  	[tilespmem:s0+$0x0] =	vst.add.f32.msk $0xffff, v0  }
0x3a5: {  	[tilespmem:s31+$0x0] =	vst.add.f32.msk $0xffff, v2  }
0x3a6: {  	s0 =	sld [smem:$0x7E4];
	_ =	sdelay $0x1  }
0x3a7: {  	s29 =	simm.s32 $0x0  }
0x3a8: {  	[hbm4b:s0+s29] =	stream.linear.scatter [tilespmem:s16], [sflag:$0x7], $0x4000, $0x38;
	[tilespmem:$0x14000] =	vst v63  }
0x3a9: {  	_ =	swait.ge [sflag:s22], $0x4000  }
0x3aa: {  	s2 =	sld [smem:$0x7E8]  }
0x3ab: {  	[sflag:s22] =	ssyncset.done $0x0  }
0x3ac: {  	s3 =	sld [smem:$0x7EF];
	[sflag:s22] =	ssyncadd.s32 $0xFFFFC000  }
0x3ad: {  	[tilespmem:s15], [sflag:$0x3] =	stream.linear.gather [hbm4b:s2+s29], $0x4000, $0x38;
	[tilespmem:$0x14000] =	vst v63  }
0x3ae: {  	_ = 	snop  }
0x3af: {  	[tilespmem:s29], [sflag:$0x1] =	stream.linear.gather [hbm4b:s3+s29], $0x4000, $0x38;
	[tilespmem:$0x14000] =	vst v63  }
0x3b0: {  	_ =	swait.ge [sflag:s26], $0x4000  }
0x3b1: {  	[sflag:s26] =	ssyncset.done $0x0  }
0x3b2: {  	s4 =	simm.s32 $0x0;
	s6 =	simm.s32 $0x0;
	[sflag:s26] =	ssyncadd.s32 $0xFFFFC000  }
0x3b3: {  	s5 =	sand.u32 $0x1C00, s29;
	s0 =	sand.u32 $0x2000, s4;
	_ =	swait.ge [sflag:s23], $0x4000  }
0x3b4: {  	s7 =	sand.u32 $0x380, s6;
	s0 =	sor.u32 s5, s0;
	[sflag:s23] =	ssyncset.done $0x0  }
0x3b5: {  	s5 =	sor.u32 s7, s0;
	[sflag:s23] =	ssyncadd.s32 $0xFFFFC000  }
0x3b6: {  	v0 =	vld [tilespmem:s5+$0x4070]  }
0x3b7: {  	v5 =	vld [tilespmem:s5+$0x4000]  }
0x3b8: {  	v6 =	vld [tilespmem:s5+$0x4010]  }
0x3b9: {  	v4 =	vld [tilespmem:s5+$0x4020]  }
0x3ba: {  	v1 =	vld [tilespmem:s5+$0x4030]  }
0x3bb: {  	v3 =	vld [tilespmem:s5+$0x4040]  }
0x3bc: {  	s0 =	sor.u32 $0x10070, s5;
	v2 =	vld [tilespmem:s5+$0x4060]  }
0x3bd: {  	[tilespmem:s0+$0x0] =	vst.add.f32.msk $0xffff, v0  }
0x3be: {  	s30 =	simm.s32 $0x0;
	s8 =	sor.u32 $0x10000, s5;
	v0 =	vld [tilespmem:s5+$0x4050]  }
0x3bf: {  	s6 =	sor.u32 $0x10010, s5;
	s4 =	sor.u32 $0x10030, s5;
	s31 =	sor.u32 $0x10060, s5;
	[tilespmem:s8+$0x0] =	vst.add.f32.msk $0xffff, v5  }
0x3c0: {  	s2 =	sor.u32 $0x10040, s5;
	s3 =	sor.u32 $0x10020, s5;
	s0 =	sor.u32 $0x10050, s5;
	[tilespmem:s6+$0x0] =	vst.add.f32.msk $0xffff, v6  }
.LBB2_42:
0x3c1: {  	s30 =	sadd.s32 $0x8, s30;
	[tilespmem:s3+$0x0] =	vst.add.f32.msk $0xffff, v4  }
0x3c2: {  	s29 =	sadd.s32 $0x400, s29;
	s3 =	sshll.u32 s30, $0x4;
	p0 =	slt.u32 s30, $0x3F8;
	[tilespmem:s4+$0x0] =	vst.add.f32.msk $0xffff, v1  }
0x3c3: {  	s4 =	sand.u32 $0x1C00, s29;
	s5 =	sshll.u32 s30, $0x1;
	s3 =	sand.u32 $0x2000, s3;
	[tilespmem:s2+$0x0] =	vst.add.f32.msk $0xffff, v3  }
0x3c4: {  	s2 =	sor.u32 s4, s3;
	s3 =	sand.u32 $0x380, s5;
	[tilespmem:s0+$0x0] =	vst.add.f32.msk $0xffff, v0  }
0x3c5: {  	s5 =	sor.u32 s3, s2;
	[tilespmem:s31+$0x0] =	vst.add.f32.msk $0xffff, v2  }
0x3c6: {  	s6 =	sor.u32 $0x10000, s5;
	s7 =	sor.u32 $0x10010, s5;
	s3 =	sor.u32 $0x10020, s5;
	v0 =	vld [tilespmem:s5+$0x4070]  }
0x3c7: {  	s4 =	sor.u32 $0x10030, s5;
	s2 =	sor.u32 $0x10040, s5;
	s0 =	sor.u32 $0x10050, s5;
	v5 =	vld [tilespmem:s5+$0x4000]  }
0x3c8: {  	s31 =	sor.u32 $0x10060, s5;
	v6 =	vld [tilespmem:s5+$0x4010]  }
0x3c9: {  	v4 =	vld [tilespmem:s5+$0x4020]  }
0x3ca: {  	s8 =	sor.u32 $0x10070, s5;
	v1 =	vld [tilespmem:s5+$0x4030]  }
0x3cb: {  	[tilespmem:s8+$0x0] =	vst.add.f32.msk $0xffff, v0  }
.Ltmp20:
0x3cc: {  	v3 =	vld [tilespmem:s5+$0x4040];
	(pc) =	sbr.rel @p0 .LBB2_42-.Ltmp20, $4  }
0x3cd: {  	v0 =	vld [tilespmem:s5+$0x4050]  }
0x3ce: {  	v2 =	vld [tilespmem:s5+$0x4060]  }
0x3cf: {  	[tilespmem:s6+$0x0] =	vst.add.f32.msk $0xffff, v5  }
0x3d0: {  	[tilespmem:s7+$0x0] =	vst.add.f32.msk $0xffff, v6  }
0x3d1: {  	[tilespmem:s3+$0x0] =	vst.add.f32.msk $0xffff, v4  }
0x3d2: {  	[tilespmem:s4+$0x0] =	vst.add.f32.msk $0xffff, v1  }
0x3d3: {  	[tilespmem:s2+$0x0] =	vst.add.f32.msk $0xffff, v3  }
0x3d4: {  	[tilespmem:s0+$0x0] =	vst.add.f32.msk $0xffff, v0  }
0x3d5: {  	[tilespmem:s31+$0x0] =	vst.add.f32.msk $0xffff, v2  }
0x3d6: {  	s0 =	sld [smem:$0x7E7];
	_ =	sdelay $0x1  }
0x3d7: {  	s29 =	simm.s32 $0x0  }
0x3d8: {  	[hbm4b:s0+s29] =	stream.linear.scatter [tilespmem:s20], [sflag:$0x8], $0x4000, $0x38;
	[tilespmem:$0x14000] =	vst v63  }
0x3d9: {  	_ =	swait.ge [sflag:s24], $0x4000  }
0x3da: {  	s3 =	sld [smem:$0x7EA]  }
0x3db: {  	[sflag:s24] =	ssyncset.done $0x0  }
0x3dc: {  	s4 =	simm.s32 $0x0;
	s6 =	simm.s32 $0x0;
	[sflag:s24] =	ssyncadd.s32 $0xFFFFC000  }
0x3dd: {  	[tilespmem:s16], [sflag:$0x4] =	stream.linear.gather [hbm4b:s3+s29], $0x4000, $0x38;
	[tilespmem:$0x14000] =	vst v63  }
0x3de: {  	s5 =	sand.u32 $0x1C00, s29;
	s0 =	sand.u32 $0x2000, s4;
	_ =	swait.ge [sflag:s19], $0x4000  }
0x3df: {  	s7 =	sand.u32 $0x380, s6;
	s0 =	sor.u32 s5, s0;
	[sflag:s19] =	ssyncset.done $0x0  }
0x3e0: {  	s5 =	sor.u32 s7, s0;
	[sflag:s19] =	ssyncadd.s32 $0xFFFFC000  }
0x3e1: {  	v0 =	vld [tilespmem:s5+$0x4070]  }
0x3e2: {  	v5 =	vld [tilespmem:s5+$0x4000]  }
0x3e3: {  	v6 =	vld [tilespmem:s5+$0x4010]  }
0x3e4: {  	v4 =	vld [tilespmem:s5+$0x4020]  }
0x3e5: {  	v1 =	vld [tilespmem:s5+$0x4030]  }
0x3e6: {  	v3 =	vld [tilespmem:s5+$0x4040]  }
0x3e7: {  	s0 =	sor.u32 $0x8070, s5;
	v2 =	vld [tilespmem:s5+$0x4060]  }
0x3e8: {  	[tilespmem:s0+$0x0] =	vst.add.f32.msk $0xffff, v0  }
0x3e9: {  	s30 =	simm.s32 $0x0;
	s8 =	sor.u32 $0x8000, s5;
	v0 =	vld [tilespmem:s5+$0x4050]  }
0x3ea: {  	s6 =	sor.u32 $0x8010, s5;
	s4 =	sor.u32 $0x8030, s5;
	s2 =	sor.u32 $0x8040, s5;
	[tilespmem:s8+$0x0] =	vst.add.f32.msk $0xffff, v5  }
0x3eb: {  	s31 =	sor.u32 $0x8060, s5;
	s3 =	sor.u32 $0x8020, s5;
	s0 =	sor.u32 $0x8050, s5;
	[tilespmem:s6+$0x0] =	vst.add.f32.msk $0xffff, v6  }
.LBB2_44:
0x3ec: {  	s30 =	sadd.s32 $0x8, s30;
	[tilespmem:s3+$0x0] =	vst.add.f32.msk $0xffff, v4  }
0x3ed: {  	s29 =	sadd.s32 $0x400, s29;
	s3 =	sshll.u32 s30, $0x4;
	p0 =	slt.u32 s30, $0x3F8;
	[tilespmem:s4+$0x0] =	vst.add.f32.msk $0xffff, v1  }
0x3ee: {  	s4 =	sand.u32 $0x1C00, s29;
	s5 =	sshll.u32 s30, $0x1;
	s3 =	sand.u32 $0x2000, s3;
	[tilespmem:s2+$0x0] =	vst.add.f32.msk $0xffff, v3  }
0x3ef: {  	s2 =	sor.u32 s4, s3;
	s3 =	sand.u32 $0x380, s5;
	[tilespmem:s0+$0x0] =	vst.add.f32.msk $0xffff, v0  }
0x3f0: {  	s5 =	sor.u32 s3, s2;
	[tilespmem:s31+$0x0] =	vst.add.f32.msk $0xffff, v2  }
0x3f1: {  	s6 =	sor.u32 $0x8000, s5;
	s7 =	sor.u32 $0x8010, s5;
	s3 =	sor.u32 $0x8020, s5;
	v0 =	vld [tilespmem:s5+$0x4070]  }
0x3f2: {  	s4 =	sor.u32 $0x8030, s5;
	s2 =	sor.u32 $0x8040, s5;
	s0 =	sor.u32 $0x8050, s5;
	v5 =	vld [tilespmem:s5+$0x4000]  }
0x3f3: {  	s31 =	sor.u32 $0x8060, s5;
	v6 =	vld [tilespmem:s5+$0x4010]  }
0x3f4: {  	v4 =	vld [tilespmem:s5+$0x4020]  }
0x3f5: {  	s8 =	sor.u32 $0x8070, s5;
	v1 =	vld [tilespmem:s5+$0x4030]  }
0x3f6: {  	[tilespmem:s8+$0x0] =	vst.add.f32.msk $0xffff, v0  }
.Ltmp21:
0x3f7: {  	v3 =	vld [tilespmem:s5+$0x4040];
	(pc) =	sbr.rel @p0 .LBB2_44-.Ltmp21, $4  }
0x3f8: {  	v0 =	vld [tilespmem:s5+$0x4050]  }
0x3f9: {  	v2 =	vld [tilespmem:s5+$0x4060]  }
0x3fa: {  	[tilespmem:s6+$0x0] =	vst.add.f32.msk $0xffff, v5  }
0x3fb: {  	[tilespmem:s7+$0x0] =	vst.add.f32.msk $0xffff, v6  }
0x3fc: {  	[tilespmem:s3+$0x0] =	vst.add.f32.msk $0xffff, v4  }
0x3fd: {  	[tilespmem:s4+$0x0] =	vst.add.f32.msk $0xffff, v1  }
0x3fe: {  	[tilespmem:s2+$0x0] =	vst.add.f32.msk $0xffff, v3  }
0x3ff: {  	[tilespmem:s0+$0x0] =	vst.add.f32.msk $0xffff, v0  }
0x400: {  	[tilespmem:s31+$0x0] =	vst.add.f32.msk $0xffff, v2  }
0x401: {  	s0 =	sld [smem:$0x7E9];
	_ =	sdelay $0x1  }
0x402: {  	s29 =	simm.s32 $0x0  }
0x403: {  	[hbm4b:s0+s29] =	stream.linear.scatter [tilespmem:s15], [sflag:$0x6], $0x4000, $0x38;
	[tilespmem:$0x14000] =	vst v63  }
0x404: {  	_ =	swait.ge [sflag:s25], $0x4000  }
0x405: {  	s3 =	sld [smem:$0x7EC]  }
0x406: {  	[sflag:s25] =	ssyncset.done $0x0  }
0x407: {  	s4 =	simm.s32 $0x0;
	s6 =	simm.s32 $0x0;
	[sflag:s25] =	ssyncadd.s32 $0xFFFFC000  }
0x408: {  	[tilespmem:s20], [sflag:$0x5] =	stream.linear.gather [hbm4b:s3+s29], $0x4000, $0x38;
	[tilespmem:$0x14000] =	vst v63  }
0x409: {  	s5 =	sand.u32 $0x1C00, s29;
	s0 =	sand.u32 $0x2000, s4;
	_ =	swait.ge [sflag:s21], $0x4000  }
0x40a: {  	s7 =	sand.u32 $0x380, s6;
	s0 =	sor.u32 s5, s0;
	[sflag:s21] =	ssyncset.done $0x0  }
0x40b: {  	s5 =	sor.u32 s7, s0;
	[sflag:s21] =	ssyncadd.s32 $0xFFFFC000  }
0x40c: {  	v0 =	vld [tilespmem:s5+$0x4070]  }
0x40d: {  	v5 =	vld [tilespmem:s5+$0x4000]  }
0x40e: {  	v6 =	vld [tilespmem:s5+$0x4010]  }
0x40f: {  	v4 =	vld [tilespmem:s5+$0x4020]  }
0x410: {  	v1 =	vld [tilespmem:s5+$0x4030]  }
0x411: {  	v3 =	vld [tilespmem:s5+$0x4040]  }
0x412: {  	s0 =	sor.u32 $0xC070, s5;
	v2 =	vld [tilespmem:s5+$0x4060]  }
0x413: {  	[tilespmem:s0+$0x0] =	vst.add.f32.msk $0xffff, v0  }
0x414: {  	s30 =	simm.s32 $0x0;
	s8 =	sor.u32 $0xC000, s5;
	v0 =	vld [tilespmem:s5+$0x4050]  }
0x415: {  	s6 =	sor.u32 $0xC010, s5;
	s4 =	sor.u32 $0xC030, s5;
	s2 =	sor.u32 $0xC040, s5;
	[tilespmem:s8+$0x0] =	vst.add.f32.msk $0xffff, v5  }
0x416: {  	s31 =	sor.u32 $0xC060, s5;
	s3 =	sor.u32 $0xC020, s5;
	s0 =	sor.u32 $0xC050, s5;
	[tilespmem:s6+$0x0] =	vst.add.f32.msk $0xffff, v6  }
.LBB2_46:
0x417: {  	s30 =	sadd.s32 $0x8, s30;
	[tilespmem:s3+$0x0] =	vst.add.f32.msk $0xffff, v4  }
0x418: {  	s29 =	sadd.s32 $0x400, s29;
	s3 =	sshll.u32 s30, $0x4;
	p0 =	slt.u32 s30, $0x3F8;
	[tilespmem:s4+$0x0] =	vst.add.f32.msk $0xffff, v1  }
0x419: {  	s4 =	sand.u32 $0x1C00, s29;
	s5 =	sshll.u32 s30, $0x1;
	s3 =	sand.u32 $0x2000, s3;
	[tilespmem:s2+$0x0] =	vst.add.f32.msk $0xffff, v3  }
0x41a: {  	s2 =	sor.u32 s4, s3;
	s3 =	sand.u32 $0x380, s5;
	[tilespmem:s0+$0x0] =	vst.add.f32.msk $0xffff, v0  }
0x41b: {  	s5 =	sor.u32 s3, s2;
	[tilespmem:s31+$0x0] =	vst.add.f32.msk $0xffff, v2  }
0x41c: {  	s6 =	sor.u32 $0xC000, s5;
	s7 =	sor.u32 $0xC010, s5;
	s3 =	sor.u32 $0xC020, s5;
	v0 =	vld [tilespmem:s5+$0x4070]  }
0x41d: {  	s4 =	sor.u32 $0xC030, s5;
	s2 =	sor.u32 $0xC040, s5;
	s0 =	sor.u32 $0xC050, s5;
	v5 =	vld [tilespmem:s5+$0x4000]  }
0x41e: {  	s31 =	sor.u32 $0xC060, s5;
	v6 =	vld [tilespmem:s5+$0x4010]  }
0x41f: {  	v4 =	vld [tilespmem:s5+$0x4020]  }
0x420: {  	s8 =	sor.u32 $0xC070, s5;
	v1 =	vld [tilespmem:s5+$0x4030]  }
0x421: {  	[tilespmem:s8+$0x0] =	vst.add.f32.msk $0xffff, v0  }
.Ltmp22:
0x422: {  	v3 =	vld [tilespmem:s5+$0x4040];
	(pc) =	sbr.rel @p0 .LBB2_46-.Ltmp22, $4  }
0x423: {  	v0 =	vld [tilespmem:s5+$0x4050]  }
0x424: {  	v2 =	vld [tilespmem:s5+$0x4060]  }
0x425: {  	[tilespmem:s6+$0x0] =	vst.add.f32.msk $0xffff, v5  }
0x426: {  	[tilespmem:s7+$0x0] =	vst.add.f32.msk $0xffff, v6  }
0x427: {  	[tilespmem:s3+$0x0] =	vst.add.f32.msk $0xffff, v4  }
0x428: {  	[tilespmem:s4+$0x0] =	vst.add.f32.msk $0xffff, v1  }
0x429: {  	[tilespmem:s2+$0x0] =	vst.add.f32.msk $0xffff, v3  }
0x42a: {  	[tilespmem:s0+$0x0] =	vst.add.f32.msk $0xffff, v0  }
0x42b: {  	[tilespmem:s31+$0x0] =	vst.add.f32.msk $0xffff, v2  }
0x42c: {  	s0 =	sld [smem:$0x7EB];
	_ =	sdelay $0x1  }
0x42d: {  	s29 =	simm.s32 $0x0  }
0x42e: {  	[hbm4b:s0+s29] =	stream.linear.scatter [tilespmem:s16], [sflag:$0x7], $0x4000, $0x38;
	[tilespmem:$0x14000] =	vst v63  }
0x42f: {  	_ =	swait.ge [sflag:s22], $0x4000  }
0x430: {  	s3 =	sld [smem:$0x7F1]  }
0x431: {  	[sflag:s22] =	ssyncset.done $0x0  }
0x432: {  	s4 =	simm.s32 $0x0;
	s6 =	simm.s32 $0x0;
	[sflag:s22] =	ssyncadd.s32 $0xFFFFC000  }
0x433: {  	[tilespmem:s15], [sflag:$0x3] =	stream.linear.gather [hbm4b:s3+s29], $0x4000, $0x38;
	[tilespmem:$0x14000] =	vst v63  }
0x434: {  	s5 =	sand.u32 $0x1C00, s29;
	s0 =	sand.u32 $0x2000, s4;
	_ =	swait.ge [sflag:s23], $0x4000  }
0x435: {  	s7 =	sand.u32 $0x380, s6;
	s0 =	sor.u32 s5, s0;
	[sflag:s23] =	ssyncset.done $0x0  }
0x436: {  	s5 =	sor.u32 s7, s0;
	[sflag:s23] =	ssyncadd.s32 $0xFFFFC000  }
0x437: {  	v0 =	vld [tilespmem:s5+$0x4070]  }
0x438: {  	v5 =	vld [tilespmem:s5+$0x4000]  }
0x439: {  	v6 =	vld [tilespmem:s5+$0x4010]  }
0x43a: {  	v4 =	vld [tilespmem:s5+$0x4020]  }
0x43b: {  	v1 =	vld [tilespmem:s5+$0x4030]  }
0x43c: {  	v3 =	vld [tilespmem:s5+$0x4040]  }
0x43d: {  	s0 =	sor.u32 $0x10070, s5;
	v2 =	vld [tilespmem:s5+$0x4060]  }
0x43e: {  	[tilespmem:s0+$0x0] =	vst.add.f32.msk $0xffff, v0  }
0x43f: {  	s30 =	simm.s32 $0x0;
	s8 =	sor.u32 $0x10000, s5;
	v0 =	vld [tilespmem:s5+$0x4050]  }
0x440: {  	s6 =	sor.u32 $0x10010, s5;
	s4 =	sor.u32 $0x10030, s5;
	s2 =	sor.u32 $0x10040, s5;
	[tilespmem:s8+$0x0] =	vst.add.f32.msk $0xffff, v5  }
0x441: {  	s31 =	sor.u32 $0x10060, s5;
	s3 =	sor.u32 $0x10020, s5;
	s0 =	sor.u32 $0x10050, s5;
	[tilespmem:s6+$0x0] =	vst.add.f32.msk $0xffff, v6  }
.LBB2_48:
0x442: {  	s30 =	sadd.s32 $0x8, s30;
	[tilespmem:s3+$0x0] =	vst.add.f32.msk $0xffff, v4  }
0x443: {  	s29 =	sadd.s32 $0x400, s29;
	s3 =	sshll.u32 s30, $0x4;
	p0 =	slt.u32 s30, $0x3F8;
	[tilespmem:s4+$0x0] =	vst.add.f32.msk $0xffff, v1  }
0x444: {  	s4 =	sand.u32 $0x1C00, s29;
	s5 =	sshll.u32 s30, $0x1;
	s3 =	sand.u32 $0x2000, s3;
	[tilespmem:s2+$0x0] =	vst.add.f32.msk $0xffff, v3  }
0x445: {  	s2 =	sor.u32 s4, s3;
	s3 =	sand.u32 $0x380, s5;
	[tilespmem:s0+$0x0] =	vst.add.f32.msk $0xffff, v0  }
0x446: {  	s5 =	sor.u32 s3, s2;
	[tilespmem:s31+$0x0] =	vst.add.f32.msk $0xffff, v2  }
0x447: {  	s6 =	sor.u32 $0x10000, s5;
	s7 =	sor.u32 $0x10010, s5;
	s3 =	sor.u32 $0x10020, s5;
	v0 =	vld [tilespmem:s5+$0x4070]  }
0x448: {  	s4 =	sor.u32 $0x10030, s5;
	s2 =	sor.u32 $0x10040, s5;
	s0 =	sor.u32 $0x10050, s5;
	v5 =	vld [tilespmem:s5+$0x4000]  }
0x449: {  	s31 =	sor.u32 $0x10060, s5;
	v6 =	vld [tilespmem:s5+$0x4010]  }
0x44a: {  	v4 =	vld [tilespmem:s5+$0x4020]  }
0x44b: {  	s8 =	sor.u32 $0x10070, s5;
	v1 =	vld [tilespmem:s5+$0x4030]  }
0x44c: {  	[tilespmem:s8+$0x0] =	vst.add.f32.msk $0xffff, v0  }
.Ltmp23:
0x44d: {  	v3 =	vld [tilespmem:s5+$0x4040];
	(pc) =	sbr.rel @p0 .LBB2_48-.Ltmp23, $4  }
0x44e: {  	v0 =	vld [tilespmem:s5+$0x4050]  }
0x44f: {  	v2 =	vld [tilespmem:s5+$0x4060]  }
0x450: {  	[tilespmem:s6+$0x0] =	vst.add.f32.msk $0xffff, v5  }
0x451: {  	[tilespmem:s7+$0x0] =	vst.add.f32.msk $0xffff, v6  }
0x452: {  	[tilespmem:s3+$0x0] =	vst.add.f32.msk $0xffff, v4  }
0x453: {  	[tilespmem:s4+$0x0] =	vst.add.f32.msk $0xffff, v1  }
0x454: {  	[tilespmem:s2+$0x0] =	vst.add.f32.msk $0xffff, v3  }
0x455: {  	[tilespmem:s0+$0x0] =	vst.add.f32.msk $0xffff, v0  }
0x456: {  	[tilespmem:s31+$0x0] =	vst.add.f32.msk $0xffff, v2  }
0x457: {  	s0 =	sld [smem:$0x7ED];
	_ =	sdelay $0x1  }
0x458: {  	s29 =	simm.s32 $0x0  }
0x459: {  	[hbm4b:s0+s29] =	stream.linear.scatter [tilespmem:s20], [sflag:$0x8], $0x4000, $0x38;
	[tilespmem:$0x14000] =	vst v63  }
0x45a: {  	_ =	swait.ge [sflag:s24], $0x4000  }
0x45b: {  	s2 =	sld [smem:$0x7F3]  }
0x45c: {  	[sflag:s24] =	ssyncset.done $0x0  }
0x45d: {  	s3 =	sld [smem:$0x7F0];
	[sflag:s24] =	ssyncadd.s32 $0xFFFFC000  }
0x45e: {  	[tilespmem:s16], [sflag:$0x4] =	stream.linear.gather [hbm4b:s2+s29], $0x4000, $0x38;
	[tilespmem:$0x14000] =	vst v63  }
0x45f: {  	_ = 	snop  }
0x460: {  	[tilespmem:s17], [sflag:$0x2] =	stream.linear.gather [hbm4b:s3+s29], $0x4000, $0x38;
	[tilespmem:$0x14000] =	vst v63  }
0x461: {  	_ =	swait.ge [sflag:s18], $0x4000  }
0x462: {  	[sflag:s18] =	ssyncset.done $0x0  }
0x463: {  	s4 =	simm.s32 $0x0;
	s6 =	simm.s32 $0x0;
	[sflag:s18] =	ssyncadd.s32 $0xFFFFC000  }
0x464: {  	s5 =	sand.u32 $0x1C00, s29;
	s0 =	sand.u32 $0x2000, s4;
	_ =	swait.ge [sflag:s19], $0x4000  }
0x465: {  	s7 =	sand.u32 $0x380, s6;
	s0 =	sor.u32 s5, s0;
	[sflag:s19] =	ssyncset.done $0x0  }
0x466: {  	s5 =	sor.u32 s7, s0;
	[sflag:s19] =	ssyncadd.s32 $0xFFFFC000  }
0x467: {  	v0 =	vld [tilespmem:s5+$0x70]  }
0x468: {  	v5 =	vld [tilespmem:s5+$0x0]  }
0x469: {  	v6 =	vld [tilespmem:s5+$0x10]  }
0x46a: {  	v4 =	vld [tilespmem:s5+$0x20]  }
0x46b: {  	v1 =	vld [tilespmem:s5+$0x30]  }
0x46c: {  	v3 =	vld [tilespmem:s5+$0x40]  }
0x46d: {  	s0 =	sor.u32 $0x8070, s5;
	v2 =	vld [tilespmem:s5+$0x60]  }
0x46e: {  	[tilespmem:s0+$0x0] =	vst.add.f32.msk $0xffff, v0  }
0x46f: {  	s30 =	simm.s32 $0x0;
	s8 =	sor.u32 $0x8000, s5;
	v0 =	vld [tilespmem:s5+$0x50]  }
0x470: {  	s6 =	sor.u32 $0x8010, s5;
	s4 =	sor.u32 $0x8030, s5;
	s31 =	sor.u32 $0x8060, s5;
	[tilespmem:s8+$0x0] =	vst.add.f32.msk $0xffff, v5  }
0x471: {  	s2 =	sor.u32 $0x8040, s5;
	s3 =	sor.u32 $0x8020, s5;
	s0 =	sor.u32 $0x8050, s5;
	[tilespmem:s6+$0x0] =	vst.add.f32.msk $0xffff, v6  }
.LBB2_50:
0x472: {  	s30 =	sadd.s32 $0x8, s30;
	[tilespmem:s3+$0x0] =	vst.add.f32.msk $0xffff, v4  }
0x473: {  	s29 =	sadd.s32 $0x400, s29;
	s3 =	sshll.u32 s30, $0x4;
	p0 =	slt.u32 s30, $0x3F8;
	[tilespmem:s4+$0x0] =	vst.add.f32.msk $0xffff, v1  }
0x474: {  	s4 =	sand.u32 $0x1C00, s29;
	s5 =	sshll.u32 s30, $0x1;
	s3 =	sand.u32 $0x2000, s3;
	[tilespmem:s2+$0x0] =	vst.add.f32.msk $0xffff, v3  }
0x475: {  	s2 =	sor.u32 s4, s3;
	s3 =	sand.u32 $0x380, s5;
	[tilespmem:s0+$0x0] =	vst.add.f32.msk $0xffff, v0  }
0x476: {  	s5 =	sor.u32 s3, s2;
	[tilespmem:s31+$0x0] =	vst.add.f32.msk $0xffff, v2  }
0x477: {  	s6 =	sor.u32 $0x8000, s5;
	s7 =	sor.u32 $0x8010, s5;
	s3 =	sor.u32 $0x8020, s5;
	v0 =	vld [tilespmem:s5+$0x70]  }
0x478: {  	s4 =	sor.u32 $0x8030, s5;
	s2 =	sor.u32 $0x8040, s5;
	s0 =	sor.u32 $0x8050, s5;
	v5 =	vld [tilespmem:s5+$0x0]  }
0x479: {  	s31 =	sor.u32 $0x8060, s5;
	v6 =	vld [tilespmem:s5+$0x10]  }
0x47a: {  	v4 =	vld [tilespmem:s5+$0x20]  }
0x47b: {  	s8 =	sor.u32 $0x8070, s5;
	v1 =	vld [tilespmem:s5+$0x30]  }
0x47c: {  	[tilespmem:s8+$0x0] =	vst.add.f32.msk $0xffff, v0  }
.Ltmp24:
0x47d: {  	v3 =	vld [tilespmem:s5+$0x40];
	(pc) =	sbr.rel @p0 .LBB2_50-.Ltmp24, $4  }
0x47e: {  	v0 =	vld [tilespmem:s5+$0x50]  }
0x47f: {  	v2 =	vld [tilespmem:s5+$0x60]  }
0x480: {  	[tilespmem:s6+$0x0] =	vst.add.f32.msk $0xffff, v5  }
0x481: {  	[tilespmem:s7+$0x0] =	vst.add.f32.msk $0xffff, v6  }
0x482: {  	[tilespmem:s3+$0x0] =	vst.add.f32.msk $0xffff, v4  }
0x483: {  	[tilespmem:s4+$0x0] =	vst.add.f32.msk $0xffff, v1  }
0x484: {  	[tilespmem:s2+$0x0] =	vst.add.f32.msk $0xffff, v3  }
0x485: {  	[tilespmem:s0+$0x0] =	vst.add.f32.msk $0xffff, v0  }
0x486: {  	[tilespmem:s31+$0x0] =	vst.add.f32.msk $0xffff, v2  }
0x487: {  	s0 =	sld [smem:$0x7F2];
	_ =	sdelay $0x1  }
0x488: {  	s29 =	simm.s32 $0x0  }
0x489: {  	[hbm4b:s0+s29] =	stream.linear.scatter [tilespmem:s15], [sflag:$0x6], $0x4000, $0x38;
	[tilespmem:$0x14000] =	vst v63  }
0x48a: {  	_ =	swait.ge [sflag:s25], $0x4000  }
0x48b: {  	s3 =	sld [smem:$0x7F5]  }
0x48c: {  	[sflag:s25] =	ssyncset.done $0x0  }
0x48d: {  	s4 =	simm.s32 $0x0;
	s6 =	simm.s32 $0x0;
	[sflag:s25] =	ssyncadd.s32 $0xFFFFC000  }
0x48e: {  	[tilespmem:s20], [sflag:$0x5] =	stream.linear.gather [hbm4b:s3+s29], $0x4000, $0x38;
	[tilespmem:$0x14000] =	vst v63  }
0x48f: {  	s5 =	sand.u32 $0x1C00, s29;
	s0 =	sand.u32 $0x2000, s4;
	_ =	swait.ge [sflag:s21], $0x4000  }
0x490: {  	s7 =	sand.u32 $0x380, s6;
	s0 =	sor.u32 s5, s0;
	[sflag:s21] =	ssyncset.done $0x0  }
0x491: {  	s5 =	sor.u32 s7, s0;
	[sflag:s21] =	ssyncadd.s32 $0xFFFFC000  }
0x492: {  	v0 =	vld [tilespmem:s5+$0x70]  }
0x493: {  	v5 =	vld [tilespmem:s5+$0x0]  }
0x494: {  	v6 =	vld [tilespmem:s5+$0x10]  }
0x495: {  	v4 =	vld [tilespmem:s5+$0x20]  }
0x496: {  	v1 =	vld [tilespmem:s5+$0x30]  }
0x497: {  	v3 =	vld [tilespmem:s5+$0x40]  }
0x498: {  	s0 =	sor.u32 $0xC070, s5;
	v2 =	vld [tilespmem:s5+$0x60]  }
0x499: {  	[tilespmem:s0+$0x0] =	vst.add.f32.msk $0xffff, v0  }
0x49a: {  	s30 =	simm.s32 $0x0;
	s8 =	sor.u32 $0xC000, s5;
	v0 =	vld [tilespmem:s5+$0x50]  }
0x49b: {  	s6 =	sor.u32 $0xC010, s5;
	s4 =	sor.u32 $0xC030, s5;
	s2 =	sor.u32 $0xC040, s5;
	[tilespmem:s8+$0x0] =	vst.add.f32.msk $0xffff, v5  }
0x49c: {  	s31 =	sor.u32 $0xC060, s5;
	s3 =	sor.u32 $0xC020, s5;
	s0 =	sor.u32 $0xC050, s5;
	[tilespmem:s6+$0x0] =	vst.add.f32.msk $0xffff, v6  }
.LBB2_52:
0x49d: {  	s30 =	sadd.s32 $0x8, s30;
	[tilespmem:s3+$0x0] =	vst.add.f32.msk $0xffff, v4  }
0x49e: {  	s29 =	sadd.s32 $0x400, s29;
	s3 =	sshll.u32 s30, $0x4;
	p0 =	slt.u32 s30, $0x3F8;
	[tilespmem:s4+$0x0] =	vst.add.f32.msk $0xffff, v1  }
0x49f: {  	s4 =	sand.u32 $0x1C00, s29;
	s5 =	sshll.u32 s30, $0x1;
	s3 =	sand.u32 $0x2000, s3;
	[tilespmem:s2+$0x0] =	vst.add.f32.msk $0xffff, v3  }
0x4a0: {  	s2 =	sor.u32 s4, s3;
	s3 =	sand.u32 $0x380, s5;
	[tilespmem:s0+$0x0] =	vst.add.f32.msk $0xffff, v0  }
0x4a1: {  	s5 =	sor.u32 s3, s2;
	[tilespmem:s31+$0x0] =	vst.add.f32.msk $0xffff, v2  }
0x4a2: {  	s6 =	sor.u32 $0xC000, s5;
	s7 =	sor.u32 $0xC010, s5;
	s3 =	sor.u32 $0xC020, s5;
	v0 =	vld [tilespmem:s5+$0x70]  }
0x4a3: {  	s4 =	sor.u32 $0xC030, s5;
	s2 =	sor.u32 $0xC040, s5;
	s0 =	sor.u32 $0xC050, s5;
	v5 =	vld [tilespmem:s5+$0x0]  }
0x4a4: {  	s31 =	sor.u32 $0xC060, s5;
	v6 =	vld [tilespmem:s5+$0x10]  }
0x4a5: {  	v4 =	vld [tilespmem:s5+$0x20]  }
0x4a6: {  	s8 =	sor.u32 $0xC070, s5;
	v1 =	vld [tilespmem:s5+$0x30]  }
0x4a7: {  	[tilespmem:s8+$0x0] =	vst.add.f32.msk $0xffff, v0  }
.Ltmp25:
0x4a8: {  	v3 =	vld [tilespmem:s5+$0x40];
	(pc) =	sbr.rel @p0 .LBB2_52-.Ltmp25, $4  }
0x4a9: {  	v0 =	vld [tilespmem:s5+$0x50]  }
0x4aa: {  	v2 =	vld [tilespmem:s5+$0x60]  }
0x4ab: {  	[tilespmem:s6+$0x0] =	vst.add.f32.msk $0xffff, v5  }
0x4ac: {  	[tilespmem:s7+$0x0] =	vst.add.f32.msk $0xffff, v6  }
0x4ad: {  	[tilespmem:s3+$0x0] =	vst.add.f32.msk $0xffff, v4  }
0x4ae: {  	[tilespmem:s4+$0x0] =	vst.add.f32.msk $0xffff, v1  }
0x4af: {  	[tilespmem:s2+$0x0] =	vst.add.f32.msk $0xffff, v3  }
0x4b0: {  	[tilespmem:s0+$0x0] =	vst.add.f32.msk $0xffff, v0  }
0x4b1: {  	[tilespmem:s31+$0x0] =	vst.add.f32.msk $0xffff, v2  }
0x4b2: {  	s0 =	sld [smem:$0x7F4];
	_ =	sdelay $0x1  }
0x4b3: {  	s29 =	simm.s32 $0x0  }
0x4b4: {  	[hbm4b:s0+s29] =	stream.linear.scatter [tilespmem:s16], [sflag:$0x7], $0x4000, $0x38;
	[tilespmem:$0x14000] =	vst v63  }
0x4b5: {  	_ =	swait.ge [sflag:s22], $0x4000  }
0x4b6: {  	s3 =	sld [smem:$0x7F7]  }
0x4b7: {  	[sflag:s22] =	ssyncset.done $0x0  }
0x4b8: {  	s4 =	simm.s32 $0x0;
	s6 =	simm.s32 $0x0;
	[sflag:s22] =	ssyncadd.s32 $0xFFFFC000  }
0x4b9: {  	[tilespmem:s15], [sflag:$0x3] =	stream.linear.gather [hbm4b:s3+s29], $0x4000, $0x38;
	[tilespmem:$0x14000] =	vst v63  }
0x4ba: {  	s5 =	sand.u32 $0x1C00, s29;
	s0 =	sand.u32 $0x2000, s4;
	_ =	swait.ge [sflag:s23], $0x4000  }
0x4bb: {  	s7 =	sand.u32 $0x380, s6;
	s0 =	sor.u32 s5, s0;
	[sflag:s23] =	ssyncset.done $0x0  }
0x4bc: {  	s5 =	sor.u32 s7, s0;
	[sflag:s23] =	ssyncadd.s32 $0xFFFFC000  }
0x4bd: {  	v0 =	vld [tilespmem:s5+$0x70]  }
0x4be: {  	v5 =	vld [tilespmem:s5+$0x0]  }
0x4bf: {  	v6 =	vld [tilespmem:s5+$0x10]  }
0x4c0: {  	v4 =	vld [tilespmem:s5+$0x20]  }
0x4c1: {  	v1 =	vld [tilespmem:s5+$0x30]  }
0x4c2: {  	v3 =	vld [tilespmem:s5+$0x40]  }
0x4c3: {  	s0 =	sor.u32 $0x10070, s5;
	v2 =	vld [tilespmem:s5+$0x60]  }
0x4c4: {  	[tilespmem:s0+$0x0] =	vst.add.f32.msk $0xffff, v0  }
0x4c5: {  	s30 =	simm.s32 $0x0;
	s8 =	sor.u32 $0x10000, s5;
	v0 =	vld [tilespmem:s5+$0x50]  }
0x4c6: {  	s6 =	sor.u32 $0x10010, s5;
	s4 =	sor.u32 $0x10030, s5;
	s2 =	sor.u32 $0x10040, s5;
	[tilespmem:s8+$0x0] =	vst.add.f32.msk $0xffff, v5  }
0x4c7: {  	s31 =	sor.u32 $0x10060, s5;
	s3 =	sor.u32 $0x10020, s5;
	s0 =	sor.u32 $0x10050, s5;
	[tilespmem:s6+$0x0] =	vst.add.f32.msk $0xffff, v6  }
.LBB2_54:
0x4c8: {  	s30 =	sadd.s32 $0x8, s30;
	[tilespmem:s3+$0x0] =	vst.add.f32.msk $0xffff, v4  }
0x4c9: {  	s29 =	sadd.s32 $0x400, s29;
	s3 =	sshll.u32 s30, $0x4;
	p0 =	slt.u32 s30, $0x3F8;
	[tilespmem:s4+$0x0] =	vst.add.f32.msk $0xffff, v1  }
0x4ca: {  	s4 =	sand.u32 $0x1C00, s29;
	s5 =	sshll.u32 s30, $0x1;
	s3 =	sand.u32 $0x2000, s3;
	[tilespmem:s2+$0x0] =	vst.add.f32.msk $0xffff, v3  }
0x4cb: {  	s2 =	sor.u32 s4, s3;
	s3 =	sand.u32 $0x380, s5;
	[tilespmem:s0+$0x0] =	vst.add.f32.msk $0xffff, v0  }
0x4cc: {  	s5 =	sor.u32 s3, s2;
	[tilespmem:s31+$0x0] =	vst.add.f32.msk $0xffff, v2  }
0x4cd: {  	s6 =	sor.u32 $0x10000, s5;
	s7 =	sor.u32 $0x10010, s5;
	s3 =	sor.u32 $0x10020, s5;
	v0 =	vld [tilespmem:s5+$0x70]  }
0x4ce: {  	s4 =	sor.u32 $0x10030, s5;
	s2 =	sor.u32 $0x10040, s5;
	s0 =	sor.u32 $0x10050, s5;
	v5 =	vld [tilespmem:s5+$0x0]  }
0x4cf: {  	s31 =	sor.u32 $0x10060, s5;
	v6 =	vld [tilespmem:s5+$0x10]  }
0x4d0: {  	v4 =	vld [tilespmem:s5+$0x20]  }
0x4d1: {  	s8 =	sor.u32 $0x10070, s5;
	v1 =	vld [tilespmem:s5+$0x30]  }
0x4d2: {  	[tilespmem:s8+$0x0] =	vst.add.f32.msk $0xffff, v0  }
.Ltmp26:
0x4d3: {  	v3 =	vld [tilespmem:s5+$0x40];
	(pc) =	sbr.rel @p0 .LBB2_54-.Ltmp26, $4  }
0x4d4: {  	v0 =	vld [tilespmem:s5+$0x50]  }
0x4d5: {  	v2 =	vld [tilespmem:s5+$0x60]  }
0x4d6: {  	[tilespmem:s6+$0x0] =	vst.add.f32.msk $0xffff, v5  }
0x4d7: {  	[tilespmem:s7+$0x0] =	vst.add.f32.msk $0xffff, v6  }
0x4d8: {  	[tilespmem:s3+$0x0] =	vst.add.f32.msk $0xffff, v4  }
0x4d9: {  	[tilespmem:s4+$0x0] =	vst.add.f32.msk $0xffff, v1  }
0x4da: {  	[tilespmem:s2+$0x0] =	vst.add.f32.msk $0xffff, v3  }
0x4db: {  	[tilespmem:s0+$0x0] =	vst.add.f32.msk $0xffff, v0  }
0x4dc: {  	[tilespmem:s31+$0x0] =	vst.add.f32.msk $0xffff, v2  }
0x4dd: {  	s0 =	sld [smem:$0x7F6];
	_ =	sdelay $0x1  }
0x4de: {  	s29 =	simm.s32 $0x0  }
0x4df: {  	[hbm4b:s0+s29] =	stream.linear.scatter [tilespmem:s20], [sflag:$0x8], $0x4000, $0x38;
	[tilespmem:$0x14000] =	vst v63  }
0x4e0: {  	_ =	swait.ge [sflag:s24], $0x4000  }
0x4e1: {  	s3 =	sld [smem:$0x7F9]  }
0x4e2: {  	[sflag:s24] =	ssyncset.done $0x0  }
0x4e3: {  	s4 =	simm.s32 $0x0;
	s6 =	simm.s32 $0x0;
	[sflag:s24] =	ssyncadd.s32 $0xFFFFC000  }
0x4e4: {  	[tilespmem:s16], [sflag:$0x4] =	stream.linear.gather [hbm4b:s3+s29], $0x4000, $0x38;
	[tilespmem:$0x14000] =	vst v63  }
0x4e5: {  	s5 =	sand.u32 $0x1C00, s29;
	s0 =	sand.u32 $0x2000, s4;
	_ =	swait.ge [sflag:s19], $0x4000  }
0x4e6: {  	s7 =	sand.u32 $0x380, s6;
	s0 =	sor.u32 s5, s0;
	[sflag:s19] =	ssyncset.done $0x0  }
0x4e7: {  	s5 =	sor.u32 s7, s0;
	[sflag:s19] =	ssyncadd.s32 $0xFFFFC000  }
0x4e8: {  	v0 =	vld [tilespmem:s5+$0x70]  }
0x4e9: {  	v5 =	vld [tilespmem:s5+$0x0]  }
0x4ea: {  	v6 =	vld [tilespmem:s5+$0x10]  }
0x4eb: {  	v4 =	vld [tilespmem:s5+$0x20]  }
0x4ec: {  	v1 =	vld [tilespmem:s5+$0x30]  }
0x4ed: {  	v3 =	vld [tilespmem:s5+$0x40]  }
0x4ee: {  	s0 =	sor.u32 $0x8070, s5;
	v2 =	vld [tilespmem:s5+$0x60]  }
0x4ef: {  	[tilespmem:s0+$0x0] =	vst.add.f32.msk $0xffff, v0  }
0x4f0: {  	s30 =	simm.s32 $0x0;
	s8 =	sor.u32 $0x8000, s5;
	v0 =	vld [tilespmem:s5+$0x50]  }
0x4f1: {  	s6 =	sor.u32 $0x8010, s5;
	s4 =	sor.u32 $0x8030, s5;
	s2 =	sor.u32 $0x8040, s5;
	[tilespmem:s8+$0x0] =	vst.add.f32.msk $0xffff, v5  }
0x4f2: {  	s31 =	sor.u32 $0x8060, s5;
	s3 =	sor.u32 $0x8020, s5;
	s0 =	sor.u32 $0x8050, s5;
	[tilespmem:s6+$0x0] =	vst.add.f32.msk $0xffff, v6  }
.LBB2_56:
0x4f3: {  	s30 =	sadd.s32 $0x8, s30;
	[tilespmem:s3+$0x0] =	vst.add.f32.msk $0xffff, v4  }
0x4f4: {  	s29 =	sadd.s32 $0x400, s29;
	s3 =	sshll.u32 s30, $0x4;
	p0 =	slt.u32 s30, $0x3F8;
	[tilespmem:s4+$0x0] =	vst.add.f32.msk $0xffff, v1  }
0x4f5: {  	s4 =	sand.u32 $0x1C00, s29;
	s5 =	sshll.u32 s30, $0x1;
	s3 =	sand.u32 $0x2000, s3;
	[tilespmem:s2+$0x0] =	vst.add.f32.msk $0xffff, v3  }
0x4f6: {  	s2 =	sor.u32 s4, s3;
	s3 =	sand.u32 $0x380, s5;
	[tilespmem:s0+$0x0] =	vst.add.f32.msk $0xffff, v0  }
0x4f7: {  	s5 =	sor.u32 s3, s2;
	[tilespmem:s31+$0x0] =	vst.add.f32.msk $0xffff, v2  }
0x4f8: {  	s6 =	sor.u32 $0x8000, s5;
	s7 =	sor.u32 $0x8010, s5;
	s3 =	sor.u32 $0x8020, s5;
	v0 =	vld [tilespmem:s5+$0x70]  }
0x4f9: {  	s4 =	sor.u32 $0x8030, s5;
	s2 =	sor.u32 $0x8040, s5;
	s0 =	sor.u32 $0x8050, s5;
	v5 =	vld [tilespmem:s5+$0x0]  }
0x4fa: {  	s31 =	sor.u32 $0x8060, s5;
	v6 =	vld [tilespmem:s5+$0x10]  }
0x4fb: {  	v4 =	vld [tilespmem:s5+$0x20]  }
0x4fc: {  	s8 =	sor.u32 $0x8070, s5;
	v1 =	vld [tilespmem:s5+$0x30]  }
0x4fd: {  	[tilespmem:s8+$0x0] =	vst.add.f32.msk $0xffff, v0  }
.Ltmp27:
0x4fe: {  	v3 =	vld [tilespmem:s5+$0x40];
	(pc) =	sbr.rel @p0 .LBB2_56-.Ltmp27, $4  }
0x4ff: {  	v0 =	vld [tilespmem:s5+$0x50]  }
0x500: {  	v2 =	vld [tilespmem:s5+$0x60]  }
0x501: {  	[tilespmem:s6+$0x0] =	vst.add.f32.msk $0xffff, v5  }
0x502: {  	[tilespmem:s7+$0x0] =	vst.add.f32.msk $0xffff, v6  }
0x503: {  	[tilespmem:s3+$0x0] =	vst.add.f32.msk $0xffff, v4  }
0x504: {  	[tilespmem:s4+$0x0] =	vst.add.f32.msk $0xffff, v1  }
0x505: {  	[tilespmem:s2+$0x0] =	vst.add.f32.msk $0xffff, v3  }
0x506: {  	[tilespmem:s0+$0x0] =	vst.add.f32.msk $0xffff, v0  }
0x507: {  	[tilespmem:s31+$0x0] =	vst.add.f32.msk $0xffff, v2  }
0x508: {  	s0 =	sld [smem:$0x7F8];
	_ =	sdelay $0x1  }
0x509: {  	s29 =	simm.s32 $0x0  }
0x50a: {  	[hbm4b:s0+s29] =	stream.linear.scatter [tilespmem:s15], [sflag:$0x6], $0x4000, $0x38;
	[tilespmem:$0x14000] =	vst v63  }
0x50b: {  	_ =	swait.ge [sflag:s25], $0x4000  }
0x50c: {  	s3 =	sld [smem:$0x7FD]  }
0x50d: {  	[sflag:s25] =	ssyncset.done $0x0  }
0x50e: {  	[sflag:s25] =	ssyncadd.s32 $0xFFFFC000  }
0x50f: {  	[tilespmem:s20], [sflag:$0x5] =	stream.linear.gather [hbm4b:s3+s29], $0x4000, $0x38;
	[tilespmem:$0x14000] =	vst v63  }
0x510: {  	_ =	swait.ge [sflag:s26], $0x4000  }
0x511: {  	[sflag:s26] =	ssyncset.done $0x0  }
0x512: {  	s4 =	simm.s32 $0x0;
	s6 =	simm.s32 $0x0;
	[sflag:s26] =	ssyncadd.s32 $0xFFFFC000  }
0x513: {  	s5 =	sand.u32 $0x1C00, s29;
	s0 =	sand.u32 $0x2000, s4;
	_ =	swait.ge [sflag:s21], $0x4000  }
0x514: {  	s7 =	sand.u32 $0x380, s6;
	s0 =	sor.u32 s5, s0;
	[sflag:s21] =	ssyncset.done $0x0  }
0x515: {  	s5 =	sor.u32 s7, s0;
	[sflag:s21] =	ssyncadd.s32 $0xFFFFC000  }
0x516: {  	v0 =	vld [tilespmem:s5+$0x4070]  }
0x517: {  	v5 =	vld [tilespmem:s5+$0x4000]  }
0x518: {  	v6 =	vld [tilespmem:s5+$0x4010]  }
0x519: {  	v4 =	vld [tilespmem:s5+$0x4020]  }
0x51a: {  	v1 =	vld [tilespmem:s5+$0x4030]  }
0x51b: {  	v3 =	vld [tilespmem:s5+$0x4040]  }
0x51c: {  	s0 =	sor.u32 $0xC070, s5;
	v2 =	vld [tilespmem:s5+$0x4060]  }
0x51d: {  	[tilespmem:s0+$0x0] =	vst.add.f32.msk $0xffff, v0  }
0x51e: {  	s30 =	simm.s32 $0x0;
	s8 =	sor.u32 $0xC000, s5;
	v0 =	vld [tilespmem:s5+$0x4050]  }
0x51f: {  	s6 =	sor.u32 $0xC010, s5;
	s4 =	sor.u32 $0xC030, s5;
	s2 =	sor.u32 $0xC040, s5;
	[tilespmem:s8+$0x0] =	vst.add.f32.msk $0xffff, v5  }
0x520: {  	s31 =	sor.u32 $0xC060, s5;
	s3 =	sor.u32 $0xC020, s5;
	s0 =	sor.u32 $0xC050, s5;
	[tilespmem:s6+$0x0] =	vst.add.f32.msk $0xffff, v6  }
.LBB2_58:
0x521: {  	s30 =	sadd.s32 $0x8, s30;
	[tilespmem:s3+$0x0] =	vst.add.f32.msk $0xffff, v4  }
0x522: {  	s29 =	sadd.s32 $0x400, s29;
	s3 =	sshll.u32 s30, $0x4;
	p0 =	slt.u32 s30, $0x3F8;
	[tilespmem:s4+$0x0] =	vst.add.f32.msk $0xffff, v1  }
0x523: {  	s4 =	sand.u32 $0x1C00, s29;
	s5 =	sshll.u32 s30, $0x1;
	s3 =	sand.u32 $0x2000, s3;
	[tilespmem:s2+$0x0] =	vst.add.f32.msk $0xffff, v3  }
0x524: {  	s2 =	sor.u32 s4, s3;
	s3 =	sand.u32 $0x380, s5;
	[tilespmem:s0+$0x0] =	vst.add.f32.msk $0xffff, v0  }
0x525: {  	s5 =	sor.u32 s3, s2;
	[tilespmem:s31+$0x0] =	vst.add.f32.msk $0xffff, v2  }
0x526: {  	s6 =	sor.u32 $0xC000, s5;
	s7 =	sor.u32 $0xC010, s5;
	s3 =	sor.u32 $0xC020, s5;
	v0 =	vld [tilespmem:s5+$0x4070]  }
0x527: {  	s4 =	sor.u32 $0xC030, s5;
	s2 =	sor.u32 $0xC040, s5;
	s0 =	sor.u32 $0xC050, s5;
	v5 =	vld [tilespmem:s5+$0x4000]  }
0x528: {  	s31 =	sor.u32 $0xC060, s5;
	v6 =	vld [tilespmem:s5+$0x4010]  }
0x529: {  	v4 =	vld [tilespmem:s5+$0x4020]  }
0x52a: {  	s8 =	sor.u32 $0xC070, s5;
	v1 =	vld [tilespmem:s5+$0x4030]  }
0x52b: {  	[tilespmem:s8+$0x0] =	vst.add.f32.msk $0xffff, v0  }
.Ltmp28:
0x52c: {  	v3 =	vld [tilespmem:s5+$0x4040];
	(pc) =	sbr.rel @p0 .LBB2_58-.Ltmp28, $4  }
0x52d: {  	v0 =	vld [tilespmem:s5+$0x4050]  }
0x52e: {  	v2 =	vld [tilespmem:s5+$0x4060]  }
0x52f: {  	[tilespmem:s6+$0x0] =	vst.add.f32.msk $0xffff, v5  }
0x530: {  	[tilespmem:s7+$0x0] =	vst.add.f32.msk $0xffff, v6  }
0x531: {  	[tilespmem:s3+$0x0] =	vst.add.f32.msk $0xffff, v4  }
0x532: {  	[tilespmem:s4+$0x0] =	vst.add.f32.msk $0xffff, v1  }
0x533: {  	[tilespmem:s2+$0x0] =	vst.add.f32.msk $0xffff, v3  }
0x534: {  	[tilespmem:s0+$0x0] =	vst.add.f32.msk $0xffff, v0  }
0x535: {  	[tilespmem:s31+$0x0] =	vst.add.f32.msk $0xffff, v2  }
0x536: {  	s0 =	sld [smem:$0x7FA];
	_ =	sdelay $0x1  }
0x537: {  	s29 =	simm.s32 $0x0  }
0x538: {  	[hbm4b:s0+s29] =	stream.linear.scatter [tilespmem:s16], [sflag:$0x7], $0x4000, $0x38;
	[tilespmem:$0x14000] =	vst v63  }
0x539: {  	_ =	swait.ge [sflag:s22], $0x4000  }
0x53a: {  	[sflag:s22] =	ssyncset.done $0x0  }
0x53b: {  	s4 =	simm.s32 $0x0;
	s6 =	simm.s32 $0x0;
	[sflag:s22] =	ssyncadd.s32 $0xFFFFC000  }
0x53c: {  	[tilespmem:s15], [sflag:$0x3] =	stream.linear.gather [hbm4b:s10+s29], $0x4000, $0x38;
	[tilespmem:$0x14000] =	vst v63  }
0x53d: {  	s5 =	sand.u32 $0x1C00, s29;
	s0 =	sand.u32 $0x2000, s4;
	_ =	swait.ge [sflag:s23], $0x4000  }
0x53e: {  	s7 =	sand.u32 $0x380, s6;
	s0 =	sor.u32 s5, s0;
	[sflag:s23] =	ssyncset.done $0x0  }
0x53f: {  	s5 =	sor.u32 s7, s0;
	[sflag:s23] =	ssyncadd.s32 $0xFFFFC000  }
0x540: {  	v0 =	vld [tilespmem:s5+$0x4070]  }
0x541: {  	v5 =	vld [tilespmem:s5+$0x4000]  }
0x542: {  	v6 =	vld [tilespmem:s5+$0x4010]  }
0x543: {  	v4 =	vld [tilespmem:s5+$0x4020]  }
0x544: {  	v1 =	vld [tilespmem:s5+$0x4030]  }
0x545: {  	v3 =	vld [tilespmem:s5+$0x4040]  }
0x546: {  	s0 =	sor.u32 $0x10070, s5;
	v2 =	vld [tilespmem:s5+$0x4060]  }
0x547: {  	[tilespmem:s0+$0x0] =	vst.add.f32.msk $0xffff, v0  }
0x548: {  	s30 =	simm.s32 $0x0;
	s8 =	sor.u32 $0x10000, s5;
	v0 =	vld [tilespmem:s5+$0x4050]  }
0x549: {  	s6 =	sor.u32 $0x10010, s5;
	s3 =	sor.u32 $0x10020, s5;
	s4 =	sor.u32 $0x10030, s5;
	[tilespmem:s8+$0x0] =	vst.add.f32.msk $0xffff, v5  }
0x54a: {  	s2 =	sor.u32 $0x10040, s5;
	s31 =	sor.u32 $0x10060, s5;
	s0 =	sor.u32 $0x10050, s5;
	[tilespmem:s6+$0x0] =	vst.add.f32.msk $0xffff, v6  }
.LBB2_60:
0x54b: {  	s30 =	sadd.s32 $0x8, s30;
	[tilespmem:s3+$0x0] =	vst.add.f32.msk $0xffff, v4  }
0x54c: {  	s29 =	sadd.s32 $0x400, s29;
	s3 =	sshll.u32 s30, $0x4;
	p0 =	slt.u32 s30, $0x3F8;
	[tilespmem:s4+$0x0] =	vst.add.f32.msk $0xffff, v1  }
0x54d: {  	s4 =	sand.u32 $0x1C00, s29;
	s5 =	sshll.u32 s30, $0x1;
	s3 =	sand.u32 $0x2000, s3;
	[tilespmem:s2+$0x0] =	vst.add.f32.msk $0xffff, v3  }
0x54e: {  	s2 =	sor.u32 s4, s3;
	s3 =	sand.u32 $0x380, s5;
	[tilespmem:s0+$0x0] =	vst.add.f32.msk $0xffff, v0  }
0x54f: {  	s5 =	sor.u32 s3, s2;
	[tilespmem:s31+$0x0] =	vst.add.f32.msk $0xffff, v2  }
0x550: {  	s6 =	sor.u32 $0x10000, s5;
	s7 =	sor.u32 $0x10010, s5;
	s3 =	sor.u32 $0x10020, s5;
	v0 =	vld [tilespmem:s5+$0x4070]  }
0x551: {  	s4 =	sor.u32 $0x10030, s5;
	s2 =	sor.u32 $0x10040, s5;
	s0 =	sor.u32 $0x10050, s5;
	v5 =	vld [tilespmem:s5+$0x4000]  }
0x552: {  	s31 =	sor.u32 $0x10060, s5;
	v6 =	vld [tilespmem:s5+$0x4010]  }
0x553: {  	v4 =	vld [tilespmem:s5+$0x4020]  }
0x554: {  	s8 =	sor.u32 $0x10070, s5;
	v1 =	vld [tilespmem:s5+$0x4030]  }
0x555: {  	[tilespmem:s8+$0x0] =	vst.add.f32.msk $0xffff, v0  }
.Ltmp29:
0x556: {  	v3 =	vld [tilespmem:s5+$0x4040];
	(pc) =	sbr.rel @p0 .LBB2_60-.Ltmp29, $4  }
0x557: {  	v0 =	vld [tilespmem:s5+$0x4050]  }
0x558: {  	v2 =	vld [tilespmem:s5+$0x4060]  }
0x559: {  	[tilespmem:s6+$0x0] =	vst.add.f32.msk $0xffff, v5  }
0x55a: {  	[tilespmem:s7+$0x0] =	vst.add.f32.msk $0xffff, v6  }
0x55b: {  	[tilespmem:s3+$0x0] =	vst.add.f32.msk $0xffff, v4  }
0x55c: {  	[tilespmem:s4+$0x0] =	vst.add.f32.msk $0xffff, v1  }
0x55d: {  	[tilespmem:s2+$0x0] =	vst.add.f32.msk $0xffff, v3  }
0x55e: {  	[tilespmem:s0+$0x0] =	vst.add.f32.msk $0xffff, v0  }
0x55f: {  	s29 =	simm.s32 $0x0;
	[tilespmem:s31+$0x0] =	vst.add.f32.msk $0xffff, v2  }
0x560: {  	[hbm4b:s9+s29] =	stream.linear.scatter [tilespmem:s20], [sflag:$0x8], $0x4000, $0x38;
	[tilespmem:$0x14000] =	vst v63  }
0x561: {  	_ =	swait.ge [sflag:s24], $0x4000  }
0x562: {  	[sflag:s24] =	ssyncset.done $0x0  }
0x563: {  	s4 =	simm.s32 $0x0;
	s6 =	simm.s32 $0x0;
	[sflag:s24] =	ssyncadd.s32 $0xFFFFC000  }
0x564: {  	[tilespmem:s16], [sflag:$0x4] =	stream.linear.gather [hbm4b:s11+s29], $0x4000, $0x38;
	[tilespmem:$0x14000] =	vst v63  }
0x565: {  	s0 =	sand.u32 $0x2000, s4;
	s5 =	sand.u32 $0x1C00, s29;
	_ =	swait.ge [sflag:s19], $0x4000  }
0x566: {  	s7 =	sand.u32 $0x380, s6;
	s0 =	sor.u32 s5, s0;
	[sflag:s19] =	ssyncset.done $0x0  }
0x567: {  	s5 =	sor.u32 s7, s0;
	[sflag:s19] =	ssyncadd.s32 $0xFFFFC000  }
0x568: {  	v0 =	vld [tilespmem:s5+$0x4070]  }
0x569: {  	v5 =	vld [tilespmem:s5+$0x4000]  }
0x56a: {  	v6 =	vld [tilespmem:s5+$0x4010]  }
0x56b: {  	v4 =	vld [tilespmem:s5+$0x4020]  }
0x56c: {  	v1 =	vld [tilespmem:s5+$0x4030]  }
0x56d: {  	v3 =	vld [tilespmem:s5+$0x4040]  }
0x56e: {  	s0 =	sor.u32 $0x8070, s5;
	v2 =	vld [tilespmem:s5+$0x4060]  }
0x56f: {  	[tilespmem:s0+$0x0] =	vst.add.f32.msk $0xffff, v0  }
0x570: {  	s30 =	simm.s32 $0x0;
	s8 =	sor.u32 $0x8000, s5;
	v0 =	vld [tilespmem:s5+$0x4050]  }
0x571: {  	s6 =	sor.u32 $0x8010, s5;
	s3 =	sor.u32 $0x8020, s5;
	s4 =	sor.u32 $0x8030, s5;
	[tilespmem:s8+$0x0] =	vst.add.f32.msk $0xffff, v5  }
0x572: {  	s2 =	sor.u32 $0x8040, s5;
	s31 =	sor.u32 $0x8060, s5;
	s0 =	sor.u32 $0x8050, s5;
	[tilespmem:s6+$0x0] =	vst.add.f32.msk $0xffff, v6  }
.LBB2_62:
0x573: {  	s30 =	sadd.s32 $0x8, s30;
	[tilespmem:s3+$0x0] =	vst.add.f32.msk $0xffff, v4  }
0x574: {  	s29 =	sadd.s32 $0x400, s29;
	s3 =	sshll.u32 s30, $0x4;
	p0 =	slt.u32 s30, $0x3F8;
	[tilespmem:s4+$0x0] =	vst.add.f32.msk $0xffff, v1  }
0x575: {  	s4 =	sand.u32 $0x1C00, s29;
	s5 =	sshll.u32 s30, $0x1;
	s3 =	sand.u32 $0x2000, s3;
	[tilespmem:s2+$0x0] =	vst.add.f32.msk $0xffff, v3  }
0x576: {  	s2 =	sor.u32 s4, s3;
	s3 =	sand.u32 $0x380, s5;
	[tilespmem:s0+$0x0] =	vst.add.f32.msk $0xffff, v0  }
0x577: {  	s5 =	sor.u32 s3, s2;
	[tilespmem:s31+$0x0] =	vst.add.f32.msk $0xffff, v2  }
0x578: {  	s6 =	sor.u32 $0x8000, s5;
	s7 =	sor.u32 $0x8010, s5;
	s3 =	sor.u32 $0x8020, s5;
	v0 =	vld [tilespmem:s5+$0x4070]  }
0x579: {  	s4 =	sor.u32 $0x8030, s5;
	s2 =	sor.u32 $0x8040, s5;
	s0 =	sor.u32 $0x8050, s5;
	v5 =	vld [tilespmem:s5+$0x4000]  }
0x57a: {  	s31 =	sor.u32 $0x8060, s5;
	v6 =	vld [tilespmem:s5+$0x4010]  }
0x57b: {  	v4 =	vld [tilespmem:s5+$0x4020]  }
0x57c: {  	s8 =	sor.u32 $0x8070, s5;
	v1 =	vld [tilespmem:s5+$0x4030]  }
0x57d: {  	[tilespmem:s8+$0x0] =	vst.add.f32.msk $0xffff, v0  }
.Ltmp30:
0x57e: {  	v3 =	vld [tilespmem:s5+$0x4040];
	(pc) =	sbr.rel @p0 .LBB2_62-.Ltmp30, $4  }
0x57f: {  	v0 =	vld [tilespmem:s5+$0x4050]  }
0x580: {  	v2 =	vld [tilespmem:s5+$0x4060]  }
0x581: {  	[tilespmem:s6+$0x0] =	vst.add.f32.msk $0xffff, v5  }
0x582: {  	[tilespmem:s7+$0x0] =	vst.add.f32.msk $0xffff, v6  }
0x583: {  	[tilespmem:s3+$0x0] =	vst.add.f32.msk $0xffff, v4  }
0x584: {  	[tilespmem:s4+$0x0] =	vst.add.f32.msk $0xffff, v1  }
0x585: {  	[tilespmem:s2+$0x0] =	vst.add.f32.msk $0xffff, v3  }
0x586: {  	[tilespmem:s0+$0x0] =	vst.add.f32.msk $0xffff, v0  }
0x587: {  	s29 =	simm.s32 $0x0;
	s4 =	simm.s32 $0x0;
	s6 =	simm.s32 $0x0;
	[tilespmem:s31+$0x0] =	vst.add.f32.msk $0xffff, v2  }
0x588: {  	[hbm4b:s12+s29] =	stream.linear.scatter [tilespmem:s15], [sflag:$0x6], $0x4000, $0x38;
	[tilespmem:$0x14000] =	vst v63  }
0x589: {  	s0 =	sand.u32 $0x2000, s4;
	s5 =	sand.u32 $0x1C00, s29;
	_ =	swait.ge [sflag:s21], $0x4000  }
0x58a: {  	s7 =	sand.u32 $0x380, s6;
	s0 =	sor.u32 s5, s0;
	[sflag:s21] =	ssyncset.done $0x0  }
0x58b: {  	s5 =	sor.u32 s7, s0;
	[sflag:s21] =	ssyncadd.s32 $0xFFFFC000  }
0x58c: {  	v0 =	vld [tilespmem:s5+$0x4070]  }
0x58d: {  	v5 =	vld [tilespmem:s5+$0x4000]  }
0x58e: {  	v6 =	vld [tilespmem:s5+$0x4010]  }
0x58f: {  	v4 =	vld [tilespmem:s5+$0x4020]  }
0x590: {  	v1 =	vld [tilespmem:s5+$0x4030]  }
0x591: {  	v3 =	vld [tilespmem:s5+$0x4040]  }
0x592: {  	s0 =	sor.u32 $0xC070, s5;
	v2 =	vld [tilespmem:s5+$0x4060]  }
0x593: {  	[tilespmem:s0+$0x0] =	vst.add.f32.msk $0xffff, v0  }
0x594: {  	s30 =	simm.s32 $0x0;
	s8 =	sor.u32 $0xC000, s5;
	v0 =	vld [tilespmem:s5+$0x4050]  }
0x595: {  	s6 =	sor.u32 $0xC010, s5;
	s3 =	sor.u32 $0xC020, s5;
	s4 =	sor.u32 $0xC030, s5;
	[tilespmem:s8+$0x0] =	vst.add.f32.msk $0xffff, v5  }
0x596: {  	s2 =	sor.u32 $0xC040, s5;
	s31 =	sor.u32 $0xC060, s5;
	s0 =	sor.u32 $0xC050, s5;
	[tilespmem:s6+$0x0] =	vst.add.f32.msk $0xffff, v6  }
.LBB2_64:
0x597: {  	s30 =	sadd.s32 $0x8, s30;
	[tilespmem:s3+$0x0] =	vst.add.f32.msk $0xffff, v4  }
0x598: {  	s29 =	sadd.s32 $0x400, s29;
	s3 =	sshll.u32 s30, $0x4;
	p0 =	slt.u32 s30, $0x3F8;
	[tilespmem:s4+$0x0] =	vst.add.f32.msk $0xffff, v1  }
0x599: {  	s4 =	sand.u32 $0x1C00, s29;
	s5 =	sshll.u32 s30, $0x1;
	s3 =	sand.u32 $0x2000, s3;
	[tilespmem:s2+$0x0] =	vst.add.f32.msk $0xffff, v3  }
0x59a: {  	s2 =	sor.u32 s4, s3;
	s3 =	sand.u32 $0x380, s5;
	[tilespmem:s0+$0x0] =	vst.add.f32.msk $0xffff, v0  }
0x59b: {  	s5 =	sor.u32 s3, s2;
	[tilespmem:s31+$0x0] =	vst.add.f32.msk $0xffff, v2  }
0x59c: {  	s6 =	sor.u32 $0xC000, s5;
	s7 =	sor.u32 $0xC010, s5;
	s3 =	sor.u32 $0xC020, s5;
	v0 =	vld [tilespmem:s5+$0x4070]  }
0x59d: {  	s4 =	sor.u32 $0xC030, s5;
	s2 =	sor.u32 $0xC040, s5;
	s0 =	sor.u32 $0xC050, s5;
	v5 =	vld [tilespmem:s5+$0x4000]  }
0x59e: {  	s31 =	sor.u32 $0xC060, s5;
	v6 =	vld [tilespmem:s5+$0x4010]  }
0x59f: {  	v4 =	vld [tilespmem:s5+$0x4020]  }
0x5a0: {  	s8 =	sor.u32 $0xC070, s5;
	v1 =	vld [tilespmem:s5+$0x4030]  }
0x5a1: {  	[tilespmem:s8+$0x0] =	vst.add.f32.msk $0xffff, v0  }
.Ltmp31:
0x5a2: {  	v3 =	vld [tilespmem:s5+$0x4040];
	(pc) =	sbr.rel @p0 .LBB2_64-.Ltmp31, $4  }
0x5a3: {  	v0 =	vld [tilespmem:s5+$0x4050]  }
0x5a4: {  	v2 =	vld [tilespmem:s5+$0x4060]  }
0x5a5: {  	[tilespmem:s6+$0x0] =	vst.add.f32.msk $0xffff, v5  }
0x5a6: {  	[tilespmem:s7+$0x0] =	vst.add.f32.msk $0xffff, v6  }
0x5a7: {  	[tilespmem:s3+$0x0] =	vst.add.f32.msk $0xffff, v4  }
0x5a8: {  	[tilespmem:s4+$0x0] =	vst.add.f32.msk $0xffff, v1  }
0x5a9: {  	[tilespmem:s2+$0x0] =	vst.add.f32.msk $0xffff, v3  }
0x5aa: {  	[tilespmem:s0+$0x0] =	vst.add.f32.msk $0xffff, v0  }
0x5ab: {  	[tilespmem:s31+$0x0] =	vst.add.f32.msk $0xffff, v2  }
0x5ac: {  	[hbm4b:s13+s1] =	stream.linear.scatter [tilespmem:s16], [sflag:$0x7], $0x4000, $0x38;
	[tilespmem:$0x14000] =	vst v63  }
0x5ad: {  	_ =	swait.ge [sflag:s25], $0x4000  }
0x5ae: {  	[sflag:s25] =	ssyncset.done $0x0  }
0x5af: {  	s28 =	sadd.s32 $0x1, s28;
	[sflag:s25] =	ssyncadd.s32 $0xFFFFC000  }
0x5b0: {  	p0 =	sne.s32 s28, s14;
	_ =	swait.ge [sflag:s22], $0x4000  }
.Ltmp32:
0x5b1: {  	[sflag:s22] =	ssyncset.done $0x0;
	(pc) =	sbr.rel @p0 .LBB2_1-.Ltmp32, $4  }
0x5b2: {  	[sflag:s22] =	ssyncadd.s32 $0xFFFFC000  }
0x5b3: {  	_ =	swait.ge [sflag:s24], $0x4000  }
0x5b4: {  	[sflag:s24] =	ssyncset.done $0x0  }
0x5b5: {  	[sflag:s24] =	ssyncadd.s32 $0xFFFFC000  }
0x5b6: {  	_ =	sfence.sel $0x180000  }
0x5b7: {  	[bflag:$0x0] =	sbarrier.arrive $0xFFFF  }
0x5b8: {  	_ =	strace $0x90000047  }
0x5b9: {  	s0 =	stileid.u32;
	[bflag:$0x2] =	sbarrier.arrive $0xFFFF  }
0x5ba: {  	p0 =	sne.s32 s0, $0x0;
	s0 =	rddreg [dreg:$0x3]  }
0x5bb: {  	s0 =	sadd.s32 @!p0 $0x100000, s0  }
0x5bc: {  	[sflag:s0] =	ssyncadd.tile.s32 @!p0 $0x1;
	_ =	shalt  }
.Lfunc_end2:
_tile_overlayer_lowered:
.L_overlay_start_2:
0x5bd: {  	(tag) =	ssettag $0x2  }
0x5be: {  	s0 =	rddreg [dreg:$0x0];
	s2 =	stileid.u32  }
0x5bf: {  	s1 =	rddreg [dreg:$0x1];
	p0 =	sne.s32 s2, $0x0  }
0x5c0: {  	s3 =	rddreg [dreg:$0x2];
	[bflag:$0x3] =	sbarrier.arrive $0xFFFF;
	s2 =	simm.s32 @!p0 $0x1C09  }
0x5c1: {  	[timem:s3], [sflag:s2] =	dma.local @!p0 [hbm:s0], s1  }
0x5c2: {  	s0 =	simm.s32 @!p0 $0x9  }
0x5c3: {  	_ =	swait.ge @!p0 [sflag:s0], s1  }
0x5c4: {  	s1 =	ssub.s32 @!p0 $0x0, s1;
	[sflag:s0] =	ssyncset.done @!p0 $0x0  }
0x5c5: {  	[sflag:s0] =	ssyncadd.s32 @!p0 s1  }
0x5c6: {  	[bflag:$0x3] =	sbarrier.arrive $0xFFFF  }
0x5c7: {  	_ =	shalt  }

</sc_bundles>
